<compile_context>
chip_gen: v7x
topology: tpu7x:2x2x1
jax: 0.10.2.dev20260603
libtpu: 0.0.44.dev20260713+nightly
codegen_flags: <defaults>
</compile_context>

<pallas_src>
import functools

import jax
import jax.numpy as jnp
from jax import lax
from jax.experimental import pallas as pl
from jax.experimental.pallas import tpu as pltpu
from jax.experimental.pallas import tpu_sc as plsc

N = 10000
E = 320000
D = 128

NPAD = 10240
CHUNK = 64
NCHUNK = E // CHUNK
NW = 32
CPW_LO = NCHUNK // NW
CPW_REM = NCHUNK - CPW_LO * NW
ROWS_PER_TILE = NPAD // 16
RB = 5
IB = 7


def _make_sc_agg(with_cnt):
    mesh = plsc.VectorSubcoreMesh(core_axis_name="c", subcore_axis_name="s")
    out_type = [jax.ShapeDtypeStruct((2, NPAD, D), jnp.float32)]
    scratch = [
        pltpu.VMEM((IB, 2, CHUNK), jnp.int32),
        pltpu.VMEM((RB, CHUNK, D), jnp.float32),
        pltpu.VMEM((CHUNK,), jnp.float32),
        pltpu.VMEM_SHARED((NPAD, D), jnp.float32),
        pltpu.VMEM_SHARED((NPAD,), jnp.float32),
        pltpu.SemaphoreType.DMA,
        pltpu.SemaphoreType.DMA,
        pltpu.SemaphoreType.DMA,
    ]
    if with_cnt:
        out_type = out_type + [jax.ShapeDtypeStruct((2, NPAD), jnp.float32)]

    @functools.partial(pl.kernel, mesh=mesh, out_type=out_type,
                       scratch_types=scratch)
    def agg(h_hbm, e_hbm, *rest):
        if with_cnt:
            (sums_out, cnt_out,
             idx, rows, ones_v, acc, acc_cnt, sem_i, sem_g, sem_s) = rest
        else:
            (sums_out,
             idx, rows, ones_v, acc, acc_cnt, sem_i, sem_g, sem_s) = rest
        c = lax.axis_index("c")
        s = lax.axis_index("s")
        w = c * 16 + s
        ncw = CPW_LO + jnp.where(w < CPW_REM, 1, 0)
        e0 = (w * CPW_LO + jnp.minimum(w, CPW_REM)) * CHUNK

        zeros16 = jnp.zeros((16,), jnp.float32)
        ones16 = jnp.ones((16,), jnp.float32)

        def zrow(r, carry):
            for kk in range(8):
                rows[0, r, pl.ds(kk * 16, 16)] = zeros16
            return carry
        lax.fori_loop(0, CHUNK, zrow, 0)
        if with_cnt:
            for kk in range(CHUNK // 16):
                ones_v[pl.ds(kk * 16, 16)] = ones16

        slab = s * ROWS_PER_TILE
        for t in range(ROWS_PER_TILE // CHUNK):
            pltpu.async_copy(rows.at[0], acc.at[pl.ds(slab + t * CHUNK, CHUNK)],
                             sem_s)
        if with_cnt:
            for t in range(ROWS_PER_TILE // D):
                pltpu.async_copy(rows.at[0, 0],
                                 acc_cnt.at[pl.ds(slab + t * D, D)],
                                 sem_s)
        for t in range(ROWS_PER_TILE // CHUNK):
            pltpu.make_async_copy(
                rows.at[0], acc.at[pl.ds(slab, CHUNK)], sem_s).wait()
        if with_cnt:
            for t in range(ROWS_PER_TILE // D):
                pltpu.make_async_copy(
                    rows.at[0, 0], acc_cnt.at[pl.ds(slab, D)], sem_s).wait()

        plsc.subcore_barrier()

        g0 = e0 // CHUNK

        def fetch_idx(g, slot):
            pltpu.async_copy(e_hbm.at[0, g0 + g], idx.at[slot, 0], sem_i)
            pltpu.async_copy(e_hbm.at[1, g0 + g], idx.at[slot, 1], sem_i)

        def wait_idx():
            for _ in range(2):
                pltpu.make_async_copy(
                    e_hbm.at[0, 0], idx.at[0, 0], sem_i).wait()

        pltpu.sync_copy(e_hbm.at[0, g0], idx.at[0, 0])
        pltpu.sync_copy(e_hbm.at[1, g0], idx.at[0, 1])
        for p in range(1, 5):
            fetch_idx(p, p)
        pltpu.async_copy(h_hbm.at[idx.at[0, 0]], rows.at[0], sem_g)
        wait_idx()
        pltpu.async_copy(h_hbm.at[idx.at[1, 0]], rows.at[1], sem_g)

        def step(j, carry):
            u = lax.rem(j, RB)
            @pl.when(j >= 2)
            def _():
                pltpu.make_async_copy(
                    rows.at[0], acc.at[idx.at[0, 1]], sem_s).wait()
                if with_cnt:
                    pltpu.make_async_copy(
                        ones_v, acc_cnt.at[idx.at[0, 1]], sem_s).wait()

            @pl.when(j + 2 < ncw)
            def _():
                wait_idx()
                pltpu.async_copy(
                    h_hbm.at[idx.at[lax.rem(j + 2, IB), 0]],
                    rows.at[lax.rem(j + 2, RB)], sem_g)

            pltpu.make_async_copy(
                h_hbm.at[idx.at[0, 0]], rows.at[u], sem_g).wait()
            pltpu.async_copy(rows.at[u],
                             acc.at[idx.at[lax.rem(j, IB), 1]], sem_s,
                             add=True)
            if with_cnt:
                pltpu.async_copy(ones_v,
                                 acc_cnt.at[idx.at[lax.rem(j, IB), 1]], sem_s,
                                 add=True)

            @pl.when(j + 5 < ncw)
            def _():
                fetch_idx(j + 5, lax.rem(j + 5, IB))
            return carry
        lax.fori_loop(0, ncw, step, 0)

        for _ in range(2):
            pltpu.make_async_copy(
                rows.at[0], acc.at[idx.at[0, 1]], sem_s).wait()
            if with_cnt:
                pltpu.make_async_copy(
                    ones_v, acc_cnt.at[idx.at[0, 1]], sem_s).wait()

        plsc.subcore_barrier()

        pltpu.sync_copy(acc.at[pl.ds(slab, ROWS_PER_TILE)],
                        sums_out.at[c, pl.ds(slab, ROWS_PER_TILE)])
        if with_cnt:
            pltpu.sync_copy(acc_cnt.at[pl.ds(slab, ROWS_PER_TILE)],
                            cnt_out.at[c, pl.ds(slab, ROWS_PER_TILE)])

    return agg


_sc_agg_cnt = _make_sc_agg(True)
_sc_agg_nocnt = _make_sc_agg(False)


def _tc_layer(h, sums_p, cnt_t, w2d, b2d):
    blk = 1000

    def body(h_ref, s_ref, c_ref, w_ref, b_ref, o_ref):
        sums = s_ref[0] + s_ref[1]
        cnt = jnp.sum(c_ref[...], axis=1, keepdims=True)
        mean = sums * (1.0 / jnp.maximum(cnt, 1.0))
        acc = jnp.dot(h_ref[...], w_ref[:D], preferred_element_type=jnp.float32)
        acc = acc + jnp.dot(mean, w_ref[D:], preferred_element_type=jnp.float32)
        o_ref[...] = jnp.maximum(acc + b_ref[...], 0.0)

    return pl.pallas_call(
        body,
        grid=(N // blk,),
        in_specs=[
            pl.BlockSpec((blk, D), lambda i: (i, 0)),
            pl.BlockSpec((2, blk, D), lambda i: (0, i, 0)),
            pl.BlockSpec((blk, 2), lambda i: (i, 0)),
            pl.BlockSpec((2 * D, D), lambda i: (0, 0)),
            pl.BlockSpec((1, D), lambda i: (0, 0)),
        ],
        out_specs=pl.BlockSpec((blk, D), lambda i: (i, 0)),
        out_shape=jax.ShapeDtypeStruct((N, D), jnp.float32),
    )(h, sums_p, cnt_t, w2d, b2d)


def kernel(h, edge_index, W1, b1, W2, b2):
    edges = edge_index.astype(jnp.int32).reshape(2, NCHUNK, CHUNK)

    sums_p, cnt_all = _sc_agg_cnt(h, edges)
    cnt_t = cnt_all.T
    h = _tc_layer(h, sums_p, cnt_t, W1, b1.reshape(1, D))
    (sums_p2,) = _sc_agg_nocnt(h, edges)
    return _tc_layer(h, sums_p2, cnt_t, W2, b2.reshape(1, D))

# --- scband reference (transcript-rebuilt; emitter-appended) ---
"""Pipeline reference for scband-graph-sageencoder-46420006535375 (READ-ONLY COPY).

The authoritative reference and input builder live on the scoring server;
editing this copy changes nothing except your own understanding.
"""

import jax, jax.numpy as jnp
import numpy as np

N_NODES = 10000
N_EDGES = 320000
D = 128
NUM_LAYERS = 2


def setup_inputs(seed: int = 0) -> dict:
    key = jax.random.key(seed)
    k1, k2, k3, k4 = jax.random.split(key, 4)
    h = jax.random.normal(k1, (N_NODES, D), dtype=jnp.float32)
    edge_index = jax.random.randint(k2, (2, N_EDGES), 0, N_NODES)
    scale = 1.0 / np.sqrt(2 * D)
    W1 = jax.random.normal(k3, (2 * D, D), dtype=jnp.float32) * scale
    b1 = jnp.zeros((D,), dtype=jnp.float32)
    W2 = jax.random.normal(k4, (2 * D, D), dtype=jnp.float32) * scale
    b2 = jnp.zeros((D,), dtype=jnp.float32)
    return {"h": h, "edge_index": edge_index, "W1": W1, "b1": b1, "W2": W2, "b2": b2}


def _mean_aggregate(h, src, dst, num_nodes):
    # gather neighbor (source) features, scatter-add to destination, divide by degree
    msgs = jnp.take(h, src, axis=0)
    sums = jax.ops.segment_sum(msgs, dst, num_segments=num_nodes)
    cnt = jax.ops.segment_sum(jnp.ones((src.shape[0],), dtype=h.dtype), dst, num_segments=num_nodes)
    # nodes with no neighbors get zeros (matches torch.zeros_like branch)
    mean = sums / jnp.maximum(cnt, 1.0)[:, None]
    return jnp.where(cnt[:, None] > 0, mean, 0.0)


def reference(h, edge_index, W1, b1, W2, b2):
    # Faithful eval-mode GraphSAGE: per-layer neighbor mean, concat [h, m], linear, relu.
    # Dropout is identity in eval mode.
    src = edge_index[0]
    dst = edge_index[1]
    for W, b in ((W1, b1), (W2, b2)):
        m = _mean_aggregate(h, src, dst, h.shape[0])
        hm = jnp.concatenate([h, m], axis=1)
        h = jax.nn.relu(hm @ W + b)
    return h

if __name__ == "__main__":
    import jax
    _d = setup_inputs()
    print(jax.jit(kernel)(*tuple(_d.values())))

</pallas_src>

<mosaic_0001>
#map = affine_map<(d0, d1) -> (0, 0)>
#map1 = affine_map<(d0, d1) -> (0, 0, 0)>
module attributes {stable_mosaic.version = 14 : i64} {
  func.func @agg(%arg0: i32, %arg1: i32, %arg2: memref<10000x128xf32, #tpu.memory_space<hbm>>, %arg3: memref<2x5000x64xi32, #tpu.memory_space<hbm>>, %arg4: memref<2x10240x128xf32, #tpu.memory_space<hbm>>, %arg5: memref<7x2x64xi32, #tpu.memory_space<vmem>>, %arg6: memref<5x64x128xf32, #tpu.memory_space<vmem>>, %arg7: memref<64xf32, #tpu.memory_space<vmem>>, %arg8: memref<10240x128xf32, #tpu.memory_space<vmem_shared>>, %arg9: memref<10240xf32, #tpu.memory_space<vmem_shared>>, %arg10: memref<!tpu.dma_semaphore, #tpu.memory_space<semaphore_mem>>, %arg11: memref<!tpu.dma_semaphore, #tpu.memory_space<semaphore_mem>>, %arg12: memref<!tpu.dma_semaphore, #tpu.memory_space<semaphore_mem>>) attributes {dimension_semantics = [#tpu.dimension_semantics<core_parallel>, #tpu.dimension_semantics<subcore_parallel>], iteration_bounds = array<i64: 2, 16>, scalar_prefetch = 0 : i64, scratch_operands = 8 : i64, tpu.core_type = #tpu.core_type<sc_vector_subcore>, window_params = [{transform_indices = #map}, {transform_indices = #map1}, {transform_indices = #map1}]} {
    %mul3A = arith.constant 16 : i32
    %mul3A_0 = arith.muli %arg0, %mul3A : i32
    %add3A = arith.addi %mul3A_0, %arg1 : i32
    %lt3A = arith.constant 8 : i32
    %lt3A_1 = arith.cmpi slt, %add3A, %lt3A : i32
    %jit3A = arith.constant 1 : i32
    %jit3A_2 = arith.constant 0 : i32
    %select_n3A = arith.select %lt3A_1, %jit3A, %jit3A_2 : i32
    %add3A_3 = arith.constant 156 : i32
    %add3A_4 = arith.addi %add3A_3, %select_n3A : i32
    %mul3A_5 = arith.constant 156 : i32
    %mul3A_6 = arith.muli %add3A, %mul3A_5 : i32
    %min3A = arith.constant 8 : i32
    %min3A_7 = arith.minsi %add3A, %min3A : i32
    %add3A_8 = arith.addi %mul3A_6, %min3A_7 : i32
    %mul3A_9 = arith.constant 64 : i32
    %mul3A_10 = arith.muli %add3A_8, %mul3A_9 : i32
    %broadcast_in_dim3A = arith.constant 0.000000e+00 : f32
    %broadcast_in_dim3A_11 = vector.broadcast %broadcast_in_dim3A : f32 to vector<16xf32>
    %broadcast_in_dim3A_12 = arith.constant 1.000000e+00 : f32
    %broadcast_in_dim3A_13 = vector.broadcast %broadcast_in_dim3A_12 : f32 to vector<16xf32>
    %scan3A = arith.constant 0 : i32
    %scan3A_14 = arith.constant 0 : i32
    %scan3A_15 = arith.constant 64 : i32
    %scan3A_16 = arith.addi %scan3A_14, %scan3A_15 : i32
    %scan3A_17 = arith.constant 1 : i32
    scf.for %scan3A_552 = %scan3A_14 to %scan3A_16 step %scan3A_17  : i32 {
      %swap3A = arith.constant 0 : i32
      %swap3A_553 = arith.index_cast %swap3A : i32 to index
      %swap3A_554 = arith.index_cast %scan3A_552 : i32 to index
      %swap3A_555 = arith.constant 0 : index
      %swap3A_556 = tpu.vector_load %arg6[%swap3A_553, %swap3A_554, %swap3A_555] {strides = array<i32>} : memref<5x64x128xf32, #tpu.memory_space<vmem>>, vector<1x1x16xf32>,
      %swap3A_557 = vector.shape_cast %swap3A_556 : vector<1x1x16xf32> to vector<16xf32>
      %swap3A_558 = vector.shape_cast %broadcast_in_dim3A_11 : vector<16xf32> to vector<1x1x16xf32>
      tpu.vector_store %arg6[%swap3A_553, %swap3A_554, %swap3A_555], %swap3A_558 {strides = array<i32>} : memref<5x64x128xf32, #tpu.memory_space<vmem>>, vector<1x1x16xf32>,
      %swap3A_559 = arith.constant 0 : i32
      %swap3A_560 = arith.index_cast %swap3A_559 : i32 to index
      %swap3A_561 = arith.index_cast %scan3A_552 : i32 to index
      %swap3A_562 = arith.constant 16 : index
      %swap3A_563 = tpu.vector_load %arg6[%swap3A_560, %swap3A_561, %swap3A_562] {strides = array<i32>} : memref<5x64x128xf32, #tpu.memory_space<vmem>>, vector<1x1x16xf32>,
      %swap3A_564 = vector.shape_cast %swap3A_563 : vector<1x1x16xf32> to vector<16xf32>
      %swap3A_565 = vector.shape_cast %broadcast_in_dim3A_11 : vector<16xf32> to vector<1x1x16xf32>
      tpu.vector_store %arg6[%swap3A_560, %swap3A_561, %swap3A_562], %swap3A_565 {strides = array<i32>} : memref<5x64x128xf32, #tpu.memory_space<vmem>>, vector<1x1x16xf32>,
      %swap3A_566 = arith.constant 0 : i32
      %swap3A_567 = arith.index_cast %swap3A_566 : i32 to index
      %swap3A_568 = arith.index_cast %scan3A_552 : i32 to index
      %swap3A_569 = arith.constant 32 : index
      %swap3A_570 = tpu.vector_load %arg6[%swap3A_567, %swap3A_568, %swap3A_569] {strides = array<i32>} : memref<5x64x128xf32, #tpu.memory_space<vmem>>, vector<1x1x16xf32>,
      %swap3A_571 = vector.shape_cast %swap3A_570 : vector<1x1x16xf32> to vector<16xf32>
      %swap3A_572 = vector.shape_cast %broadcast_in_dim3A_11 : vector<16xf32> to vector<1x1x16xf32>
      tpu.vector_store %arg6[%swap3A_567, %swap3A_568, %swap3A_569], %swap3A_572 {strides = array<i32>} : memref<5x64x128xf32, #tpu.memory_space<vmem>>, vector<1x1x16xf32>,
      %swap3A_573 = arith.constant 0 : i32
      %swap3A_574 = arith.index_cast %swap3A_573 : i32 to index
      %swap3A_575 = arith.index_cast %scan3A_552 : i32 to index
      %swap3A_576 = arith.constant 48 : index
      %swap3A_577 = tpu.vector_load %arg6[%swap3A_574, %swap3A_575, %swap3A_576] {strides = array<i32>} : memref<5x64x128xf32, #tpu.memory_space<vmem>>, vector<1x1x16xf32>,
      %swap3A_578 = vector.shape_cast %swap3A_577 : vector<1x1x16xf32> to vector<16xf32>
      %swap3A_579 = vector.shape_cast %broadcast_in_dim3A_11 : vector<16xf32> to vector<1x1x16xf32>
      tpu.vector_store %arg6[%swap3A_574, %swap3A_575, %swap3A_576], %swap3A_579 {strides = array<i32>} : memref<5x64x128xf32, #tpu.memory_space<vmem>>, vector<1x1x16xf32>,
      %swap3A_580 = arith.constant 0 : i32
      %swap3A_581 = arith.index_cast %swap3A_580 : i32 to index
      %swap3A_582 = arith.index_cast %scan3A_552 : i32 to index
      %swap3A_583 = arith.constant 64 : index
      %swap3A_584 = tpu.vector_load %arg6[%swap3A_581, %swap3A_582, %swap3A_583] {strides = array<i32>} : memref<5x64x128xf32, #tpu.memory_space<vmem>>, vector<1x1x16xf32>,
      %swap3A_585 = vector.shape_cast %swap3A_584 : vector<1x1x16xf32> to vector<16xf32>
      %swap3A_586 = vector.shape_cast %broadcast_in_dim3A_11 : vector<16xf32> to vector<1x1x16xf32>
      tpu.vector_store %arg6[%swap3A_581, %swap3A_582, %swap3A_583], %swap3A_586 {strides = array<i32>} : memref<5x64x128xf32, #tpu.memory_space<vmem>>, vector<1x1x16xf32>,
      %swap3A_587 = arith.constant 0 : i32
      %swap3A_588 = arith.index_cast %swap3A_587 : i32 to index
      %swap3A_589 = arith.index_cast %scan3A_552 : i32 to index
      %swap3A_590 = arith.constant 80 : index
      %swap3A_591 = tpu.vector_load %arg6[%swap3A_588, %swap3A_589, %swap3A_590] {strides = array<i32>} : memref<5x64x128xf32, #tpu.memory_space<vmem>>, vector<1x1x16xf32>,
      %swap3A_592 = vector.shape_cast %swap3A_591 : vector<1x1x16xf32> to vector<16xf32>
      %swap3A_593 = vector.shape_cast %broadcast_in_dim3A_11 : vector<16xf32> to vector<1x1x16xf32>
      tpu.vector_store %arg6[%swap3A_588, %swap3A_589, %swap3A_590], %swap3A_593 {strides = array<i32>} : memref<5x64x128xf32, #tpu.memory_space<vmem>>, vector<1x1x16xf32>,
      %swap3A_594 = arith.constant 0 : i32
      %swap3A_595 = arith.index_cast %swap3A_594 : i32 to index
      %swap3A_596 = arith.index_cast %scan3A_552 : i32 to index
      %swap3A_597 = arith.constant 96 : index
      %swap3A_598 = tpu.vector_load %arg6[%swap3A_595, %swap3A_596, %swap3A_597] {strides = array<i32>} : memref<5x64x128xf32, #tpu.memory_space<vmem>>, vector<1x1x16xf32>,
      %swap3A_599 = vector.shape_cast %swap3A_598 : vector<1x1x16xf32> to vector<16xf32>
      %swap3A_600 = vector.shape_cast %broadcast_in_dim3A_11 : vector<16xf32> to vector<1x1x16xf32>
      tpu.vector_store %arg6[%swap3A_595, %swap3A_596, %swap3A_597], %swap3A_600 {strides = array<i32>} : memref<5x64x128xf32, #tpu.memory_space<vmem>>, vector<1x1x16xf32>,
      %swap3A_601 = arith.constant 0 : i32
      %swap3A_602 = arith.index_cast %swap3A_601 : i32 to index
      %swap3A_603 = arith.index_cast %scan3A_552 : i32 to index
      %swap3A_604 = arith.constant 112 : index
      %swap3A_605 = tpu.vector_load %arg6[%swap3A_602, %swap3A_603, %swap3A_604] {strides = array<i32>} : memref<5x64x128xf32, #tpu.memory_space<vmem>>, vector<1x1x16xf32>,
      %swap3A_606 = vector.shape_cast %swap3A_605 : vector<1x1x16xf32> to vector<16xf32>
      %swap3A_607 = vector.shape_cast %broadcast_in_dim3A_11 : vector<16xf32> to vector<1x1x16xf32>
      tpu.vector_store %arg6[%swap3A_602, %swap3A_603, %swap3A_604], %swap3A_607 {strides = array<i32>} : memref<5x64x128xf32, #tpu.memory_space<vmem>>, vector<1x1x16xf32>,
    }
    %scan3A_18 = arith.constant 64 : i32
    %mul3A_19 = arith.constant 640 : i32
    %mul3A_20 = arith.muli %arg1, %mul3A_19 : i32
    %add3A_21 = arith.constant 0 : i32
    %add3A_22 = arith.addi %mul3A_20, %add3A_21 : i32
    %dma_start3A = arith.constant 0 : i32
    %dma_start3A_23 = arith.constant 0 : i32
    %dma_start3A_24 = arith.constant 0 : i32
    %dma_start3A_25 = tpu.memref_slice %arg6[%dma_start3A, %dma_start3A_23, %dma_start3A_24] : memref<5x64x128xf32, #tpu.memory_space<vmem>> -> memref<1x64x128xf32, #tpu.memory_space<vmem>>
    %dma_start3A_26 = tpu.memref_squeeze %dma_start3A_25 : memref<1x64x128xf32, #tpu.memory_space<vmem>> -> memref<64x128xf32, #tpu.memory_space<vmem>>
    %dma_start3A_27 = arith.constant 0 : i32
    %dma_start3A_28 = tpu.memref_slice %arg8[%add3A_22, %dma_start3A_27] : memref<10240x128xf32, #tpu.memory_space<vmem_shared>> -> memref<64x128xf32, #tpu.memory_space<vmem_shared>>
    %dma_start3A_29 = arith.constant 0 : i32
    %dma_start3A_30 = tpu.memref_slice %arg8[%add3A_22, %dma_start3A_29] : memref<10240x128xf32, #tpu.memory_space<vmem_shared>> -> memref<64x128xf32, #tpu.memory_space<vmem_shared>>
    %dma_start3A_31 = arith.constant 0 : i32
    %dma_start3A_32 = arith.constant 0 : i32
    %dma_start3A_33 = tpu.memref_slice %arg6[%dma_start3A, %dma_start3A_31, %dma_start3A_32] : memref<5x64x128xf32, #tpu.memory_space<vmem>> -> memref<1x64x128xf32, #tpu.memory_space<vmem>>
    %dma_start3A_34 = tpu.memref_squeeze %dma_start3A_33 : memref<1x64x128xf32, #tpu.memory_space<vmem>> -> memref<64x128xf32, #tpu.memory_space<vmem>>
    tpu.enqueue_dma source(%dma_start3A_34 : memref<64x128xf32, #tpu.memory_space<vmem>>) target(%dma_start3A_30 : memref<64x128xf32, #tpu.memory_space<vmem_shared>>) target_semaphore(%arg12 : memref<!tpu.dma_semaphore, #tpu.memory_space<semaphore_mem>>)
    %add3A_35 = arith.constant 64 : i32
    %add3A_36 = arith.addi %mul3A_20, %add3A_35 : i32
    %dma_start3A_37 = arith.constant 0 : i32
    %dma_start3A_38 = arith.constant 0 : i32
    %dma_start3A_39 = arith.constant 0 : i32
    %dma_start3A_40 = tpu.memref_slice %arg6[%dma_start3A_37, %dma_start3A_38, %dma_start3A_39] : memref<5x64x128xf32, #tpu.memory_space<vmem>> -> memref<1x64x128xf32, #tpu.memory_space<vmem>>
    %dma_start3A_41 = tpu.memref_squeeze %dma_start3A_40 : memref<1x64x128xf32, #tpu.memory_space<vmem>> -> memref<64x128xf32, #tpu.memory_space<vmem>>
    %dma_start3A_42 = arith.constant 0 : i32
    %dma_start3A_43 = tpu.memref_slice %arg8[%add3A_36, %dma_start3A_42] : memref<10240x128xf32, #tpu.memory_space<vmem_shared>> -> memref<64x128xf32, #tpu.memory_space<vmem_shared>>
    %dma_start3A_44 = arith.constant 0 : i32
    %dma_start3A_45 = tpu.memref_slice %arg8[%add3A_36, %dma_start3A_44] : memref<10240x128xf32, #tpu.memory_space<vmem_shared>> -> memref<64x128xf32, #tpu.memory_space<vmem_shared>>
    %dma_start3A_46 = arith.constant 0 : i32
    %dma_start3A_47 = arith.constant 0 : i32
    %dma_start3A_48 = tpu.memref_slice %arg6[%dma_start3A_37, %dma_start3A_46, %dma_start3A_47] : memref<5x64x128xf32, #tpu.memory_space<vmem>> -> memref<1x64x128xf32, #tpu.memory_space<vmem>>
    %dma_start3A_49 = tpu.memref_squeeze %dma_start3A_48 : memref<1x64x128xf32, #tpu.memory_space<vmem>> -> memref<64x128xf32, #tpu.memory_space<vmem>>
    tpu.enqueue_dma source(%dma_start3A_49 : memref<64x128xf32, #tpu.memory_space<vmem>>) target(%dma_start3A_45 : memref<64x128xf32, #tpu.memory_space<vmem_shared>>) target_semaphore(%arg12 : memref<!tpu.dma_semaphore, #tpu.memory_space<semaphore_mem>>)
    %add3A_50 = arith.constant 128 : i32
    %add3A_51 = arith.addi %mul3A_20, %add3A_50 : i32
    %dma_start3A_52 = arith.constant 0 : i32
    %dma_start3A_53 = arith.constant 0 : i32
    %dma_start3A_54 = arith.constant 0 : i32
    %dma_start3A_55 = tpu.memref_slice %arg6[%dma_start3A_52, %dma_start3A_53, %dma_start3A_54] : memref<5x64x128xf32, #tpu.memory_space<vmem>> -> memref<1x64x128xf32, #tpu.memory_space<vmem>>
    %dma_start3A_56 = tpu.memref_squeeze %dma_start3A_55 : memref<1x64x128xf32, #tpu.memory_space<vmem>> -> memref<64x128xf32, #tpu.memory_space<vmem>>
    %dma_start3A_57 = arith.constant 0 : i32
    %dma_start3A_58 = tpu.memref_slice %arg8[%add3A_51, %dma_start3A_57] : memref<10240x128xf32, #tpu.memory_space<vmem_shared>> -> memref<64x128xf32, #tpu.memory_space<vmem_shared>>
    %dma_start3A_59 = arith.constant 0 : i32
    %dma_start3A_60 = tpu.memref_slice %arg8[%add3A_51, %dma_start3A_59] : memref<10240x128xf32, #tpu.memory_space<vmem_shared>> -> memref<64x128xf32, #tpu.memory_space<vmem_shared>>
    %dma_start3A_61 = arith.constant 0 : i32
    %dma_start3A_62 = arith.constant 0 : i32
    %dma_start3A_63 = tpu.memref_slice %arg6[%dma_start3A_52, %dma_start3A_61, %dma_start3A_62] : memref<5x64x128xf32, #tpu.memory_space<vmem>> -> memref<1x64x128xf32, #tpu.memory_space<vmem>>
    %dma_start3A_64 = tpu.memref_squeeze %dma_start3A_63 : memref<1x64x128xf32, #tpu.memory_space<vmem>> -> memref<64x128xf32, #tpu.memory_space<vmem>>
    tpu.enqueue_dma source(%dma_start3A_64 : memref<64x128xf32, #tpu.memory_space<vmem>>) target(%dma_start3A_60 : memref<64x128xf32, #tpu.memory_space<vmem_shared>>) target_semaphore(%arg12 : memref<!tpu.dma_semaphore, #tpu.memory_space<semaphore_mem>>)
    %add3A_65 = arith.constant 192 : i32
    %add3A_66 = arith.addi %mul3A_20, %add3A_65 : i32
    %dma_start3A_67 = arith.constant 0 : i32
    %dma_start3A_68 = arith.constant 0 : i32
    %dma_start3A_69 = arith.constant 0 : i32
    %dma_start3A_70 = tpu.memref_slice %arg6[%dma_start3A_67, %dma_start3A_68, %dma_start3A_69] : memref<5x64x128xf32, #tpu.memory_space<vmem>> -> memref<1x64x128xf32, #tpu.memory_space<vmem>>
    %dma_start3A_71 = tpu.memref_squeeze %dma_start3A_70 : memref<1x64x128xf32, #tpu.memory_space<vmem>> -> memref<64x128xf32, #tpu.memory_space<vmem>>
    %dma_start3A_72 = arith.constant 0 : i32
    %dma_start3A_73 = tpu.memref_slice %arg8[%add3A_66, %dma_start3A_72] : memref<10240x128xf32, #tpu.memory_space<vmem_shared>> -> memref<64x128xf32, #tpu.memory_space<vmem_shared>>
    %dma_start3A_74 = arith.constant 0 : i32
    %dma_start3A_75 = tpu.memref_slice %arg8[%add3A_66, %dma_start3A_74] : memref<10240x128xf32, #tpu.memory_space<vmem_shared>> -> memref<64x128xf32, #tpu.memory_space<vmem_shared>>
    %dma_start3A_76 = arith.constant 0 : i32
    %dma_start3A_77 = arith.constant 0 : i32
    %dma_start3A_78 = tpu.memref_slice %arg6[%dma_start3A_67, %dma_start3A_76, %dma_start3A_77] : memref<5x64x128xf32, #tpu.memory_space<vmem>> -> memref<1x64x128xf32, #tpu.memory_space<vmem>>
    %dma_start3A_79 = tpu.memref_squeeze %dma_start3A_78 : memref<1x64x128xf32, #tpu.memory_space<vmem>> -> memref<64x128xf32, #tpu.memory_space<vmem>>
    tpu.enqueue_dma source(%dma_start3A_79 : memref<64x128xf32, #tpu.memory_space<vmem>>) target(%dma_start3A_75 : memref<64x128xf32, #tpu.memory_space<vmem_shared>>) target_semaphore(%arg12 : memref<!tpu.dma_semaphore, #tpu.memory_space<semaphore_mem>>)
    %add3A_80 = arith.constant 256 : i32
    %add3A_81 = arith.addi %mul3A_20, %add3A_80 : i32
    %dma_start3A_82 = arith.constant 0 : i32
    %dma_start3A_83 = arith.constant 0 : i32
    %dma_start3A_84 = arith.constant 0 : i32
    %dma_start3A_85 = tpu.memref_slice %arg6[%dma_start3A_82, %dma_start3A_83, %dma_start3A_84] : memref<5x64x128xf32, #tpu.memory_space<vmem>> -> memref<1x64x128xf32, #tpu.memory_space<vmem>>
    %dma_start3A_86 = tpu.memref_squeeze %dma_start3A_85 : memref<1x64x128xf32, #tpu.memory_space<vmem>> -> memref<64x128xf32, #tpu.memory_space<vmem>>
    %dma_start3A_87 = arith.constant 0 : i32
    %dma_start3A_88 = tpu.memref_slice %arg8[%add3A_81, %dma_start3A_87] : memref<10240x128xf32, #tpu.memory_space<vmem_shared>> -> memref<64x128xf32, #tpu.memory_space<vmem_shared>>
    %dma_start3A_89 = arith.constant 0 : i32
    %dma_start3A_90 = tpu.memref_slice %arg8[%add3A_81, %dma_start3A_89] : memref<10240x128xf32, #tpu.memory_space<vmem_shared>> -> memref<64x128xf32, #tpu.memory_space<vmem_shared>>
    %dma_start3A_91 = arith.constant 0 : i32
    %dma_start3A_92 = arith.constant 0 : i32
    %dma_start3A_93 = tpu.memref_slice %arg6[%dma_start3A_82, %dma_start3A_91, %dma_start3A_92] : memref<5x64x128xf32, #tpu.memory_space<vmem>> -> memref<1x64x128xf32, #tpu.memory_space<vmem>>
    %dma_start3A_94 = tpu.memref_squeeze %dma_start3A_93 : memref<1x64x128xf32, #tpu.memory_space<vmem>> -> memref<64x128xf32, #tpu.memory_space<vmem>>
    tpu.enqueue_dma source(%dma_start3A_94 : memref<64x128xf32, #tpu.memory_space<vmem>>) target(%dma_start3A_90 : memref<64x128xf32, #tpu.memory_space<vmem_shared>>) target_semaphore(%arg12 : memref<!tpu.dma_semaphore, #tpu.memory_space<semaphore_mem>>)
    %add3A_95 = arith.constant 320 : i32
    %add3A_96 = arith.addi %mul3A_20, %add3A_95 : i32
    %dma_start3A_97 = arith.constant 0 : i32
    %dma_start3A_98 = arith.constant 0 : i32
    %dma_start3A_99 = arith.constant 0 : i32
    %dma_start3A_100 = tpu.memref_slice %arg6[%dma_start3A_97, %dma_start3A_98, %dma_start3A_99] : memref<5x64x128xf32, #tpu.memory_space<vmem>> -> memref<1x64x128xf32, #tpu.memory_space<vmem>>
    %dma_start3A_101 = tpu.memref_squeeze %dma_start3A_100 : memref<1x64x128xf32, #tpu.memory_space<vmem>> -> memref<64x128xf32, #tpu.memory_space<vmem>>
    %dma_start3A_102 = arith.constant 0 : i32
    %dma_start3A_103 = tpu.memref_slice %arg8[%add3A_96, %dma_start3A_102] : memref<10240x128xf32, #tpu.memory_space<vmem_shared>> -> memref<64x128xf32, #tpu.memory_space<vmem_shared>>
    %dma_start3A_104 = arith.constant 0 : i32
    %dma_start3A_105 = tpu.memref_slice %arg8[%add3A_96, %dma_start3A_104] : memref<10240x128xf32, #tpu.memory_space<vmem_shared>> -> memref<64x128xf32, #tpu.memory_space<vmem_shared>>
    %dma_start3A_106 = arith.constant 0 : i32
    %dma_start3A_107 = arith.constant 0 : i32
    %dma_start3A_108 = tpu.memref_slice %arg6[%dma_start3A_97, %dma_start3A_106, %dma_start3A_107] : memref<5x64x128xf32, #tpu.memory_space<vmem>> -> memref<1x64x128xf32, #tpu.memory_space<vmem>>
    %dma_start3A_109 = tpu.memref_squeeze %dma_start3A_108 : memref<1x64x128xf32, #tpu.memory_space<vmem>> -> memref<64x128xf32, #tpu.memory_space<vmem>>
    tpu.enqueue_dma source(%dma_start3A_109 : memref<64x128xf32, #tpu.memory_space<vmem>>) target(%dma_start3A_105 : memref<64x128xf32, #tpu.memory_space<vmem_shared>>) target_semaphore(%arg12 : memref<!tpu.dma_semaphore, #tpu.memory_space<semaphore_mem>>)
    %add3A_110 = arith.constant 384 : i32
    %add3A_111 = arith.addi %mul3A_20, %add3A_110 : i32
    %dma_start3A_112 = arith.constant 0 : i32
    %dma_start3A_113 = arith.constant 0 : i32
    %dma_start3A_114 = arith.constant 0 : i32
    %dma_start3A_115 = tpu.memref_slice %arg6[%dma_start3A_112, %dma_start3A_113, %dma_start3A_114] : memref<5x64x128xf32, #tpu.memory_space<vmem>> -> memref<1x64x128xf32, #tpu.memory_space<vmem>>
    %dma_start3A_116 = tpu.memref_squeeze %dma_start3A_115 : memref<1x64x128xf32, #tpu.memory_space<vmem>> -> memref<64x128xf32, #tpu.memory_space<vmem>>
    %dma_start3A_117 = arith.constant 0 : i32
    %dma_start3A_118 = tpu.memref_slice %arg8[%add3A_111, %dma_start3A_117] : memref<10240x128xf32, #tpu.memory_space<vmem_shared>> -> memref<64x128xf32, #tpu.memory_space<vmem_shared>>
    %dma_start3A_119 = arith.constant 0 : i32
    %dma_start3A_120 = tpu.memref_slice %arg8[%add3A_111, %dma_start3A_119] : memref<10240x128xf32, #tpu.memory_space<vmem_shared>> -> memref<64x128xf32, #tpu.memory_space<vmem_shared>>
    %dma_start3A_121 = arith.constant 0 : i32
    %dma_start3A_122 = arith.constant 0 : i32
    %dma_start3A_123 = tpu.memref_slice %arg6[%dma_start3A_112, %dma_start3A_121, %dma_start3A_122] : memref<5x64x128xf32, #tpu.memory_space<vmem>> -> memref<1x64x128xf32, #tpu.memory_space<vmem>>
    %dma_start3A_124 = tpu.memref_squeeze %dma_start3A_123 : memref<1x64x128xf32, #tpu.memory_space<vmem>> -> memref<64x128xf32, #tpu.memory_space<vmem>>
    tpu.enqueue_dma source(%dma_start3A_124 : memref<64x128xf32, #tpu.memory_space<vmem>>) target(%dma_start3A_120 : memref<64x128xf32, #tpu.memory_space<vmem_shared>>) target_semaphore(%arg12 : memref<!tpu.dma_semaphore, #tpu.memory_space<semaphore_mem>>)
    %add3A_125 = arith.constant 448 : i32
    %add3A_126 = arith.addi %mul3A_20, %add3A_125 : i32
    %dma_start3A_127 = arith.constant 0 : i32
    %dma_start3A_128 = arith.constant 0 : i32
    %dma_start3A_129 = arith.constant 0 : i32
    %dma_start3A_130 = tpu.memref_slice %arg6[%dma_start3A_127, %dma_start3A_128, %dma_start3A_129] : memref<5x64x128xf32, #tpu.memory_space<vmem>> -> memref<1x64x128xf32, #tpu.memory_space<vmem>>
    %dma_start3A_131 = tpu.memref_squeeze %dma_start3A_130 : memref<1x64x128xf32, #tpu.memory_space<vmem>> -> memref<64x128xf32, #tpu.memory_space<vmem>>
    %dma_start3A_132 = arith.constant 0 : i32
    %dma_start3A_133 = tpu.memref_slice %arg8[%add3A_126, %dma_start3A_132] : memref<10240x128xf32, #tpu.memory_space<vmem_shared>> -> memref<64x128xf32, #tpu.memory_space<vmem_shared>>
    %dma_start3A_134 = arith.constant 0 : i32
    %dma_start3A_135 = tpu.memref_slice %arg8[%add3A_126, %dma_start3A_134] : memref<10240x128xf32, #tpu.memory_space<vmem_shared>> -> memref<64x128xf32, #tpu.memory_space<vmem_shared>>
    %dma_start3A_136 = arith.constant 0 : i32
    %dma_start3A_137 = arith.constant 0 : i32
    %dma_start3A_138 = tpu.memref_slice %arg6[%dma_start3A_127, %dma_start3A_136, %dma_start3A_137] : memref<5x64x128xf32, #tpu.memory_space<vmem>> -> memref<1x64x128xf32, #tpu.memory_space<vmem>>
    %dma_start3A_139 = tpu.memref_squeeze %dma_start3A_138 : memref<1x64x128xf32, #tpu.memory_space<vmem>> -> memref<64x128xf32, #tpu.memory_space<vmem>>
    tpu.enqueue_dma source(%dma_start3A_139 : memref<64x128xf32, #tpu.memory_space<vmem>>) target(%dma_start3A_135 : memref<64x128xf32, #tpu.memory_space<vmem_shared>>) target_semaphore(%arg12 : memref<!tpu.dma_semaphore, #tpu.memory_space<semaphore_mem>>)
    %add3A_140 = arith.constant 512 : i32
    %add3A_141 = arith.addi %mul3A_20, %add3A_140 : i32
    %dma_start3A_142 = arith.constant 0 : i32
    %dma_start3A_143 = arith.constant 0 : i32
    %dma_start3A_144 = arith.constant 0 : i32
    %dma_start3A_145 = tpu.memref_slice %arg6[%dma_start3A_142, %dma_start3A_143, %dma_start3A_144] : memref<5x64x128xf32, #tpu.memory_space<vmem>> -> memref<1x64x128xf32, #tpu.memory_space<vmem>>
    %dma_start3A_146 = tpu.memref_squeeze %dma_start3A_145 : memref<1x64x128xf32, #tpu.memory_space<vmem>> -> memref<64x128xf32, #tpu.memory_space<vmem>>
    %dma_start3A_147 = arith.constant 0 : i32
    %dma_start3A_148 = tpu.memref_slice %arg8[%add3A_141, %dma_start3A_147] : memref<10240x128xf32, #tpu.memory_space<vmem_shared>> -> memref<64x128xf32, #tpu.memory_space<vmem_shared>>
    %dma_start3A_149 = arith.constant 0 : i32
    %dma_start3A_150 = tpu.memref_slice %arg8[%add3A_141, %dma_start3A_149] : memref<10240x128xf32, #tpu.memory_space<vmem_shared>> -> memref<64x128xf32, #tpu.memory_space<vmem_shared>>
    %dma_start3A_151 = arith.constant 0 : i32
    %dma_start3A_152 = arith.constant 0 : i32
    %dma_start3A_153 = tpu.memref_slice %arg6[%dma_start3A_142, %dma_start3A_151, %dma_start3A_152] : memref<5x64x128xf32, #tpu.memory_space<vmem>> -> memref<1x64x128xf32, #tpu.memory_space<vmem>>
    %dma_start3A_154 = tpu.memref_squeeze %dma_start3A_153 : memref<1x64x128xf32, #tpu.memory_space<vmem>> -> memref<64x128xf32, #tpu.memory_space<vmem>>
    tpu.enqueue_dma source(%dma_start3A_154 : memref<64x128xf32, #tpu.memory_space<vmem>>) target(%dma_start3A_150 : memref<64x128xf32, #tpu.memory_space<vmem_shared>>) target_semaphore(%arg12 : memref<!tpu.dma_semaphore, #tpu.memory_space<semaphore_mem>>)
    %add3A_155 = arith.constant 576 : i32
    %add3A_156 = arith.addi %mul3A_20, %add3A_155 : i32
    %dma_start3A_157 = arith.constant 0 : i32
    %dma_start3A_158 = arith.constant 0 : i32
    %dma_start3A_159 = arith.constant 0 : i32
    %dma_start3A_160 = tpu.memref_slice %arg6[%dma_start3A_157, %dma_start3A_158, %dma_start3A_159] : memref<5x64x128xf32, #tpu.memory_space<vmem>> -> memref<1x64x128xf32, #tpu.memory_space<vmem>>
    %dma_start3A_161 = tpu.memref_squeeze %dma_start3A_160 : memref<1x64x128xf32, #tpu.memory_space<vmem>> -> memref<64x128xf32, #tpu.memory_space<vmem>>
    %dma_start3A_162 = arith.constant 0 : i32
    %dma_start3A_163 = tpu.memref_slice %arg8[%add3A_156, %dma_start3A_162] : memref<10240x128xf32, #tpu.memory_space<vmem_shared>> -> memref<64x128xf32, #tpu.memory_space<vmem_shared>>
    %dma_start3A_164 = arith.constant 0 : i32
    %dma_start3A_165 = tpu.memref_slice %arg8[%add3A_156, %dma_start3A_164] : memref<10240x128xf32, #tpu.memory_space<vmem_shared>> -> memref<64x128xf32, #tpu.memory_space<vmem_shared>>
    %dma_start3A_166 = arith.constant 0 : i32
    %dma_start3A_167 = arith.constant 0 : i32
    %dma_start3A_168 = tpu.memref_slice %arg6[%dma_start3A_157, %dma_start3A_166, %dma_start3A_167] : memref<5x64x128xf32, #tpu.memory_space<vmem>> -> memref<1x64x128xf32, #tpu.memory_space<vmem>>
    %dma_start3A_169 = tpu.memref_squeeze %dma_start3A_168 : memref<1x64x128xf32, #tpu.memory_space<vmem>> -> memref<64x128xf32, #tpu.memory_space<vmem>>
    tpu.enqueue_dma source(%dma_start3A_169 : memref<64x128xf32, #tpu.memory_space<vmem>>) target(%dma_start3A_165 : memref<64x128xf32, #tpu.memory_space<vmem_shared>>) target_semaphore(%arg12 : memref<!tpu.dma_semaphore, #tpu.memory_space<semaphore_mem>>)
    %dma_wait3A = arith.constant 0 : i32
    %dma_wait3A_170 = arith.constant 0 : i32
    %dma_wait3A_171 = arith.constant 0 : i32
    %dma_wait3A_172 = tpu.memref_slice %arg6[%dma_wait3A, %dma_wait3A_170, %dma_wait3A_171] : memref<5x64x128xf32, #tpu.memory_space<vmem>> -> memref<1x64x128xf32, #tpu.memory_space<vmem>>
    %dma_wait3A_173 = tpu.memref_squeeze %dma_wait3A_172 : memref<1x64x128xf32, #tpu.memory_space<vmem>> -> memref<64x128xf32, #tpu.memory_space<vmem>>
    %dma_wait3A_174 = arith.constant 0 : i32
    %dma_wait3A_175 = tpu.memref_slice %arg8[%mul3A_20, %dma_wait3A_174] : memref<10240x128xf32, #tpu.memory_space<vmem_shared>> -> memref<64x128xf32, #tpu.memory_space<vmem_shared>>
    %dma_wait3A_176 = arith.constant 0 : i32
    %dma_wait3A_177 = tpu.memref_slice %arg8[%mul3A_20, %dma_wait3A_176] : memref<10240x128xf32, #tpu.memory_space<vmem_shared>> -> memref<64x128xf32, #tpu.memory_space<vmem_shared>>
    %dma_wait3A_178 = arith.constant 0 : i32
    %dma_wait3A_179 = arith.constant 0 : i32
    %dma_wait3A_180 = tpu.memref_slice %arg6[%dma_wait3A, %dma_wait3A_178, %dma_wait3A_179] : memref<5x64x128xf32, #tpu.memory_space<vmem>> -> memref<1x64x128xf32, #tpu.memory_space<vmem>>
    %dma_wait3A_181 = tpu.memref_squeeze %dma_wait3A_180 : memref<1x64x128xf32, #tpu.memory_space<vmem>> -> memref<64x128xf32, #tpu.memory_space<vmem>>
    tpu.wait_dma2 semaphore(%arg12 : memref<!tpu.dma_semaphore, #tpu.memory_space<semaphore_mem>>) src(%dma_wait3A_181 : memref<64x128xf32, #tpu.memory_space<vmem>>) dst(%dma_wait3A_177 : memref<64x128xf32, #tpu.memory_space<vmem_shared>>)
    %dma_wait3A_182 = arith.constant 0 : i32
    %dma_wait3A_183 = arith.constant 0 : i32
    %dma_wait3A_184 = arith.constant 0 : i32
    %dma_wait3A_185 = tpu.memref_slice %arg6[%dma_wait3A_182, %dma_wait3A_183, %dma_wait3A_184] : memref<5x64x128xf32, #tpu.memory_space<vmem>> -> memref<1x64x128xf32, #tpu.memory_space<vmem>>
    %dma_wait3A_186 = tpu.memref_squeeze %dma_wait3A_185 : memref<1x64x128xf32, #tpu.memory_space<vmem>> -> memref<64x128xf32, #tpu.memory_space<vmem>>
    %dma_wait3A_187 = arith.constant 0 : i32
    %dma_wait3A_188 = tpu.memref_slice %arg8[%mul3A_20, %dma_wait3A_187] : memref<10240x128xf32, #tpu.memory_space<vmem_shared>> -> memref<64x128xf32, #tpu.memory_space<vmem_shared>>
    %dma_wait3A_189 = arith.constant 0 : i32
    %dma_wait3A_190 = tpu.memref_slice %arg8[%mul3A_20, %dma_wait3A_189] : memref<10240x128xf32, #tpu.memory_space<vmem_shared>> -> memref<64x128xf32, #tpu.memory_space<vmem_shared>>
    %dma_wait3A_191 = arith.constant 0 : i32
    %dma_wait3A_192 = arith.constant 0 : i32
    %dma_wait3A_193 = tpu.memref_slice %arg6[%dma_wait3A_182, %dma_wait3A_191, %dma_wait3A_192] : memref<5x64x128xf32, #tpu.memory_space<vmem>> -> memref<1x64x128xf32, #tpu.memory_space<vmem>>
    %dma_wait3A_194 = tpu.memref_squeeze %dma_wait3A_193 : memref<1x64x128xf32, #tpu.memory_space<vmem>> -> memref<64x128xf32, #tpu.memory_space<vmem>>
    tpu.wait_dma2 semaphore(%arg12 : memref<!tpu.dma_semaphore, #tpu.memory_space<semaphore_mem>>) src(%dma_wait3A_194 : memref<64x128xf32, #tpu.memory_space<vmem>>) dst(%dma_wait3A_190 : memref<64x128xf32, #tpu.memory_space<vmem_shared>>)
    %dma_wait3A_195 = arith.constant 0 : i32
    %dma_wait3A_196 = arith.constant 0 : i32
    %dma_wait3A_197 = arith.constant 0 : i32
    %dma_wait3A_198 = tpu.memref_slice %arg6[%dma_wait3A_195, %dma_wait3A_196, %dma_wait3A_197] : memref<5x64x128xf32, #tpu.memory_space<vmem>> -> memref<1x64x128xf32, #tpu.memory_space<vmem>>
    %dma_wait3A_199 = tpu.memref_squeeze %dma_wait3A_198 : memref<1x64x128xf32, #tpu.memory_space<vmem>> -> memref<64x128xf32, #tpu.memory_space<vmem>>
    %dma_wait3A_200 = arith.constant 0 : i32
    %dma_wait3A_201 = tpu.memref_slice %arg8[%mul3A_20, %dma_wait3A_200] : memref<10240x128xf32, #tpu.memory_space<vmem_shared>> -> memref<64x128xf32, #tpu.memory_space<vmem_shared>>
    %dma_wait3A_202 = arith.constant 0 : i32
    %dma_wait3A_203 = tpu.memref_slice %arg8[%mul3A_20, %dma_wait3A_202] : memref<10240x128xf32, #tpu.memory_space<vmem_shared>> -> memref<64x128xf32, #tpu.memory_space<vmem_shared>>
    %dma_wait3A_204 = arith.constant 0 : i32
    %dma_wait3A_205 = arith.constant 0 : i32
    %dma_wait3A_206 = tpu.memref_slice %arg6[%dma_wait3A_195, %dma_wait3A_204, %dma_wait3A_205] : memref<5x64x128xf32, #tpu.memory_space<vmem>> -> memref<1x64x128xf32, #tpu.memory_space<vmem>>
    %dma_wait3A_207 = tpu.memref_squeeze %dma_wait3A_206 : memref<1x64x128xf32, #tpu.memory_space<vmem>> -> memref<64x128xf32, #tpu.memory_space<vmem>>
    tpu.wait_dma2 semaphore(%arg12 : memref<!tpu.dma_semaphore, #tpu.memory_space<semaphore_mem>>) src(%dma_wait3A_207 : memref<64x128xf32, #tpu.memory_space<vmem>>) dst(%dma_wait3A_203 : memref<64x128xf32, #tpu.memory_space<vmem_shared>>)
    %dma_wait3A_208 = arith.constant 0 : i32
    %dma_wait3A_209 = arith.constant 0 : i32
    %dma_wait3A_210 = arith.constant 0 : i32
    %dma_wait3A_211 = tpu.memref_slice %arg6[%dma_wait3A_208, %dma_wait3A_209, %dma_wait3A_210] : memref<5x64x128xf32, #tpu.memory_space<vmem>> -> memref<1x64x128xf32, #tpu.memory_space<vmem>>
    %dma_wait3A_212 = tpu.memref_squeeze %dma_wait3A_211 : memref<1x64x128xf32, #tpu.memory_space<vmem>> -> memref<64x128xf32, #tpu.memory_space<vmem>>
    %dma_wait3A_213 = arith.constant 0 : i32
    %dma_wait3A_214 = tpu.memref_slice %arg8[%mul3A_20, %dma_wait3A_213] : memref<10240x128xf32, #tpu.memory_space<vmem_shared>> -> memref<64x128xf32, #tpu.memory_space<vmem_shared>>
    %dma_wait3A_215 = arith.constant 0 : i32
    %dma_wait3A_216 = tpu.memref_slice %arg8[%mul3A_20, %dma_wait3A_215] : memref<10240x128xf32, #tpu.memory_space<vmem_shared>> -> memref<64x128xf32, #tpu.memory_space<vmem_shared>>
    %dma_wait3A_217 = arith.constant 0 : i32
    %dma_wait3A_218 = arith.constant 0 : i32
    %dma_wait3A_219 = tpu.memref_slice %arg6[%dma_wait3A_208, %dma_wait3A_217, %dma_wait3A_218] : memref<5x64x128xf32, #tpu.memory_space<vmem>> -> memref<1x64x128xf32, #tpu.memory_space<vmem>>
    %dma_wait3A_220 = tpu.memref_squeeze %dma_wait3A_219 : memref<1x64x128xf32, #tpu.memory_space<vmem>> -> memref<64x128xf32, #tpu.memory_space<vmem>>
    tpu.wait_dma2 semaphore(%arg12 : memref<!tpu.dma_semaphore, #tpu.memory_space<semaphore_mem>>) src(%dma_wait3A_220 : memref<64x128xf32, #tpu.memory_space<vmem>>) dst(%dma_wait3A_216 : memref<64x128xf32, #tpu.memory_space<vmem_shared>>)
    %dma_wait3A_221 = arith.constant 0 : i32
    %dma_wait3A_222 = arith.constant 0 : i32
    %dma_wait3A_223 = arith.constant 0 : i32
    %dma_wait3A_224 = tpu.memref_slice %arg6[%dma_wait3A_221, %dma_wait3A_222, %dma_wait3A_223] : memref<5x64x128xf32, #tpu.memory_space<vmem>> -> memref<1x64x128xf32, #tpu.memory_space<vmem>>
    %dma_wait3A_225 = tpu.memref_squeeze %dma_wait3A_224 : memref<1x64x128xf32, #tpu.memory_space<vmem>> -> memref<64x128xf32, #tpu.memory_space<vmem>>
    %dma_wait3A_226 = arith.constant 0 : i32
    %dma_wait3A_227 = tpu.memref_slice %arg8[%mul3A_20, %dma_wait3A_226] : memref<10240x128xf32, #tpu.memory_space<vmem_shared>> -> memref<64x128xf32, #tpu.memory_space<vmem_shared>>
    %dma_wait3A_228 = arith.constant 0 : i32
    %dma_wait3A_229 = tpu.memref_slice %arg8[%mul3A_20, %dma_wait3A_228] : memref<10240x128xf32, #tpu.memory_space<vmem_shared>> -> memref<64x128xf32, #tpu.memory_space<vmem_shared>>
    %dma_wait3A_230 = arith.constant 0 : i32
    %dma_wait3A_231 = arith.constant 0 : i32
    %dma_wait3A_232 = tpu.memref_slice %arg6[%dma_wait3A_221, %dma_wait3A_230, %dma_wait3A_231] : memref<5x64x128xf32, #tpu.memory_space<vmem>> -> memref<1x64x128xf32, #tpu.memory_space<vmem>>
    %dma_wait3A_233 = tpu.memref_squeeze %dma_wait3A_232 : memref<1x64x128xf32, #tpu.memory_space<vmem>> -> memref<64x128xf32, #tpu.memory_space<vmem>>
    tpu.wait_dma2 semaphore(%arg12 : memref<!tpu.dma_semaphore, #tpu.memory_space<semaphore_mem>>) src(%dma_wait3A_233 : memref<64x128xf32, #tpu.memory_space<vmem>>) dst(%dma_wait3A_229 : memref<64x128xf32, #tpu.memory_space<vmem_shared>>)
    %dma_wait3A_234 = arith.constant 0 : i32
    %dma_wait3A_235 = arith.constant 0 : i32
    %dma_wait3A_236 = arith.constant 0 : i32
    %dma_wait3A_237 = tpu.memref_slice %arg6[%dma_wait3A_234, %dma_wait3A_235, %dma_wait3A_236] : memref<5x64x128xf32, #tpu.memory_space<vmem>> -> memref<1x64x128xf32, #tpu.memory_space<vmem>>
    %dma_wait3A_238 = tpu.memref_squeeze %dma_wait3A_237 : memref<1x64x128xf32, #tpu.memory_space<vmem>> -> memref<64x128xf32, #tpu.memory_space<vmem>>
    %dma_wait3A_239 = arith.constant 0 : i32
    %dma_wait3A_240 = tpu.memref_slice %arg8[%mul3A_20, %dma_wait3A_239] : memref<10240x128xf32, #tpu.memory_space<vmem_shared>> -> memref<64x128xf32, #tpu.memory_space<vmem_shared>>
    %dma_wait3A_241 = arith.constant 0 : i32
    %dma_wait3A_242 = tpu.memref_slice %arg8[%mul3A_20, %dma_wait3A_241] : memref<10240x128xf32, #tpu.memory_space<vmem_shared>> -> memref<64x128xf32, #tpu.memory_space<vmem_shared>>
    %dma_wait3A_243 = arith.constant 0 : i32
    %dma_wait3A_244 = arith.constant 0 : i32
    %dma_wait3A_245 = tpu.memref_slice %arg6[%dma_wait3A_234, %dma_wait3A_243, %dma_wait3A_244] : memref<5x64x128xf32, #tpu.memory_space<vmem>> -> memref<1x64x128xf32, #tpu.memory_space<vmem>>
    %dma_wait3A_246 = tpu.memref_squeeze %dma_wait3A_245 : memref<1x64x128xf32, #tpu.memory_space<vmem>> -> memref<64x128xf32, #tpu.memory_space<vmem>>
    tpu.wait_dma2 semaphore(%arg12 : memref<!tpu.dma_semaphore, #tpu.memory_space<semaphore_mem>>) src(%dma_wait3A_246 : memref<64x128xf32, #tpu.memory_space<vmem>>) dst(%dma_wait3A_242 : memref<64x128xf32, #tpu.memory_space<vmem_shared>>)
    %dma_wait3A_247 = arith.constant 0 : i32
    %dma_wait3A_248 = arith.constant 0 : i32
    %dma_wait3A_249 = arith.constant 0 : i32
    %dma_wait3A_250 = tpu.memref_slice %arg6[%dma_wait3A_247, %dma_wait3A_248, %dma_wait3A_249] : memref<5x64x128xf32, #tpu.memory_space<vmem>> -> memref<1x64x128xf32, #tpu.memory_space<vmem>>
    %dma_wait3A_251 = tpu.memref_squeeze %dma_wait3A_250 : memref<1x64x128xf32, #tpu.memory_space<vmem>> -> memref<64x128xf32, #tpu.memory_space<vmem>>
    %dma_wait3A_252 = arith.constant 0 : i32
    %dma_wait3A_253 = tpu.memref_slice %arg8[%mul3A_20, %dma_wait3A_252] : memref<10240x128xf32, #tpu.memory_space<vmem_shared>> -> memref<64x128xf32, #tpu.memory_space<vmem_shared>>
    %dma_wait3A_254 = arith.constant 0 : i32
    %dma_wait3A_255 = tpu.memref_slice %arg8[%mul3A_20, %dma_wait3A_254] : memref<10240x128xf32, #tpu.memory_space<vmem_shared>> -> memref<64x128xf32, #tpu.memory_space<vmem_shared>>
    %dma_wait3A_256 = arith.constant 0 : i32
    %dma_wait3A_257 = arith.constant 0 : i32
    %dma_wait3A_258 = tpu.memref_slice %arg6[%dma_wait3A_247, %dma_wait3A_256, %dma_wait3A_257] : memref<5x64x128xf32, #tpu.memory_space<vmem>> -> memref<1x64x128xf32, #tpu.memory_space<vmem>>
    %dma_wait3A_259 = tpu.memref_squeeze %dma_wait3A_258 : memref<1x64x128xf32, #tpu.memory_space<vmem>> -> memref<64x128xf32, #tpu.memory_space<vmem>>
    tpu.wait_dma2 semaphore(%arg12 : memref<!tpu.dma_semaphore, #tpu.memory_space<semaphore_mem>>) src(%dma_wait3A_259 : memref<64x128xf32, #tpu.memory_space<vmem>>) dst(%dma_wait3A_255 : memref<64x128xf32, #tpu.memory_space<vmem_shared>>)
    %dma_wait3A_260 = arith.constant 0 : i32
    %dma_wait3A_261 = arith.constant 0 : i32
    %dma_wait3A_262 = arith.constant 0 : i32
    %dma_wait3A_263 = tpu.memref_slice %arg6[%dma_wait3A_260, %dma_wait3A_261, %dma_wait3A_262] : memref<5x64x128xf32, #tpu.memory_space<vmem>> -> memref<1x64x128xf32, #tpu.memory_space<vmem>>
    %dma_wait3A_264 = tpu.memref_squeeze %dma_wait3A_263 : memref<1x64x128xf32, #tpu.memory_space<vmem>> -> memref<64x128xf32, #tpu.memory_space<vmem>>
    %dma_wait3A_265 = arith.constant 0 : i32
    %dma_wait3A_266 = tpu.memref_slice %arg8[%mul3A_20, %dma_wait3A_265] : memref<10240x128xf32, #tpu.memory_space<vmem_shared>> -> memref<64x128xf32, #tpu.memory_space<vmem_shared>>
    %dma_wait3A_267 = arith.constant 0 : i32
    %dma_wait3A_268 = tpu.memref_slice %arg8[%mul3A_20, %dma_wait3A_267] : memref<10240x128xf32, #tpu.memory_space<vmem_shared>> -> memref<64x128xf32, #tpu.memory_space<vmem_shared>>
    %dma_wait3A_269 = arith.constant 0 : i32
    %dma_wait3A_270 = arith.constant 0 : i32
    %dma_wait3A_271 = tpu.memref_slice %arg6[%dma_wait3A_260, %dma_wait3A_269, %dma_wait3A_270] : memref<5x64x128xf32, #tpu.memory_space<vmem>> -> memref<1x64x128xf32, #tpu.memory_space<vmem>>
    %dma_wait3A_272 = tpu.memref_squeeze %dma_wait3A_271 : memref<1x64x128xf32, #tpu.memory_space<vmem>> -> memref<64x128xf32, #tpu.memory_space<vmem>>
    tpu.wait_dma2 semaphore(%arg12 : memref<!tpu.dma_semaphore, #tpu.memory_space<semaphore_mem>>) src(%dma_wait3A_272 : memref<64x128xf32, #tpu.memory_space<vmem>>) dst(%dma_wait3A_268 : memref<64x128xf32, #tpu.memory_space<vmem_shared>>)
    %dma_wait3A_273 = arith.constant 0 : i32
    %dma_wait3A_274 = arith.constant 0 : i32
    %dma_wait3A_275 = arith.constant 0 : i32
    %dma_wait3A_276 = tpu.memref_slice %arg6[%dma_wait3A_273, %dma_wait3A_274, %dma_wait3A_275] : memref<5x64x128xf32, #tpu.memory_space<vmem>> -> memref<1x64x128xf32, #tpu.memory_space<vmem>>
    %dma_wait3A_277 = tpu.memref_squeeze %dma_wait3A_276 : memref<1x64x128xf32, #tpu.memory_space<vmem>> -> memref<64x128xf32, #tpu.memory_space<vmem>>
    %dma_wait3A_278 = arith.constant 0 : i32
    %dma_wait3A_279 = tpu.memref_slice %arg8[%mul3A_20, %dma_wait3A_278] : memref<10240x128xf32, #tpu.memory_space<vmem_shared>> -> memref<64x128xf32, #tpu.memory_space<vmem_shared>>
    %dma_wait3A_280 = arith.constant 0 : i32
    %dma_wait3A_281 = tpu.memref_slice %arg8[%mul3A_20, %dma_wait3A_280] : memref<10240x128xf32, #tpu.memory_space<vmem_shared>> -> memref<64x128xf32, #tpu.memory_space<vmem_shared>>
    %dma_wait3A_282 = arith.constant 0 : i32
    %dma_wait3A_283 = arith.constant 0 : i32
    %dma_wait3A_284 = tpu.memref_slice %arg6[%dma_wait3A_273, %dma_wait3A_282, %dma_wait3A_283] : memref<5x64x128xf32, #tpu.memory_space<vmem>> -> memref<1x64x128xf32, #tpu.memory_space<vmem>>
    %dma_wait3A_285 = tpu.memref_squeeze %dma_wait3A_284 : memref<1x64x128xf32, #tpu.memory_space<vmem>> -> memref<64x128xf32, #tpu.memory_space<vmem>>
    tpu.wait_dma2 semaphore(%arg12 : memref<!tpu.dma_semaphore, #tpu.memory_space<semaphore_mem>>) src(%dma_wait3A_285 : memref<64x128xf32, #tpu.memory_space<vmem>>) dst(%dma_wait3A_281 : memref<64x128xf32, #tpu.memory_space<vmem_shared>>)
    %dma_wait3A_286 = arith.constant 0 : i32
    %dma_wait3A_287 = arith.constant 0 : i32
    %dma_wait3A_288 = arith.constant 0 : i32
    %dma_wait3A_289 = tpu.memref_slice %arg6[%dma_wait3A_286, %dma_wait3A_287, %dma_wait3A_288] : memref<5x64x128xf32, #tpu.memory_space<vmem>> -> memref<1x64x128xf32, #tpu.memory_space<vmem>>
    %dma_wait3A_290 = tpu.memref_squeeze %dma_wait3A_289 : memref<1x64x128xf32, #tpu.memory_space<vmem>> -> memref<64x128xf32, #tpu.memory_space<vmem>>
    %dma_wait3A_291 = arith.constant 0 : i32
    %dma_wait3A_292 = tpu.memref_slice %arg8[%mul3A_20, %dma_wait3A_291] : memref<10240x128xf32, #tpu.memory_space<vmem_shared>> -> memref<64x128xf32, #tpu.memory_space<vmem_shared>>
    %dma_wait3A_293 = arith.constant 0 : i32
    %dma_wait3A_294 = tpu.memref_slice %arg8[%mul3A_20, %dma_wait3A_293] : memref<10240x128xf32, #tpu.memory_space<vmem_shared>> -> memref<64x128xf32, #tpu.memory_space<vmem_shared>>
    %dma_wait3A_295 = arith.constant 0 : i32
    %dma_wait3A_296 = arith.constant 0 : i32
    %dma_wait3A_297 = tpu.memref_slice %arg6[%dma_wait3A_286, %dma_wait3A_295, %dma_wait3A_296] : memref<5x64x128xf32, #tpu.memory_space<vmem>> -> memref<1x64x128xf32, #tpu.memory_space<vmem>>
    %dma_wait3A_298 = tpu.memref_squeeze %dma_wait3A_297 : memref<1x64x128xf32, #tpu.memory_space<vmem>> -> memref<64x128xf32, #tpu.memory_space<vmem>>
    tpu.wait_dma2 semaphore(%arg12 : memref<!tpu.dma_semaphore, #tpu.memory_space<semaphore_mem>>) src(%dma_wait3A_298 : memref<64x128xf32, #tpu.memory_space<vmem>>) dst(%dma_wait3A_294 : memref<64x128xf32, #tpu.memory_space<vmem_shared>>)
    %barrier3A = arith.constant 0 : index
    tpu.barrier barrier_id(%barrier3A)
    %jit3A_299 = arith.constant 64 : i32
    %div3A = arith.divsi %mul3A_10, %jit3A_299 : i32
    %sign3A = arith.constant 0 : i32
    %sign3A_300 = arith.cmpi sgt, %mul3A_10, %sign3A : i32
    %sign3A_301 = arith.extui %sign3A_300 : i1 to i32
    %sign3A_302 = arith.constant 0 : i32
    %sign3A_303 = arith.cmpi slt, %mul3A_10, %sign3A_302 : i32
    %sign3A_304 = arith.extui %sign3A_303 : i1 to i32
    %sign3A_305 = arith.subi %sign3A_301, %sign3A_304 : i32
    %sign3A_306 = arith.constant 0 : i32
    %sign3A_307 = arith.cmpi sgt, %jit3A_299, %sign3A_306 : i32
    %sign3A_308 = arith.extui %sign3A_307 : i1 to i32
    %sign3A_309 = arith.constant 0 : i32
    %sign3A_310 = arith.cmpi slt, %jit3A_299, %sign3A_309 : i32
    %sign3A_311 = arith.extui %sign3A_310 : i1 to i32
    %sign3A_312 = arith.subi %sign3A_308, %sign3A_311 : i32
    %ne3A = arith.cmpi ne, %sign3A_305, %sign3A_312 : i32
    %rem3A = arith.remsi %mul3A_10, %jit3A_299 : i32
    %ne3A_313 = arith.constant 0 : i32
    %ne3A_314 = arith.cmpi ne, %rem3A, %ne3A_313 : i32
    %and3A = arith.andi %ne3A, %ne3A_314 : i1
    %sub3A = arith.constant 1 : i32
    %sub3A_315 = arith.subi %div3A, %sub3A : i32
    %select_n3A_316 = arith.select %and3A, %sub3A_315, %div3A : i32
    %run_scoped3A = arith.constant 0 : i32
    %run_scoped3A_317 = arith.constant 0 : i32
    %run_scoped3A_318 = arith.constant 0 : i32
    "tpu.region"() ({
      %run_scoped3A_552 = tpu.sem_alloc : memref<!tpu.dma_semaphore, #tpu.memory_space<semaphore_mem>>
      %dma_start3A_553 = arith.constant 0 : i32
      %dma_start3A_554 = tpu.memref_slice %arg5[%run_scoped3A_317, %run_scoped3A_318, %dma_start3A_553] : memref<7x2x64xi32, #tpu.memory_space<vmem>> -> memref<1x1x64xi32, #tpu.memory_space<vmem>>
      %dma_start3A_555 = tpu.memref_squeeze %dma_start3A_554 : memref<1x1x64xi32, #tpu.memory_space<vmem>> -> memref<64xi32, #tpu.memory_space<vmem>>
      %dma_start3A_556 = arith.constant 0 : i32
      %dma_start3A_557 = tpu.memref_slice %arg3[%run_scoped3A, %select_n3A_316, %dma_start3A_556] : memref<2x5000x64xi32, #tpu.memory_space<hbm>> -> memref<1x1x64xi32, #tpu.memory_space<hbm>>
      %dma_start3A_558 = tpu.memref_squeeze %dma_start3A_557 : memref<1x1x64xi32, #tpu.memory_space<hbm>> -> memref<64xi32, #tpu.memory_space<hbm>>
      %dma_start3A_559 = arith.constant 0 : i32
      %dma_start3A_560 = tpu.memref_slice %arg5[%run_scoped3A_317, %run_scoped3A_318, %dma_start3A_559] : memref<7x2x64xi32, #tpu.memory_space<vmem>> -> memref<1x1x64xi32, #tpu.memory_space<vmem>>
      %dma_start3A_561 = tpu.memref_squeeze %dma_start3A_560 : memref<1x1x64xi32, #tpu.memory_space<vmem>> -> memref<64xi32, #tpu.memory_space<vmem>>
      %dma_start3A_562 = arith.constant 0 : i32
      %dma_start3A_563 = tpu.memref_slice %arg3[%run_scoped3A, %select_n3A_316, %dma_start3A_562] : memref<2x5000x64xi32, #tpu.memory_space<hbm>> -> memref<1x1x64xi32, #tpu.memory_space<hbm>>
      %dma_start3A_564 = tpu.memref_squeeze %dma_start3A_563 : memref<1x1x64xi32, #tpu.memory_space<hbm>> -> memref<64xi32, #tpu.memory_space<hbm>>
      tpu.enqueue_dma source(%dma_start3A_564 : memref<64xi32, #tpu.memory_space<hbm>>) target(%dma_start3A_561 : memref<64xi32, #tpu.memory_space<vmem>>) target_semaphore(%run_scoped3A_552 : memref<!tpu.dma_semaphore, #tpu.memory_space<semaphore_mem>>)
      %dma_wait3A_565 = arith.constant 0 : i32
      %dma_wait3A_566 = tpu.memref_slice %arg5[%run_scoped3A_317, %run_scoped3A_318, %dma_wait3A_565] : memref<7x2x64xi32, #tpu.memory_space<vmem>> -> memref<1x1x64xi32, #tpu.memory_space<vmem>>
      %dma_wait3A_567 = tpu.memref_squeeze %dma_wait3A_566 : memref<1x1x64xi32, #tpu.memory_space<vmem>> -> memref<64xi32, #tpu.memory_space<vmem>>
      %dma_wait3A_568 = arith.constant 0 : i32
      %dma_wait3A_569 = tpu.memref_slice %arg3[%run_scoped3A, %select_n3A_316, %dma_wait3A_568] : memref<2x5000x64xi32, #tpu.memory_space<hbm>> -> memref<1x1x64xi32, #tpu.memory_space<hbm>>
      %dma_wait3A_570 = tpu.memref_squeeze %dma_wait3A_569 : memref<1x1x64xi32, #tpu.memory_space<hbm>> -> memref<64xi32, #tpu.memory_space<hbm>>
      %dma_wait3A_571 = arith.constant 0 : i32
      %dma_wait3A_572 = tpu.memref_slice %arg5[%run_scoped3A_317, %run_scoped3A_318, %dma_wait3A_571] : memref<7x2x64xi32, #tpu.memory_space<vmem>> -> memref<1x1x64xi32, #tpu.memory_space<vmem>>
      %dma_wait3A_573 = tpu.memref_squeeze %dma_wait3A_572 : memref<1x1x64xi32, #tpu.memory_space<vmem>> -> memref<64xi32, #tpu.memory_space<vmem>>
      %dma_wait3A_574 = arith.constant 0 : i32
      %dma_wait3A_575 = tpu.memref_slice %arg3[%run_scoped3A, %select_n3A_316, %dma_wait3A_574] : memref<2x5000x64xi32, #tpu.memory_space<hbm>> -> memref<1x1x64xi32, #tpu.memory_space<hbm>>
      %dma_wait3A_576 = tpu.memref_squeeze %dma_wait3A_575 : memref<1x1x64xi32, #tpu.memory_space<hbm>> -> memref<64xi32, #tpu.memory_space<hbm>>
      tpu.wait_dma2 semaphore(%run_scoped3A_552 : memref<!tpu.dma_semaphore, #tpu.memory_space<semaphore_mem>>) src(%dma_wait3A_576 : memref<64xi32, #tpu.memory_space<hbm>>) dst(%dma_wait3A_573 : memref<64xi32, #tpu.memory_space<vmem>>)
      tpu.yield
    }) : () -> ()
    %run_scoped3A_319 = arith.constant 1 : i32
    %run_scoped3A_320 = arith.constant 0 : i32
    %run_scoped3A_321 = arith.constant 1 : i32
    "tpu.region"() ({
      %run_scoped3A_552 = tpu.sem_alloc : memref<!tpu.dma_semaphore, #tpu.memory_space<semaphore_mem>>
      %dma_start3A_553 = arith.constant 0 : i32
      %dma_start3A_554 = tpu.memref_slice %arg5[%run_scoped3A_320, %run_scoped3A_321, %dma_start3A_553] : memref<7x2x64xi32, #tpu.memory_space<vmem>> -> memref<1x1x64xi32, #tpu.memory_space<vmem>>
      %dma_start3A_555 = tpu.memref_squeeze %dma_start3A_554 : memref<1x1x64xi32, #tpu.memory_space<vmem>> -> memref<64xi32, #tpu.memory_space<vmem>>
      %dma_start3A_556 = arith.constant 0 : i32
      %dma_start3A_557 = tpu.memref_slice %arg3[%run_scoped3A_319, %select_n3A_316, %dma_start3A_556] : memref<2x5000x64xi32, #tpu.memory_space<hbm>> -> memref<1x1x64xi32, #tpu.memory_space<hbm>>
      %dma_start3A_558 = tpu.memref_squeeze %dma_start3A_557 : memref<1x1x64xi32, #tpu.memory_space<hbm>> -> memref<64xi32, #tpu.memory_space<hbm>>
      %dma_start3A_559 = arith.constant 0 : i32
      %dma_start3A_560 = tpu.memref_slice %arg5[%run_scoped3A_320, %run_scoped3A_321, %dma_start3A_559] : memref<7x2x64xi32, #tpu.memory_space<vmem>> -> memref<1x1x64xi32, #tpu.memory_space<vmem>>
      %dma_start3A_561 = tpu.memref_squeeze %dma_start3A_560 : memref<1x1x64xi32, #tpu.memory_space<vmem>> -> memref<64xi32, #tpu.memory_space<vmem>>
      %dma_start3A_562 = arith.constant 0 : i32
      %dma_start3A_563 = tpu.memref_slice %arg3[%run_scoped3A_319, %select_n3A_316, %dma_start3A_562] : memref<2x5000x64xi32, #tpu.memory_space<hbm>> -> memref<1x1x64xi32, #tpu.memory_space<hbm>>
      %dma_start3A_564 = tpu.memref_squeeze %dma_start3A_563 : memref<1x1x64xi32, #tpu.memory_space<hbm>> -> memref<64xi32, #tpu.memory_space<hbm>>
      tpu.enqueue_dma source(%dma_start3A_564 : memref<64xi32, #tpu.memory_space<hbm>>) target(%dma_start3A_561 : memref<64xi32, #tpu.memory_space<vmem>>) target_semaphore(%run_scoped3A_552 : memref<!tpu.dma_semaphore, #tpu.memory_space<semaphore_mem>>)
      %dma_wait3A_565 = arith.constant 0 : i32
      %dma_wait3A_566 = tpu.memref_slice %arg5[%run_scoped3A_320, %run_scoped3A_321, %dma_wait3A_565] : memref<7x2x64xi32, #tpu.memory_space<vmem>> -> memref<1x1x64xi32, #tpu.memory_space<vmem>>
      %dma_wait3A_567 = tpu.memref_squeeze %dma_wait3A_566 : memref<1x1x64xi32, #tpu.memory_space<vmem>> -> memref<64xi32, #tpu.memory_space<vmem>>
      %dma_wait3A_568 = arith.constant 0 : i32
      %dma_wait3A_569 = tpu.memref_slice %arg3[%run_scoped3A_319, %select_n3A_316, %dma_wait3A_568] : memref<2x5000x64xi32, #tpu.memory_space<hbm>> -> memref<1x1x64xi32, #tpu.memory_space<hbm>>
      %dma_wait3A_570 = tpu.memref_squeeze %dma_wait3A_569 : memref<1x1x64xi32, #tpu.memory_space<hbm>> -> memref<64xi32, #tpu.memory_space<hbm>>
      %dma_wait3A_571 = arith.constant 0 : i32
      %dma_wait3A_572 = tpu.memref_slice %arg5[%run_scoped3A_320, %run_scoped3A_321, %dma_wait3A_571] : memref<7x2x64xi32, #tpu.memory_space<vmem>> -> memref<1x1x64xi32, #tpu.memory_space<vmem>>
      %dma_wait3A_573 = tpu.memref_squeeze %dma_wait3A_572 : memref<1x1x64xi32, #tpu.memory_space<vmem>> -> memref<64xi32, #tpu.memory_space<vmem>>
      %dma_wait3A_574 = arith.constant 0 : i32
      %dma_wait3A_575 = tpu.memref_slice %arg3[%run_scoped3A_319, %select_n3A_316, %dma_wait3A_574] : memref<2x5000x64xi32, #tpu.memory_space<hbm>> -> memref<1x1x64xi32, #tpu.memory_space<hbm>>
      %dma_wait3A_576 = tpu.memref_squeeze %dma_wait3A_575 : memref<1x1x64xi32, #tpu.memory_space<hbm>> -> memref<64xi32, #tpu.memory_space<hbm>>
      tpu.wait_dma2 semaphore(%run_scoped3A_552 : memref<!tpu.dma_semaphore, #tpu.memory_space<semaphore_mem>>) src(%dma_wait3A_576 : memref<64xi32, #tpu.memory_space<hbm>>) dst(%dma_wait3A_573 : memref<64xi32, #tpu.memory_space<vmem>>)
      tpu.yield
    }) : () -> ()
    %add3A_322 = arith.constant 1 : i32
    %add3A_323 = arith.addi %select_n3A_316, %add3A_322 : i32
    %dma_start3A_324 = arith.constant 0 : i32
    %dma_start3A_325 = arith.constant 1 : i32
    %dma_start3A_326 = arith.constant 0 : i32
    %dma_start3A_327 = arith.constant 0 : i32
    %dma_start3A_328 = tpu.memref_slice %arg5[%dma_start3A_325, %dma_start3A_326, %dma_start3A_327] : memref<7x2x64xi32, #tpu.memory_space<vmem>> -> memref<1x1x64xi32, #tpu.memory_space<vmem>>
    %dma_start3A_329 = tpu.memref_squeeze %dma_start3A_328 : memref<1x1x64xi32, #tpu.memory_space<vmem>> -> memref<64xi32, #tpu.memory_space<vmem>>
    %dma_start3A_330 = arith.constant 0 : i32
    %dma_start3A_331 = tpu.memref_slice %arg3[%dma_start3A_324, %add3A_323, %dma_start3A_330] : memref<2x5000x64xi32, #tpu.memory_space<hbm>> -> memref<1x1x64xi32, #tpu.memory_space<hbm>>
    %dma_start3A_332 = tpu.memref_squeeze %dma_start3A_331 : memref<1x1x64xi32, #tpu.memory_space<hbm>> -> memref<64xi32, #tpu.memory_space<hbm>>
    %dma_start3A_333 = arith.constant 0 : i32
    %dma_start3A_334 = tpu.memref_slice %arg5[%dma_start3A_325, %dma_start3A_326, %dma_start3A_333] : memref<7x2x64xi32, #tpu.memory_space<vmem>> -> memref<1x1x64xi32, #tpu.memory_space<vmem>>
    %dma_start3A_335 = tpu.memref_squeeze %dma_start3A_334 : memref<1x1x64xi32, #tpu.memory_space<vmem>> -> memref<64xi32, #tpu.memory_space<vmem>>
    %dma_start3A_336 = arith.constant 0 : i32
    %dma_start3A_337 = tpu.memref_slice %arg3[%dma_start3A_324, %add3A_323, %dma_start3A_336] : memref<2x5000x64xi32, #tpu.memory_space<hbm>> -> memref<1x1x64xi32, #tpu.memory_space<hbm>>
    %dma_start3A_338 = tpu.memref_squeeze %dma_start3A_337 : memref<1x1x64xi32, #tpu.memory_space<hbm>> -> memref<64xi32, #tpu.memory_space<hbm>>
    tpu.enqueue_dma source(%dma_start3A_338 : memref<64xi32, #tpu.memory_space<hbm>>) target(%dma_start3A_335 : memref<64xi32, #tpu.memory_space<vmem>>) target_semaphore(%arg10 : memref<!tpu.dma_semaphore, #tpu.memory_space<semaphore_mem>>)
    %add3A_339 = arith.constant 1 : i32
    %add3A_340 = arith.addi %select_n3A_316, %add3A_339 : i32
    %dma_start3A_341 = arith.constant 1 : i32
    %dma_start3A_342 = arith.constant 1 : i32
    %dma_start3A_343 = arith.constant 1 : i32
    %dma_start3A_344 = arith.constant 0 : i32
    %dma_start3A_345 = tpu.memref_slice %arg5[%dma_start3A_342, %dma_start3A_343, %dma_start3A_344] : memref<7x2x64xi32, #tpu.memory_space<vmem>> -> memref<1x1x64xi32, #tpu.memory_space<vmem>>
    %dma_start3A_346 = tpu.memref_squeeze %dma_start3A_345 : memref<1x1x64xi32, #tpu.memory_space<vmem>> -> memref<64xi32, #tpu.memory_space<vmem>>
    %dma_start3A_347 = arith.constant 0 : i32
    %dma_start3A_348 = tpu.memref_slice %arg3[%dma_start3A_341, %add3A_340, %dma_start3A_347] : memref<2x5000x64xi32, #tpu.memory_space<hbm>> -> memref<1x1x64xi32, #tpu.memory_space<hbm>>
    %dma_start3A_349 = tpu.memref_squeeze %dma_start3A_348 : memref<1x1x64xi32, #tpu.memory_space<hbm>> -> memref<64xi32, #tpu.memory_space<hbm>>
    %dma_start3A_350 = arith.constant 0 : i32
    %dma_start3A_351 = tpu.memref_slice %arg5[%dma_start3A_342, %dma_start3A_343, %dma_start3A_350] : memref<7x2x64xi32, #tpu.memory_space<vmem>> -> memref<1x1x64xi32, #tpu.memory_space<vmem>>
    %dma_start3A_352 = tpu.memref_squeeze %dma_start3A_351 : memref<1x1x64xi32, #tpu.memory_space<vmem>> -> memref<64xi32, #tpu.memory_space<vmem>>
    %dma_start3A_353 = arith.constant 0 : i32
    %dma_start3A_354 = tpu.memref_slice %arg3[%dma_start3A_341, %add3A_340, %dma_start3A_353] : memref<2x5000x64xi32, #tpu.memory_space<hbm>> -> memref<1x1x64xi32, #tpu.memory_space<hbm>>
    %dma_start3A_355 = tpu.memref_squeeze %dma_start3A_354 : memref<1x1x64xi32, #tpu.memory_space<hbm>> -> memref<64xi32, #tpu.memory_space<hbm>>
    tpu.enqueue_dma source(%dma_start3A_355 : memref<64xi32, #tpu.memory_space<hbm>>) target(%dma_start3A_352 : memref<64xi32, #tpu.memory_space<vmem>>) target_semaphore(%arg10 : memref<!tpu.dma_semaphore, #tpu.memory_space<semaphore_mem>>)
    %add3A_356 = arith.constant 2 : i32
    %add3A_357 = arith.addi %select_n3A_316, %add3A_356 : i32
    %dma_start3A_358 = arith.constant 0 : i32
    %dma_start3A_359 = arith.constant 2 : i32
    %dma_start3A_360 = arith.constant 0 : i32
    %dma_start3A_361 = arith.constant 0 : i32
    %dma_start3A_362 = tpu.memref_slice %arg5[%dma_start3A_359, %dma_start3A_360, %dma_start3A_361] : memref<7x2x64xi32, #tpu.memory_space<vmem>> -> memref<1x1x64xi32, #tpu.memory_space<vmem>>
    %dma_start3A_363 = tpu.memref_squeeze %dma_start3A_362 : memref<1x1x64xi32, #tpu.memory_space<vmem>> -> memref<64xi32, #tpu.memory_space<vmem>>
    %dma_start3A_364 = arith.constant 0 : i32
    %dma_start3A_365 = tpu.memref_slice %arg3[%dma_start3A_358, %add3A_357, %dma_start3A_364] : memref<2x5000x64xi32, #tpu.memory_space<hbm>> -> memref<1x1x64xi32, #tpu.memory_space<hbm>>
    %dma_start3A_366 = tpu.memref_squeeze %dma_start3A_365 : memref<1x1x64xi32, #tpu.memory_space<hbm>> -> memref<64xi32, #tpu.memory_space<hbm>>
    %dma_start3A_367 = arith.constant 0 : i32
    %dma_start3A_368 = tpu.memref_slice %arg5[%dma_start3A_359, %dma_start3A_360, %dma_start3A_367] : memref<7x2x64xi32, #tpu.memory_space<vmem>> -> memref<1x1x64xi32, #tpu.memory_space<vmem>>
    %dma_start3A_369 = tpu.memref_squeeze %dma_start3A_368 : memref<1x1x64xi32, #tpu.memory_space<vmem>> -> memref<64xi32, #tpu.memory_space<vmem>>
    %dma_start3A_370 = arith.constant 0 : i32
    %dma_start3A_371 = tpu.memref_slice %arg3[%dma_start3A_358, %add3A_357, %dma_start3A_370] : memref<2x5000x64xi32, #tpu.memory_space<hbm>> -> memref<1x1x64xi32, #tpu.memory_space<hbm>>
    %dma_start3A_372 = tpu.memref_squeeze %dma_start3A_371 : memref<1x1x64xi32, #tpu.memory_space<hbm>> -> memref<64xi32, #tpu.memory_space<hbm>>
    tpu.enqueue_dma source(%dma_start3A_372 : memref<64xi32, #tpu.memory_space<hbm>>) target(%dma_start3A_369 : memref<64xi32, #tpu.memory_space<vmem>>) target_semaphore(%arg10 : memref<!tpu.dma_semaphore, #tpu.memory_space<semaphore_mem>>)
    %add3A_373 = arith.constant 2 : i32
    %add3A_374 = arith.addi %select_n3A_316, %add3A_373 : i32
    %dma_start3A_375 = arith.constant 1 : i32
    %dma_start3A_376 = arith.constant 2 : i32
    %dma_start3A_377 = arith.constant 1 : i32
    %dma_start3A_378 = arith.constant 0 : i32
    %dma_start3A_379 = tpu.memref_slice %arg5[%dma_start3A_376, %dma_start3A_377, %dma_start3A_378] : memref<7x2x64xi32, #tpu.memory_space<vmem>> -> memref<1x1x64xi32, #tpu.memory_space<vmem>>
    %dma_start3A_380 = tpu.memref_squeeze %dma_start3A_379 : memref<1x1x64xi32, #tpu.memory_space<vmem>> -> memref<64xi32, #tpu.memory_space<vmem>>
    %dma_start3A_381 = arith.constant 0 : i32
    %dma_start3A_382 = tpu.memref_slice %arg3[%dma_start3A_375, %add3A_374, %dma_start3A_381] : memref<2x5000x64xi32, #tpu.memory_space<hbm>> -> memref<1x1x64xi32, #tpu.memory_space<hbm>>
    %dma_start3A_383 = tpu.memref_squeeze %dma_start3A_382 : memref<1x1x64xi32, #tpu.memory_space<hbm>> -> memref<64xi32, #tpu.memory_space<hbm>>
    %dma_start3A_384 = arith.constant 0 : i32
    %dma_start3A_385 = tpu.memref_slice %arg5[%dma_start3A_376, %dma_start3A_377, %dma_start3A_384] : memref<7x2x64xi32, #tpu.memory_space<vmem>> -> memref<1x1x64xi32, #tpu.memory_space<vmem>>
    %dma_start3A_386 = tpu.memref_squeeze %dma_start3A_385 : memref<1x1x64xi32, #tpu.memory_space<vmem>> -> memref<64xi32, #tpu.memory_space<vmem>>
    %dma_start3A_387 = arith.constant 0 : i32
    %dma_start3A_388 = tpu.memref_slice %arg3[%dma_start3A_375, %add3A_374, %dma_start3A_387] : memref<2x5000x64xi32, #tpu.memory_space<hbm>> -> memref<1x1x64xi32, #tpu.memory_space<hbm>>
    %dma_start3A_389 = tpu.memref_squeeze %dma_start3A_388 : memref<1x1x64xi32, #tpu.memory_space<hbm>> -> memref<64xi32, #tpu.memory_space<hbm>>
    tpu.enqueue_dma source(%dma_start3A_389 : memref<64xi32, #tpu.memory_space<hbm>>) target(%dma_start3A_386 : memref<64xi32, #tpu.memory_space<vmem>>) target_semaphore(%arg10 : memref<!tpu.dma_semaphore, #tpu.memory_space<semaphore_mem>>)
    %add3A_390 = arith.constant 3 : i32
    %add3A_391 = arith.addi %select_n3A_316, %add3A_390 : i32
    %dma_start3A_392 = arith.constant 0 : i32
    %dma_start3A_393 = arith.constant 3 : i32
    %dma_start3A_394 = arith.constant 0 : i32
    %dma_start3A_395 = arith.constant 0 : i32
    %dma_start3A_396 = tpu.memref_slice %arg5[%dma_start3A_393, %dma_start3A_394, %dma_start3A_395] : memref<7x2x64xi32, #tpu.memory_space<vmem>> -> memref<1x1x64xi32, #tpu.memory_space<vmem>>
    %dma_start3A_397 = tpu.memref_squeeze %dma_start3A_396 : memref<1x1x64xi32, #tpu.memory_space<vmem>> -> memref<64xi32, #tpu.memory_space<vmem>>
    %dma_start3A_398 = arith.constant 0 : i32
    %dma_start3A_399 = tpu.memref_slice %arg3[%dma_start3A_392, %add3A_391, %dma_start3A_398] : memref<2x5000x64xi32, #tpu.memory_space<hbm>> -> memref<1x1x64xi32, #tpu.memory_space<hbm>>
    %dma_start3A_400 = tpu.memref_squeeze %dma_start3A_399 : memref<1x1x64xi32, #tpu.memory_space<hbm>> -> memref<64xi32, #tpu.memory_space<hbm>>
    %dma_start3A_401 = arith.constant 0 : i32
    %dma_start3A_402 = tpu.memref_slice %arg5[%dma_start3A_393, %dma_start3A_394, %dma_start3A_401] : memref<7x2x64xi32, #tpu.memory_space<vmem>> -> memref<1x1x64xi32, #tpu.memory_space<vmem>>
    %dma_start3A_403 = tpu.memref_squeeze %dma_start3A_402 : memref<1x1x64xi32, #tpu.memory_space<vmem>> -> memref<64xi32, #tpu.memory_space<vmem>>
    %dma_start3A_404 = arith.constant 0 : i32
    %dma_start3A_405 = tpu.memref_slice %arg3[%dma_start3A_392, %add3A_391, %dma_start3A_404] : memref<2x5000x64xi32, #tpu.memory_space<hbm>> -> memref<1x1x64xi32, #tpu.memory_space<hbm>>
    %dma_start3A_406 = tpu.memref_squeeze %dma_start3A_405 : memref<1x1x64xi32, #tpu.memory_space<hbm>> -> memref<64xi32, #tpu.memory_space<hbm>>
    tpu.enqueue_dma source(%dma_start3A_406 : memref<64xi32, #tpu.memory_space<hbm>>) target(%dma_start3A_403 : memref<64xi32, #tpu.memory_space<vmem>>) target_semaphore(%arg10 : memref<!tpu.dma_semaphore, #tpu.memory_space<semaphore_mem>>)
    %add3A_407 = arith.constant 3 : i32
    %add3A_408 = arith.addi %select_n3A_316, %add3A_407 : i32
    %dma_start3A_409 = arith.constant 1 : i32
    %dma_start3A_410 = arith.constant 3 : i32
    %dma_start3A_411 = arith.constant 1 : i32
    %dma_start3A_412 = arith.constant 0 : i32
    %dma_start3A_413 = tpu.memref_slice %arg5[%dma_start3A_410, %dma_start3A_411, %dma_start3A_412] : memref<7x2x64xi32, #tpu.memory_space<vmem>> -> memref<1x1x64xi32, #tpu.memory_space<vmem>>
    %dma_start3A_414 = tpu.memref_squeeze %dma_start3A_413 : memref<1x1x64xi32, #tpu.memory_space<vmem>> -> memref<64xi32, #tpu.memory_space<vmem>>
    %dma_start3A_415 = arith.constant 0 : i32
    %dma_start3A_416 = tpu.memref_slice %arg3[%dma_start3A_409, %add3A_408, %dma_start3A_415] : memref<2x5000x64xi32, #tpu.memory_space<hbm>> -> memref<1x1x64xi32, #tpu.memory_space<hbm>>
    %dma_start3A_417 = tpu.memref_squeeze %dma_start3A_416 : memref<1x1x64xi32, #tpu.memory_space<hbm>> -> memref<64xi32, #tpu.memory_space<hbm>>
    %dma_start3A_418 = arith.constant 0 : i32
    %dma_start3A_419 = tpu.memref_slice %arg5[%dma_start3A_410, %dma_start3A_411, %dma_start3A_418] : memref<7x2x64xi32, #tpu.memory_space<vmem>> -> memref<1x1x64xi32, #tpu.memory_space<vmem>>
    %dma_start3A_420 = tpu.memref_squeeze %dma_start3A_419 : memref<1x1x64xi32, #tpu.memory_space<vmem>> -> memref<64xi32, #tpu.memory_space<vmem>>
    %dma_start3A_421 = arith.constant 0 : i32
    %dma_start3A_422 = tpu.memref_slice %arg3[%dma_start3A_409, %add3A_408, %dma_start3A_421] : memref<2x5000x64xi32, #tpu.memory_space<hbm>> -> memref<1x1x64xi32, #tpu.memory_space<hbm>>
    %dma_start3A_423 = tpu.memref_squeeze %dma_start3A_422 : memref<1x1x64xi32, #tpu.memory_space<hbm>> -> memref<64xi32, #tpu.memory_space<hbm>>
    tpu.enqueue_dma source(%dma_start3A_423 : memref<64xi32, #tpu.memory_space<hbm>>) target(%dma_start3A_420 : memref<64xi32, #tpu.memory_space<vmem>>) target_semaphore(%arg10 : memref<!tpu.dma_semaphore, #tpu.memory_space<semaphore_mem>>)
    %add3A_424 = arith.constant 4 : i32
    %add3A_425 = arith.addi %select_n3A_316, %add3A_424 : i32
    %dma_start3A_426 = arith.constant 0 : i32
    %dma_start3A_427 = arith.constant 4 : i32
    %dma_start3A_428 = arith.constant 0 : i32
    %dma_start3A_429 = arith.constant 0 : i32
    %dma_start3A_430 = tpu.memref_slice %arg5[%dma_start3A_427, %dma_start3A_428, %dma_start3A_429] : memref<7x2x64xi32, #tpu.memory_space<vmem>> -> memref<1x1x64xi32, #tpu.memory_space<vmem>>
    %dma_start3A_431 = tpu.memref_squeeze %dma_start3A_430 : memref<1x1x64xi32, #tpu.memory_space<vmem>> -> memref<64xi32, #tpu.memory_space<vmem>>
    %dma_start3A_432 = arith.constant 0 : i32
    %dma_start3A_433 = tpu.memref_slice %arg3[%dma_start3A_426, %add3A_425, %dma_start3A_432] : memref<2x5000x64xi32, #tpu.memory_space<hbm>> -> memref<1x1x64xi32, #tpu.memory_space<hbm>>
    %dma_start3A_434 = tpu.memref_squeeze %dma_start3A_433 : memref<1x1x64xi32, #tpu.memory_space<hbm>> -> memref<64xi32, #tpu.memory_space<hbm>>
    %dma_start3A_435 = arith.constant 0 : i32
    %dma_start3A_436 = tpu.memref_slice %arg5[%dma_start3A_427, %dma_start3A_428, %dma_start3A_435] : memref<7x2x64xi32, #tpu.memory_space<vmem>> -> memref<1x1x64xi32, #tpu.memory_space<vmem>>
    %dma_start3A_437 = tpu.memref_squeeze %dma_start3A_436 : memref<1x1x64xi32, #tpu.memory_space<vmem>> -> memref<64xi32, #tpu.memory_space<vmem>>
    %dma_start3A_438 = arith.constant 0 : i32
    %dma_start3A_439 = tpu.memref_slice %arg3[%dma_start3A_426, %add3A_425, %dma_start3A_438] : memref<2x5000x64xi32, #tpu.memory_space<hbm>> -> memref<1x1x64xi32, #tpu.memory_space<hbm>>
    %dma_start3A_440 = tpu.memref_squeeze %dma_start3A_439 : memref<1x1x64xi32, #tpu.memory_space<hbm>> -> memref<64xi32, #tpu.memory_space<hbm>>
    tpu.enqueue_dma source(%dma_start3A_440 : memref<64xi32, #tpu.memory_space<hbm>>) target(%dma_start3A_437 : memref<64xi32, #tpu.memory_space<vmem>>) target_semaphore(%arg10 : memref<!tpu.dma_semaphore, #tpu.memory_space<semaphore_mem>>)
    %add3A_441 = arith.constant 4 : i32
    %add3A_442 = arith.addi %select_n3A_316, %add3A_441 : i32
    %dma_start3A_443 = arith.constant 1 : i32
    %dma_start3A_444 = arith.constant 4 : i32
    %dma_start3A_445 = arith.constant 1 : i32
    %dma_start3A_446 = arith.constant 0 : i32
    %dma_start3A_447 = tpu.memref_slice %arg5[%dma_start3A_444, %dma_start3A_445, %dma_start3A_446] : memref<7x2x64xi32, #tpu.memory_space<vmem>> -> memref<1x1x64xi32, #tpu.memory_space<vmem>>
    %dma_start3A_448 = tpu.memref_squeeze %dma_start3A_447 : memref<1x1x64xi32, #tpu.memory_space<vmem>> -> memref<64xi32, #tpu.memory_space<vmem>>
    %dma_start3A_449 = arith.constant 0 : i32
    %dma_start3A_450 = tpu.memref_slice %arg3[%dma_start3A_443, %add3A_442, %dma_start3A_449] : memref<2x5000x64xi32, #tpu.memory_space<hbm>> -> memref<1x1x64xi32, #tpu.memory_space<hbm>>
    %dma_start3A_451 = tpu.memref_squeeze %dma_start3A_450 : memref<1x1x64xi32, #tpu.memory_space<hbm>> -> memref<64xi32, #tpu.memory_space<hbm>>
    %dma_start3A_452 = arith.constant 0 : i32
    %dma_start3A_453 = tpu.memref_slice %arg5[%dma_start3A_444, %dma_start3A_445, %dma_start3A_452] : memref<7x2x64xi32, #tpu.memory_space<vmem>> -> memref<1x1x64xi32, #tpu.memory_space<vmem>>
    %dma_start3A_454 = tpu.memref_squeeze %dma_start3A_453 : memref<1x1x64xi32, #tpu.memory_space<vmem>> -> memref<64xi32, #tpu.memory_space<vmem>>
    %dma_start3A_455 = arith.constant 0 : i32
    %dma_start3A_456 = tpu.memref_slice %arg3[%dma_start3A_443, %add3A_442, %dma_start3A_455] : memref<2x5000x64xi32, #tpu.memory_space<hbm>> -> memref<1x1x64xi32, #tpu.memory_space<hbm>>
    %dma_start3A_457 = tpu.memref_squeeze %dma_start3A_456 : memref<1x1x64xi32, #tpu.memory_space<hbm>> -> memref<64xi32, #tpu.memory_space<hbm>>
    tpu.enqueue_dma source(%dma_start3A_457 : memref<64xi32, #tpu.memory_space<hbm>>) target(%dma_start3A_454 : memref<64xi32, #tpu.memory_space<vmem>>) target_semaphore(%arg10 : memref<!tpu.dma_semaphore, #tpu.memory_space<semaphore_mem>>)
    %dma_start3A_458 = arith.constant 0 : i32
    %dma_start3A_459 = arith.constant 0 : i32
    %dma_start3A_460 = arith.constant 0 : i32
    %dma_start3A_461 = arith.constant 0 : i32
    %dma_start3A_462 = arith.constant 0 : i32
    %dma_start3A_463 = tpu.memref_slice %arg6[%dma_start3A_460, %dma_start3A_461, %dma_start3A_462] : memref<5x64x128xf32, #tpu.memory_space<vmem>> -> memref<1x64x128xf32, #tpu.memory_space<vmem>>
    %dma_start3A_464 = tpu.memref_squeeze %dma_start3A_463 : memref<1x64x128xf32, #tpu.memory_space<vmem>> -> memref<64x128xf32, #tpu.memory_space<vmem>>
    %dma_start3A_465 = arith.constant 0 : i32
    %dma_start3A_466 = tpu.memref_slice %arg5[%dma_start3A_458, %dma_start3A_459, %dma_start3A_465] : memref<7x2x64xi32, #tpu.memory_space<vmem>> -> memref<1x1x64xi32, #tpu.memory_space<vmem>>
    %dma_start3A_467 = tpu.memref_squeeze %dma_start3A_466 : memref<1x1x64xi32, #tpu.memory_space<vmem>> -> memref<64xi32, #tpu.memory_space<vmem>>
    %dma_start3A_468 = arith.constant 0 : i32
    %dma_start3A_469 = arith.constant 0 : i32
    %dma_start3A_470 = tpu.memref_slice %arg2[%dma_start3A_468, %dma_start3A_469] : memref<10000x128xf32, #tpu.memory_space<hbm>> -> memref<10000x128xf32, #tpu.memory_space<hbm>>
    tpu.enqueue_indirect_dma source(%dma_start3A_470 : memref<10000x128xf32, #tpu.memory_space<hbm>>) target(%dma_start3A_464 : memref<64x128xf32, #tpu.memory_space<vmem>>) offsets(%dma_start3A_467 : memref<64xi32, #tpu.memory_space<vmem>>) semaphore(%arg11 : memref<!tpu.dma_semaphore, #tpu.memory_space<semaphore_mem>>)
    %dma_wait3A_471 = arith.constant 0 : i32
    %dma_wait3A_472 = arith.constant 0 : i32
    %dma_wait3A_473 = arith.constant 0 : i32
    %dma_wait3A_474 = arith.constant 0 : i32
    %dma_wait3A_475 = arith.constant 0 : i32
    %dma_wait3A_476 = tpu.memref_slice %arg5[%dma_wait3A_473, %dma_wait3A_474, %dma_wait3A_475] : memref<7x2x64xi32, #tpu.memory_space<vmem>> -> memref<1x1x64xi32, #tpu.memory_space<vmem>>
    %dma_wait3A_477 = tpu.memref_squeeze %dma_wait3A_476 : memref<1x1x64xi32, #tpu.memory_space<vmem>> -> memref<64xi32, #tpu.memory_space<vmem>>
    %dma_wait3A_478 = arith.constant 0 : i32
    %dma_wait3A_479 = tpu.memref_slice %arg3[%dma_wait3A_471, %dma_wait3A_472, %dma_wait3A_478] : memref<2x5000x64xi32, #tpu.memory_space<hbm>> -> memref<1x1x64xi32, #tpu.memory_space<hbm>>
    %dma_wait3A_480 = tpu.memref_squeeze %dma_wait3A_479 : memref<1x1x64xi32, #tpu.memory_space<hbm>> -> memref<64xi32, #tpu.memory_space<hbm>>
    %dma_wait3A_481 = arith.constant 0 : i32
    %dma_wait3A_482 = tpu.memref_slice %arg5[%dma_wait3A_473, %dma_wait3A_474, %dma_wait3A_481] : memref<7x2x64xi32, #tpu.memory_space<vmem>> -> memref<1x1x64xi32, #tpu.memory_space<vmem>>
    %dma_wait3A_483 = tpu.memref_squeeze %dma_wait3A_482 : memref<1x1x64xi32, #tpu.memory_space<vmem>> -> memref<64xi32, #tpu.memory_space<vmem>>
    %dma_wait3A_484 = arith.constant 0 : i32
    %dma_wait3A_485 = tpu.memref_slice %arg3[%dma_wait3A_471, %dma_wait3A_472, %dma_wait3A_484] : memref<2x5000x64xi32, #tpu.memory_space<hbm>> -> memref<1x1x64xi32, #tpu.memory_space<hbm>>
    %dma_wait3A_486 = tpu.memref_squeeze %dma_wait3A_485 : memref<1x1x64xi32, #tpu.memory_space<hbm>> -> memref<64xi32, #tpu.memory_space<hbm>>
    tpu.wait_dma2 semaphore(%arg10 : memref<!tpu.dma_semaphore, #tpu.memory_space<semaphore_mem>>) src(%dma_wait3A_486 : memref<64xi32, #tpu.memory_space<hbm>>) dst(%dma_wait3A_483 : memref<64xi32, #tpu.memory_space<vmem>>)
    %dma_wait3A_487 = arith.constant 0 : i32
    %dma_wait3A_488 = arith.constant 0 : i32
    %dma_wait3A_489 = arith.constant 0 : i32
    %dma_wait3A_490 = arith.constant 0 : i32
    %dma_wait3A_491 = arith.constant 0 : i32
    %dma_wait3A_492 = tpu.memref_slice %arg5[%dma_wait3A_489, %dma_wait3A_490, %dma_wait3A_491] : memref<7x2x64xi32, #tpu.memory_space<vmem>> -> memref<1x1x64xi32, #tpu.memory_space<vmem>>
    %dma_wait3A_493 = tpu.memref_squeeze %dma_wait3A_492 : memref<1x1x64xi32, #tpu.memory_space<vmem>> -> memref<64xi32, #tpu.memory_space<vmem>>
    %dma_wait3A_494 = arith.constant 0 : i32
    %dma_wait3A_495 = tpu.memref_slice %arg3[%dma_wait3A_487, %dma_wait3A_488, %dma_wait3A_494] : memref<2x5000x64xi32, #tpu.memory_space<hbm>> -> memref<1x1x64xi32, #tpu.memory_space<hbm>>
    %dma_wait3A_496 = tpu.memref_squeeze %dma_wait3A_495 : memref<1x1x64xi32, #tpu.memory_space<hbm>> -> memref<64xi32, #tpu.memory_space<hbm>>
    %dma_wait3A_497 = arith.constant 0 : i32
    %dma_wait3A_498 = tpu.memref_slice %arg5[%dma_wait3A_489, %dma_wait3A_490, %dma_wait3A_497] : memref<7x2x64xi32, #tpu.memory_space<vmem>> -> memref<1x1x64xi32, #tpu.memory_space<vmem>>
    %dma_wait3A_499 = tpu.memref_squeeze %dma_wait3A_498 : memref<1x1x64xi32, #tpu.memory_space<vmem>> -> memref<64xi32, #tpu.memory_space<vmem>>
    %dma_wait3A_500 = arith.constant 0 : i32
    %dma_wait3A_501 = tpu.memref_slice %arg3[%dma_wait3A_487, %dma_wait3A_488, %dma_wait3A_500] : memref<2x5000x64xi32, #tpu.memory_space<hbm>> -> memref<1x1x64xi32, #tpu.memory_space<hbm>>
    %dma_wait3A_502 = tpu.memref_squeeze %dma_wait3A_501 : memref<1x1x64xi32, #tpu.memory_space<hbm>> -> memref<64xi32, #tpu.memory_space<hbm>>
    tpu.wait_dma2 semaphore(%arg10 : memref<!tpu.dma_semaphore, #tpu.memory_space<semaphore_mem>>) src(%dma_wait3A_502 : memref<64xi32, #tpu.memory_space<hbm>>) dst(%dma_wait3A_499 : memref<64xi32, #tpu.memory_space<vmem>>)
    %dma_start3A_503 = arith.constant 1 : i32
    %dma_start3A_504 = arith.constant 0 : i32
    %dma_start3A_505 = arith.constant 1 : i32
    %dma_start3A_506 = arith.constant 0 : i32
    %dma_start3A_507 = arith.constant 0 : i32
    %dma_start3A_508 = tpu.memref_slice %arg6[%dma_start3A_505, %dma_start3A_506, %dma_start3A_507] : memref<5x64x128xf32, #tpu.memory_space<vmem>> -> memref<1x64x128xf32, #tpu.memory_space<vmem>>
    %dma_start3A_509 = tpu.memref_squeeze %dma_start3A_508 : memref<1x64x128xf32, #tpu.memory_space<vmem>> -> memref<64x128xf32, #tpu.memory_space<vmem>>
    %dma_start3A_510 = arith.constant 0 : i32
    %dma_start3A_511 = tpu.memref_slice %arg5[%dma_start3A_503, %dma_start3A_504, %dma_start3A_510] : memref<7x2x64xi32, #tpu.memory_space<vmem>> -> memref<1x1x64xi32, #tpu.memory_space<vmem>>
    %dma_start3A_512 = tpu.memref_squeeze %dma_start3A_511 : memref<1x1x64xi32, #tpu.memory_space<vmem>> -> memref<64xi32, #tpu.memory_space<vmem>>
    %dma_start3A_513 = arith.constant 0 : i32
    %dma_start3A_514 = arith.constant 0 : i32
    %dma_start3A_515 = tpu.memref_slice %arg2[%dma_start3A_513, %dma_start3A_514] : memref<10000x128xf32, #tpu.memory_space<hbm>> -> memref<10000x128xf32, #tpu.memory_space<hbm>>
    tpu.enqueue_indirect_dma source(%dma_start3A_515 : memref<10000x128xf32, #tpu.memory_space<hbm>>) target(%dma_start3A_509 : memref<64x128xf32, #tpu.memory_space<vmem>>) offsets(%dma_start3A_512 : memref<64xi32, #tpu.memory_space<vmem>>) semaphore(%arg11 : memref<!tpu.dma_semaphore, #tpu.memory_space<semaphore_mem>>)
    %while3A = arith.constant 0 : i32
    %while3A_516 = arith.constant 0 : i32
    %while3A_517 = arith.subi %add3A_4, %while3A_516 : i32
    %while3A_518 = arith.addi %while3A_516, %while3A_517 : i32
    %while3A_519 = arith.constant 1 : i32
    %while3A_520 = arith.divsi %while3A_517, %while3A_519 : i32
    %while3A_521 = arith.muli %while3A_520, %while3A_519 : i32
    %while3A_522 = arith.addi %while3A_516, %while3A_521 : i32
    %while3A_523 = arith.constant 1 : i32
    scf.for %while3A_552 = %while3A_516 to %while3A_522 step %while3A_523  : i32 {
      %rem3A_553 = arith.constant 5 : i32
      %rem3A_554 = arith.remsi %while3A_552, %rem3A_553 : i32
      %ge3A = arith.constant 2 : i32
      %ge3A_555 = arith.cmpi sge, %while3A_552, %ge3A : i32
      %convert_element_type3A = arith.extui %ge3A_555 : i1 to i32
      %cond3A = arith.constant 0 : i32
      %cond3A_556 = arith.cmpi ne, %convert_element_type3A, %cond3A : i32
      scf.if %cond3A_556 {
        %dma_wait3A_594 = arith.constant 0 : i32
        %dma_wait3A_595 = arith.constant 0 : i32
        %dma_wait3A_596 = arith.constant 1 : i32
        %dma_wait3A_597 = arith.constant 0 : i32
        %dma_wait3A_598 = arith.constant 0 : i32
        %dma_wait3A_599 = tpu.memref_slice %arg6[%dma_wait3A_594, %dma_wait3A_597, %dma_wait3A_598] : memref<5x64x128xf32, #tpu.memory_space<vmem>> -> memref<1x64x128xf32, #tpu.memory_space<vmem>>
        %dma_wait3A_600 = tpu.memref_squeeze %dma_wait3A_599 : memref<1x64x128xf32, #tpu.memory_space<vmem>> -> memref<64x128xf32, #tpu.memory_space<vmem>>
        %dma_wait3A_601 = arith.constant 0 : i32
        %dma_wait3A_602 = tpu.memref_slice %arg5[%dma_wait3A_595, %dma_wait3A_596, %dma_wait3A_601] : memref<7x2x64xi32, #tpu.memory_space<vmem>> -> memref<1x1x64xi32, #tpu.memory_space<vmem>>
        %dma_wait3A_603 = tpu.memref_squeeze %dma_wait3A_602 : memref<1x1x64xi32, #tpu.memory_space<vmem>> -> memref<64xi32, #tpu.memory_space<vmem>>
        %dma_wait3A_604 = arith.constant 0 : i32
        %dma_wait3A_605 = arith.constant 0 : i32
        %dma_wait3A_606 = tpu.memref_slice %arg8[%dma_wait3A_604, %dma_wait3A_605] : memref<10240x128xf32, #tpu.memory_space<vmem_shared>> -> memref<10240x128xf32, #tpu.memory_space<vmem_shared>>
        tpu.wait_indirect_dma semaphore(%arg12 : memref<!tpu.dma_semaphore, #tpu.memory_space<semaphore_mem>>) src(%dma_wait3A_600 : memref<64x128xf32, #tpu.memory_space<vmem>>) dst(%dma_wait3A_606 : memref<10240x128xf32, #tpu.memory_space<vmem_shared>>)
      } else {
      }
      %add3A_557 = arith.constant 2 : i32
      %add3A_558 = arith.addi %while3A_552, %add3A_557 : i32
      %lt3A_559 = arith.cmpi slt, %add3A_558, %add3A_4 : i32
      %convert_element_type3A_560 = arith.extui %lt3A_559 : i1 to i32
      %cond3A_561 = arith.constant 0 : i32
      %cond3A_562 = arith.cmpi ne, %convert_element_type3A_560, %cond3A_561 : i32
      scf.if %cond3A_562 {
        %dma_wait3A_594 = arith.constant 0 : i32
        %dma_wait3A_595 = arith.constant 0 : i32
        %dma_wait3A_596 = arith.constant 0 : i32
        %dma_wait3A_597 = arith.constant 0 : i32
        %dma_wait3A_598 = arith.constant 0 : i32
        %dma_wait3A_599 = tpu.memref_slice %arg5[%dma_wait3A_596, %dma_wait3A_597, %dma_wait3A_598] : memref<7x2x64xi32, #tpu.memory_space<vmem>> -> memref<1x1x64xi32, #tpu.memory_space<vmem>>
        %dma_wait3A_600 = tpu.memref_squeeze %dma_wait3A_599 : memref<1x1x64xi32, #tpu.memory_space<vmem>> -> memref<64xi32, #tpu.memory_space<vmem>>
        %dma_wait3A_601 = arith.constant 0 : i32
        %dma_wait3A_602 = tpu.memref_slice %arg3[%dma_wait3A_594, %dma_wait3A_595, %dma_wait3A_601] : memref<2x5000x64xi32, #tpu.memory_space<hbm>> -> memref<1x1x64xi32, #tpu.memory_space<hbm>>
        %dma_wait3A_603 = tpu.memref_squeeze %dma_wait3A_602 : memref<1x1x64xi32, #tpu.memory_space<hbm>> -> memref<64xi32, #tpu.memory_space<hbm>>
        %dma_wait3A_604 = arith.constant 0 : i32
        %dma_wait3A_605 = tpu.memref_slice %arg5[%dma_wait3A_596, %dma_wait3A_597, %dma_wait3A_604] : memref<7x2x64xi32, #tpu.memory_space<vmem>> -> memref<1x1x64xi32, #tpu.memory_space<vmem>>
        %dma_wait3A_606 = tpu.memref_squeeze %dma_wait3A_605 : memref<1x1x64xi32, #tpu.memory_space<vmem>> -> memref<64xi32, #tpu.memory_space<vmem>>
        %dma_wait3A_607 = arith.constant 0 : i32
        %dma_wait3A_608 = tpu.memref_slice %arg3[%dma_wait3A_594, %dma_wait3A_595, %dma_wait3A_607] : memref<2x5000x64xi32, #tpu.memory_space<hbm>> -> memref<1x1x64xi32, #tpu.memory_space<hbm>>
        %dma_wait3A_609 = tpu.memref_squeeze %dma_wait3A_608 : memref<1x1x64xi32, #tpu.memory_space<hbm>> -> memref<64xi32, #tpu.memory_space<hbm>>
        tpu.wait_dma2 semaphore(%arg10 : memref<!tpu.dma_semaphore, #tpu.memory_space<semaphore_mem>>) src(%dma_wait3A_609 : memref<64xi32, #tpu.memory_space<hbm>>) dst(%dma_wait3A_606 : memref<64xi32, #tpu.memory_space<vmem>>)
        %dma_wait3A_610 = arith.constant 0 : i32
        %dma_wait3A_611 = arith.constant 0 : i32
        %dma_wait3A_612 = arith.constant 0 : i32
        %dma_wait3A_613 = arith.constant 0 : i32
        %dma_wait3A_614 = arith.constant 0 : i32
        %dma_wait3A_615 = tpu.memref_slice %arg5[%dma_wait3A_612, %dma_wait3A_613, %dma_wait3A_614] : memref<7x2x64xi32, #tpu.memory_space<vmem>> -> memref<1x1x64xi32, #tpu.memory_space<vmem>>
        %dma_wait3A_616 = tpu.memref_squeeze %dma_wait3A_615 : memref<1x1x64xi32, #tpu.memory_space<vmem>> -> memref<64xi32, #tpu.memory_space<vmem>>
        %dma_wait3A_617 = arith.constant 0 : i32
        %dma_wait3A_618 = tpu.memref_slice %arg3[%dma_wait3A_610, %dma_wait3A_611, %dma_wait3A_617] : memref<2x5000x64xi32, #tpu.memory_space<hbm>> -> memref<1x1x64xi32, #tpu.memory_space<hbm>>
        %dma_wait3A_619 = tpu.memref_squeeze %dma_wait3A_618 : memref<1x1x64xi32, #tpu.memory_space<hbm>> -> memref<64xi32, #tpu.memory_space<hbm>>
        %dma_wait3A_620 = arith.constant 0 : i32
        %dma_wait3A_621 = tpu.memref_slice %arg5[%dma_wait3A_612, %dma_wait3A_613, %dma_wait3A_620] : memref<7x2x64xi32, #tpu.memory_space<vmem>> -> memref<1x1x64xi32, #tpu.memory_space<vmem>>
        %dma_wait3A_622 = tpu.memref_squeeze %dma_wait3A_621 : memref<1x1x64xi32, #tpu.memory_space<vmem>> -> memref<64xi32, #tpu.memory_space<vmem>>
        %dma_wait3A_623 = arith.constant 0 : i32
        %dma_wait3A_624 = tpu.memref_slice %arg3[%dma_wait3A_610, %dma_wait3A_611, %dma_wait3A_623] : memref<2x5000x64xi32, #tpu.memory_space<hbm>> -> memref<1x1x64xi32, #tpu.memory_space<hbm>>
        %dma_wait3A_625 = tpu.memref_squeeze %dma_wait3A_624 : memref<1x1x64xi32, #tpu.memory_space<hbm>> -> memref<64xi32, #tpu.memory_space<hbm>>
        tpu.wait_dma2 semaphore(%arg10 : memref<!tpu.dma_semaphore, #tpu.memory_space<semaphore_mem>>) src(%dma_wait3A_625 : memref<64xi32, #tpu.memory_space<hbm>>) dst(%dma_wait3A_622 : memref<64xi32, #tpu.memory_space<vmem>>)
        %add3A_626 = arith.constant 2 : i32
        %add3A_627 = arith.addi %while3A_552, %add3A_626 : i32
        %rem3A_628 = arith.constant 7 : i32
        %rem3A_629 = arith.remsi %add3A_627, %rem3A_628 : i32
        %add3A_630 = arith.constant 2 : i32
        %add3A_631 = arith.addi %while3A_552, %add3A_630 : i32
        %rem3A_632 = arith.constant 5 : i32
        %rem3A_633 = arith.remsi %add3A_631, %rem3A_632 : i32
        %dma_start3A_634 = arith.constant 0 : i32
        %dma_start3A_635 = arith.constant 0 : i32
        %dma_start3A_636 = arith.constant 0 : i32
        %dma_start3A_637 = tpu.memref_slice %arg6[%rem3A_633, %dma_start3A_635, %dma_start3A_636] : memref<5x64x128xf32, #tpu.memory_space<vmem>> -> memref<1x64x128xf32, #tpu.memory_space<vmem>>
        %dma_start3A_638 = tpu.memref_squeeze %dma_start3A_637 : memref<1x64x128xf32, #tpu.memory_space<vmem>> -> memref<64x128xf32, #tpu.memory_space<vmem>>
        %dma_start3A_639 = arith.constant 0 : i32
        %dma_start3A_640 = tpu.memref_slice %arg5[%rem3A_629, %dma_start3A_634, %dma_start3A_639] : memref<7x2x64xi32, #tpu.memory_space<vmem>> -> memref<1x1x64xi32, #tpu.memory_space<vmem>>
        %dma_start3A_641 = tpu.memref_squeeze %dma_start3A_640 : memref<1x1x64xi32, #tpu.memory_space<vmem>> -> memref<64xi32, #tpu.memory_space<vmem>>
        %dma_start3A_642 = arith.constant 0 : i32
        %dma_start3A_643 = arith.constant 0 : i32
        %dma_start3A_644 = tpu.memref_slice %arg2[%dma_start3A_642, %dma_start3A_643] : memref<10000x128xf32, #tpu.memory_space<hbm>> -> memref<10000x128xf32, #tpu.memory_space<hbm>>
        tpu.enqueue_indirect_dma source(%dma_start3A_644 : memref<10000x128xf32, #tpu.memory_space<hbm>>) target(%dma_start3A_638 : memref<64x128xf32, #tpu.memory_space<vmem>>) offsets(%dma_start3A_641 : memref<64xi32, #tpu.memory_space<vmem>>) semaphore(%arg11 : memref<!tpu.dma_semaphore, #tpu.memory_space<semaphore_mem>>)
      } else {
      }
      %dma_wait3A_563 = arith.constant 0 : i32
      %dma_wait3A_564 = arith.constant 0 : i32
      %dma_wait3A_565 = arith.constant 0 : i32
      %dma_wait3A_566 = arith.constant 0 : i32
      %dma_wait3A_567 = tpu.memref_slice %arg6[%rem3A_554, %dma_wait3A_565, %dma_wait3A_566] : memref<5x64x128xf32, #tpu.memory_space<vmem>> -> memref<1x64x128xf32, #tpu.memory_space<vmem>>
      %dma_wait3A_568 = tpu.memref_squeeze %dma_wait3A_567 : memref<1x64x128xf32, #tpu.memory_space<vmem>> -> memref<64x128xf32, #tpu.memory_space<vmem>>
      %dma_wait3A_569 = arith.constant 0 : i32
      %dma_wait3A_570 = tpu.memref_slice %arg5[%dma_wait3A_563, %dma_wait3A_564, %dma_wait3A_569] : memref<7x2x64xi32, #tpu.memory_space<vmem>> -> memref<1x1x64xi32, #tpu.memory_space<vmem>>
      %dma_wait3A_571 = tpu.memref_squeeze %dma_wait3A_570 : memref<1x1x64xi32, #tpu.memory_space<vmem>> -> memref<64xi32, #tpu.memory_space<vmem>>
      %dma_wait3A_572 = arith.constant 0 : i32
      %dma_wait3A_573 = arith.constant 0 : i32
      %dma_wait3A_574 = tpu.memref_slice %arg2[%dma_wait3A_572, %dma_wait3A_573] : memref<10000x128xf32, #tpu.memory_space<hbm>> -> memref<10000x128xf32, #tpu.memory_space<hbm>>
      tpu.wait_indirect_dma semaphore(%arg11 : memref<!tpu.dma_semaphore, #tpu.memory_space<semaphore_mem>>) src(%dma_wait3A_574 : memref<10000x128xf32, #tpu.memory_space<hbm>>) dst(%dma_wait3A_568 : memref<64x128xf32, #tpu.memory_space<vmem>>)
      %rem3A_575 = arith.constant 7 : i32
      %rem3A_576 = arith.remsi %while3A_552, %rem3A_575 : i32
      %dma_start3A_577 = arith.constant 1 : i32
      %dma_start3A_578 = arith.constant 0 : i32
      %dma_start3A_579 = arith.constant 0 : i32
      %dma_start3A_580 = tpu.memref_slice %arg6[%rem3A_554, %dma_start3A_578, %dma_start3A_579] : memref<5x64x128xf32, #tpu.memory_space<vmem>> -> memref<1x64x128xf32, #tpu.memory_space<vmem>>
      %dma_start3A_581 = tpu.memref_squeeze %dma_start3A_580 : memref<1x64x128xf32, #tpu.memory_space<vmem>> -> memref<64x128xf32, #tpu.memory_space<vmem>>
      %dma_start3A_582 = arith.constant 0 : i32
      %dma_start3A_583 = tpu.memref_slice %arg5[%rem3A_576, %dma_start3A_577, %dma_start3A_582] : memref<7x2x64xi32, #tpu.memory_space<vmem>> -> memref<1x1x64xi32, #tpu.memory_space<vmem>>
      %dma_start3A_584 = tpu.memref_squeeze %dma_start3A_583 : memref<1x1x64xi32, #tpu.memory_space<vmem>> -> memref<64xi32, #tpu.memory_space<vmem>>
      %dma_start3A_585 = arith.constant 0 : i32
      %dma_start3A_586 = arith.constant 0 : i32
      %dma_start3A_587 = tpu.memref_slice %arg8[%dma_start3A_585, %dma_start3A_586] : memref<10240x128xf32, #tpu.memory_space<vmem_shared>> -> memref<10240x128xf32, #tpu.memory_space<vmem_shared>>
      tpu.enqueue_indirect_dma source(%dma_start3A_581 : memref<64x128xf32, #tpu.memory_space<vmem>>) target(%dma_start3A_587 : memref<10240x128xf32, #tpu.memory_space<vmem_shared>>) offsets(%dma_start3A_584 : memref<64xi32, #tpu.memory_space<vmem>>) semaphore(%arg12 : memref<!tpu.dma_semaphore, #tpu.memory_space<semaphore_mem>>) {add = true}
      %add3A_588 = arith.constant 5 : i32
      %add3A_589 = arith.addi %while3A_552, %add3A_588 : i32
      %lt3A_590 = arith.cmpi slt, %add3A_589, %add3A_4 : i32
      %convert_element_type3A_591 = arith.extui %lt3A_590 : i1 to i32
      %cond3A_592 = arith.constant 0 : i32
      %cond3A_593 = arith.cmpi ne, %convert_element_type3A_591, %cond3A_592 : i32
      scf.if %cond3A_593 {
        %add3A_594 = arith.constant 5 : i32
        %add3A_595 = arith.addi %while3A_552, %add3A_594 : i32
        %add3A_596 = arith.constant 5 : i32
        %add3A_597 = arith.addi %while3A_552, %add3A_596 : i32
        %rem3A_598 = arith.constant 7 : i32
        %rem3A_599 = arith.remsi %add3A_597, %rem3A_598 : i32
        %add3A_600 = arith.addi %select_n3A_316, %add3A_595 : i32
        %dma_start3A_601 = arith.constant 0 : i32
        %dma_start3A_602 = arith.constant 0 : i32
        %dma_start3A_603 = arith.constant 0 : i32
        %dma_start3A_604 = tpu.memref_slice %arg5[%rem3A_599, %dma_start3A_602, %dma_start3A_603] : memref<7x2x64xi32, #tpu.memory_space<vmem>> -> memref<1x1x64xi32, #tpu.memory_space<vmem>>
        %dma_start3A_605 = tpu.memref_squeeze %dma_start3A_604 : memref<1x1x64xi32, #tpu.memory_space<vmem>> -> memref<64xi32, #tpu.memory_space<vmem>>
        %dma_start3A_606 = arith.constant 0 : i32
        %dma_start3A_607 = tpu.memref_slice %arg3[%dma_start3A_601, %add3A_600, %dma_start3A_606] : memref<2x5000x64xi32, #tpu.memory_space<hbm>> -> memref<1x1x64xi32, #tpu.memory_space<hbm>>
        %dma_start3A_608 = tpu.memref_squeeze %dma_start3A_607 : memref<1x1x64xi32, #tpu.memory_space<hbm>> -> memref<64xi32, #tpu.memory_space<hbm>>
        %dma_start3A_609 = arith.constant 0 : i32
        %dma_start3A_610 = tpu.memref_slice %arg5[%rem3A_599, %dma_start3A_602, %dma_start3A_609] : memref<7x2x64xi32, #tpu.memory_space<vmem>> -> memref<1x1x64xi32, #tpu.memory_space<vmem>>
        %dma_start3A_611 = tpu.memref_squeeze %dma_start3A_610 : memref<1x1x64xi32, #tpu.memory_space<vmem>> -> memref<64xi32, #tpu.memory_space<vmem>>
        %dma_start3A_612 = arith.constant 0 : i32
        %dma_start3A_613 = tpu.memref_slice %arg3[%dma_start3A_601, %add3A_600, %dma_start3A_612] : memref<2x5000x64xi32, #tpu.memory_space<hbm>> -> memref<1x1x64xi32, #tpu.memory_space<hbm>>
        %dma_start3A_614 = tpu.memref_squeeze %dma_start3A_613 : memref<1x1x64xi32, #tpu.memory_space<hbm>> -> memref<64xi32, #tpu.memory_space<hbm>>
        tpu.enqueue_dma source(%dma_start3A_614 : memref<64xi32, #tpu.memory_space<hbm>>) target(%dma_start3A_611 : memref<64xi32, #tpu.memory_space<vmem>>) target_semaphore(%arg10 : memref<!tpu.dma_semaphore, #tpu.memory_space<semaphore_mem>>)
        %add3A_615 = arith.addi %select_n3A_316, %add3A_595 : i32
        %dma_start3A_616 = arith.constant 1 : i32
        %dma_start3A_617 = arith.constant 1 : i32
        %dma_start3A_618 = arith.constant 0 : i32
        %dma_start3A_619 = tpu.memref_slice %arg5[%rem3A_599, %dma_start3A_617, %dma_start3A_618] : memref<7x2x64xi32, #tpu.memory_space<vmem>> -> memref<1x1x64xi32, #tpu.memory_space<vmem>>
        %dma_start3A_620 = tpu.memref_squeeze %dma_start3A_619 : memref<1x1x64xi32, #tpu.memory_space<vmem>> -> memref<64xi32, #tpu.memory_space<vmem>>
        %dma_start3A_621 = arith.constant 0 : i32
        %dma_start3A_622 = tpu.memref_slice %arg3[%dma_start3A_616, %add3A_615, %dma_start3A_621] : memref<2x5000x64xi32, #tpu.memory_space<hbm>> -> memref<1x1x64xi32, #tpu.memory_space<hbm>>
        %dma_start3A_623 = tpu.memref_squeeze %dma_start3A_622 : memref<1x1x64xi32, #tpu.memory_space<hbm>> -> memref<64xi32, #tpu.memory_space<hbm>>
        %dma_start3A_624 = arith.constant 0 : i32
        %dma_start3A_625 = tpu.memref_slice %arg5[%rem3A_599, %dma_start3A_617, %dma_start3A_624] : memref<7x2x64xi32, #tpu.memory_space<vmem>> -> memref<1x1x64xi32, #tpu.memory_space<vmem>>
        %dma_start3A_626 = tpu.memref_squeeze %dma_start3A_625 : memref<1x1x64xi32, #tpu.memory_space<vmem>> -> memref<64xi32, #tpu.memory_space<vmem>>
        %dma_start3A_627 = arith.constant 0 : i32
        %dma_start3A_628 = tpu.memref_slice %arg3[%dma_start3A_616, %add3A_615, %dma_start3A_627] : memref<2x5000x64xi32, #tpu.memory_space<hbm>> -> memref<1x1x64xi32, #tpu.memory_space<hbm>>
        %dma_start3A_629 = tpu.memref_squeeze %dma_start3A_628 : memref<1x1x64xi32, #tpu.memory_space<hbm>> -> memref<64xi32, #tpu.memory_space<hbm>>
        tpu.enqueue_dma source(%dma_start3A_629 : memref<64xi32, #tpu.memory_space<hbm>>) target(%dma_start3A_626 : memref<64xi32, #tpu.memory_space<vmem>>) target_semaphore(%arg10 : memref<!tpu.dma_semaphore, #tpu.memory_space<semaphore_mem>>)
      } else {
      }
    }
    %while3A_524 = arith.constant 1 : i32
    scf.for %while3A_552 = %while3A_522 to %while3A_518 step %while3A_524  : i32 {
      %rem3A_553 = arith.constant 5 : i32
      %rem3A_554 = arith.remsi %while3A_552, %rem3A_553 : i32
      %ge3A = arith.constant 2 : i32
      %ge3A_555 = arith.cmpi sge, %while3A_552, %ge3A : i32
      %convert_element_type3A = arith.extui %ge3A_555 : i1 to i32
      %cond3A = arith.constant 0 : i32
      %cond3A_556 = arith.cmpi ne, %convert_element_type3A, %cond3A : i32
      scf.if %cond3A_556 {
        %dma_wait3A_594 = arith.constant 0 : i32
        %dma_wait3A_595 = arith.constant 0 : i32
        %dma_wait3A_596 = arith.constant 1 : i32
        %dma_wait3A_597 = arith.constant 0 : i32
        %dma_wait3A_598 = arith.constant 0 : i32
        %dma_wait3A_599 = tpu.memref_slice %arg6[%dma_wait3A_594, %dma_wait3A_597, %dma_wait3A_598] : memref<5x64x128xf32, #tpu.memory_space<vmem>> -> memref<1x64x128xf32, #tpu.memory_space<vmem>>
        %dma_wait3A_600 = tpu.memref_squeeze %dma_wait3A_599 : memref<1x64x128xf32, #tpu.memory_space<vmem>> -> memref<64x128xf32, #tpu.memory_space<vmem>>
        %dma_wait3A_601 = arith.constant 0 : i32
        %dma_wait3A_602 = tpu.memref_slice %arg5[%dma_wait3A_595, %dma_wait3A_596, %dma_wait3A_601] : memref<7x2x64xi32, #tpu.memory_space<vmem>> -> memref<1x1x64xi32, #tpu.memory_space<vmem>>
        %dma_wait3A_603 = tpu.memref_squeeze %dma_wait3A_602 : memref<1x1x64xi32, #tpu.memory_space<vmem>> -> memref<64xi32, #tpu.memory_space<vmem>>
        %dma_wait3A_604 = arith.constant 0 : i32
        %dma_wait3A_605 = arith.constant 0 : i32
        %dma_wait3A_606 = tpu.memref_slice %arg8[%dma_wait3A_604, %dma_wait3A_605] : memref<10240x128xf32, #tpu.memory_space<vmem_shared>> -> memref<10240x128xf32, #tpu.memory_space<vmem_shared>>
        tpu.wait_indirect_dma semaphore(%arg12 : memref<!tpu.dma_semaphore, #tpu.memory_space<semaphore_mem>>) src(%dma_wait3A_600 : memref<64x128xf32, #tpu.memory_space<vmem>>) dst(%dma_wait3A_606 : memref<10240x128xf32, #tpu.memory_space<vmem_shared>>)
      } else {
      }
      %add3A_557 = arith.constant 2 : i32
      %add3A_558 = arith.addi %while3A_552, %add3A_557 : i32
      %lt3A_559 = arith.cmpi slt, %add3A_558, %add3A_4 : i32
      %convert_element_type3A_560 = arith.extui %lt3A_559 : i1 to i32
      %cond3A_561 = arith.constant 0 : i32
      %cond3A_562 = arith.cmpi ne, %convert_element_type3A_560, %cond3A_561 : i32
      scf.if %cond3A_562 {
        %dma_wait3A_594 = arith.constant 0 : i32
        %dma_wait3A_595 = arith.constant 0 : i32
        %dma_wait3A_596 = arith.constant 0 : i32
        %dma_wait3A_597 = arith.constant 0 : i32
        %dma_wait3A_598 = arith.constant 0 : i32
        %dma_wait3A_599 = tpu.memref_slice %arg5[%dma_wait3A_596, %dma_wait3A_597, %dma_wait3A_598] : memref<7x2x64xi32, #tpu.memory_space<vmem>> -> memref<1x1x64xi32, #tpu.memory_space<vmem>>
        %dma_wait3A_600 = tpu.memref_squeeze %dma_wait3A_599 : memref<1x1x64xi32, #tpu.memory_space<vmem>> -> memref<64xi32, #tpu.memory_space<vmem>>
        %dma_wait3A_601 = arith.constant 0 : i32
        %dma_wait3A_602 = tpu.memref_slice %arg3[%dma_wait3A_594, %dma_wait3A_595, %dma_wait3A_601] : memref<2x5000x64xi32, #tpu.memory_space<hbm>> -> memref<1x1x64xi32, #tpu.memory_space<hbm>>
        %dma_wait3A_603 = tpu.memref_squeeze %dma_wait3A_602 : memref<1x1x64xi32, #tpu.memory_space<hbm>> -> memref<64xi32, #tpu.memory_space<hbm>>
        %dma_wait3A_604 = arith.constant 0 : i32
        %dma_wait3A_605 = tpu.memref_slice %arg5[%dma_wait3A_596, %dma_wait3A_597, %dma_wait3A_604] : memref<7x2x64xi32, #tpu.memory_space<vmem>> -> memref<1x1x64xi32, #tpu.memory_space<vmem>>
        %dma_wait3A_606 = tpu.memref_squeeze %dma_wait3A_605 : memref<1x1x64xi32, #tpu.memory_space<vmem>> -> memref<64xi32, #tpu.memory_space<vmem>>
        %dma_wait3A_607 = arith.constant 0 : i32
        %dma_wait3A_608 = tpu.memref_slice %arg3[%dma_wait3A_594, %dma_wait3A_595, %dma_wait3A_607] : memref<2x5000x64xi32, #tpu.memory_space<hbm>> -> memref<1x1x64xi32, #tpu.memory_space<hbm>>
        %dma_wait3A_609 = tpu.memref_squeeze %dma_wait3A_608 : memref<1x1x64xi32, #tpu.memory_space<hbm>> -> memref<64xi32, #tpu.memory_space<hbm>>
        tpu.wait_dma2 semaphore(%arg10 : memref<!tpu.dma_semaphore, #tpu.memory_space<semaphore_mem>>) src(%dma_wait3A_609 : memref<64xi32, #tpu.memory_space<hbm>>) dst(%dma_wait3A_606 : memref<64xi32, #tpu.memory_space<vmem>>)
        %dma_wait3A_610 = arith.constant 0 : i32
        %dma_wait3A_611 = arith.constant 0 : i32
        %dma_wait3A_612 = arith.constant 0 : i32
        %dma_wait3A_613 = arith.constant 0 : i32
        %dma_wait3A_614 = arith.constant 0 : i32
        %dma_wait3A_615 = tpu.memref_slice %arg5[%dma_wait3A_612, %dma_wait3A_613, %dma_wait3A_614] : memref<7x2x64xi32, #tpu.memory_space<vmem>> -> memref<1x1x64xi32, #tpu.memory_space<vmem>>
        %dma_wait3A_616 = tpu.memref_squeeze %dma_wait3A_615 : memref<1x1x64xi32, #tpu.memory_space<vmem>> -> memref<64xi32, #tpu.memory_space<vmem>>
        %dma_wait3A_617 = arith.constant 0 : i32
        %dma_wait3A_618 = tpu.memref_slice %arg3[%dma_wait3A_610, %dma_wait3A_611, %dma_wait3A_617] : memref<2x5000x64xi32, #tpu.memory_space<hbm>> -> memref<1x1x64xi32, #tpu.memory_space<hbm>>
        %dma_wait3A_619 = tpu.memref_squeeze %dma_wait3A_618 : memref<1x1x64xi32, #tpu.memory_space<hbm>> -> memref<64xi32, #tpu.memory_space<hbm>>
        %dma_wait3A_620 = arith.constant 0 : i32
        %dma_wait3A_621 = tpu.memref_slice %arg5[%dma_wait3A_612, %dma_wait3A_613, %dma_wait3A_620] : memref<7x2x64xi32, #tpu.memory_space<vmem>> -> memref<1x1x64xi32, #tpu.memory_space<vmem>>
        %dma_wait3A_622 = tpu.memref_squeeze %dma_wait3A_621 : memref<1x1x64xi32, #tpu.memory_space<vmem>> -> memref<64xi32, #tpu.memory_space<vmem>>
        %dma_wait3A_623 = arith.constant 0 : i32
        %dma_wait3A_624 = tpu.memref_slice %arg3[%dma_wait3A_610, %dma_wait3A_611, %dma_wait3A_623] : memref<2x5000x64xi32, #tpu.memory_space<hbm>> -> memref<1x1x64xi32, #tpu.memory_space<hbm>>
        %dma_wait3A_625 = tpu.memref_squeeze %dma_wait3A_624 : memref<1x1x64xi32, #tpu.memory_space<hbm>> -> memref<64xi32, #tpu.memory_space<hbm>>
        tpu.wait_dma2 semaphore(%arg10 : memref<!tpu.dma_semaphore, #tpu.memory_space<semaphore_mem>>) src(%dma_wait3A_625 : memref<64xi32, #tpu.memory_space<hbm>>) dst(%dma_wait3A_622 : memref<64xi32, #tpu.memory_space<vmem>>)
        %add3A_626 = arith.constant 2 : i32
        %add3A_627 = arith.addi %while3A_552, %add3A_626 : i32
        %rem3A_628 = arith.constant 7 : i32
        %rem3A_629 = arith.remsi %add3A_627, %rem3A_628 : i32
        %add3A_630 = arith.constant 2 : i32
        %add3A_631 = arith.addi %while3A_552, %add3A_630 : i32
        %rem3A_632 = arith.constant 5 : i32
        %rem3A_633 = arith.remsi %add3A_631, %rem3A_632 : i32
        %dma_start3A_634 = arith.constant 0 : i32
        %dma_start3A_635 = arith.constant 0 : i32
        %dma_start3A_636 = arith.constant 0 : i32
        %dma_start3A_637 = tpu.memref_slice %arg6[%rem3A_633, %dma_start3A_635, %dma_start3A_636] : memref<5x64x128xf32, #tpu.memory_space<vmem>> -> memref<1x64x128xf32, #tpu.memory_space<vmem>>
        %dma_start3A_638 = tpu.memref_squeeze %dma_start3A_637 : memref<1x64x128xf32, #tpu.memory_space<vmem>> -> memref<64x128xf32, #tpu.memory_space<vmem>>
        %dma_start3A_639 = arith.constant 0 : i32
        %dma_start3A_640 = tpu.memref_slice %arg5[%rem3A_629, %dma_start3A_634, %dma_start3A_639] : memref<7x2x64xi32, #tpu.memory_space<vmem>> -> memref<1x1x64xi32, #tpu.memory_space<vmem>>
        %dma_start3A_641 = tpu.memref_squeeze %dma_start3A_640 : memref<1x1x64xi32, #tpu.memory_space<vmem>> -> memref<64xi32, #tpu.memory_space<vmem>>
        %dma_start3A_642 = arith.constant 0 : i32
        %dma_start3A_643 = arith.constant 0 : i32
        %dma_start3A_644 = tpu.memref_slice %arg2[%dma_start3A_642, %dma_start3A_643] : memref<10000x128xf32, #tpu.memory_space<hbm>> -> memref<10000x128xf32, #tpu.memory_space<hbm>>
        tpu.enqueue_indirect_dma source(%dma_start3A_644 : memref<10000x128xf32, #tpu.memory_space<hbm>>) target(%dma_start3A_638 : memref<64x128xf32, #tpu.memory_space<vmem>>) offsets(%dma_start3A_641 : memref<64xi32, #tpu.memory_space<vmem>>) semaphore(%arg11 : memref<!tpu.dma_semaphore, #tpu.memory_space<semaphore_mem>>)
      } else {
      }
      %dma_wait3A_563 = arith.constant 0 : i32
      %dma_wait3A_564 = arith.constant 0 : i32
      %dma_wait3A_565 = arith.constant 0 : i32
      %dma_wait3A_566 = arith.constant 0 : i32
      %dma_wait3A_567 = tpu.memref_slice %arg6[%rem3A_554, %dma_wait3A_565, %dma_wait3A_566] : memref<5x64x128xf32, #tpu.memory_space<vmem>> -> memref<1x64x128xf32, #tpu.memory_space<vmem>>
      %dma_wait3A_568 = tpu.memref_squeeze %dma_wait3A_567 : memref<1x64x128xf32, #tpu.memory_space<vmem>> -> memref<64x128xf32, #tpu.memory_space<vmem>>
      %dma_wait3A_569 = arith.constant 0 : i32
      %dma_wait3A_570 = tpu.memref_slice %arg5[%dma_wait3A_563, %dma_wait3A_564, %dma_wait3A_569] : memref<7x2x64xi32, #tpu.memory_space<vmem>> -> memref<1x1x64xi32, #tpu.memory_space<vmem>>
      %dma_wait3A_571 = tpu.memref_squeeze %dma_wait3A_570 : memref<1x1x64xi32, #tpu.memory_space<vmem>> -> memref<64xi32, #tpu.memory_space<vmem>>
      %dma_wait3A_572 = arith.constant 0 : i32
      %dma_wait3A_573 = arith.constant 0 : i32
      %dma_wait3A_574 = tpu.memref_slice %arg2[%dma_wait3A_572, %dma_wait3A_573] : memref<10000x128xf32, #tpu.memory_space<hbm>> -> memref<10000x128xf32, #tpu.memory_space<hbm>>
      tpu.wait_indirect_dma semaphore(%arg11 : memref<!tpu.dma_semaphore, #tpu.memory_space<semaphore_mem>>) src(%dma_wait3A_574 : memref<10000x128xf32, #tpu.memory_space<hbm>>) dst(%dma_wait3A_568 : memref<64x128xf32, #tpu.memory_space<vmem>>)
      %rem3A_575 = arith.constant 7 : i32
      %rem3A_576 = arith.remsi %while3A_552, %rem3A_575 : i32
      %dma_start3A_577 = arith.constant 1 : i32
      %dma_start3A_578 = arith.constant 0 : i32
      %dma_start3A_579 = arith.constant 0 : i32
      %dma_start3A_580 = tpu.memref_slice %arg6[%rem3A_554, %dma_start3A_578, %dma_start3A_579] : memref<5x64x128xf32, #tpu.memory_space<vmem>> -> memref<1x64x128xf32, #tpu.memory_space<vmem>>
      %dma_start3A_581 = tpu.memref_squeeze %dma_start3A_580 : memref<1x64x128xf32, #tpu.memory_space<vmem>> -> memref<64x128xf32, #tpu.memory_space<vmem>>
      %dma_start3A_582 = arith.constant 0 : i32
      %dma_start3A_583 = tpu.memref_slice %arg5[%rem3A_576, %dma_start3A_577, %dma_start3A_582] : memref<7x2x64xi32, #tpu.memory_space<vmem>> -> memref<1x1x64xi32, #tpu.memory_space<vmem>>
      %dma_start3A_584 = tpu.memref_squeeze %dma_start3A_583 : memref<1x1x64xi32, #tpu.memory_space<vmem>> -> memref<64xi32, #tpu.memory_space<vmem>>
      %dma_start3A_585 = arith.constant 0 : i32
      %dma_start3A_586 = arith.constant 0 : i32
      %dma_start3A_587 = tpu.memref_slice %arg8[%dma_start3A_585, %dma_start3A_586] : memref<10240x128xf32, #tpu.memory_space<vmem_shared>> -> memref<10240x128xf32, #tpu.memory_space<vmem_shared>>
      tpu.enqueue_indirect_dma source(%dma_start3A_581 : memref<64x128xf32, #tpu.memory_space<vmem>>) target(%dma_start3A_587 : memref<10240x128xf32, #tpu.memory_space<vmem_shared>>) offsets(%dma_start3A_584 : memref<64xi32, #tpu.memory_space<vmem>>) semaphore(%arg12 : memref<!tpu.dma_semaphore, #tpu.memory_space<semaphore_mem>>) {add = true}
      %add3A_588 = arith.constant 5 : i32
      %add3A_589 = arith.addi %while3A_552, %add3A_588 : i32
      %lt3A_590 = arith.cmpi slt, %add3A_589, %add3A_4 : i32
      %convert_element_type3A_591 = arith.extui %lt3A_590 : i1 to i32
      %cond3A_592 = arith.constant 0 : i32
      %cond3A_593 = arith.cmpi ne, %convert_element_type3A_591, %cond3A_592 : i32
      scf.if %cond3A_593 {
        %add3A_594 = arith.constant 5 : i32
        %add3A_595 = arith.addi %while3A_552, %add3A_594 : i32
        %add3A_596 = arith.constant 5 : i32
        %add3A_597 = arith.addi %while3A_552, %add3A_596 : i32
        %rem3A_598 = arith.constant 7 : i32
        %rem3A_599 = arith.remsi %add3A_597, %rem3A_598 : i32
        %add3A_600 = arith.addi %select_n3A_316, %add3A_595 : i32
        %dma_start3A_601 = arith.constant 0 : i32
        %dma_start3A_602 = arith.constant 0 : i32
        %dma_start3A_603 = arith.constant 0 : i32
        %dma_start3A_604 = tpu.memref_slice %arg5[%rem3A_599, %dma_start3A_602, %dma_start3A_603] : memref<7x2x64xi32, #tpu.memory_space<vmem>> -> memref<1x1x64xi32, #tpu.memory_space<vmem>>
        %dma_start3A_605 = tpu.memref_squeeze %dma_start3A_604 : memref<1x1x64xi32, #tpu.memory_space<vmem>> -> memref<64xi32, #tpu.memory_space<vmem>>
        %dma_start3A_606 = arith.constant 0 : i32
        %dma_start3A_607 = tpu.memref_slice %arg3[%dma_start3A_601, %add3A_600, %dma_start3A_606] : memref<2x5000x64xi32, #tpu.memory_space<hbm>> -> memref<1x1x64xi32, #tpu.memory_space<hbm>>
        %dma_start3A_608 = tpu.memref_squeeze %dma_start3A_607 : memref<1x1x64xi32, #tpu.memory_space<hbm>> -> memref<64xi32, #tpu.memory_space<hbm>>
        %dma_start3A_609 = arith.constant 0 : i32
        %dma_start3A_610 = tpu.memref_slice %arg5[%rem3A_599, %dma_start3A_602, %dma_start3A_609] : memref<7x2x64xi32, #tpu.memory_space<vmem>> -> memref<1x1x64xi32, #tpu.memory_space<vmem>>
        %dma_start3A_611 = tpu.memref_squeeze %dma_start3A_610 : memref<1x1x64xi32, #tpu.memory_space<vmem>> -> memref<64xi32, #tpu.memory_space<vmem>>
        %dma_start3A_612 = arith.constant 0 : i32
        %dma_start3A_613 = tpu.memref_slice %arg3[%dma_start3A_601, %add3A_600, %dma_start3A_612] : memref<2x5000x64xi32, #tpu.memory_space<hbm>> -> memref<1x1x64xi32, #tpu.memory_space<hbm>>
        %dma_start3A_614 = tpu.memref_squeeze %dma_start3A_613 : memref<1x1x64xi32, #tpu.memory_space<hbm>> -> memref<64xi32, #tpu.memory_space<hbm>>
        tpu.enqueue_dma source(%dma_start3A_614 : memref<64xi32, #tpu.memory_space<hbm>>) target(%dma_start3A_611 : memref<64xi32, #tpu.memory_space<vmem>>) target_semaphore(%arg10 : memref<!tpu.dma_semaphore, #tpu.memory_space<semaphore_mem>>)
        %add3A_615 = arith.addi %select_n3A_316, %add3A_595 : i32
        %dma_start3A_616 = arith.constant 1 : i32
        %dma_start3A_617 = arith.constant 1 : i32
        %dma_start3A_618 = arith.constant 0 : i32
        %dma_start3A_619 = tpu.memref_slice %arg5[%rem3A_599, %dma_start3A_617, %dma_start3A_618] : memref<7x2x64xi32, #tpu.memory_space<vmem>> -> memref<1x1x64xi32, #tpu.memory_space<vmem>>
        %dma_start3A_620 = tpu.memref_squeeze %dma_start3A_619 : memref<1x1x64xi32, #tpu.memory_space<vmem>> -> memref<64xi32, #tpu.memory_space<vmem>>
        %dma_start3A_621 = arith.constant 0 : i32
        %dma_start3A_622 = tpu.memref_slice %arg3[%dma_start3A_616, %add3A_615, %dma_start3A_621] : memref<2x5000x64xi32, #tpu.memory_space<hbm>> -> memref<1x1x64xi32, #tpu.memory_space<hbm>>
        %dma_start3A_623 = tpu.memref_squeeze %dma_start3A_622 : memref<1x1x64xi32, #tpu.memory_space<hbm>> -> memref<64xi32, #tpu.memory_space<hbm>>
        %dma_start3A_624 = arith.constant 0 : i32
        %dma_start3A_625 = tpu.memref_slice %arg5[%rem3A_599, %dma_start3A_617, %dma_start3A_624] : memref<7x2x64xi32, #tpu.memory_space<vmem>> -> memref<1x1x64xi32, #tpu.memory_space<vmem>>
        %dma_start3A_626 = tpu.memref_squeeze %dma_start3A_625 : memref<1x1x64xi32, #tpu.memory_space<vmem>> -> memref<64xi32, #tpu.memory_space<vmem>>
        %dma_start3A_627 = arith.constant 0 : i32
        %dma_start3A_628 = tpu.memref_slice %arg3[%dma_start3A_616, %add3A_615, %dma_start3A_627] : memref<2x5000x64xi32, #tpu.memory_space<hbm>> -> memref<1x1x64xi32, #tpu.memory_space<hbm>>
        %dma_start3A_629 = tpu.memref_squeeze %dma_start3A_628 : memref<1x1x64xi32, #tpu.memory_space<hbm>> -> memref<64xi32, #tpu.memory_space<hbm>>
        tpu.enqueue_dma source(%dma_start3A_629 : memref<64xi32, #tpu.memory_space<hbm>>) target(%dma_start3A_626 : memref<64xi32, #tpu.memory_space<vmem>>) target_semaphore(%arg10 : memref<!tpu.dma_semaphore, #tpu.memory_space<semaphore_mem>>)
      } else {
      }
    }
    %dma_wait3A_525 = arith.constant 0 : i32
    %dma_wait3A_526 = arith.constant 0 : i32
    %dma_wait3A_527 = arith.constant 1 : i32
    %dma_wait3A_528 = arith.constant 0 : i32
    %dma_wait3A_529 = arith.constant 0 : i32
    %dma_wait3A_530 = tpu.memref_slice %arg6[%dma_wait3A_525, %dma_wait3A_528, %dma_wait3A_529] : memref<5x64x128xf32, #tpu.memory_space<vmem>> -> memref<1x64x128xf32, #tpu.memory_space<vmem>>
    %dma_wait3A_531 = tpu.memref_squeeze %dma_wait3A_530 : memref<1x64x128xf32, #tpu.memory_space<vmem>> -> memref<64x128xf32, #tpu.memory_space<vmem>>
    %dma_wait3A_532 = arith.constant 0 : i32
    %dma_wait3A_533 = tpu.memref_slice %arg5[%dma_wait3A_526, %dma_wait3A_527, %dma_wait3A_532] : memref<7x2x64xi32, #tpu.memory_space<vmem>> -> memref<1x1x64xi32, #tpu.memory_space<vmem>>
    %dma_wait3A_534 = tpu.memref_squeeze %dma_wait3A_533 : memref<1x1x64xi32, #tpu.memory_space<vmem>> -> memref<64xi32, #tpu.memory_space<vmem>>
    %dma_wait3A_535 = arith.constant 0 : i32
    %dma_wait3A_536 = arith.constant 0 : i32
    %dma_wait3A_537 = tpu.memref_slice %arg8[%dma_wait3A_535, %dma_wait3A_536] : memref<10240x128xf32, #tpu.memory_space<vmem_shared>> -> memref<10240x128xf32, #tpu.memory_space<vmem_shared>>
    tpu.wait_indirect_dma semaphore(%arg12 : memref<!tpu.dma_semaphore, #tpu.memory_space<semaphore_mem>>) src(%dma_wait3A_531 : memref<64x128xf32, #tpu.memory_space<vmem>>) dst(%dma_wait3A_537 : memref<10240x128xf32, #tpu.memory_space<vmem_shared>>)
    %dma_wait3A_538 = arith.constant 0 : i32
    %dma_wait3A_539 = arith.constant 0 : i32
    %dma_wait3A_540 = arith.constant 1 : i32
    %dma_wait3A_541 = arith.constant 0 : i32
    %dma_wait3A_542 = arith.constant 0 : i32
    %dma_wait3A_543 = tpu.memref_slice %arg6[%dma_wait3A_538, %dma_wait3A_541, %dma_wait3A_542] : memref<5x64x128xf32, #tpu.memory_space<vmem>> -> memref<1x64x128xf32, #tpu.memory_space<vmem>>
    %dma_wait3A_544 = tpu.memref_squeeze %dma_wait3A_543 : memref<1x64x128xf32, #tpu.memory_space<vmem>> -> memref<64x128xf32, #tpu.memory_space<vmem>>
    %dma_wait3A_545 = arith.constant 0 : i32
    %dma_wait3A_546 = tpu.memref_slice %arg5[%dma_wait3A_539, %dma_wait3A_540, %dma_wait3A_545] : memref<7x2x64xi32, #tpu.memory_space<vmem>> -> memref<1x1x64xi32, #tpu.memory_space<vmem>>
    %dma_wait3A_547 = tpu.memref_squeeze %dma_wait3A_546 : memref<1x1x64xi32, #tpu.memory_space<vmem>> -> memref<64xi32, #tpu.memory_space<vmem>>
    %dma_wait3A_548 = arith.constant 0 : i32
    %dma_wait3A_549 = arith.constant 0 : i32
    %dma_wait3A_550 = tpu.memref_slice %arg8[%dma_wait3A_548, %dma_wait3A_549] : memref<10240x128xf32, #tpu.memory_space<vmem_shared>> -> memref<10240x128xf32, #tpu.memory_space<vmem_shared>>
    tpu.wait_indirect_dma semaphore(%arg12 : memref<!tpu.dma_semaphore, #tpu.memory_space<semaphore_mem>>) src(%dma_wait3A_544 : memref<64x128xf32, #tpu.memory_space<vmem>>) dst(%dma_wait3A_550 : memref<10240x128xf32, #tpu.memory_space<vmem_shared>>)
    %barrier3A_551 = arith.constant 0 : index
    tpu.barrier barrier_id(%barrier3A_551)
    "tpu.region"() ({
      %run_scoped3A_552 = tpu.sem_alloc : memref<!tpu.dma_semaphore, #tpu.memory_space<semaphore_mem>>
      %dma_start3A_553 = arith.constant 0 : i32
      %dma_start3A_554 = tpu.memref_slice %arg4[%arg0, %mul3A_20, %dma_start3A_553] : memref<2x10240x128xf32, #tpu.memory_space<hbm>> -> memref<1x640x128xf32, #tpu.memory_space<hbm>>
      %dma_start3A_555 = tpu.memref_squeeze %dma_start3A_554 : memref<1x640x128xf32, #tpu.memory_space<hbm>> -> memref<640x128xf32, #tpu.memory_space<hbm>>
      %dma_start3A_556 = arith.constant 0 : i32
      %dma_start3A_557 = tpu.memref_slice %arg8[%mul3A_20, %dma_start3A_556] : memref<10240x128xf32, #tpu.memory_space<vmem_shared>> -> memref<640x128xf32, #tpu.memory_space<vmem_shared>>
      tpu.enqueue_dma source(%dma_start3A_557 : memref<640x128xf32, #tpu.memory_space<vmem_shared>>) target(%dma_start3A_555 : memref<640x128xf32, #tpu.memory_space<hbm>>) target_semaphore(%run_scoped3A_552 : memref<!tpu.dma_semaphore, #tpu.memory_space<semaphore_mem>>)
      %dma_wait3A_558 = arith.constant 0 : i32
      %dma_wait3A_559 = tpu.memref_slice %arg4[%arg0, %mul3A_20, %dma_wait3A_558] : memref<2x10240x128xf32, #tpu.memory_space<hbm>> -> memref<1x640x128xf32, #tpu.memory_space<hbm>>
      %dma_wait3A_560 = tpu.memref_squeeze %dma_wait3A_559 : memref<1x640x128xf32, #tpu.memory_space<hbm>> -> memref<640x128xf32, #tpu.memory_space<hbm>>
      %dma_wait3A_561 = arith.constant 0 : i32
      %dma_wait3A_562 = tpu.memref_slice %arg8[%mul3A_20, %dma_wait3A_561] : memref<10240x128xf32, #tpu.memory_space<vmem_shared>> -> memref<640x128xf32, #tpu.memory_space<vmem_shared>>
      tpu.wait_dma2 semaphore(%run_scoped3A_552 : memref<!tpu.dma_semaphore, #tpu.memory_space<semaphore_mem>>) src(%dma_wait3A_562 : memref<640x128xf32, #tpu.memory_space<vmem_shared>>) dst(%dma_wait3A_560 : memref<640x128xf32, #tpu.memory_space<hbm>>)
      tpu.yield
    }) : () -> ()
    return
  }
}

#map = affine_map<(d0, d1) -> (0, 0)>
#map1 = affine_map<(d0, d1) -> (0, 0, 0)>
module attributes {stable_mosaic.version = 14 : i64} {
  func.func @agg(%arg0: i32, %arg1: i32, %arg2: memref<10000x128xf32, #tpu.memory_space<hbm>>, %arg3: memref<2x5000x64xi32, #tpu.memory_space<hbm>>, %arg4: memref<2x10240x128xf32, #tpu.memory_space<hbm>>, %arg5: memref<2x10240xf32, #tpu.memory_space<hbm>>, %arg6: memref<7x2x64xi32, #tpu.memory_space<vmem>>, %arg7: memref<5x64x128xf32, #tpu.memory_space<vmem>>, %arg8: memref<64xf32, #tpu.memory_space<vmem>>, %arg9: memref<10240x128xf32, #tpu.memory_space<vmem_shared>>, %arg10: memref<10240xf32, #tpu.memory_space<vmem_shared>>, %arg11: memref<!tpu.dma_semaphore, #tpu.memory_space<semaphore_mem>>, %arg12: memref<!tpu.dma_semaphore, #tpu.memory_space<semaphore_mem>>, %arg13: memref<!tpu.dma_semaphore, #tpu.memory_space<semaphore_mem>>) attributes {dimension_semantics = [#tpu.dimension_semantics<core_parallel>, #tpu.dimension_semantics<subcore_parallel>], iteration_bounds = array<i64: 2, 16>, scalar_prefetch = 0 : i64, scratch_operands = 8 : i64, tpu.core_type = #tpu.core_type<sc_vector_subcore>, window_params = [{transform_indices = #map}, {transform_indices = #map1}, {transform_indices = #map1}, {transform_indices = #map}]} {
    %mul3A = arith.constant 16 : i32
    %mul3A_0 = arith.muli %arg0, %mul3A : i32
    %add3A = arith.addi %mul3A_0, %arg1 : i32
    %lt3A = arith.constant 8 : i32
    %lt3A_1 = arith.cmpi slt, %add3A, %lt3A : i32
    %jit3A = arith.constant 1 : i32
    %jit3A_2 = arith.constant 0 : i32
    %select_n3A = arith.select %lt3A_1, %jit3A, %jit3A_2 : i32
    %add3A_3 = arith.constant 156 : i32
    %add3A_4 = arith.addi %add3A_3, %select_n3A : i32
    %mul3A_5 = arith.constant 156 : i32
    %mul3A_6 = arith.muli %add3A, %mul3A_5 : i32
    %min3A = arith.constant 8 : i32
    %min3A_7 = arith.minsi %add3A, %min3A : i32
    %add3A_8 = arith.addi %mul3A_6, %min3A_7 : i32
    %mul3A_9 = arith.constant 64 : i32
    %mul3A_10 = arith.muli %add3A_8, %mul3A_9 : i32
    %broadcast_in_dim3A = arith.constant 0.000000e+00 : f32
    %broadcast_in_dim3A_11 = vector.broadcast %broadcast_in_dim3A : f32 to vector<16xf32>
    %broadcast_in_dim3A_12 = arith.constant 1.000000e+00 : f32
    %broadcast_in_dim3A_13 = vector.broadcast %broadcast_in_dim3A_12 : f32 to vector<16xf32>
    %scan3A = arith.constant 0 : i32
    %scan3A_14 = arith.constant 0 : i32
    %scan3A_15 = arith.constant 64 : i32
    %scan3A_16 = arith.addi %scan3A_14, %scan3A_15 : i32
    %scan3A_17 = arith.constant 1 : i32
    scf.for %scan3A_691 = %scan3A_14 to %scan3A_16 step %scan3A_17  : i32 {
      %swap3A_692 = arith.constant 0 : i32
      %swap3A_693 = arith.index_cast %swap3A_692 : i32 to index
      %swap3A_694 = arith.index_cast %scan3A_691 : i32 to index
      %swap3A_695 = arith.constant 0 : index
      %swap3A_696 = tpu.vector_load %arg7[%swap3A_693, %swap3A_694, %swap3A_695] {strides = array<i32>} : memref<5x64x128xf32, #tpu.memory_space<vmem>>, vector<1x1x16xf32>,
      %swap3A_697 = vector.shape_cast %swap3A_696 : vector<1x1x16xf32> to vector<16xf32>
      %swap3A_698 = vector.shape_cast %broadcast_in_dim3A_11 : vector<16xf32> to vector<1x1x16xf32>
      tpu.vector_store %arg7[%swap3A_693, %swap3A_694, %swap3A_695], %swap3A_698 {strides = array<i32>} : memref<5x64x128xf32, #tpu.memory_space<vmem>>, vector<1x1x16xf32>,
      %swap3A_699 = arith.constant 0 : i32
      %swap3A_700 = arith.index_cast %swap3A_699 : i32 to index
      %swap3A_701 = arith.index_cast %scan3A_691 : i32 to index
      %swap3A_702 = arith.constant 16 : index
      %swap3A_703 = tpu.vector_load %arg7[%swap3A_700, %swap3A_701, %swap3A_702] {strides = array<i32>} : memref<5x64x128xf32, #tpu.memory_space<vmem>>, vector<1x1x16xf32>,
      %swap3A_704 = vector.shape_cast %swap3A_703 : vector<1x1x16xf32> to vector<16xf32>
      %swap3A_705 = vector.shape_cast %broadcast_in_dim3A_11 : vector<16xf32> to vector<1x1x16xf32>
      tpu.vector_store %arg7[%swap3A_700, %swap3A_701, %swap3A_702], %swap3A_705 {strides = array<i32>} : memref<5x64x128xf32, #tpu.memory_space<vmem>>, vector<1x1x16xf32>,
      %swap3A_706 = arith.constant 0 : i32
      %swap3A_707 = arith.index_cast %swap3A_706 : i32 to index
      %swap3A_708 = arith.index_cast %scan3A_691 : i32 to index
      %swap3A_709 = arith.constant 32 : index
      %swap3A_710 = tpu.vector_load %arg7[%swap3A_707, %swap3A_708, %swap3A_709] {strides = array<i32>} : memref<5x64x128xf32, #tpu.memory_space<vmem>>, vector<1x1x16xf32>,
      %swap3A_711 = vector.shape_cast %swap3A_710 : vector<1x1x16xf32> to vector<16xf32>
      %swap3A_712 = vector.shape_cast %broadcast_in_dim3A_11 : vector<16xf32> to vector<1x1x16xf32>
      tpu.vector_store %arg7[%swap3A_707, %swap3A_708, %swap3A_709], %swap3A_712 {strides = array<i32>} : memref<5x64x128xf32, #tpu.memory_space<vmem>>, vector<1x1x16xf32>,
      %swap3A_713 = arith.constant 0 : i32
      %swap3A_714 = arith.index_cast %swap3A_713 : i32 to index
      %swap3A_715 = arith.index_cast %scan3A_691 : i32 to index
      %swap3A_716 = arith.constant 48 : index
      %swap3A_717 = tpu.vector_load %arg7[%swap3A_714, %swap3A_715, %swap3A_716] {strides = array<i32>} : memref<5x64x128xf32, #tpu.memory_space<vmem>>, vector<1x1x16xf32>,
      %swap3A_718 = vector.shape_cast %swap3A_717 : vector<1x1x16xf32> to vector<16xf32>
      %swap3A_719 = vector.shape_cast %broadcast_in_dim3A_11 : vector<16xf32> to vector<1x1x16xf32>
      tpu.vector_store %arg7[%swap3A_714, %swap3A_715, %swap3A_716], %swap3A_719 {strides = array<i32>} : memref<5x64x128xf32, #tpu.memory_space<vmem>>, vector<1x1x16xf32>,
      %swap3A_720 = arith.constant 0 : i32
      %swap3A_721 = arith.index_cast %swap3A_720 : i32 to index
      %swap3A_722 = arith.index_cast %scan3A_691 : i32 to index
      %swap3A_723 = arith.constant 64 : index
      %swap3A_724 = tpu.vector_load %arg7[%swap3A_721, %swap3A_722, %swap3A_723] {strides = array<i32>} : memref<5x64x128xf32, #tpu.memory_space<vmem>>, vector<1x1x16xf32>,
      %swap3A_725 = vector.shape_cast %swap3A_724 : vector<1x1x16xf32> to vector<16xf32>
      %swap3A_726 = vector.shape_cast %broadcast_in_dim3A_11 : vector<16xf32> to vector<1x1x16xf32>
      tpu.vector_store %arg7[%swap3A_721, %swap3A_722, %swap3A_723], %swap3A_726 {strides = array<i32>} : memref<5x64x128xf32, #tpu.memory_space<vmem>>, vector<1x1x16xf32>,
      %swap3A_727 = arith.constant 0 : i32
      %swap3A_728 = arith.index_cast %swap3A_727 : i32 to index
      %swap3A_729 = arith.index_cast %scan3A_691 : i32 to index
      %swap3A_730 = arith.constant 80 : index
      %swap3A_731 = tpu.vector_load %arg7[%swap3A_728, %swap3A_729, %swap3A_730] {strides = array<i32>} : memref<5x64x128xf32, #tpu.memory_space<vmem>>, vector<1x1x16xf32>,
      %swap3A_732 = vector.shape_cast %swap3A_731 : vector<1x1x16xf32> to vector<16xf32>
      %swap3A_733 = vector.shape_cast %broadcast_in_dim3A_11 : vector<16xf32> to vector<1x1x16xf32>
      tpu.vector_store %arg7[%swap3A_728, %swap3A_729, %swap3A_730], %swap3A_733 {strides = array<i32>} : memref<5x64x128xf32, #tpu.memory_space<vmem>>, vector<1x1x16xf32>,
      %swap3A_734 = arith.constant 0 : i32
      %swap3A_735 = arith.index_cast %swap3A_734 : i32 to index
      %swap3A_736 = arith.index_cast %scan3A_691 : i32 to index
      %swap3A_737 = arith.constant 96 : index
      %swap3A_738 = tpu.vector_load %arg7[%swap3A_735, %swap3A_736, %swap3A_737] {strides = array<i32>} : memref<5x64x128xf32, #tpu.memory_space<vmem>>, vector<1x1x16xf32>,
      %swap3A_739 = vector.shape_cast %swap3A_738 : vector<1x1x16xf32> to vector<16xf32>
      %swap3A_740 = vector.shape_cast %broadcast_in_dim3A_11 : vector<16xf32> to vector<1x1x16xf32>
      tpu.vector_store %arg7[%swap3A_735, %swap3A_736, %swap3A_737], %swap3A_740 {strides = array<i32>} : memref<5x64x128xf32, #tpu.memory_space<vmem>>, vector<1x1x16xf32>,
      %swap3A_741 = arith.constant 0 : i32
      %swap3A_742 = arith.index_cast %swap3A_741 : i32 to index
      %swap3A_743 = arith.index_cast %scan3A_691 : i32 to index
      %swap3A_744 = arith.constant 112 : index
      %swap3A_745 = tpu.vector_load %arg7[%swap3A_742, %swap3A_743, %swap3A_744] {strides = array<i32>} : memref<5x64x128xf32, #tpu.memory_space<vmem>>, vector<1x1x16xf32>,
      %swap3A_746 = vector.shape_cast %swap3A_745 : vector<1x1x16xf32> to vector<16xf32>
      %swap3A_747 = vector.shape_cast %broadcast_in_dim3A_11 : vector<16xf32> to vector<1x1x16xf32>
      tpu.vector_store %arg7[%swap3A_742, %swap3A_743, %swap3A_744], %swap3A_747 {strides = array<i32>} : memref<5x64x128xf32, #tpu.memory_space<vmem>>, vector<1x1x16xf32>,
    }
    %scan3A_18 = arith.constant 64 : i32
    %swap3A = arith.constant 0 : index
    %swap3A_19 = tpu.vector_load %arg8[%swap3A] {strides = array<i32>} : memref<64xf32, #tpu.memory_space<vmem>>, vector<16xf32>,
    %swap3A_20 = vector.shape_cast %swap3A_19 : vector<16xf32> to vector<16xf32>
    %swap3A_21 = vector.shape_cast %broadcast_in_dim3A_13 : vector<16xf32> to vector<16xf32>
    tpu.vector_store %arg8[%swap3A], %swap3A_21 {strides = array<i32>} : memref<64xf32, #tpu.memory_space<vmem>>, vector<16xf32>,
    %swap3A_22 = arith.constant 16 : index
    %swap3A_23 = tpu.vector_load %arg8[%swap3A_22] {strides = array<i32>} : memref<64xf32, #tpu.memory_space<vmem>>, vector<16xf32>,
    %swap3A_24 = vector.shape_cast %swap3A_23 : vector<16xf32> to vector<16xf32>
    %swap3A_25 = vector.shape_cast %broadcast_in_dim3A_13 : vector<16xf32> to vector<16xf32>
    tpu.vector_store %arg8[%swap3A_22], %swap3A_25 {strides = array<i32>} : memref<64xf32, #tpu.memory_space<vmem>>, vector<16xf32>,
    %swap3A_26 = arith.constant 32 : index
    %swap3A_27 = tpu.vector_load %arg8[%swap3A_26] {strides = array<i32>} : memref<64xf32, #tpu.memory_space<vmem>>, vector<16xf32>,
    %swap3A_28 = vector.shape_cast %swap3A_27 : vector<16xf32> to vector<16xf32>
    %swap3A_29 = vector.shape_cast %broadcast_in_dim3A_13 : vector<16xf32> to vector<16xf32>
    tpu.vector_store %arg8[%swap3A_26], %swap3A_29 {strides = array<i32>} : memref<64xf32, #tpu.memory_space<vmem>>, vector<16xf32>,
    %swap3A_30 = arith.constant 48 : index
    %swap3A_31 = tpu.vector_load %arg8[%swap3A_30] {strides = array<i32>} : memref<64xf32, #tpu.memory_space<vmem>>, vector<16xf32>,
    %swap3A_32 = vector.shape_cast %swap3A_31 : vector<16xf32> to vector<16xf32>
    %swap3A_33 = vector.shape_cast %broadcast_in_dim3A_13 : vector<16xf32> to vector<16xf32>
    tpu.vector_store %arg8[%swap3A_30], %swap3A_33 {strides = array<i32>} : memref<64xf32, #tpu.memory_space<vmem>>, vector<16xf32>,
    %mul3A_34 = arith.constant 640 : i32
    %mul3A_35 = arith.muli %arg1, %mul3A_34 : i32
    %add3A_36 = arith.constant 0 : i32
    %add3A_37 = arith.addi %mul3A_35, %add3A_36 : i32
    %dma_start3A = arith.constant 0 : i32
    %dma_start3A_38 = arith.constant 0 : i32
    %dma_start3A_39 = arith.constant 0 : i32
    %dma_start3A_40 = tpu.memref_slice %arg7[%dma_start3A, %dma_start3A_38, %dma_start3A_39] : memref<5x64x128xf32, #tpu.memory_space<vmem>> -> memref<1x64x128xf32, #tpu.memory_space<vmem>>
    %dma_start3A_41 = tpu.memref_squeeze %dma_start3A_40 : memref<1x64x128xf32, #tpu.memory_space<vmem>> -> memref<64x128xf32, #tpu.memory_space<vmem>>
    %dma_start3A_42 = arith.constant 0 : i32
    %dma_start3A_43 = tpu.memref_slice %arg9[%add3A_37, %dma_start3A_42] : memref<10240x128xf32, #tpu.memory_space<vmem_shared>> -> memref<64x128xf32, #tpu.memory_space<vmem_shared>>
    %dma_start3A_44 = arith.constant 0 : i32
    %dma_start3A_45 = tpu.memref_slice %arg9[%add3A_37, %dma_start3A_44] : memref<10240x128xf32, #tpu.memory_space<vmem_shared>> -> memref<64x128xf32, #tpu.memory_space<vmem_shared>>
    %dma_start3A_46 = arith.constant 0 : i32
    %dma_start3A_47 = arith.constant 0 : i32
    %dma_start3A_48 = tpu.memref_slice %arg7[%dma_start3A, %dma_start3A_46, %dma_start3A_47] : memref<5x64x128xf32, #tpu.memory_space<vmem>> -> memref<1x64x128xf32, #tpu.memory_space<vmem>>
    %dma_start3A_49 = tpu.memref_squeeze %dma_start3A_48 : memref<1x64x128xf32, #tpu.memory_space<vmem>> -> memref<64x128xf32, #tpu.memory_space<vmem>>
    tpu.enqueue_dma source(%dma_start3A_49 : memref<64x128xf32, #tpu.memory_space<vmem>>) target(%dma_start3A_45 : memref<64x128xf32, #tpu.memory_space<vmem_shared>>) target_semaphore(%arg13 : memref<!tpu.dma_semaphore, #tpu.memory_space<semaphore_mem>>)
    %add3A_50 = arith.constant 64 : i32
    %add3A_51 = arith.addi %mul3A_35, %add3A_50 : i32
    %dma_start3A_52 = arith.constant 0 : i32
    %dma_start3A_53 = arith.constant 0 : i32
    %dma_start3A_54 = arith.constant 0 : i32
    %dma_start3A_55 = tpu.memref_slice %arg7[%dma_start3A_52, %dma_start3A_53, %dma_start3A_54] : memref<5x64x128xf32, #tpu.memory_space<vmem>> -> memref<1x64x128xf32, #tpu.memory_space<vmem>>
    %dma_start3A_56 = tpu.memref_squeeze %dma_start3A_55 : memref<1x64x128xf32, #tpu.memory_space<vmem>> -> memref<64x128xf32, #tpu.memory_space<vmem>>
    %dma_start3A_57 = arith.constant 0 : i32
    %dma_start3A_58 = tpu.memref_slice %arg9[%add3A_51, %dma_start3A_57] : memref<10240x128xf32, #tpu.memory_space<vmem_shared>> -> memref<64x128xf32, #tpu.memory_space<vmem_shared>>
    %dma_start3A_59 = arith.constant 0 : i32
    %dma_start3A_60 = tpu.memref_slice %arg9[%add3A_51, %dma_start3A_59] : memref<10240x128xf32, #tpu.memory_space<vmem_shared>> -> memref<64x128xf32, #tpu.memory_space<vmem_shared>>
    %dma_start3A_61 = arith.constant 0 : i32
    %dma_start3A_62 = arith.constant 0 : i32
    %dma_start3A_63 = tpu.memref_slice %arg7[%dma_start3A_52, %dma_start3A_61, %dma_start3A_62] : memref<5x64x128xf32, #tpu.memory_space<vmem>> -> memref<1x64x128xf32, #tpu.memory_space<vmem>>
    %dma_start3A_64 = tpu.memref_squeeze %dma_start3A_63 : memref<1x64x128xf32, #tpu.memory_space<vmem>> -> memref<64x128xf32, #tpu.memory_space<vmem>>
    tpu.enqueue_dma source(%dma_start3A_64 : memref<64x128xf32, #tpu.memory_space<vmem>>) target(%dma_start3A_60 : memref<64x128xf32, #tpu.memory_space<vmem_shared>>) target_semaphore(%arg13 : memref<!tpu.dma_semaphore, #tpu.memory_space<semaphore_mem>>)
    %add3A_65 = arith.constant 128 : i32
    %add3A_66 = arith.addi %mul3A_35, %add3A_65 : i32
    %dma_start3A_67 = arith.constant 0 : i32
    %dma_start3A_68 = arith.constant 0 : i32
    %dma_start3A_69 = arith.constant 0 : i32
    %dma_start3A_70 = tpu.memref_slice %arg7[%dma_start3A_67, %dma_start3A_68, %dma_start3A_69] : memref<5x64x128xf32, #tpu.memory_space<vmem>> -> memref<1x64x128xf32, #tpu.memory_space<vmem>>
    %dma_start3A_71 = tpu.memref_squeeze %dma_start3A_70 : memref<1x64x128xf32, #tpu.memory_space<vmem>> -> memref<64x128xf32, #tpu.memory_space<vmem>>
    %dma_start3A_72 = arith.constant 0 : i32
    %dma_start3A_73 = tpu.memref_slice %arg9[%add3A_66, %dma_start3A_72] : memref<10240x128xf32, #tpu.memory_space<vmem_shared>> -> memref<64x128xf32, #tpu.memory_space<vmem_shared>>
    %dma_start3A_74 = arith.constant 0 : i32
    %dma_start3A_75 = tpu.memref_slice %arg9[%add3A_66, %dma_start3A_74] : memref<10240x128xf32, #tpu.memory_space<vmem_shared>> -> memref<64x128xf32, #tpu.memory_space<vmem_shared>>
    %dma_start3A_76 = arith.constant 0 : i32
    %dma_start3A_77 = arith.constant 0 : i32
    %dma_start3A_78 = tpu.memref_slice %arg7[%dma_start3A_67, %dma_start3A_76, %dma_start3A_77] : memref<5x64x128xf32, #tpu.memory_space<vmem>> -> memref<1x64x128xf32, #tpu.memory_space<vmem>>
    %dma_start3A_79 = tpu.memref_squeeze %dma_start3A_78 : memref<1x64x128xf32, #tpu.memory_space<vmem>> -> memref<64x128xf32, #tpu.memory_space<vmem>>
    tpu.enqueue_dma source(%dma_start3A_79 : memref<64x128xf32, #tpu.memory_space<vmem>>) target(%dma_start3A_75 : memref<64x128xf32, #tpu.memory_space<vmem_shared>>) target_semaphore(%arg13 : memref<!tpu.dma_semaphore, #tpu.memory_space<semaphore_mem>>)
    %add3A_80 = arith.constant 192 : i32
    %add3A_81 = arith.addi %mul3A_35, %add3A_80 : i32
    %dma_start3A_82 = arith.constant 0 : i32
    %dma_start3A_83 = arith.constant 0 : i32
    %dma_start3A_84 = arith.constant 0 : i32
    %dma_start3A_85 = tpu.memref_slice %arg7[%dma_start3A_82, %dma_start3A_83, %dma_start3A_84] : memref<5x64x128xf32, #tpu.memory_space<vmem>> -> memref<1x64x128xf32, #tpu.memory_space<vmem>>
    %dma_start3A_86 = tpu.memref_squeeze %dma_start3A_85 : memref<1x64x128xf32, #tpu.memory_space<vmem>> -> memref<64x128xf32, #tpu.memory_space<vmem>>
    %dma_start3A_87 = arith.constant 0 : i32
    %dma_start3A_88 = tpu.memref_slice %arg9[%add3A_81, %dma_start3A_87] : memref<10240x128xf32, #tpu.memory_space<vmem_shared>> -> memref<64x128xf32, #tpu.memory_space<vmem_shared>>
    %dma_start3A_89 = arith.constant 0 : i32
    %dma_start3A_90 = tpu.memref_slice %arg9[%add3A_81, %dma_start3A_89] : memref<10240x128xf32, #tpu.memory_space<vmem_shared>> -> memref<64x128xf32, #tpu.memory_space<vmem_shared>>
    %dma_start3A_91 = arith.constant 0 : i32
    %dma_start3A_92 = arith.constant 0 : i32
    %dma_start3A_93 = tpu.memref_slice %arg7[%dma_start3A_82, %dma_start3A_91, %dma_start3A_92] : memref<5x64x128xf32, #tpu.memory_space<vmem>> -> memref<1x64x128xf32, #tpu.memory_space<vmem>>
    %dma_start3A_94 = tpu.memref_squeeze %dma_start3A_93 : memref<1x64x128xf32, #tpu.memory_space<vmem>> -> memref<64x128xf32, #tpu.memory_space<vmem>>
    tpu.enqueue_dma source(%dma_start3A_94 : memref<64x128xf32, #tpu.memory_space<vmem>>) target(%dma_start3A_90 : memref<64x128xf32, #tpu.memory_space<vmem_shared>>) target_semaphore(%arg13 : memref<!tpu.dma_semaphore, #tpu.memory_space<semaphore_mem>>)
    %add3A_95 = arith.constant 256 : i32
    %add3A_96 = arith.addi %mul3A_35, %add3A_95 : i32
    %dma_start3A_97 = arith.constant 0 : i32
    %dma_start3A_98 = arith.constant 0 : i32
    %dma_start3A_99 = arith.constant 0 : i32
    %dma_start3A_100 = tpu.memref_slice %arg7[%dma_start3A_97, %dma_start3A_98, %dma_start3A_99] : memref<5x64x128xf32, #tpu.memory_space<vmem>> -> memref<1x64x128xf32, #tpu.memory_space<vmem>>
    %dma_start3A_101 = tpu.memref_squeeze %dma_start3A_100 : memref<1x64x128xf32, #tpu.memory_space<vmem>> -> memref<64x128xf32, #tpu.memory_space<vmem>>
    %dma_start3A_102 = arith.constant 0 : i32
    %dma_start3A_103 = tpu.memref_slice %arg9[%add3A_96, %dma_start3A_102] : memref<10240x128xf32, #tpu.memory_space<vmem_shared>> -> memref<64x128xf32, #tpu.memory_space<vmem_shared>>
    %dma_start3A_104 = arith.constant 0 : i32
    %dma_start3A_105 = tpu.memref_slice %arg9[%add3A_96, %dma_start3A_104] : memref<10240x128xf32, #tpu.memory_space<vmem_shared>> -> memref<64x128xf32, #tpu.memory_space<vmem_shared>>
    %dma_start3A_106 = arith.constant 0 : i32
    %dma_start3A_107 = arith.constant 0 : i32
    %dma_start3A_108 = tpu.memref_slice %arg7[%dma_start3A_97, %dma_start3A_106, %dma_start3A_107] : memref<5x64x128xf32, #tpu.memory_space<vmem>> -> memref<1x64x128xf32, #tpu.memory_space<vmem>>
    %dma_start3A_109 = tpu.memref_squeeze %dma_start3A_108 : memref<1x64x128xf32, #tpu.memory_space<vmem>> -> memref<64x128xf32, #tpu.memory_space<vmem>>
    tpu.enqueue_dma source(%dma_start3A_109 : memref<64x128xf32, #tpu.memory_space<vmem>>) target(%dma_start3A_105 : memref<64x128xf32, #tpu.memory_space<vmem_shared>>) target_semaphore(%arg13 : memref<!tpu.dma_semaphore, #tpu.memory_space<semaphore_mem>>)
    %add3A_110 = arith.constant 320 : i32
    %add3A_111 = arith.addi %mul3A_35, %add3A_110 : i32
    %dma_start3A_112 = arith.constant 0 : i32
    %dma_start3A_113 = arith.constant 0 : i32
    %dma_start3A_114 = arith.constant 0 : i32
    %dma_start3A_115 = tpu.memref_slice %arg7[%dma_start3A_112, %dma_start3A_113, %dma_start3A_114] : memref<5x64x128xf32, #tpu.memory_space<vmem>> -> memref<1x64x128xf32, #tpu.memory_space<vmem>>
    %dma_start3A_116 = tpu.memref_squeeze %dma_start3A_115 : memref<1x64x128xf32, #tpu.memory_space<vmem>> -> memref<64x128xf32, #tpu.memory_space<vmem>>
    %dma_start3A_117 = arith.constant 0 : i32
    %dma_start3A_118 = tpu.memref_slice %arg9[%add3A_111, %dma_start3A_117] : memref<10240x128xf32, #tpu.memory_space<vmem_shared>> -> memref<64x128xf32, #tpu.memory_space<vmem_shared>>
    %dma_start3A_119 = arith.constant 0 : i32
    %dma_start3A_120 = tpu.memref_slice %arg9[%add3A_111, %dma_start3A_119] : memref<10240x128xf32, #tpu.memory_space<vmem_shared>> -> memref<64x128xf32, #tpu.memory_space<vmem_shared>>
    %dma_start3A_121 = arith.constant 0 : i32
    %dma_start3A_122 = arith.constant 0 : i32
    %dma_start3A_123 = tpu.memref_slice %arg7[%dma_start3A_112, %dma_start3A_121, %dma_start3A_122] : memref<5x64x128xf32, #tpu.memory_space<vmem>> -> memref<1x64x128xf32, #tpu.memory_space<vmem>>
    %dma_start3A_124 = tpu.memref_squeeze %dma_start3A_123 : memref<1x64x128xf32, #tpu.memory_space<vmem>> -> memref<64x128xf32, #tpu.memory_space<vmem>>
    tpu.enqueue_dma source(%dma_start3A_124 : memref<64x128xf32, #tpu.memory_space<vmem>>) target(%dma_start3A_120 : memref<64x128xf32, #tpu.memory_space<vmem_shared>>) target_semaphore(%arg13 : memref<!tpu.dma_semaphore, #tpu.memory_space<semaphore_mem>>)
    %add3A_125 = arith.constant 384 : i32
    %add3A_126 = arith.addi %mul3A_35, %add3A_125 : i32
    %dma_start3A_127 = arith.constant 0 : i32
    %dma_start3A_128 = arith.constant 0 : i32
    %dma_start3A_129 = arith.constant 0 : i32
    %dma_start3A_130 = tpu.memref_slice %arg7[%dma_start3A_127, %dma_start3A_128, %dma_start3A_129] : memref<5x64x128xf32, #tpu.memory_space<vmem>> -> memref<1x64x128xf32, #tpu.memory_space<vmem>>
    %dma_start3A_131 = tpu.memref_squeeze %dma_start3A_130 : memref<1x64x128xf32, #tpu.memory_space<vmem>> -> memref<64x128xf32, #tpu.memory_space<vmem>>
    %dma_start3A_132 = arith.constant 0 : i32
    %dma_start3A_133 = tpu.memref_slice %arg9[%add3A_126, %dma_start3A_132] : memref<10240x128xf32, #tpu.memory_space<vmem_shared>> -> memref<64x128xf32, #tpu.memory_space<vmem_shared>>
    %dma_start3A_134 = arith.constant 0 : i32
    %dma_start3A_135 = tpu.memref_slice %arg9[%add3A_126, %dma_start3A_134] : memref<10240x128xf32, #tpu.memory_space<vmem_shared>> -> memref<64x128xf32, #tpu.memory_space<vmem_shared>>
    %dma_start3A_136 = arith.constant 0 : i32
    %dma_start3A_137 = arith.constant 0 : i32
    %dma_start3A_138 = tpu.memref_slice %arg7[%dma_start3A_127, %dma_start3A_136, %dma_start3A_137] : memref<5x64x128xf32, #tpu.memory_space<vmem>> -> memref<1x64x128xf32, #tpu.memory_space<vmem>>
    %dma_start3A_139 = tpu.memref_squeeze %dma_start3A_138 : memref<1x64x128xf32, #tpu.memory_space<vmem>> -> memref<64x128xf32, #tpu.memory_space<vmem>>
    tpu.enqueue_dma source(%dma_start3A_139 : memref<64x128xf32, #tpu.memory_space<vmem>>) target(%dma_start3A_135 : memref<64x128xf32, #tpu.memory_space<vmem_shared>>) target_semaphore(%arg13 : memref<!tpu.dma_semaphore, #tpu.memory_space<semaphore_mem>>)
    %add3A_140 = arith.constant 448 : i32
    %add3A_141 = arith.addi %mul3A_35, %add3A_140 : i32
    %dma_start3A_142 = arith.constant 0 : i32
    %dma_start3A_143 = arith.constant 0 : i32
    %dma_start3A_144 = arith.constant 0 : i32
    %dma_start3A_145 = tpu.memref_slice %arg7[%dma_start3A_142, %dma_start3A_143, %dma_start3A_144] : memref<5x64x128xf32, #tpu.memory_space<vmem>> -> memref<1x64x128xf32, #tpu.memory_space<vmem>>
    %dma_start3A_146 = tpu.memref_squeeze %dma_start3A_145 : memref<1x64x128xf32, #tpu.memory_space<vmem>> -> memref<64x128xf32, #tpu.memory_space<vmem>>
    %dma_start3A_147 = arith.constant 0 : i32
    %dma_start3A_148 = tpu.memref_slice %arg9[%add3A_141, %dma_start3A_147] : memref<10240x128xf32, #tpu.memory_space<vmem_shared>> -> memref<64x128xf32, #tpu.memory_space<vmem_shared>>
    %dma_start3A_149 = arith.constant 0 : i32
    %dma_start3A_150 = tpu.memref_slice %arg9[%add3A_141, %dma_start3A_149] : memref<10240x128xf32, #tpu.memory_space<vmem_shared>> -> memref<64x128xf32, #tpu.memory_space<vmem_shared>>
    %dma_start3A_151 = arith.constant 0 : i32
    %dma_start3A_152 = arith.constant 0 : i32
    %dma_start3A_153 = tpu.memref_slice %arg7[%dma_start3A_142, %dma_start3A_151, %dma_start3A_152] : memref<5x64x128xf32, #tpu.memory_space<vmem>> -> memref<1x64x128xf32, #tpu.memory_space<vmem>>
    %dma_start3A_154 = tpu.memref_squeeze %dma_start3A_153 : memref<1x64x128xf32, #tpu.memory_space<vmem>> -> memref<64x128xf32, #tpu.memory_space<vmem>>
    tpu.enqueue_dma source(%dma_start3A_154 : memref<64x128xf32, #tpu.memory_space<vmem>>) target(%dma_start3A_150 : memref<64x128xf32, #tpu.memory_space<vmem_shared>>) target_semaphore(%arg13 : memref<!tpu.dma_semaphore, #tpu.memory_space<semaphore_mem>>)
    %add3A_155 = arith.constant 512 : i32
    %add3A_156 = arith.addi %mul3A_35, %add3A_155 : i32
    %dma_start3A_157 = arith.constant 0 : i32
    %dma_start3A_158 = arith.constant 0 : i32
    %dma_start3A_159 = arith.constant 0 : i32
    %dma_start3A_160 = tpu.memref_slice %arg7[%dma_start3A_157, %dma_start3A_158, %dma_start3A_159] : memref<5x64x128xf32, #tpu.memory_space<vmem>> -> memref<1x64x128xf32, #tpu.memory_space<vmem>>
    %dma_start3A_161 = tpu.memref_squeeze %dma_start3A_160 : memref<1x64x128xf32, #tpu.memory_space<vmem>> -> memref<64x128xf32, #tpu.memory_space<vmem>>
    %dma_start3A_162 = arith.constant 0 : i32
    %dma_start3A_163 = tpu.memref_slice %arg9[%add3A_156, %dma_start3A_162] : memref<10240x128xf32, #tpu.memory_space<vmem_shared>> -> memref<64x128xf32, #tpu.memory_space<vmem_shared>>
    %dma_start3A_164 = arith.constant 0 : i32
    %dma_start3A_165 = tpu.memref_slice %arg9[%add3A_156, %dma_start3A_164] : memref<10240x128xf32, #tpu.memory_space<vmem_shared>> -> memref<64x128xf32, #tpu.memory_space<vmem_shared>>
    %dma_start3A_166 = arith.constant 0 : i32
    %dma_start3A_167 = arith.constant 0 : i32
    %dma_start3A_168 = tpu.memref_slice %arg7[%dma_start3A_157, %dma_start3A_166, %dma_start3A_167] : memref<5x64x128xf32, #tpu.memory_space<vmem>> -> memref<1x64x128xf32, #tpu.memory_space<vmem>>
    %dma_start3A_169 = tpu.memref_squeeze %dma_start3A_168 : memref<1x64x128xf32, #tpu.memory_space<vmem>> -> memref<64x128xf32, #tpu.memory_space<vmem>>
    tpu.enqueue_dma source(%dma_start3A_169 : memref<64x128xf32, #tpu.memory_space<vmem>>) target(%dma_start3A_165 : memref<64x128xf32, #tpu.memory_space<vmem_shared>>) target_semaphore(%arg13 : memref<!tpu.dma_semaphore, #tpu.memory_space<semaphore_mem>>)
    %add3A_170 = arith.constant 576 : i32
    %add3A_171 = arith.addi %mul3A_35, %add3A_170 : i32
    %dma_start3A_172 = arith.constant 0 : i32
    %dma_start3A_173 = arith.constant 0 : i32
    %dma_start3A_174 = arith.constant 0 : i32
    %dma_start3A_175 = tpu.memref_slice %arg7[%dma_start3A_172, %dma_start3A_173, %dma_start3A_174] : memref<5x64x128xf32, #tpu.memory_space<vmem>> -> memref<1x64x128xf32, #tpu.memory_space<vmem>>
    %dma_start3A_176 = tpu.memref_squeeze %dma_start3A_175 : memref<1x64x128xf32, #tpu.memory_space<vmem>> -> memref<64x128xf32, #tpu.memory_space<vmem>>
    %dma_start3A_177 = arith.constant 0 : i32
    %dma_start3A_178 = tpu.memref_slice %arg9[%add3A_171, %dma_start3A_177] : memref<10240x128xf32, #tpu.memory_space<vmem_shared>> -> memref<64x128xf32, #tpu.memory_space<vmem_shared>>
    %dma_start3A_179 = arith.constant 0 : i32
    %dma_start3A_180 = tpu.memref_slice %arg9[%add3A_171, %dma_start3A_179] : memref<10240x128xf32, #tpu.memory_space<vmem_shared>> -> memref<64x128xf32, #tpu.memory_space<vmem_shared>>
    %dma_start3A_181 = arith.constant 0 : i32
    %dma_start3A_182 = arith.constant 0 : i32
    %dma_start3A_183 = tpu.memref_slice %arg7[%dma_start3A_172, %dma_start3A_181, %dma_start3A_182] : memref<5x64x128xf32, #tpu.memory_space<vmem>> -> memref<1x64x128xf32, #tpu.memory_space<vmem>>
    %dma_start3A_184 = tpu.memref_squeeze %dma_start3A_183 : memref<1x64x128xf32, #tpu.memory_space<vmem>> -> memref<64x128xf32, #tpu.memory_space<vmem>>
    tpu.enqueue_dma source(%dma_start3A_184 : memref<64x128xf32, #tpu.memory_space<vmem>>) target(%dma_start3A_180 : memref<64x128xf32, #tpu.memory_space<vmem_shared>>) target_semaphore(%arg13 : memref<!tpu.dma_semaphore, #tpu.memory_space<semaphore_mem>>)
    %add3A_185 = arith.constant 0 : i32
    %add3A_186 = arith.addi %mul3A_35, %add3A_185 : i32
    %dma_start3A_187 = arith.constant 0 : i32
    %dma_start3A_188 = arith.constant 0 : i32
    %dma_start3A_189 = arith.constant 0 : i32
    %dma_start3A_190 = tpu.memref_slice %arg7[%dma_start3A_187, %dma_start3A_188, %dma_start3A_189] : memref<5x64x128xf32, #tpu.memory_space<vmem>> -> memref<1x1x128xf32, #tpu.memory_space<vmem>>
    %dma_start3A_191 = tpu.memref_squeeze %dma_start3A_190 : memref<1x1x128xf32, #tpu.memory_space<vmem>> -> memref<128xf32, #tpu.memory_space<vmem>>
    %dma_start3A_192 = tpu.memref_slice %arg10[%add3A_186] : memref<10240xf32, #tpu.memory_space<vmem_shared>> -> memref<128xf32, #tpu.memory_space<vmem_shared>>
    %dma_start3A_193 = tpu.memref_slice %arg10[%add3A_186] : memref<10240xf32, #tpu.memory_space<vmem_shared>> -> memref<128xf32, #tpu.memory_space<vmem_shared>>
    %dma_start3A_194 = arith.constant 0 : i32
    %dma_start3A_195 = tpu.memref_slice %arg7[%dma_start3A_187, %dma_start3A_188, %dma_start3A_194] : memref<5x64x128xf32, #tpu.memory_space<vmem>> -> memref<1x1x128xf32, #tpu.memory_space<vmem>>
    %dma_start3A_196 = tpu.memref_squeeze %dma_start3A_195 : memref<1x1x128xf32, #tpu.memory_space<vmem>> -> memref<128xf32, #tpu.memory_space<vmem>>
    tpu.enqueue_dma source(%dma_start3A_196 : memref<128xf32, #tpu.memory_space<vmem>>) target(%dma_start3A_193 : memref<128xf32, #tpu.memory_space<vmem_shared>>) target_semaphore(%arg13 : memref<!tpu.dma_semaphore, #tpu.memory_space<semaphore_mem>>)
    %add3A_197 = arith.constant 128 : i32
    %add3A_198 = arith.addi %mul3A_35, %add3A_197 : i32
    %dma_start3A_199 = arith.constant 0 : i32
    %dma_start3A_200 = arith.constant 0 : i32
    %dma_start3A_201 = arith.constant 0 : i32
    %dma_start3A_202 = tpu.memref_slice %arg7[%dma_start3A_199, %dma_start3A_200, %dma_start3A_201] : memref<5x64x128xf32, #tpu.memory_space<vmem>> -> memref<1x1x128xf32, #tpu.memory_space<vmem>>
    %dma_start3A_203 = tpu.memref_squeeze %dma_start3A_202 : memref<1x1x128xf32, #tpu.memory_space<vmem>> -> memref<128xf32, #tpu.memory_space<vmem>>
    %dma_start3A_204 = tpu.memref_slice %arg10[%add3A_198] : memref<10240xf32, #tpu.memory_space<vmem_shared>> -> memref<128xf32, #tpu.memory_space<vmem_shared>>
    %dma_start3A_205 = tpu.memref_slice %arg10[%add3A_198] : memref<10240xf32, #tpu.memory_space<vmem_shared>> -> memref<128xf32, #tpu.memory_space<vmem_shared>>
    %dma_start3A_206 = arith.constant 0 : i32
    %dma_start3A_207 = tpu.memref_slice %arg7[%dma_start3A_199, %dma_start3A_200, %dma_start3A_206] : memref<5x64x128xf32, #tpu.memory_space<vmem>> -> memref<1x1x128xf32, #tpu.memory_space<vmem>>
    %dma_start3A_208 = tpu.memref_squeeze %dma_start3A_207 : memref<1x1x128xf32, #tpu.memory_space<vmem>> -> memref<128xf32, #tpu.memory_space<vmem>>
    tpu.enqueue_dma source(%dma_start3A_208 : memref<128xf32, #tpu.memory_space<vmem>>) target(%dma_start3A_205 : memref<128xf32, #tpu.memory_space<vmem_shared>>) target_semaphore(%arg13 : memref<!tpu.dma_semaphore, #tpu.memory_space<semaphore_mem>>)
    %add3A_209 = arith.constant 256 : i32
    %add3A_210 = arith.addi %mul3A_35, %add3A_209 : i32
    %dma_start3A_211 = arith.constant 0 : i32
    %dma_start3A_212 = arith.constant 0 : i32
    %dma_start3A_213 = arith.constant 0 : i32
    %dma_start3A_214 = tpu.memref_slice %arg7[%dma_start3A_211, %dma_start3A_212, %dma_start3A_213] : memref<5x64x128xf32, #tpu.memory_space<vmem>> -> memref<1x1x128xf32, #tpu.memory_space<vmem>>
    %dma_start3A_215 = tpu.memref_squeeze %dma_start3A_214 : memref<1x1x128xf32, #tpu.memory_space<vmem>> -> memref<128xf32, #tpu.memory_space<vmem>>
    %dma_start3A_216 = tpu.memref_slice %arg10[%add3A_210] : memref<10240xf32, #tpu.memory_space<vmem_shared>> -> memref<128xf32, #tpu.memory_space<vmem_shared>>
    %dma_start3A_217 = tpu.memref_slice %arg10[%add3A_210] : memref<10240xf32, #tpu.memory_space<vmem_shared>> -> memref<128xf32, #tpu.memory_space<vmem_shared>>
    %dma_start3A_218 = arith.constant 0 : i32
    %dma_start3A_219 = tpu.memref_slice %arg7[%dma_start3A_211, %dma_start3A_212, %dma_start3A_218] : memref<5x64x128xf32, #tpu.memory_space<vmem>> -> memref<1x1x128xf32, #tpu.memory_space<vmem>>
    %dma_start3A_220 = tpu.memref_squeeze %dma_start3A_219 : memref<1x1x128xf32, #tpu.memory_space<vmem>> -> memref<128xf32, #tpu.memory_space<vmem>>
    tpu.enqueue_dma source(%dma_start3A_220 : memref<128xf32, #tpu.memory_space<vmem>>) target(%dma_start3A_217 : memref<128xf32, #tpu.memory_space<vmem_shared>>) target_semaphore(%arg13 : memref<!tpu.dma_semaphore, #tpu.memory_space<semaphore_mem>>)
    %add3A_221 = arith.constant 384 : i32
    %add3A_222 = arith.addi %mul3A_35, %add3A_221 : i32
    %dma_start3A_223 = arith.constant 0 : i32
    %dma_start3A_224 = arith.constant 0 : i32
    %dma_start3A_225 = arith.constant 0 : i32
    %dma_start3A_226 = tpu.memref_slice %arg7[%dma_start3A_223, %dma_start3A_224, %dma_start3A_225] : memref<5x64x128xf32, #tpu.memory_space<vmem>> -> memref<1x1x128xf32, #tpu.memory_space<vmem>>
    %dma_start3A_227 = tpu.memref_squeeze %dma_start3A_226 : memref<1x1x128xf32, #tpu.memory_space<vmem>> -> memref<128xf32, #tpu.memory_space<vmem>>
    %dma_start3A_228 = tpu.memref_slice %arg10[%add3A_222] : memref<10240xf32, #tpu.memory_space<vmem_shared>> -> memref<128xf32, #tpu.memory_space<vmem_shared>>
    %dma_start3A_229 = tpu.memref_slice %arg10[%add3A_222] : memref<10240xf32, #tpu.memory_space<vmem_shared>> -> memref<128xf32, #tpu.memory_space<vmem_shared>>
    %dma_start3A_230 = arith.constant 0 : i32
    %dma_start3A_231 = tpu.memref_slice %arg7[%dma_start3A_223, %dma_start3A_224, %dma_start3A_230] : memref<5x64x128xf32, #tpu.memory_space<vmem>> -> memref<1x1x128xf32, #tpu.memory_space<vmem>>
    %dma_start3A_232 = tpu.memref_squeeze %dma_start3A_231 : memref<1x1x128xf32, #tpu.memory_space<vmem>> -> memref<128xf32, #tpu.memory_space<vmem>>
    tpu.enqueue_dma source(%dma_start3A_232 : memref<128xf32, #tpu.memory_space<vmem>>) target(%dma_start3A_229 : memref<128xf32, #tpu.memory_space<vmem_shared>>) target_semaphore(%arg13 : memref<!tpu.dma_semaphore, #tpu.memory_space<semaphore_mem>>)
    %add3A_233 = arith.constant 512 : i32
    %add3A_234 = arith.addi %mul3A_35, %add3A_233 : i32
    %dma_start3A_235 = arith.constant 0 : i32
    %dma_start3A_236 = arith.constant 0 : i32
    %dma_start3A_237 = arith.constant 0 : i32
    %dma_start3A_238 = tpu.memref_slice %arg7[%dma_start3A_235, %dma_start3A_236, %dma_start3A_237] : memref<5x64x128xf32, #tpu.memory_space<vmem>> -> memref<1x1x128xf32, #tpu.memory_space<vmem>>
    %dma_start3A_239 = tpu.memref_squeeze %dma_start3A_238 : memref<1x1x128xf32, #tpu.memory_space<vmem>> -> memref<128xf32, #tpu.memory_space<vmem>>
    %dma_start3A_240 = tpu.memref_slice %arg10[%add3A_234] : memref<10240xf32, #tpu.memory_space<vmem_shared>> -> memref<128xf32, #tpu.memory_space<vmem_shared>>
    %dma_start3A_241 = tpu.memref_slice %arg10[%add3A_234] : memref<10240xf32, #tpu.memory_space<vmem_shared>> -> memref<128xf32, #tpu.memory_space<vmem_shared>>
    %dma_start3A_242 = arith.constant 0 : i32
    %dma_start3A_243 = tpu.memref_slice %arg7[%dma_start3A_235, %dma_start3A_236, %dma_start3A_242] : memref<5x64x128xf32, #tpu.memory_space<vmem>> -> memref<1x1x128xf32, #tpu.memory_space<vmem>>
    %dma_start3A_244 = tpu.memref_squeeze %dma_start3A_243 : memref<1x1x128xf32, #tpu.memory_space<vmem>> -> memref<128xf32, #tpu.memory_space<vmem>>
    tpu.enqueue_dma source(%dma_start3A_244 : memref<128xf32, #tpu.memory_space<vmem>>) target(%dma_start3A_241 : memref<128xf32, #tpu.memory_space<vmem_shared>>) target_semaphore(%arg13 : memref<!tpu.dma_semaphore, #tpu.memory_space<semaphore_mem>>)
    %dma_wait3A = arith.constant 0 : i32
    %dma_wait3A_245 = arith.constant 0 : i32
    %dma_wait3A_246 = arith.constant 0 : i32
    %dma_wait3A_247 = tpu.memref_slice %arg7[%dma_wait3A, %dma_wait3A_245, %dma_wait3A_246] : memref<5x64x128xf32, #tpu.memory_space<vmem>> -> memref<1x64x128xf32, #tpu.memory_space<vmem>>
    %dma_wait3A_248 = tpu.memref_squeeze %dma_wait3A_247 : memref<1x64x128xf32, #tpu.memory_space<vmem>> -> memref<64x128xf32, #tpu.memory_space<vmem>>
    %dma_wait3A_249 = arith.constant 0 : i32
    %dma_wait3A_250 = tpu.memref_slice %arg9[%mul3A_35, %dma_wait3A_249] : memref<10240x128xf32, #tpu.memory_space<vmem_shared>> -> memref<64x128xf32, #tpu.memory_space<vmem_shared>>
    %dma_wait3A_251 = arith.constant 0 : i32
    %dma_wait3A_252 = tpu.memref_slice %arg9[%mul3A_35, %dma_wait3A_251] : memref<10240x128xf32, #tpu.memory_space<vmem_shared>> -> memref<64x128xf32, #tpu.memory_space<vmem_shared>>
    %dma_wait3A_253 = arith.constant 0 : i32
    %dma_wait3A_254 = arith.constant 0 : i32
    %dma_wait3A_255 = tpu.memref_slice %arg7[%dma_wait3A, %dma_wait3A_253, %dma_wait3A_254] : memref<5x64x128xf32, #tpu.memory_space<vmem>> -> memref<1x64x128xf32, #tpu.memory_space<vmem>>
    %dma_wait3A_256 = tpu.memref_squeeze %dma_wait3A_255 : memref<1x64x128xf32, #tpu.memory_space<vmem>> -> memref<64x128xf32, #tpu.memory_space<vmem>>
    tpu.wait_dma2 semaphore(%arg13 : memref<!tpu.dma_semaphore, #tpu.memory_space<semaphore_mem>>) src(%dma_wait3A_256 : memref<64x128xf32, #tpu.memory_space<vmem>>) dst(%dma_wait3A_252 : memref<64x128xf32, #tpu.memory_space<vmem_shared>>)
    %dma_wait3A_257 = arith.constant 0 : i32
    %dma_wait3A_258 = arith.constant 0 : i32
    %dma_wait3A_259 = arith.constant 0 : i32
    %dma_wait3A_260 = tpu.memref_slice %arg7[%dma_wait3A_257, %dma_wait3A_258, %dma_wait3A_259] : memref<5x64x128xf32, #tpu.memory_space<vmem>> -> memref<1x64x128xf32, #tpu.memory_space<vmem>>
    %dma_wait3A_261 = tpu.memref_squeeze %dma_wait3A_260 : memref<1x64x128xf32, #tpu.memory_space<vmem>> -> memref<64x128xf32, #tpu.memory_space<vmem>>
    %dma_wait3A_262 = arith.constant 0 : i32
    %dma_wait3A_263 = tpu.memref_slice %arg9[%mul3A_35, %dma_wait3A_262] : memref<10240x128xf32, #tpu.memory_space<vmem_shared>> -> memref<64x128xf32, #tpu.memory_space<vmem_shared>>
    %dma_wait3A_264 = arith.constant 0 : i32
    %dma_wait3A_265 = tpu.memref_slice %arg9[%mul3A_35, %dma_wait3A_264] : memref<10240x128xf32, #tpu.memory_space<vmem_shared>> -> memref<64x128xf32, #tpu.memory_space<vmem_shared>>
    %dma_wait3A_266 = arith.constant 0 : i32
    %dma_wait3A_267 = arith.constant 0 : i32
    %dma_wait3A_268 = tpu.memref_slice %arg7[%dma_wait3A_257, %dma_wait3A_266, %dma_wait3A_267] : memref<5x64x128xf32, #tpu.memory_space<vmem>> -> memref<1x64x128xf32, #tpu.memory_space<vmem>>
    %dma_wait3A_269 = tpu.memref_squeeze %dma_wait3A_268 : memref<1x64x128xf32, #tpu.memory_space<vmem>> -> memref<64x128xf32, #tpu.memory_space<vmem>>
    tpu.wait_dma2 semaphore(%arg13 : memref<!tpu.dma_semaphore, #tpu.memory_space<semaphore_mem>>) src(%dma_wait3A_269 : memref<64x128xf32, #tpu.memory_space<vmem>>) dst(%dma_wait3A_265 : memref<64x128xf32, #tpu.memory_space<vmem_shared>>)
    %dma_wait3A_270 = arith.constant 0 : i32
    %dma_wait3A_271 = arith.constant 0 : i32
    %dma_wait3A_272 = arith.constant 0 : i32
    %dma_wait3A_273 = tpu.memref_slice %arg7[%dma_wait3A_270, %dma_wait3A_271, %dma_wait3A_272] : memref<5x64x128xf32, #tpu.memory_space<vmem>> -> memref<1x64x128xf32, #tpu.memory_space<vmem>>
    %dma_wait3A_274 = tpu.memref_squeeze %dma_wait3A_273 : memref<1x64x128xf32, #tpu.memory_space<vmem>> -> memref<64x128xf32, #tpu.memory_space<vmem>>
    %dma_wait3A_275 = arith.constant 0 : i32
    %dma_wait3A_276 = tpu.memref_slice %arg9[%mul3A_35, %dma_wait3A_275] : memref<10240x128xf32, #tpu.memory_space<vmem_shared>> -> memref<64x128xf32, #tpu.memory_space<vmem_shared>>
    %dma_wait3A_277 = arith.constant 0 : i32
    %dma_wait3A_278 = tpu.memref_slice %arg9[%mul3A_35, %dma_wait3A_277] : memref<10240x128xf32, #tpu.memory_space<vmem_shared>> -> memref<64x128xf32, #tpu.memory_space<vmem_shared>>
    %dma_wait3A_279 = arith.constant 0 : i32
    %dma_wait3A_280 = arith.constant 0 : i32
    %dma_wait3A_281 = tpu.memref_slice %arg7[%dma_wait3A_270, %dma_wait3A_279, %dma_wait3A_280] : memref<5x64x128xf32, #tpu.memory_space<vmem>> -> memref<1x64x128xf32, #tpu.memory_space<vmem>>
    %dma_wait3A_282 = tpu.memref_squeeze %dma_wait3A_281 : memref<1x64x128xf32, #tpu.memory_space<vmem>> -> memref<64x128xf32, #tpu.memory_space<vmem>>
    tpu.wait_dma2 semaphore(%arg13 : memref<!tpu.dma_semaphore, #tpu.memory_space<semaphore_mem>>) src(%dma_wait3A_282 : memref<64x128xf32, #tpu.memory_space<vmem>>) dst(%dma_wait3A_278 : memref<64x128xf32, #tpu.memory_space<vmem_shared>>)
    %dma_wait3A_283 = arith.constant 0 : i32
    %dma_wait3A_284 = arith.constant 0 : i32
    %dma_wait3A_285 = arith.constant 0 : i32
    %dma_wait3A_286 = tpu.memref_slice %arg7[%dma_wait3A_283, %dma_wait3A_284, %dma_wait3A_285] : memref<5x64x128xf32, #tpu.memory_space<vmem>> -> memref<1x64x128xf32, #tpu.memory_space<vmem>>
    %dma_wait3A_287 = tpu.memref_squeeze %dma_wait3A_286 : memref<1x64x128xf32, #tpu.memory_space<vmem>> -> memref<64x128xf32, #tpu.memory_space<vmem>>
    %dma_wait3A_288 = arith.constant 0 : i32
    %dma_wait3A_289 = tpu.memref_slice %arg9[%mul3A_35, %dma_wait3A_288] : memref<10240x128xf32, #tpu.memory_space<vmem_shared>> -> memref<64x128xf32, #tpu.memory_space<vmem_shared>>
    %dma_wait3A_290 = arith.constant 0 : i32
    %dma_wait3A_291 = tpu.memref_slice %arg9[%mul3A_35, %dma_wait3A_290] : memref<10240x128xf32, #tpu.memory_space<vmem_shared>> -> memref<64x128xf32, #tpu.memory_space<vmem_shared>>
    %dma_wait3A_292 = arith.constant 0 : i32
    %dma_wait3A_293 = arith.constant 0 : i32
    %dma_wait3A_294 = tpu.memref_slice %arg7[%dma_wait3A_283, %dma_wait3A_292, %dma_wait3A_293] : memref<5x64x128xf32, #tpu.memory_space<vmem>> -> memref<1x64x128xf32, #tpu.memory_space<vmem>>
    %dma_wait3A_295 = tpu.memref_squeeze %dma_wait3A_294 : memref<1x64x128xf32, #tpu.memory_space<vmem>> -> memref<64x128xf32, #tpu.memory_space<vmem>>
    tpu.wait_dma2 semaphore(%arg13 : memref<!tpu.dma_semaphore, #tpu.memory_space<semaphore_mem>>) src(%dma_wait3A_295 : memref<64x128xf32, #tpu.memory_space<vmem>>) dst(%dma_wait3A_291 : memref<64x128xf32, #tpu.memory_space<vmem_shared>>)
    %dma_wait3A_296 = arith.constant 0 : i32
    %dma_wait3A_297 = arith.constant 0 : i32
    %dma_wait3A_298 = arith.constant 0 : i32
    %dma_wait3A_299 = tpu.memref_slice %arg7[%dma_wait3A_296, %dma_wait3A_297, %dma_wait3A_298] : memref<5x64x128xf32, #tpu.memory_space<vmem>> -> memref<1x64x128xf32, #tpu.memory_space<vmem>>
    %dma_wait3A_300 = tpu.memref_squeeze %dma_wait3A_299 : memref<1x64x128xf32, #tpu.memory_space<vmem>> -> memref<64x128xf32, #tpu.memory_space<vmem>>
    %dma_wait3A_301 = arith.constant 0 : i32
    %dma_wait3A_302 = tpu.memref_slice %arg9[%mul3A_35, %dma_wait3A_301] : memref<10240x128xf32, #tpu.memory_space<vmem_shared>> -> memref<64x128xf32, #tpu.memory_space<vmem_shared>>
    %dma_wait3A_303 = arith.constant 0 : i32
    %dma_wait3A_304 = tpu.memref_slice %arg9[%mul3A_35, %dma_wait3A_303] : memref<10240x128xf32, #tpu.memory_space<vmem_shared>> -> memref<64x128xf32, #tpu.memory_space<vmem_shared>>
    %dma_wait3A_305 = arith.constant 0 : i32
    %dma_wait3A_306 = arith.constant 0 : i32
    %dma_wait3A_307 = tpu.memref_slice %arg7[%dma_wait3A_296, %dma_wait3A_305, %dma_wait3A_306] : memref<5x64x128xf32, #tpu.memory_space<vmem>> -> memref<1x64x128xf32, #tpu.memory_space<vmem>>
    %dma_wait3A_308 = tpu.memref_squeeze %dma_wait3A_307 : memref<1x64x128xf32, #tpu.memory_space<vmem>> -> memref<64x128xf32, #tpu.memory_space<vmem>>
    tpu.wait_dma2 semaphore(%arg13 : memref<!tpu.dma_semaphore, #tpu.memory_space<semaphore_mem>>) src(%dma_wait3A_308 : memref<64x128xf32, #tpu.memory_space<vmem>>) dst(%dma_wait3A_304 : memref<64x128xf32, #tpu.memory_space<vmem_shared>>)
    %dma_wait3A_309 = arith.constant 0 : i32
    %dma_wait3A_310 = arith.constant 0 : i32
    %dma_wait3A_311 = arith.constant 0 : i32
    %dma_wait3A_312 = tpu.memref_slice %arg7[%dma_wait3A_309, %dma_wait3A_310, %dma_wait3A_311] : memref<5x64x128xf32, #tpu.memory_space<vmem>> -> memref<1x64x128xf32, #tpu.memory_space<vmem>>
    %dma_wait3A_313 = tpu.memref_squeeze %dma_wait3A_312 : memref<1x64x128xf32, #tpu.memory_space<vmem>> -> memref<64x128xf32, #tpu.memory_space<vmem>>
    %dma_wait3A_314 = arith.constant 0 : i32
    %dma_wait3A_315 = tpu.memref_slice %arg9[%mul3A_35, %dma_wait3A_314] : memref<10240x128xf32, #tpu.memory_space<vmem_shared>> -> memref<64x128xf32, #tpu.memory_space<vmem_shared>>
    %dma_wait3A_316 = arith.constant 0 : i32
    %dma_wait3A_317 = tpu.memref_slice %arg9[%mul3A_35, %dma_wait3A_316] : memref<10240x128xf32, #tpu.memory_space<vmem_shared>> -> memref<64x128xf32, #tpu.memory_space<vmem_shared>>
    %dma_wait3A_318 = arith.constant 0 : i32
    %dma_wait3A_319 = arith.constant 0 : i32
    %dma_wait3A_320 = tpu.memref_slice %arg7[%dma_wait3A_309, %dma_wait3A_318, %dma_wait3A_319] : memref<5x64x128xf32, #tpu.memory_space<vmem>> -> memref<1x64x128xf32, #tpu.memory_space<vmem>>
    %dma_wait3A_321 = tpu.memref_squeeze %dma_wait3A_320 : memref<1x64x128xf32, #tpu.memory_space<vmem>> -> memref<64x128xf32, #tpu.memory_space<vmem>>
    tpu.wait_dma2 semaphore(%arg13 : memref<!tpu.dma_semaphore, #tpu.memory_space<semaphore_mem>>) src(%dma_wait3A_321 : memref<64x128xf32, #tpu.memory_space<vmem>>) dst(%dma_wait3A_317 : memref<64x128xf32, #tpu.memory_space<vmem_shared>>)
    %dma_wait3A_322 = arith.constant 0 : i32
    %dma_wait3A_323 = arith.constant 0 : i32
    %dma_wait3A_324 = arith.constant 0 : i32
    %dma_wait3A_325 = tpu.memref_slice %arg7[%dma_wait3A_322, %dma_wait3A_323, %dma_wait3A_324] : memref<5x64x128xf32, #tpu.memory_space<vmem>> -> memref<1x64x128xf32, #tpu.memory_space<vmem>>
    %dma_wait3A_326 = tpu.memref_squeeze %dma_wait3A_325 : memref<1x64x128xf32, #tpu.memory_space<vmem>> -> memref<64x128xf32, #tpu.memory_space<vmem>>
    %dma_wait3A_327 = arith.constant 0 : i32
    %dma_wait3A_328 = tpu.memref_slice %arg9[%mul3A_35, %dma_wait3A_327] : memref<10240x128xf32, #tpu.memory_space<vmem_shared>> -> memref<64x128xf32, #tpu.memory_space<vmem_shared>>
    %dma_wait3A_329 = arith.constant 0 : i32
    %dma_wait3A_330 = tpu.memref_slice %arg9[%mul3A_35, %dma_wait3A_329] : memref<10240x128xf32, #tpu.memory_space<vmem_shared>> -> memref<64x128xf32, #tpu.memory_space<vmem_shared>>
    %dma_wait3A_331 = arith.constant 0 : i32
    %dma_wait3A_332 = arith.constant 0 : i32
    %dma_wait3A_333 = tpu.memref_slice %arg7[%dma_wait3A_322, %dma_wait3A_331, %dma_wait3A_332] : memref<5x64x128xf32, #tpu.memory_space<vmem>> -> memref<1x64x128xf32, #tpu.memory_space<vmem>>
    %dma_wait3A_334 = tpu.memref_squeeze %dma_wait3A_333 : memref<1x64x128xf32, #tpu.memory_space<vmem>> -> memref<64x128xf32, #tpu.memory_space<vmem>>
    tpu.wait_dma2 semaphore(%arg13 : memref<!tpu.dma_semaphore, #tpu.memory_space<semaphore_mem>>) src(%dma_wait3A_334 : memref<64x128xf32, #tpu.memory_space<vmem>>) dst(%dma_wait3A_330 : memref<64x128xf32, #tpu.memory_space<vmem_shared>>)
    %dma_wait3A_335 = arith.constant 0 : i32
    %dma_wait3A_336 = arith.constant 0 : i32
    %dma_wait3A_337 = arith.constant 0 : i32
    %dma_wait3A_338 = tpu.memref_slice %arg7[%dma_wait3A_335, %dma_wait3A_336, %dma_wait3A_337] : memref<5x64x128xf32, #tpu.memory_space<vmem>> -> memref<1x64x128xf32, #tpu.memory_space<vmem>>
    %dma_wait3A_339 = tpu.memref_squeeze %dma_wait3A_338 : memref<1x64x128xf32, #tpu.memory_space<vmem>> -> memref<64x128xf32, #tpu.memory_space<vmem>>
    %dma_wait3A_340 = arith.constant 0 : i32
    %dma_wait3A_341 = tpu.memref_slice %arg9[%mul3A_35, %dma_wait3A_340] : memref<10240x128xf32, #tpu.memory_space<vmem_shared>> -> memref<64x128xf32, #tpu.memory_space<vmem_shared>>
    %dma_wait3A_342 = arith.constant 0 : i32
    %dma_wait3A_343 = tpu.memref_slice %arg9[%mul3A_35, %dma_wait3A_342] : memref<10240x128xf32, #tpu.memory_space<vmem_shared>> -> memref<64x128xf32, #tpu.memory_space<vmem_shared>>
    %dma_wait3A_344 = arith.constant 0 : i32
    %dma_wait3A_345 = arith.constant 0 : i32
    %dma_wait3A_346 = tpu.memref_slice %arg7[%dma_wait3A_335, %dma_wait3A_344, %dma_wait3A_345] : memref<5x64x128xf32, #tpu.memory_space<vmem>> -> memref<1x64x128xf32, #tpu.memory_space<vmem>>
    %dma_wait3A_347 = tpu.memref_squeeze %dma_wait3A_346 : memref<1x64x128xf32, #tpu.memory_space<vmem>> -> memref<64x128xf32, #tpu.memory_space<vmem>>
    tpu.wait_dma2 semaphore(%arg13 : memref<!tpu.dma_semaphore, #tpu.memory_space<semaphore_mem>>) src(%dma_wait3A_347 : memref<64x128xf32, #tpu.memory_space<vmem>>) dst(%dma_wait3A_343 : memref<64x128xf32, #tpu.memory_space<vmem_shared>>)
    %dma_wait3A_348 = arith.constant 0 : i32
    %dma_wait3A_349 = arith.constant 0 : i32
    %dma_wait3A_350 = arith.constant 0 : i32
    %dma_wait3A_351 = tpu.memref_slice %arg7[%dma_wait3A_348, %dma_wait3A_349, %dma_wait3A_350] : memref<5x64x128xf32, #tpu.memory_space<vmem>> -> memref<1x64x128xf32, #tpu.memory_space<vmem>>
    %dma_wait3A_352 = tpu.memref_squeeze %dma_wait3A_351 : memref<1x64x128xf32, #tpu.memory_space<vmem>> -> memref<64x128xf32, #tpu.memory_space<vmem>>
    %dma_wait3A_353 = arith.constant 0 : i32
    %dma_wait3A_354 = tpu.memref_slice %arg9[%mul3A_35, %dma_wait3A_353] : memref<10240x128xf32, #tpu.memory_space<vmem_shared>> -> memref<64x128xf32, #tpu.memory_space<vmem_shared>>
    %dma_wait3A_355 = arith.constant 0 : i32
    %dma_wait3A_356 = tpu.memref_slice %arg9[%mul3A_35, %dma_wait3A_355] : memref<10240x128xf32, #tpu.memory_space<vmem_shared>> -> memref<64x128xf32, #tpu.memory_space<vmem_shared>>
    %dma_wait3A_357 = arith.constant 0 : i32
    %dma_wait3A_358 = arith.constant 0 : i32
    %dma_wait3A_359 = tpu.memref_slice %arg7[%dma_wait3A_348, %dma_wait3A_357, %dma_wait3A_358] : memref<5x64x128xf32, #tpu.memory_space<vmem>> -> memref<1x64x128xf32, #tpu.memory_space<vmem>>
    %dma_wait3A_360 = tpu.memref_squeeze %dma_wait3A_359 : memref<1x64x128xf32, #tpu.memory_space<vmem>> -> memref<64x128xf32, #tpu.memory_space<vmem>>
    tpu.wait_dma2 semaphore(%arg13 : memref<!tpu.dma_semaphore, #tpu.memory_space<semaphore_mem>>) src(%dma_wait3A_360 : memref<64x128xf32, #tpu.memory_space<vmem>>) dst(%dma_wait3A_356 : memref<64x128xf32, #tpu.memory_space<vmem_shared>>)
    %dma_wait3A_361 = arith.constant 0 : i32
    %dma_wait3A_362 = arith.constant 0 : i32
    %dma_wait3A_363 = arith.constant 0 : i32
    %dma_wait3A_364 = tpu.memref_slice %arg7[%dma_wait3A_361, %dma_wait3A_362, %dma_wait3A_363] : memref<5x64x128xf32, #tpu.memory_space<vmem>> -> memref<1x64x128xf32, #tpu.memory_space<vmem>>
    %dma_wait3A_365 = tpu.memref_squeeze %dma_wait3A_364 : memref<1x64x128xf32, #tpu.memory_space<vmem>> -> memref<64x128xf32, #tpu.memory_space<vmem>>
    %dma_wait3A_366 = arith.constant 0 : i32
    %dma_wait3A_367 = tpu.memref_slice %arg9[%mul3A_35, %dma_wait3A_366] : memref<10240x128xf32, #tpu.memory_space<vmem_shared>> -> memref<64x128xf32, #tpu.memory_space<vmem_shared>>
    %dma_wait3A_368 = arith.constant 0 : i32
    %dma_wait3A_369 = tpu.memref_slice %arg9[%mul3A_35, %dma_wait3A_368] : memref<10240x128xf32, #tpu.memory_space<vmem_shared>> -> memref<64x128xf32, #tpu.memory_space<vmem_shared>>
    %dma_wait3A_370 = arith.constant 0 : i32
    %dma_wait3A_371 = arith.constant 0 : i32
    %dma_wait3A_372 = tpu.memref_slice %arg7[%dma_wait3A_361, %dma_wait3A_370, %dma_wait3A_371] : memref<5x64x128xf32, #tpu.memory_space<vmem>> -> memref<1x64x128xf32, #tpu.memory_space<vmem>>
    %dma_wait3A_373 = tpu.memref_squeeze %dma_wait3A_372 : memref<1x64x128xf32, #tpu.memory_space<vmem>> -> memref<64x128xf32, #tpu.memory_space<vmem>>
    tpu.wait_dma2 semaphore(%arg13 : memref<!tpu.dma_semaphore, #tpu.memory_space<semaphore_mem>>) src(%dma_wait3A_373 : memref<64x128xf32, #tpu.memory_space<vmem>>) dst(%dma_wait3A_369 : memref<64x128xf32, #tpu.memory_space<vmem_shared>>)
    %dma_wait3A_374 = arith.constant 0 : i32
    %dma_wait3A_375 = arith.constant 0 : i32
    %dma_wait3A_376 = arith.constant 0 : i32
    %dma_wait3A_377 = tpu.memref_slice %arg7[%dma_wait3A_374, %dma_wait3A_375, %dma_wait3A_376] : memref<5x64x128xf32, #tpu.memory_space<vmem>> -> memref<1x1x128xf32, #tpu.memory_space<vmem>>
    %dma_wait3A_378 = tpu.memref_squeeze %dma_wait3A_377 : memref<1x1x128xf32, #tpu.memory_space<vmem>> -> memref<128xf32, #tpu.memory_space<vmem>>
    %dma_wait3A_379 = tpu.memref_slice %arg10[%mul3A_35] : memref<10240xf32, #tpu.memory_space<vmem_shared>> -> memref<128xf32, #tpu.memory_space<vmem_shared>>
    %dma_wait3A_380 = tpu.memref_slice %arg10[%mul3A_35] : memref<10240xf32, #tpu.memory_space<vmem_shared>> -> memref<128xf32, #tpu.memory_space<vmem_shared>>
    %dma_wait3A_381 = arith.constant 0 : i32
    %dma_wait3A_382 = tpu.memref_slice %arg7[%dma_wait3A_374, %dma_wait3A_375, %dma_wait3A_381] : memref<5x64x128xf32, #tpu.memory_space<vmem>> -> memref<1x1x128xf32, #tpu.memory_space<vmem>>
    %dma_wait3A_383 = tpu.memref_squeeze %dma_wait3A_382 : memref<1x1x128xf32, #tpu.memory_space<vmem>> -> memref<128xf32, #tpu.memory_space<vmem>>
    tpu.wait_dma2 semaphore(%arg13 : memref<!tpu.dma_semaphore, #tpu.memory_space<semaphore_mem>>) src(%dma_wait3A_383 : memref<128xf32, #tpu.memory_space<vmem>>) dst(%dma_wait3A_380 : memref<128xf32, #tpu.memory_space<vmem_shared>>)
    %dma_wait3A_384 = arith.constant 0 : i32
    %dma_wait3A_385 = arith.constant 0 : i32
    %dma_wait3A_386 = arith.constant 0 : i32
    %dma_wait3A_387 = tpu.memref_slice %arg7[%dma_wait3A_384, %dma_wait3A_385, %dma_wait3A_386] : memref<5x64x128xf32, #tpu.memory_space<vmem>> -> memref<1x1x128xf32, #tpu.memory_space<vmem>>
    %dma_wait3A_388 = tpu.memref_squeeze %dma_wait3A_387 : memref<1x1x128xf32, #tpu.memory_space<vmem>> -> memref<128xf32, #tpu.memory_space<vmem>>
    %dma_wait3A_389 = tpu.memref_slice %arg10[%mul3A_35] : memref<10240xf32, #tpu.memory_space<vmem_shared>> -> memref<128xf32, #tpu.memory_space<vmem_shared>>
    %dma_wait3A_390 = tpu.memref_slice %arg10[%mul3A_35] : memref<10240xf32, #tpu.memory_space<vmem_shared>> -> memref<128xf32, #tpu.memory_space<vmem_shared>>
    %dma_wait3A_391 = arith.constant 0 : i32
    %dma_wait3A_392 = tpu.memref_slice %arg7[%dma_wait3A_384, %dma_wait3A_385, %dma_wait3A_391] : memref<5x64x128xf32, #tpu.memory_space<vmem>> -> memref<1x1x128xf32, #tpu.memory_space<vmem>>
    %dma_wait3A_393 = tpu.memref_squeeze %dma_wait3A_392 : memref<1x1x128xf32, #tpu.memory_space<vmem>> -> memref<128xf32, #tpu.memory_space<vmem>>
    tpu.wait_dma2 semaphore(%arg13 : memref<!tpu.dma_semaphore, #tpu.memory_space<semaphore_mem>>) src(%dma_wait3A_393 : memref<128xf32, #tpu.memory_space<vmem>>) dst(%dma_wait3A_390 : memref<128xf32, #tpu.memory_space<vmem_shared>>)
    %dma_wait3A_394 = arith.constant 0 : i32
    %dma_wait3A_395 = arith.constant 0 : i32
    %dma_wait3A_396 = arith.constant 0 : i32
    %dma_wait3A_397 = tpu.memref_slice %arg7[%dma_wait3A_394, %dma_wait3A_395, %dma_wait3A_396] : memref<5x64x128xf32, #tpu.memory_space<vmem>> -> memref<1x1x128xf32, #tpu.memory_space<vmem>>
    %dma_wait3A_398 = tpu.memref_squeeze %dma_wait3A_397 : memref<1x1x128xf32, #tpu.memory_space<vmem>> -> memref<128xf32, #tpu.memory_space<vmem>>
    %dma_wait3A_399 = tpu.memref_slice %arg10[%mul3A_35] : memref<10240xf32, #tpu.memory_space<vmem_shared>> -> memref<128xf32, #tpu.memory_space<vmem_shared>>
    %dma_wait3A_400 = tpu.memref_slice %arg10[%mul3A_35] : memref<10240xf32, #tpu.memory_space<vmem_shared>> -> memref<128xf32, #tpu.memory_space<vmem_shared>>
    %dma_wait3A_401 = arith.constant 0 : i32
    %dma_wait3A_402 = tpu.memref_slice %arg7[%dma_wait3A_394, %dma_wait3A_395, %dma_wait3A_401] : memref<5x64x128xf32, #tpu.memory_space<vmem>> -> memref<1x1x128xf32, #tpu.memory_space<vmem>>
    %dma_wait3A_403 = tpu.memref_squeeze %dma_wait3A_402 : memref<1x1x128xf32, #tpu.memory_space<vmem>> -> memref<128xf32, #tpu.memory_space<vmem>>
    tpu.wait_dma2 semaphore(%arg13 : memref<!tpu.dma_semaphore, #tpu.memory_space<semaphore_mem>>) src(%dma_wait3A_403 : memref<128xf32, #tpu.memory_space<vmem>>) dst(%dma_wait3A_400 : memref<128xf32, #tpu.memory_space<vmem_shared>>)
    %dma_wait3A_404 = arith.constant 0 : i32
    %dma_wait3A_405 = arith.constant 0 : i32
    %dma_wait3A_406 = arith.constant 0 : i32
    %dma_wait3A_407 = tpu.memref_slice %arg7[%dma_wait3A_404, %dma_wait3A_405, %dma_wait3A_406] : memref<5x64x128xf32, #tpu.memory_space<vmem>> -> memref<1x1x128xf32, #tpu.memory_space<vmem>>
    %dma_wait3A_408 = tpu.memref_squeeze %dma_wait3A_407 : memref<1x1x128xf32, #tpu.memory_space<vmem>> -> memref<128xf32, #tpu.memory_space<vmem>>
    %dma_wait3A_409 = tpu.memref_slice %arg10[%mul3A_35] : memref<10240xf32, #tpu.memory_space<vmem_shared>> -> memref<128xf32, #tpu.memory_space<vmem_shared>>
    %dma_wait3A_410 = tpu.memref_slice %arg10[%mul3A_35] : memref<10240xf32, #tpu.memory_space<vmem_shared>> -> memref<128xf32, #tpu.memory_space<vmem_shared>>
    %dma_wait3A_411 = arith.constant 0 : i32
    %dma_wait3A_412 = tpu.memref_slice %arg7[%dma_wait3A_404, %dma_wait3A_405, %dma_wait3A_411] : memref<5x64x128xf32, #tpu.memory_space<vmem>> -> memref<1x1x128xf32, #tpu.memory_space<vmem>>
    %dma_wait3A_413 = tpu.memref_squeeze %dma_wait3A_412 : memref<1x1x128xf32, #tpu.memory_space<vmem>> -> memref<128xf32, #tpu.memory_space<vmem>>
    tpu.wait_dma2 semaphore(%arg13 : memref<!tpu.dma_semaphore, #tpu.memory_space<semaphore_mem>>) src(%dma_wait3A_413 : memref<128xf32, #tpu.memory_space<vmem>>) dst(%dma_wait3A_410 : memref<128xf32, #tpu.memory_space<vmem_shared>>)
    %dma_wait3A_414 = arith.constant 0 : i32
    %dma_wait3A_415 = arith.constant 0 : i32
    %dma_wait3A_416 = arith.constant 0 : i32
    %dma_wait3A_417 = tpu.memref_slice %arg7[%dma_wait3A_414, %dma_wait3A_415, %dma_wait3A_416] : memref<5x64x128xf32, #tpu.memory_space<vmem>> -> memref<1x1x128xf32, #tpu.memory_space<vmem>>
    %dma_wait3A_418 = tpu.memref_squeeze %dma_wait3A_417 : memref<1x1x128xf32, #tpu.memory_space<vmem>> -> memref<128xf32, #tpu.memory_space<vmem>>
    %dma_wait3A_419 = tpu.memref_slice %arg10[%mul3A_35] : memref<10240xf32, #tpu.memory_space<vmem_shared>> -> memref<128xf32, #tpu.memory_space<vmem_shared>>
    %dma_wait3A_420 = tpu.memref_slice %arg10[%mul3A_35] : memref<10240xf32, #tpu.memory_space<vmem_shared>> -> memref<128xf32, #tpu.memory_space<vmem_shared>>
    %dma_wait3A_421 = arith.constant 0 : i32
    %dma_wait3A_422 = tpu.memref_slice %arg7[%dma_wait3A_414, %dma_wait3A_415, %dma_wait3A_421] : memref<5x64x128xf32, #tpu.memory_space<vmem>> -> memref<1x1x128xf32, #tpu.memory_space<vmem>>
    %dma_wait3A_423 = tpu.memref_squeeze %dma_wait3A_422 : memref<1x1x128xf32, #tpu.memory_space<vmem>> -> memref<128xf32, #tpu.memory_space<vmem>>
    tpu.wait_dma2 semaphore(%arg13 : memref<!tpu.dma_semaphore, #tpu.memory_space<semaphore_mem>>) src(%dma_wait3A_423 : memref<128xf32, #tpu.memory_space<vmem>>) dst(%dma_wait3A_420 : memref<128xf32, #tpu.memory_space<vmem_shared>>)
    %barrier3A = arith.constant 0 : index
    tpu.barrier barrier_id(%barrier3A)
    %jit3A_424 = arith.constant 64 : i32
    %div3A = arith.divsi %mul3A_10, %jit3A_424 : i32
    %sign3A = arith.constant 0 : i32
    %sign3A_425 = arith.cmpi sgt, %mul3A_10, %sign3A : i32
    %sign3A_426 = arith.extui %sign3A_425 : i1 to i32
    %sign3A_427 = arith.constant 0 : i32
    %sign3A_428 = arith.cmpi slt, %mul3A_10, %sign3A_427 : i32
    %sign3A_429 = arith.extui %sign3A_428 : i1 to i32
    %sign3A_430 = arith.subi %sign3A_426, %sign3A_429 : i32
    %sign3A_431 = arith.constant 0 : i32
    %sign3A_432 = arith.cmpi sgt, %jit3A_424, %sign3A_431 : i32
    %sign3A_433 = arith.extui %sign3A_432 : i1 to i32
    %sign3A_434 = arith.constant 0 : i32
    %sign3A_435 = arith.cmpi slt, %jit3A_424, %sign3A_434 : i32
    %sign3A_436 = arith.extui %sign3A_435 : i1 to i32
    %sign3A_437 = arith.subi %sign3A_433, %sign3A_436 : i32
    %ne3A = arith.cmpi ne, %sign3A_430, %sign3A_437 : i32
    %rem3A = arith.remsi %mul3A_10, %jit3A_424 : i32
    %ne3A_438 = arith.constant 0 : i32
    %ne3A_439 = arith.cmpi ne, %rem3A, %ne3A_438 : i32
    %and3A = arith.andi %ne3A, %ne3A_439 : i1
    %sub3A = arith.constant 1 : i32
    %sub3A_440 = arith.subi %div3A, %sub3A : i32
    %select_n3A_441 = arith.select %and3A, %sub3A_440, %div3A : i32
    %run_scoped3A = arith.constant 0 : i32
    %run_scoped3A_442 = arith.constant 0 : i32
    %run_scoped3A_443 = arith.constant 0 : i32
    "tpu.region"() ({
      %run_scoped3A_691 = tpu.sem_alloc : memref<!tpu.dma_semaphore, #tpu.memory_space<semaphore_mem>>
      %dma_start3A_692 = arith.constant 0 : i32
      %dma_start3A_693 = tpu.memref_slice %arg6[%run_scoped3A_442, %run_scoped3A_443, %dma_start3A_692] : memref<7x2x64xi32, #tpu.memory_space<vmem>> -> memref<1x1x64xi32, #tpu.memory_space<vmem>>
      %dma_start3A_694 = tpu.memref_squeeze %dma_start3A_693 : memref<1x1x64xi32, #tpu.memory_space<vmem>> -> memref<64xi32, #tpu.memory_space<vmem>>
      %dma_start3A_695 = arith.constant 0 : i32
      %dma_start3A_696 = tpu.memref_slice %arg3[%run_scoped3A, %select_n3A_441, %dma_start3A_695] : memref<2x5000x64xi32, #tpu.memory_space<hbm>> -> memref<1x1x64xi32, #tpu.memory_space<hbm>>
      %dma_start3A_697 = tpu.memref_squeeze %dma_start3A_696 : memref<1x1x64xi32, #tpu.memory_space<hbm>> -> memref<64xi32, #tpu.memory_space<hbm>>
      %dma_start3A_698 = arith.constant 0 : i32
      %dma_start3A_699 = tpu.memref_slice %arg6[%run_scoped3A_442, %run_scoped3A_443, %dma_start3A_698] : memref<7x2x64xi32, #tpu.memory_space<vmem>> -> memref<1x1x64xi32, #tpu.memory_space<vmem>>
      %dma_start3A_700 = tpu.memref_squeeze %dma_start3A_699 : memref<1x1x64xi32, #tpu.memory_space<vmem>> -> memref<64xi32, #tpu.memory_space<vmem>>
      %dma_start3A_701 = arith.constant 0 : i32
      %dma_start3A_702 = tpu.memref_slice %arg3[%run_scoped3A, %select_n3A_441, %dma_start3A_701] : memref<2x5000x64xi32, #tpu.memory_space<hbm>> -> memref<1x1x64xi32, #tpu.memory_space<hbm>>
      %dma_start3A_703 = tpu.memref_squeeze %dma_start3A_702 : memref<1x1x64xi32, #tpu.memory_space<hbm>> -> memref<64xi32, #tpu.memory_space<hbm>>
      tpu.enqueue_dma source(%dma_start3A_703 : memref<64xi32, #tpu.memory_space<hbm>>) target(%dma_start3A_700 : memref<64xi32, #tpu.memory_space<vmem>>) target_semaphore(%run_scoped3A_691 : memref<!tpu.dma_semaphore, #tpu.memory_space<semaphore_mem>>)
      %dma_wait3A_704 = arith.constant 0 : i32
      %dma_wait3A_705 = tpu.memref_slice %arg6[%run_scoped3A_442, %run_scoped3A_443, %dma_wait3A_704] : memref<7x2x64xi32, #tpu.memory_space<vmem>> -> memref<1x1x64xi32, #tpu.memory_space<vmem>>
      %dma_wait3A_706 = tpu.memref_squeeze %dma_wait3A_705 : memref<1x1x64xi32, #tpu.memory_space<vmem>> -> memref<64xi32, #tpu.memory_space<vmem>>
      %dma_wait3A_707 = arith.constant 0 : i32
      %dma_wait3A_708 = tpu.memref_slice %arg3[%run_scoped3A, %select_n3A_441, %dma_wait3A_707] : memref<2x5000x64xi32, #tpu.memory_space<hbm>> -> memref<1x1x64xi32, #tpu.memory_space<hbm>>
      %dma_wait3A_709 = tpu.memref_squeeze %dma_wait3A_708 : memref<1x1x64xi32, #tpu.memory_space<hbm>> -> memref<64xi32, #tpu.memory_space<hbm>>
      %dma_wait3A_710 = arith.constant 0 : i32
      %dma_wait3A_711 = tpu.memref_slice %arg6[%run_scoped3A_442, %run_scoped3A_443, %dma_wait3A_710] : memref<7x2x64xi32, #tpu.memory_space<vmem>> -> memref<1x1x64xi32, #tpu.memory_space<vmem>>
      %dma_wait3A_712 = tpu.memref_squeeze %dma_wait3A_711 : memref<1x1x64xi32, #tpu.memory_space<vmem>> -> memref<64xi32, #tpu.memory_space<vmem>>
      %dma_wait3A_713 = arith.constant 0 : i32
      %dma_wait3A_714 = tpu.memref_slice %arg3[%run_scoped3A, %select_n3A_441, %dma_wait3A_713] : memref<2x5000x64xi32, #tpu.memory_space<hbm>> -> memref<1x1x64xi32, #tpu.memory_space<hbm>>
      %dma_wait3A_715 = tpu.memref_squeeze %dma_wait3A_714 : memref<1x1x64xi32, #tpu.memory_space<hbm>> -> memref<64xi32, #tpu.memory_space<hbm>>
      tpu.wait_dma2 semaphore(%run_scoped3A_691 : memref<!tpu.dma_semaphore, #tpu.memory_space<semaphore_mem>>) src(%dma_wait3A_715 : memref<64xi32, #tpu.memory_space<hbm>>) dst(%dma_wait3A_712 : memref<64xi32, #tpu.memory_space<vmem>>)
      tpu.yield
    }) : () -> ()
    %run_scoped3A_444 = arith.constant 1 : i32
    %run_scoped3A_445 = arith.constant 0 : i32
    %run_scoped3A_446 = arith.constant 1 : i32
    "tpu.region"() ({
      %run_scoped3A_691 = tpu.sem_alloc : memref<!tpu.dma_semaphore, #tpu.memory_space<semaphore_mem>>
      %dma_start3A_692 = arith.constant 0 : i32
      %dma_start3A_693 = tpu.memref_slice %arg6[%run_scoped3A_445, %run_scoped3A_446, %dma_start3A_692] : memref<7x2x64xi32, #tpu.memory_space<vmem>> -> memref<1x1x64xi32, #tpu.memory_space<vmem>>
      %dma_start3A_694 = tpu.memref_squeeze %dma_start3A_693 : memref<1x1x64xi32, #tpu.memory_space<vmem>> -> memref<64xi32, #tpu.memory_space<vmem>>
      %dma_start3A_695 = arith.constant 0 : i32
      %dma_start3A_696 = tpu.memref_slice %arg3[%run_scoped3A_444, %select_n3A_441, %dma_start3A_695] : memref<2x5000x64xi32, #tpu.memory_space<hbm>> -> memref<1x1x64xi32, #tpu.memory_space<hbm>>
      %dma_start3A_697 = tpu.memref_squeeze %dma_start3A_696 : memref<1x1x64xi32, #tpu.memory_space<hbm>> -> memref<64xi32, #tpu.memory_space<hbm>>
      %dma_start3A_698 = arith.constant 0 : i32
      %dma_start3A_699 = tpu.memref_slice %arg6[%run_scoped3A_445, %run_scoped3A_446, %dma_start3A_698] : memref<7x2x64xi32, #tpu.memory_space<vmem>> -> memref<1x1x64xi32, #tpu.memory_space<vmem>>
      %dma_start3A_700 = tpu.memref_squeeze %dma_start3A_699 : memref<1x1x64xi32, #tpu.memory_space<vmem>> -> memref<64xi32, #tpu.memory_space<vmem>>
      %dma_start3A_701 = arith.constant 0 : i32
      %dma_start3A_702 = tpu.memref_slice %arg3[%run_scoped3A_444, %select_n3A_441, %dma_start3A_701] : memref<2x5000x64xi32, #tpu.memory_space<hbm>> -> memref<1x1x64xi32, #tpu.memory_space<hbm>>
      %dma_start3A_703 = tpu.memref_squeeze %dma_start3A_702 : memref<1x1x64xi32, #tpu.memory_space<hbm>> -> memref<64xi32, #tpu.memory_space<hbm>>
      tpu.enqueue_dma source(%dma_start3A_703 : memref<64xi32, #tpu.memory_space<hbm>>) target(%dma_start3A_700 : memref<64xi32, #tpu.memory_space<vmem>>) target_semaphore(%run_scoped3A_691 : memref<!tpu.dma_semaphore, #tpu.memory_space<semaphore_mem>>)
      %dma_wait3A_704 = arith.constant 0 : i32
      %dma_wait3A_705 = tpu.memref_slice %arg6[%run_scoped3A_445, %run_scoped3A_446, %dma_wait3A_704] : memref<7x2x64xi32, #tpu.memory_space<vmem>> -> memref<1x1x64xi32, #tpu.memory_space<vmem>>
      %dma_wait3A_706 = tpu.memref_squeeze %dma_wait3A_705 : memref<1x1x64xi32, #tpu.memory_space<vmem>> -> memref<64xi32, #tpu.memory_space<vmem>>
      %dma_wait3A_707 = arith.constant 0 : i32
      %dma_wait3A_708 = tpu.memref_slice %arg3[%run_scoped3A_444, %select_n3A_441, %dma_wait3A_707] : memref<2x5000x64xi32, #tpu.memory_space<hbm>> -> memref<1x1x64xi32, #tpu.memory_space<hbm>>
      %dma_wait3A_709 = tpu.memref_squeeze %dma_wait3A_708 : memref<1x1x64xi32, #tpu.memory_space<hbm>> -> memref<64xi32, #tpu.memory_space<hbm>>
      %dma_wait3A_710 = arith.constant 0 : i32
      %dma_wait3A_711 = tpu.memref_slice %arg6[%run_scoped3A_445, %run_scoped3A_446, %dma_wait3A_710] : memref<7x2x64xi32, #tpu.memory_space<vmem>> -> memref<1x1x64xi32, #tpu.memory_space<vmem>>
      %dma_wait3A_712 = tpu.memref_squeeze %dma_wait3A_711 : memref<1x1x64xi32, #tpu.memory_space<vmem>> -> memref<64xi32, #tpu.memory_space<vmem>>
      %dma_wait3A_713 = arith.constant 0 : i32
      %dma_wait3A_714 = tpu.memref_slice %arg3[%run_scoped3A_444, %select_n3A_441, %dma_wait3A_713] : memref<2x5000x64xi32, #tpu.memory_space<hbm>> -> memref<1x1x64xi32, #tpu.memory_space<hbm>>
      %dma_wait3A_715 = tpu.memref_squeeze %dma_wait3A_714 : memref<1x1x64xi32, #tpu.memory_space<hbm>> -> memref<64xi32, #tpu.memory_space<hbm>>
      tpu.wait_dma2 semaphore(%run_scoped3A_691 : memref<!tpu.dma_semaphore, #tpu.memory_space<semaphore_mem>>) src(%dma_wait3A_715 : memref<64xi32, #tpu.memory_space<hbm>>) dst(%dma_wait3A_712 : memref<64xi32, #tpu.memory_space<vmem>>)
      tpu.yield
    }) : () -> ()
    %add3A_447 = arith.constant 1 : i32
    %add3A_448 = arith.addi %select_n3A_441, %add3A_447 : i32
    %dma_start3A_449 = arith.constant 0 : i32
    %dma_start3A_450 = arith.constant 1 : i32
    %dma_start3A_451 = arith.constant 0 : i32
    %dma_start3A_452 = arith.constant 0 : i32
    %dma_start3A_453 = tpu.memref_slice %arg6[%dma_start3A_450, %dma_start3A_451, %dma_start3A_452] : memref<7x2x64xi32, #tpu.memory_space<vmem>> -> memref<1x1x64xi32, #tpu.memory_space<vmem>>
    %dma_start3A_454 = tpu.memref_squeeze %dma_start3A_453 : memref<1x1x64xi32, #tpu.memory_space<vmem>> -> memref<64xi32, #tpu.memory_space<vmem>>
    %dma_start3A_455 = arith.constant 0 : i32
    %dma_start3A_456 = tpu.memref_slice %arg3[%dma_start3A_449, %add3A_448, %dma_start3A_455] : memref<2x5000x64xi32, #tpu.memory_space<hbm>> -> memref<1x1x64xi32, #tpu.memory_space<hbm>>
    %dma_start3A_457 = tpu.memref_squeeze %dma_start3A_456 : memref<1x1x64xi32, #tpu.memory_space<hbm>> -> memref<64xi32, #tpu.memory_space<hbm>>
    %dma_start3A_458 = arith.constant 0 : i32
    %dma_start3A_459 = tpu.memref_slice %arg6[%dma_start3A_450, %dma_start3A_451, %dma_start3A_458] : memref<7x2x64xi32, #tpu.memory_space<vmem>> -> memref<1x1x64xi32, #tpu.memory_space<vmem>>
    %dma_start3A_460 = tpu.memref_squeeze %dma_start3A_459 : memref<1x1x64xi32, #tpu.memory_space<vmem>> -> memref<64xi32, #tpu.memory_space<vmem>>
    %dma_start3A_461 = arith.constant 0 : i32
    %dma_start3A_462 = tpu.memref_slice %arg3[%dma_start3A_449, %add3A_448, %dma_start3A_461] : memref<2x5000x64xi32, #tpu.memory_space<hbm>> -> memref<1x1x64xi32, #tpu.memory_space<hbm>>
    %dma_start3A_463 = tpu.memref_squeeze %dma_start3A_462 : memref<1x1x64xi32, #tpu.memory_space<hbm>> -> memref<64xi32, #tpu.memory_space<hbm>>
    tpu.enqueue_dma source(%dma_start3A_463 : memref<64xi32, #tpu.memory_space<hbm>>) target(%dma_start3A_460 : memref<64xi32, #tpu.memory_space<vmem>>) target_semaphore(%arg11 : memref<!tpu.dma_semaphore, #tpu.memory_space<semaphore_mem>>)
    %add3A_464 = arith.constant 1 : i32
    %add3A_465 = arith.addi %select_n3A_441, %add3A_464 : i32
    %dma_start3A_466 = arith.constant 1 : i32
    %dma_start3A_467 = arith.constant 1 : i32
    %dma_start3A_468 = arith.constant 1 : i32
    %dma_start3A_469 = arith.constant 0 : i32
    %dma_start3A_470 = tpu.memref_slice %arg6[%dma_start3A_467, %dma_start3A_468, %dma_start3A_469] : memref<7x2x64xi32, #tpu.memory_space<vmem>> -> memref<1x1x64xi32, #tpu.memory_space<vmem>>
    %dma_start3A_471 = tpu.memref_squeeze %dma_start3A_470 : memref<1x1x64xi32, #tpu.memory_space<vmem>> -> memref<64xi32, #tpu.memory_space<vmem>>
    %dma_start3A_472 = arith.constant 0 : i32
    %dma_start3A_473 = tpu.memref_slice %arg3[%dma_start3A_466, %add3A_465, %dma_start3A_472] : memref<2x5000x64xi32, #tpu.memory_space<hbm>> -> memref<1x1x64xi32, #tpu.memory_space<hbm>>
    %dma_start3A_474 = tpu.memref_squeeze %dma_start3A_473 : memref<1x1x64xi32, #tpu.memory_space<hbm>> -> memref<64xi32, #tpu.memory_space<hbm>>
    %dma_start3A_475 = arith.constant 0 : i32
    %dma_start3A_476 = tpu.memref_slice %arg6[%dma_start3A_467, %dma_start3A_468, %dma_start3A_475] : memref<7x2x64xi32, #tpu.memory_space<vmem>> -> memref<1x1x64xi32, #tpu.memory_space<vmem>>
    %dma_start3A_477 = tpu.memref_squeeze %dma_start3A_476 : memref<1x1x64xi32, #tpu.memory_space<vmem>> -> memref<64xi32, #tpu.memory_space<vmem>>
    %dma_start3A_478 = arith.constant 0 : i32
    %dma_start3A_479 = tpu.memref_slice %arg3[%dma_start3A_466, %add3A_465, %dma_start3A_478] : memref<2x5000x64xi32, #tpu.memory_space<hbm>> -> memref<1x1x64xi32, #tpu.memory_space<hbm>>
    %dma_start3A_480 = tpu.memref_squeeze %dma_start3A_479 : memref<1x1x64xi32, #tpu.memory_space<hbm>> -> memref<64xi32, #tpu.memory_space<hbm>>
    tpu.enqueue_dma source(%dma_start3A_480 : memref<64xi32, #tpu.memory_space<hbm>>) target(%dma_start3A_477 : memref<64xi32, #tpu.memory_space<vmem>>) target_semaphore(%arg11 : memref<!tpu.dma_semaphore, #tpu.memory_space<semaphore_mem>>)
    %add3A_481 = arith.constant 2 : i32
    %add3A_482 = arith.addi %select_n3A_441, %add3A_481 : i32
    %dma_start3A_483 = arith.constant 0 : i32
    %dma_start3A_484 = arith.constant 2 : i32
    %dma_start3A_485 = arith.constant 0 : i32
    %dma_start3A_486 = arith.constant 0 : i32
    %dma_start3A_487 = tpu.memref_slice %arg6[%dma_start3A_484, %dma_start3A_485, %dma_start3A_486] : memref<7x2x64xi32, #tpu.memory_space<vmem>> -> memref<1x1x64xi32, #tpu.memory_space<vmem>>
    %dma_start3A_488 = tpu.memref_squeeze %dma_start3A_487 : memref<1x1x64xi32, #tpu.memory_space<vmem>> -> memref<64xi32, #tpu.memory_space<vmem>>
    %dma_start3A_489 = arith.constant 0 : i32
    %dma_start3A_490 = tpu.memref_slice %arg3[%dma_start3A_483, %add3A_482, %dma_start3A_489] : memref<2x5000x64xi32, #tpu.memory_space<hbm>> -> memref<1x1x64xi32, #tpu.memory_space<hbm>>
    %dma_start3A_491 = tpu.memref_squeeze %dma_start3A_490 : memref<1x1x64xi32, #tpu.memory_space<hbm>> -> memref<64xi32, #tpu.memory_space<hbm>>
    %dma_start3A_492 = arith.constant 0 : i32
    %dma_start3A_493 = tpu.memref_slice %arg6[%dma_start3A_484, %dma_start3A_485, %dma_start3A_492] : memref<7x2x64xi32, #tpu.memory_space<vmem>> -> memref<1x1x64xi32, #tpu.memory_space<vmem>>
    %dma_start3A_494 = tpu.memref_squeeze %dma_start3A_493 : memref<1x1x64xi32, #tpu.memory_space<vmem>> -> memref<64xi32, #tpu.memory_space<vmem>>
    %dma_start3A_495 = arith.constant 0 : i32
    %dma_start3A_496 = tpu.memref_slice %arg3[%dma_start3A_483, %add3A_482, %dma_start3A_495] : memref<2x5000x64xi32, #tpu.memory_space<hbm>> -> memref<1x1x64xi32, #tpu.memory_space<hbm>>
    %dma_start3A_497 = tpu.memref_squeeze %dma_start3A_496 : memref<1x1x64xi32, #tpu.memory_space<hbm>> -> memref<64xi32, #tpu.memory_space<hbm>>
    tpu.enqueue_dma source(%dma_start3A_497 : memref<64xi32, #tpu.memory_space<hbm>>) target(%dma_start3A_494 : memref<64xi32, #tpu.memory_space<vmem>>) target_semaphore(%arg11 : memref<!tpu.dma_semaphore, #tpu.memory_space<semaphore_mem>>)
    %add3A_498 = arith.constant 2 : i32
    %add3A_499 = arith.addi %select_n3A_441, %add3A_498 : i32
    %dma_start3A_500 = arith.constant 1 : i32
    %dma_start3A_501 = arith.constant 2 : i32
    %dma_start3A_502 = arith.constant 1 : i32
    %dma_start3A_503 = arith.constant 0 : i32
    %dma_start3A_504 = tpu.memref_slice %arg6[%dma_start3A_501, %dma_start3A_502, %dma_start3A_503] : memref<7x2x64xi32, #tpu.memory_space<vmem>> -> memref<1x1x64xi32, #tpu.memory_space<vmem>>
    %dma_start3A_505 = tpu.memref_squeeze %dma_start3A_504 : memref<1x1x64xi32, #tpu.memory_space<vmem>> -> memref<64xi32, #tpu.memory_space<vmem>>
    %dma_start3A_506 = arith.constant 0 : i32
    %dma_start3A_507 = tpu.memref_slice %arg3[%dma_start3A_500, %add3A_499, %dma_start3A_506] : memref<2x5000x64xi32, #tpu.memory_space<hbm>> -> memref<1x1x64xi32, #tpu.memory_space<hbm>>
    %dma_start3A_508 = tpu.memref_squeeze %dma_start3A_507 : memref<1x1x64xi32, #tpu.memory_space<hbm>> -> memref<64xi32, #tpu.memory_space<hbm>>
    %dma_start3A_509 = arith.constant 0 : i32
    %dma_start3A_510 = tpu.memref_slice %arg6[%dma_start3A_501, %dma_start3A_502, %dma_start3A_509] : memref<7x2x64xi32, #tpu.memory_space<vmem>> -> memref<1x1x64xi32, #tpu.memory_space<vmem>>
    %dma_start3A_511 = tpu.memref_squeeze %dma_start3A_510 : memref<1x1x64xi32, #tpu.memory_space<vmem>> -> memref<64xi32, #tpu.memory_space<vmem>>
    %dma_start3A_512 = arith.constant 0 : i32
    %dma_start3A_513 = tpu.memref_slice %arg3[%dma_start3A_500, %add3A_499, %dma_start3A_512] : memref<2x5000x64xi32, #tpu.memory_space<hbm>> -> memref<1x1x64xi32, #tpu.memory_space<hbm>>
    %dma_start3A_514 = tpu.memref_squeeze %dma_start3A_513 : memref<1x1x64xi32, #tpu.memory_space<hbm>> -> memref<64xi32, #tpu.memory_space<hbm>>
    tpu.enqueue_dma source(%dma_start3A_514 : memref<64xi32, #tpu.memory_space<hbm>>) target(%dma_start3A_511 : memref<64xi32, #tpu.memory_space<vmem>>) target_semaphore(%arg11 : memref<!tpu.dma_semaphore, #tpu.memory_space<semaphore_mem>>)
    %add3A_515 = arith.constant 3 : i32
    %add3A_516 = arith.addi %select_n3A_441, %add3A_515 : i32
    %dma_start3A_517 = arith.constant 0 : i32
    %dma_start3A_518 = arith.constant 3 : i32
    %dma_start3A_519 = arith.constant 0 : i32
    %dma_start3A_520 = arith.constant 0 : i32
    %dma_start3A_521 = tpu.memref_slice %arg6[%dma_start3A_518, %dma_start3A_519, %dma_start3A_520] : memref<7x2x64xi32, #tpu.memory_space<vmem>> -> memref<1x1x64xi32, #tpu.memory_space<vmem>>
    %dma_start3A_522 = tpu.memref_squeeze %dma_start3A_521 : memref<1x1x64xi32, #tpu.memory_space<vmem>> -> memref<64xi32, #tpu.memory_space<vmem>>
    %dma_start3A_523 = arith.constant 0 : i32
    %dma_start3A_524 = tpu.memref_slice %arg3[%dma_start3A_517, %add3A_516, %dma_start3A_523] : memref<2x5000x64xi32, #tpu.memory_space<hbm>> -> memref<1x1x64xi32, #tpu.memory_space<hbm>>
    %dma_start3A_525 = tpu.memref_squeeze %dma_start3A_524 : memref<1x1x64xi32, #tpu.memory_space<hbm>> -> memref<64xi32, #tpu.memory_space<hbm>>
    %dma_start3A_526 = arith.constant 0 : i32
    %dma_start3A_527 = tpu.memref_slice %arg6[%dma_start3A_518, %dma_start3A_519, %dma_start3A_526] : memref<7x2x64xi32, #tpu.memory_space<vmem>> -> memref<1x1x64xi32, #tpu.memory_space<vmem>>
    %dma_start3A_528 = tpu.memref_squeeze %dma_start3A_527 : memref<1x1x64xi32, #tpu.memory_space<vmem>> -> memref<64xi32, #tpu.memory_space<vmem>>
    %dma_start3A_529 = arith.constant 0 : i32
    %dma_start3A_530 = tpu.memref_slice %arg3[%dma_start3A_517, %add3A_516, %dma_start3A_529] : memref<2x5000x64xi32, #tpu.memory_space<hbm>> -> memref<1x1x64xi32, #tpu.memory_space<hbm>>
    %dma_start3A_531 = tpu.memref_squeeze %dma_start3A_530 : memref<1x1x64xi32, #tpu.memory_space<hbm>> -> memref<64xi32, #tpu.memory_space<hbm>>
    tpu.enqueue_dma source(%dma_start3A_531 : memref<64xi32, #tpu.memory_space<hbm>>) target(%dma_start3A_528 : memref<64xi32, #tpu.memory_space<vmem>>) target_semaphore(%arg11 : memref<!tpu.dma_semaphore, #tpu.memory_space<semaphore_mem>>)
    %add3A_532 = arith.constant 3 : i32
    %add3A_533 = arith.addi %select_n3A_441, %add3A_532 : i32
    %dma_start3A_534 = arith.constant 1 : i32
    %dma_start3A_535 = arith.constant 3 : i32
    %dma_start3A_536 = arith.constant 1 : i32
    %dma_start3A_537 = arith.constant 0 : i32
    %dma_start3A_538 = tpu.memref_slice %arg6[%dma_start3A_535, %dma_start3A_536, %dma_start3A_537] : memref<7x2x64xi32, #tpu.memory_space<vmem>> -> memref<1x1x64xi32, #tpu.memory_space<vmem>>
    %dma_start3A_539 = tpu.memref_squeeze %dma_start3A_538 : memref<1x1x64xi32, #tpu.memory_space<vmem>> -> memref<64xi32, #tpu.memory_space<vmem>>
    %dma_start3A_540 = arith.constant 0 : i32
    %dma_start3A_541 = tpu.memref_slice %arg3[%dma_start3A_534, %add3A_533, %dma_start3A_540] : memref<2x5000x64xi32, #tpu.memory_space<hbm>> -> memref<1x1x64xi32, #tpu.memory_space<hbm>>
    %dma_start3A_542 = tpu.memref_squeeze %dma_start3A_541 : memref<1x1x64xi32, #tpu.memory_space<hbm>> -> memref<64xi32, #tpu.memory_space<hbm>>
    %dma_start3A_543 = arith.constant 0 : i32
    %dma_start3A_544 = tpu.memref_slice %arg6[%dma_start3A_535, %dma_start3A_536, %dma_start3A_543] : memref<7x2x64xi32, #tpu.memory_space<vmem>> -> memref<1x1x64xi32, #tpu.memory_space<vmem>>
    %dma_start3A_545 = tpu.memref_squeeze %dma_start3A_544 : memref<1x1x64xi32, #tpu.memory_space<vmem>> -> memref<64xi32, #tpu.memory_space<vmem>>
    %dma_start3A_546 = arith.constant 0 : i32
    %dma_start3A_547 = tpu.memref_slice %arg3[%dma_start3A_534, %add3A_533, %dma_start3A_546] : memref<2x5000x64xi32, #tpu.memory_space<hbm>> -> memref<1x1x64xi32, #tpu.memory_space<hbm>>
    %dma_start3A_548 = tpu.memref_squeeze %dma_start3A_547 : memref<1x1x64xi32, #tpu.memory_space<hbm>> -> memref<64xi32, #tpu.memory_space<hbm>>
    tpu.enqueue_dma source(%dma_start3A_548 : memref<64xi32, #tpu.memory_space<hbm>>) target(%dma_start3A_545 : memref<64xi32, #tpu.memory_space<vmem>>) target_semaphore(%arg11 : memref<!tpu.dma_semaphore, #tpu.memory_space<semaphore_mem>>)
    %add3A_549 = arith.constant 4 : i32
    %add3A_550 = arith.addi %select_n3A_441, %add3A_549 : i32
    %dma_start3A_551 = arith.constant 0 : i32
    %dma_start3A_552 = arith.constant 4 : i32
    %dma_start3A_553 = arith.constant 0 : i32
    %dma_start3A_554 = arith.constant 0 : i32
    %dma_start3A_555 = tpu.memref_slice %arg6[%dma_start3A_552, %dma_start3A_553, %dma_start3A_554] : memref<7x2x64xi32, #tpu.memory_space<vmem>> -> memref<1x1x64xi32, #tpu.memory_space<vmem>>
    %dma_start3A_556 = tpu.memref_squeeze %dma_start3A_555 : memref<1x1x64xi32, #tpu.memory_space<vmem>> -> memref<64xi32, #tpu.memory_space<vmem>>
    %dma_start3A_557 = arith.constant 0 : i32
    %dma_start3A_558 = tpu.memref_slice %arg3[%dma_start3A_551, %add3A_550, %dma_start3A_557] : memref<2x5000x64xi32, #tpu.memory_space<hbm>> -> memref<1x1x64xi32, #tpu.memory_space<hbm>>
    %dma_start3A_559 = tpu.memref_squeeze %dma_start3A_558 : memref<1x1x64xi32, #tpu.memory_space<hbm>> -> memref<64xi32, #tpu.memory_space<hbm>>
    %dma_start3A_560 = arith.constant 0 : i32
    %dma_start3A_561 = tpu.memref_slice %arg6[%dma_start3A_552, %dma_start3A_553, %dma_start3A_560] : memref<7x2x64xi32, #tpu.memory_space<vmem>> -> memref<1x1x64xi32, #tpu.memory_space<vmem>>
    %dma_start3A_562 = tpu.memref_squeeze %dma_start3A_561 : memref<1x1x64xi32, #tpu.memory_space<vmem>> -> memref<64xi32, #tpu.memory_space<vmem>>
    %dma_start3A_563 = arith.constant 0 : i32
    %dma_start3A_564 = tpu.memref_slice %arg3[%dma_start3A_551, %add3A_550, %dma_start3A_563] : memref<2x5000x64xi32, #tpu.memory_space<hbm>> -> memref<1x1x64xi32, #tpu.memory_space<hbm>>
    %dma_start3A_565 = tpu.memref_squeeze %dma_start3A_564 : memref<1x1x64xi32, #tpu.memory_space<hbm>> -> memref<64xi32, #tpu.memory_space<hbm>>
    tpu.enqueue_dma source(%dma_start3A_565 : memref<64xi32, #tpu.memory_space<hbm>>) target(%dma_start3A_562 : memref<64xi32, #tpu.memory_space<vmem>>) target_semaphore(%arg11 : memref<!tpu.dma_semaphore, #tpu.memory_space<semaphore_mem>>)
    %add3A_566 = arith.constant 4 : i32
    %add3A_567 = arith.addi %select_n3A_441, %add3A_566 : i32
    %dma_start3A_568 = arith.constant 1 : i32
    %dma_start3A_569 = arith.constant 4 : i32
    %dma_start3A_570 = arith.constant 1 : i32
    %dma_start3A_571 = arith.constant 0 : i32
    %dma_start3A_572 = tpu.memref_slice %arg6[%dma_start3A_569, %dma_start3A_570, %dma_start3A_571] : memref<7x2x64xi32, #tpu.memory_space<vmem>> -> memref<1x1x64xi32, #tpu.memory_space<vmem>>
    %dma_start3A_573 = tpu.memref_squeeze %dma_start3A_572 : memref<1x1x64xi32, #tpu.memory_space<vmem>> -> memref<64xi32, #tpu.memory_space<vmem>>
    %dma_start3A_574 = arith.constant 0 : i32
    %dma_start3A_575 = tpu.memref_slice %arg3[%dma_start3A_568, %add3A_567, %dma_start3A_574] : memref<2x5000x64xi32, #tpu.memory_space<hbm>> -> memref<1x1x64xi32, #tpu.memory_space<hbm>>
    %dma_start3A_576 = tpu.memref_squeeze %dma_start3A_575 : memref<1x1x64xi32, #tpu.memory_space<hbm>> -> memref<64xi32, #tpu.memory_space<hbm>>
    %dma_start3A_577 = arith.constant 0 : i32
    %dma_start3A_578 = tpu.memref_slice %arg6[%dma_start3A_569, %dma_start3A_570, %dma_start3A_577] : memref<7x2x64xi32, #tpu.memory_space<vmem>> -> memref<1x1x64xi32, #tpu.memory_space<vmem>>
    %dma_start3A_579 = tpu.memref_squeeze %dma_start3A_578 : memref<1x1x64xi32, #tpu.memory_space<vmem>> -> memref<64xi32, #tpu.memory_space<vmem>>
    %dma_start3A_580 = arith.constant 0 : i32
    %dma_start3A_581 = tpu.memref_slice %arg3[%dma_start3A_568, %add3A_567, %dma_start3A_580] : memref<2x5000x64xi32, #tpu.memory_space<hbm>> -> memref<1x1x64xi32, #tpu.memory_space<hbm>>
    %dma_start3A_582 = tpu.memref_squeeze %dma_start3A_581 : memref<1x1x64xi32, #tpu.memory_space<hbm>> -> memref<64xi32, #tpu.memory_space<hbm>>
    tpu.enqueue_dma source(%dma_start3A_582 : memref<64xi32, #tpu.memory_space<hbm>>) target(%dma_start3A_579 : memref<64xi32, #tpu.memory_space<vmem>>) target_semaphore(%arg11 : memref<!tpu.dma_semaphore, #tpu.memory_space<semaphore_mem>>)
    %dma_start3A_583 = arith.constant 0 : i32
    %dma_start3A_584 = arith.constant 0 : i32
    %dma_start3A_585 = arith.constant 0 : i32
    %dma_start3A_586 = arith.constant 0 : i32
    %dma_start3A_587 = arith.constant 0 : i32
    %dma_start3A_588 = tpu.memref_slice %arg7[%dma_start3A_585, %dma_start3A_586, %dma_start3A_587] : memref<5x64x128xf32, #tpu.memory_space<vmem>> -> memref<1x64x128xf32, #tpu.memory_space<vmem>>
    %dma_start3A_589 = tpu.memref_squeeze %dma_start3A_588 : memref<1x64x128xf32, #tpu.memory_space<vmem>> -> memref<64x128xf32, #tpu.memory_space<vmem>>
    %dma_start3A_590 = arith.constant 0 : i32
    %dma_start3A_591 = tpu.memref_slice %arg6[%dma_start3A_583, %dma_start3A_584, %dma_start3A_590] : memref<7x2x64xi32, #tpu.memory_space<vmem>> -> memref<1x1x64xi32, #tpu.memory_space<vmem>>
    %dma_start3A_592 = tpu.memref_squeeze %dma_start3A_591 : memref<1x1x64xi32, #tpu.memory_space<vmem>> -> memref<64xi32, #tpu.memory_space<vmem>>
    %dma_start3A_593 = arith.constant 0 : i32
    %dma_start3A_594 = arith.constant 0 : i32
    %dma_start3A_595 = tpu.memref_slice %arg2[%dma_start3A_593, %dma_start3A_594] : memref<10000x128xf32, #tpu.memory_space<hbm>> -> memref<10000x128xf32, #tpu.memory_space<hbm>>
    tpu.enqueue_indirect_dma source(%dma_start3A_595 : memref<10000x128xf32, #tpu.memory_space<hbm>>) target(%dma_start3A_589 : memref<64x128xf32, #tpu.memory_space<vmem>>) offsets(%dma_start3A_592 : memref<64xi32, #tpu.memory_space<vmem>>) semaphore(%arg12 : memref<!tpu.dma_semaphore, #tpu.memory_space<semaphore_mem>>)
    %dma_wait3A_596 = arith.constant 0 : i32
    %dma_wait3A_597 = arith.constant 0 : i32
    %dma_wait3A_598 = arith.constant 0 : i32
    %dma_wait3A_599 = arith.constant 0 : i32
    %dma_wait3A_600 = arith.constant 0 : i32
    %dma_wait3A_601 = tpu.memref_slice %arg6[%dma_wait3A_598, %dma_wait3A_599, %dma_wait3A_600] : memref<7x2x64xi32, #tpu.memory_space<vmem>> -> memref<1x1x64xi32, #tpu.memory_space<vmem>>
    %dma_wait3A_602 = tpu.memref_squeeze %dma_wait3A_601 : memref<1x1x64xi32, #tpu.memory_space<vmem>> -> memref<64xi32, #tpu.memory_space<vmem>>
    %dma_wait3A_603 = arith.constant 0 : i32
    %dma_wait3A_604 = tpu.memref_slice %arg3[%dma_wait3A_596, %dma_wait3A_597, %dma_wait3A_603] : memref<2x5000x64xi32, #tpu.memory_space<hbm>> -> memref<1x1x64xi32, #tpu.memory_space<hbm>>
    %dma_wait3A_605 = tpu.memref_squeeze %dma_wait3A_604 : memref<1x1x64xi32, #tpu.memory_space<hbm>> -> memref<64xi32, #tpu.memory_space<hbm>>
    %dma_wait3A_606 = arith.constant 0 : i32
    %dma_wait3A_607 = tpu.memref_slice %arg6[%dma_wait3A_598, %dma_wait3A_599, %dma_wait3A_606] : memref<7x2x64xi32, #tpu.memory_space<vmem>> -> memref<1x1x64xi32, #tpu.memory_space<vmem>>
    %dma_wait3A_608 = tpu.memref_squeeze %dma_wait3A_607 : memref<1x1x64xi32, #tpu.memory_space<vmem>> -> memref<64xi32, #tpu.memory_space<vmem>>
    %dma_wait3A_609 = arith.constant 0 : i32
    %dma_wait3A_610 = tpu.memref_slice %arg3[%dma_wait3A_596, %dma_wait3A_597, %dma_wait3A_609] : memref<2x5000x64xi32, #tpu.memory_space<hbm>> -> memref<1x1x64xi32, #tpu.memory_space<hbm>>
    %dma_wait3A_611 = tpu.memref_squeeze %dma_wait3A_610 : memref<1x1x64xi32, #tpu.memory_space<hbm>> -> memref<64xi32, #tpu.memory_space<hbm>>
    tpu.wait_dma2 semaphore(%arg11 : memref<!tpu.dma_semaphore, #tpu.memory_space<semaphore_mem>>) src(%dma_wait3A_611 : memref<64xi32, #tpu.memory_space<hbm>>) dst(%dma_wait3A_608 : memref<64xi32, #tpu.memory_space<vmem>>)
    %dma_wait3A_612 = arith.constant 0 : i32
    %dma_wait3A_613 = arith.constant 0 : i32
    %dma_wait3A_614 = arith.constant 0 : i32
    %dma_wait3A_615 = arith.constant 0 : i32
    %dma_wait3A_616 = arith.constant 0 : i32
    %dma_wait3A_617 = tpu.memref_slice %arg6[%dma_wait3A_614, %dma_wait3A_615, %dma_wait3A_616] : memref<7x2x64xi32, #tpu.memory_space<vmem>> -> memref<1x1x64xi32, #tpu.memory_space<vmem>>
    %dma_wait3A_618 = tpu.memref_squeeze %dma_wait3A_617 : memref<1x1x64xi32, #tpu.memory_space<vmem>> -> memref<64xi32, #tpu.memory_space<vmem>>
    %dma_wait3A_619 = arith.constant 0 : i32
    %dma_wait3A_620 = tpu.memref_slice %arg3[%dma_wait3A_612, %dma_wait3A_613, %dma_wait3A_619] : memref<2x5000x64xi32, #tpu.memory_space<hbm>> -> memref<1x1x64xi32, #tpu.memory_space<hbm>>
    %dma_wait3A_621 = tpu.memref_squeeze %dma_wait3A_620 : memref<1x1x64xi32, #tpu.memory_space<hbm>> -> memref<64xi32, #tpu.memory_space<hbm>>
    %dma_wait3A_622 = arith.constant 0 : i32
    %dma_wait3A_623 = tpu.memref_slice %arg6[%dma_wait3A_614, %dma_wait3A_615, %dma_wait3A_622] : memref<7x2x64xi32, #tpu.memory_space<vmem>> -> memref<1x1x64xi32, #tpu.memory_space<vmem>>
    %dma_wait3A_624 = tpu.memref_squeeze %dma_wait3A_623 : memref<1x1x64xi32, #tpu.memory_space<vmem>> -> memref<64xi32, #tpu.memory_space<vmem>>
    %dma_wait3A_625 = arith.constant 0 : i32
    %dma_wait3A_626 = tpu.memref_slice %arg3[%dma_wait3A_612, %dma_wait3A_613, %dma_wait3A_625] : memref<2x5000x64xi32, #tpu.memory_space<hbm>> -> memref<1x1x64xi32, #tpu.memory_space<hbm>>
    %dma_wait3A_627 = tpu.memref_squeeze %dma_wait3A_626 : memref<1x1x64xi32, #tpu.memory_space<hbm>> -> memref<64xi32, #tpu.memory_space<hbm>>
    tpu.wait_dma2 semaphore(%arg11 : memref<!tpu.dma_semaphore, #tpu.memory_space<semaphore_mem>>) src(%dma_wait3A_627 : memref<64xi32, #tpu.memory_space<hbm>>) dst(%dma_wait3A_624 : memref<64xi32, #tpu.memory_space<vmem>>)
    %dma_start3A_628 = arith.constant 1 : i32
    %dma_start3A_629 = arith.constant 0 : i32
    %dma_start3A_630 = arith.constant 1 : i32
    %dma_start3A_631 = arith.constant 0 : i32
    %dma_start3A_632 = arith.constant 0 : i32
    %dma_start3A_633 = tpu.memref_slice %arg7[%dma_start3A_630, %dma_start3A_631, %dma_start3A_632] : memref<5x64x128xf32, #tpu.memory_space<vmem>> -> memref<1x64x128xf32, #tpu.memory_space<vmem>>
    %dma_start3A_634 = tpu.memref_squeeze %dma_start3A_633 : memref<1x64x128xf32, #tpu.memory_space<vmem>> -> memref<64x128xf32, #tpu.memory_space<vmem>>
    %dma_start3A_635 = arith.constant 0 : i32
    %dma_start3A_636 = tpu.memref_slice %arg6[%dma_start3A_628, %dma_start3A_629, %dma_start3A_635] : memref<7x2x64xi32, #tpu.memory_space<vmem>> -> memref<1x1x64xi32, #tpu.memory_space<vmem>>
    %dma_start3A_637 = tpu.memref_squeeze %dma_start3A_636 : memref<1x1x64xi32, #tpu.memory_space<vmem>> -> memref<64xi32, #tpu.memory_space<vmem>>
    %dma_start3A_638 = arith.constant 0 : i32
    %dma_start3A_639 = arith.constant 0 : i32
    %dma_start3A_640 = tpu.memref_slice %arg2[%dma_start3A_638, %dma_start3A_639] : memref<10000x128xf32, #tpu.memory_space<hbm>> -> memref<10000x128xf32, #tpu.memory_space<hbm>>
    tpu.enqueue_indirect_dma source(%dma_start3A_640 : memref<10000x128xf32, #tpu.memory_space<hbm>>) target(%dma_start3A_634 : memref<64x128xf32, #tpu.memory_space<vmem>>) offsets(%dma_start3A_637 : memref<64xi32, #tpu.memory_space<vmem>>) semaphore(%arg12 : memref<!tpu.dma_semaphore, #tpu.memory_space<semaphore_mem>>)
    %while3A = arith.constant 0 : i32
    %while3A_641 = arith.constant 0 : i32
    %while3A_642 = arith.subi %add3A_4, %while3A_641 : i32
    %while3A_643 = arith.addi %while3A_641, %while3A_642 : i32
    %while3A_644 = arith.constant 1 : i32
    %while3A_645 = arith.divsi %while3A_642, %while3A_644 : i32
    %while3A_646 = arith.muli %while3A_645, %while3A_644 : i32
    %while3A_647 = arith.addi %while3A_641, %while3A_646 : i32
    %while3A_648 = arith.constant 1 : i32
    scf.for %while3A_691 = %while3A_641 to %while3A_647 step %while3A_648  : i32 {
      %rem3A_692 = arith.constant 5 : i32
      %rem3A_693 = arith.remsi %while3A_691, %rem3A_692 : i32
      %ge3A = arith.constant 2 : i32
      %ge3A_694 = arith.cmpi sge, %while3A_691, %ge3A : i32
      %convert_element_type3A = arith.extui %ge3A_694 : i1 to i32
      %cond3A = arith.constant 0 : i32
      %cond3A_695 = arith.cmpi ne, %convert_element_type3A, %cond3A : i32
      scf.if %cond3A_695 {
        %dma_wait3A_741 = arith.constant 0 : i32
        %dma_wait3A_742 = arith.constant 0 : i32
        %dma_wait3A_743 = arith.constant 1 : i32
        %dma_wait3A_744 = arith.constant 0 : i32
        %dma_wait3A_745 = arith.constant 0 : i32
        %dma_wait3A_746 = tpu.memref_slice %arg7[%dma_wait3A_741, %dma_wait3A_744, %dma_wait3A_745] : memref<5x64x128xf32, #tpu.memory_space<vmem>> -> memref<1x64x128xf32, #tpu.memory_space<vmem>>
        %dma_wait3A_747 = tpu.memref_squeeze %dma_wait3A_746 : memref<1x64x128xf32, #tpu.memory_space<vmem>> -> memref<64x128xf32, #tpu.memory_space<vmem>>
        %dma_wait3A_748 = arith.constant 0 : i32
        %dma_wait3A_749 = tpu.memref_slice %arg6[%dma_wait3A_742, %dma_wait3A_743, %dma_wait3A_748] : memref<7x2x64xi32, #tpu.memory_space<vmem>> -> memref<1x1x64xi32, #tpu.memory_space<vmem>>
        %dma_wait3A_750 = tpu.memref_squeeze %dma_wait3A_749 : memref<1x1x64xi32, #tpu.memory_space<vmem>> -> memref<64xi32, #tpu.memory_space<vmem>>
        %dma_wait3A_751 = arith.constant 0 : i32
        %dma_wait3A_752 = arith.constant 0 : i32
        %dma_wait3A_753 = tpu.memref_slice %arg9[%dma_wait3A_751, %dma_wait3A_752] : memref<10240x128xf32, #tpu.memory_space<vmem_shared>> -> memref<10240x128xf32, #tpu.memory_space<vmem_shared>>
        tpu.wait_indirect_dma semaphore(%arg13 : memref<!tpu.dma_semaphore, #tpu.memory_space<semaphore_mem>>) src(%dma_wait3A_747 : memref<64x128xf32, #tpu.memory_space<vmem>>) dst(%dma_wait3A_753 : memref<10240x128xf32, #tpu.memory_space<vmem_shared>>)
        %dma_wait3A_754 = arith.constant 0 : i32
        %dma_wait3A_755 = arith.constant 1 : i32
        %dma_wait3A_756 = arith.constant 0 : i32
        %dma_wait3A_757 = tpu.memref_slice %arg6[%dma_wait3A_754, %dma_wait3A_755, %dma_wait3A_756] : memref<7x2x64xi32, #tpu.memory_space<vmem>> -> memref<1x1x64xi32, #tpu.memory_space<vmem>>
        %dma_wait3A_758 = tpu.memref_squeeze %dma_wait3A_757 : memref<1x1x64xi32, #tpu.memory_space<vmem>> -> memref<64xi32, #tpu.memory_space<vmem>>
        %dma_wait3A_759 = arith.constant 0 : i32
        %dma_wait3A_760 = tpu.memref_slice %arg10[%dma_wait3A_759] : memref<10240xf32, #tpu.memory_space<vmem_shared>> -> memref<10240xf32, #tpu.memory_space<vmem_shared>>
        tpu.wait_indirect_dma semaphore(%arg13 : memref<!tpu.dma_semaphore, #tpu.memory_space<semaphore_mem>>) src(%arg8 : memref<64xf32, #tpu.memory_space<vmem>>) dst(%dma_wait3A_760 : memref<10240xf32, #tpu.memory_space<vmem_shared>>)
      } else {
      }
      %add3A_696 = arith.constant 2 : i32
      %add3A_697 = arith.addi %while3A_691, %add3A_696 : i32
      %lt3A_698 = arith.cmpi slt, %add3A_697, %add3A_4 : i32
      %convert_element_type3A_699 = arith.extui %lt3A_698 : i1 to i32
      %cond3A_700 = arith.constant 0 : i32
      %cond3A_701 = arith.cmpi ne, %convert_element_type3A_699, %cond3A_700 : i32
      scf.if %cond3A_701 {
        %dma_wait3A_741 = arith.constant 0 : i32
        %dma_wait3A_742 = arith.constant 0 : i32
        %dma_wait3A_743 = arith.constant 0 : i32
        %dma_wait3A_744 = arith.constant 0 : i32
        %dma_wait3A_745 = arith.constant 0 : i32
        %dma_wait3A_746 = tpu.memref_slice %arg6[%dma_wait3A_743, %dma_wait3A_744, %dma_wait3A_745] : memref<7x2x64xi32, #tpu.memory_space<vmem>> -> memref<1x1x64xi32, #tpu.memory_space<vmem>>
        %dma_wait3A_747 = tpu.memref_squeeze %dma_wait3A_746 : memref<1x1x64xi32, #tpu.memory_space<vmem>> -> memref<64xi32, #tpu.memory_space<vmem>>
        %dma_wait3A_748 = arith.constant 0 : i32
        %dma_wait3A_749 = tpu.memref_slice %arg3[%dma_wait3A_741, %dma_wait3A_742, %dma_wait3A_748] : memref<2x5000x64xi32, #tpu.memory_space<hbm>> -> memref<1x1x64xi32, #tpu.memory_space<hbm>>
        %dma_wait3A_750 = tpu.memref_squeeze %dma_wait3A_749 : memref<1x1x64xi32, #tpu.memory_space<hbm>> -> memref<64xi32, #tpu.memory_space<hbm>>
        %dma_wait3A_751 = arith.constant 0 : i32
        %dma_wait3A_752 = tpu.memref_slice %arg6[%dma_wait3A_743, %dma_wait3A_744, %dma_wait3A_751] : memref<7x2x64xi32, #tpu.memory_space<vmem>> -> memref<1x1x64xi32, #tpu.memory_space<vmem>>
        %dma_wait3A_753 = tpu.memref_squeeze %dma_wait3A_752 : memref<1x1x64xi32, #tpu.memory_space<vmem>> -> memref<64xi32, #tpu.memory_space<vmem>>
        %dma_wait3A_754 = arith.constant 0 : i32
        %dma_wait3A_755 = tpu.memref_slice %arg3[%dma_wait3A_741, %dma_wait3A_742, %dma_wait3A_754] : memref<2x5000x64xi32, #tpu.memory_space<hbm>> -> memref<1x1x64xi32, #tpu.memory_space<hbm>>
        %dma_wait3A_756 = tpu.memref_squeeze %dma_wait3A_755 : memref<1x1x64xi32, #tpu.memory_space<hbm>> -> memref<64xi32, #tpu.memory_space<hbm>>
        tpu.wait_dma2 semaphore(%arg11 : memref<!tpu.dma_semaphore, #tpu.memory_space<semaphore_mem>>) src(%dma_wait3A_756 : memref<64xi32, #tpu.memory_space<hbm>>) dst(%dma_wait3A_753 : memref<64xi32, #tpu.memory_space<vmem>>)
        %dma_wait3A_757 = arith.constant 0 : i32
        %dma_wait3A_758 = arith.constant 0 : i32
        %dma_wait3A_759 = arith.constant 0 : i32
        %dma_wait3A_760 = arith.constant 0 : i32
        %dma_wait3A_761 = arith.constant 0 : i32
        %dma_wait3A_762 = tpu.memref_slice %arg6[%dma_wait3A_759, %dma_wait3A_760, %dma_wait3A_761] : memref<7x2x64xi32, #tpu.memory_space<vmem>> -> memref<1x1x64xi32, #tpu.memory_space<vmem>>
        %dma_wait3A_763 = tpu.memref_squeeze %dma_wait3A_762 : memref<1x1x64xi32, #tpu.memory_space<vmem>> -> memref<64xi32, #tpu.memory_space<vmem>>
        %dma_wait3A_764 = arith.constant 0 : i32
        %dma_wait3A_765 = tpu.memref_slice %arg3[%dma_wait3A_757, %dma_wait3A_758, %dma_wait3A_764] : memref<2x5000x64xi32, #tpu.memory_space<hbm>> -> memref<1x1x64xi32, #tpu.memory_space<hbm>>
        %dma_wait3A_766 = tpu.memref_squeeze %dma_wait3A_765 : memref<1x1x64xi32, #tpu.memory_space<hbm>> -> memref<64xi32, #tpu.memory_space<hbm>>
        %dma_wait3A_767 = arith.constant 0 : i32
        %dma_wait3A_768 = tpu.memref_slice %arg6[%dma_wait3A_759, %dma_wait3A_760, %dma_wait3A_767] : memref<7x2x64xi32, #tpu.memory_space<vmem>> -> memref<1x1x64xi32, #tpu.memory_space<vmem>>
        %dma_wait3A_769 = tpu.memref_squeeze %dma_wait3A_768 : memref<1x1x64xi32, #tpu.memory_space<vmem>> -> memref<64xi32, #tpu.memory_space<vmem>>
        %dma_wait3A_770 = arith.constant 0 : i32
        %dma_wait3A_771 = tpu.memref_slice %arg3[%dma_wait3A_757, %dma_wait3A_758, %dma_wait3A_770] : memref<2x5000x64xi32, #tpu.memory_space<hbm>> -> memref<1x1x64xi32, #tpu.memory_space<hbm>>
        %dma_wait3A_772 = tpu.memref_squeeze %dma_wait3A_771 : memref<1x1x64xi32, #tpu.memory_space<hbm>> -> memref<64xi32, #tpu.memory_space<hbm>>
        tpu.wait_dma2 semaphore(%arg11 : memref<!tpu.dma_semaphore, #tpu.memory_space<semaphore_mem>>) src(%dma_wait3A_772 : memref<64xi32, #tpu.memory_space<hbm>>) dst(%dma_wait3A_769 : memref<64xi32, #tpu.memory_space<vmem>>)
        %add3A_773 = arith.constant 2 : i32
        %add3A_774 = arith.addi %while3A_691, %add3A_773 : i32
        %rem3A_775 = arith.constant 7 : i32
        %rem3A_776 = arith.remsi %add3A_774, %rem3A_775 : i32
        %add3A_777 = arith.constant 2 : i32
        %add3A_778 = arith.addi %while3A_691, %add3A_777 : i32
        %rem3A_779 = arith.constant 5 : i32
        %rem3A_780 = arith.remsi %add3A_778, %rem3A_779 : i32
        %dma_start3A_781 = arith.constant 0 : i32
        %dma_start3A_782 = arith.constant 0 : i32
        %dma_start3A_783 = arith.constant 0 : i32
        %dma_start3A_784 = tpu.memref_slice %arg7[%rem3A_780, %dma_start3A_782, %dma_start3A_783] : memref<5x64x128xf32, #tpu.memory_space<vmem>> -> memref<1x64x128xf32, #tpu.memory_space<vmem>>
        %dma_start3A_785 = tpu.memref_squeeze %dma_start3A_784 : memref<1x64x128xf32, #tpu.memory_space<vmem>> -> memref<64x128xf32, #tpu.memory_space<vmem>>
        %dma_start3A_786 = arith.constant 0 : i32
        %dma_start3A_787 = tpu.memref_slice %arg6[%rem3A_776, %dma_start3A_781, %dma_start3A_786] : memref<7x2x64xi32, #tpu.memory_space<vmem>> -> memref<1x1x64xi32, #tpu.memory_space<vmem>>
        %dma_start3A_788 = tpu.memref_squeeze %dma_start3A_787 : memref<1x1x64xi32, #tpu.memory_space<vmem>> -> memref<64xi32, #tpu.memory_space<vmem>>
        %dma_start3A_789 = arith.constant 0 : i32
        %dma_start3A_790 = arith.constant 0 : i32
        %dma_start3A_791 = tpu.memref_slice %arg2[%dma_start3A_789, %dma_start3A_790] : memref<10000x128xf32, #tpu.memory_space<hbm>> -> memref<10000x128xf32, #tpu.memory_space<hbm>>
        tpu.enqueue_indirect_dma source(%dma_start3A_791 : memref<10000x128xf32, #tpu.memory_space<hbm>>) target(%dma_start3A_785 : memref<64x128xf32, #tpu.memory_space<vmem>>) offsets(%dma_start3A_788 : memref<64xi32, #tpu.memory_space<vmem>>) semaphore(%arg12 : memref<!tpu.dma_semaphore, #tpu.memory_space<semaphore_mem>>)
      } else {
      }
      %dma_wait3A_702 = arith.constant 0 : i32
      %dma_wait3A_703 = arith.constant 0 : i32
      %dma_wait3A_704 = arith.constant 0 : i32
      %dma_wait3A_705 = arith.constant 0 : i32
      %dma_wait3A_706 = tpu.memref_slice %arg7[%rem3A_693, %dma_wait3A_704, %dma_wait3A_705] : memref<5x64x128xf32, #tpu.memory_space<vmem>> -> memref<1x64x128xf32, #tpu.memory_space<vmem>>
      %dma_wait3A_707 = tpu.memref_squeeze %dma_wait3A_706 : memref<1x64x128xf32, #tpu.memory_space<vmem>> -> memref<64x128xf32, #tpu.memory_space<vmem>>
      %dma_wait3A_708 = arith.constant 0 : i32
      %dma_wait3A_709 = tpu.memref_slice %arg6[%dma_wait3A_702, %dma_wait3A_703, %dma_wait3A_708] : memref<7x2x64xi32, #tpu.memory_space<vmem>> -> memref<1x1x64xi32, #tpu.memory_space<vmem>>
      %dma_wait3A_710 = tpu.memref_squeeze %dma_wait3A_709 : memref<1x1x64xi32, #tpu.memory_space<vmem>> -> memref<64xi32, #tpu.memory_space<vmem>>
      %dma_wait3A_711 = arith.constant 0 : i32
      %dma_wait3A_712 = arith.constant 0 : i32
      %dma_wait3A_713 = tpu.memref_slice %arg2[%dma_wait3A_711, %dma_wait3A_712] : memref<10000x128xf32, #tpu.memory_space<hbm>> -> memref<10000x128xf32, #tpu.memory_space<hbm>>
      tpu.wait_indirect_dma semaphore(%arg12 : memref<!tpu.dma_semaphore, #tpu.memory_space<semaphore_mem>>) src(%dma_wait3A_713 : memref<10000x128xf32, #tpu.memory_space<hbm>>) dst(%dma_wait3A_707 : memref<64x128xf32, #tpu.memory_space<vmem>>)
      %rem3A_714 = arith.constant 7 : i32
      %rem3A_715 = arith.remsi %while3A_691, %rem3A_714 : i32
      %dma_start3A_716 = arith.constant 1 : i32
      %dma_start3A_717 = arith.constant 0 : i32
      %dma_start3A_718 = arith.constant 0 : i32
      %dma_start3A_719 = tpu.memref_slice %arg7[%rem3A_693, %dma_start3A_717, %dma_start3A_718] : memref<5x64x128xf32, #tpu.memory_space<vmem>> -> memref<1x64x128xf32, #tpu.memory_space<vmem>>
      %dma_start3A_720 = tpu.memref_squeeze %dma_start3A_719 : memref<1x64x128xf32, #tpu.memory_space<vmem>> -> memref<64x128xf32, #tpu.memory_space<vmem>>
      %dma_start3A_721 = arith.constant 0 : i32
      %dma_start3A_722 = tpu.memref_slice %arg6[%rem3A_715, %dma_start3A_716, %dma_start3A_721] : memref<7x2x64xi32, #tpu.memory_space<vmem>> -> memref<1x1x64xi32, #tpu.memory_space<vmem>>
      %dma_start3A_723 = tpu.memref_squeeze %dma_start3A_722 : memref<1x1x64xi32, #tpu.memory_space<vmem>> -> memref<64xi32, #tpu.memory_space<vmem>>
      %dma_start3A_724 = arith.constant 0 : i32
      %dma_start3A_725 = arith.constant 0 : i32
      %dma_start3A_726 = tpu.memref_slice %arg9[%dma_start3A_724, %dma_start3A_725] : memref<10240x128xf32, #tpu.memory_space<vmem_shared>> -> memref<10240x128xf32, #tpu.memory_space<vmem_shared>>
      tpu.enqueue_indirect_dma source(%dma_start3A_720 : memref<64x128xf32, #tpu.memory_space<vmem>>) target(%dma_start3A_726 : memref<10240x128xf32, #tpu.memory_space<vmem_shared>>) offsets(%dma_start3A_723 : memref<64xi32, #tpu.memory_space<vmem>>) semaphore(%arg13 : memref<!tpu.dma_semaphore, #tpu.memory_space<semaphore_mem>>) {add = true}
      %rem3A_727 = arith.constant 7 : i32
      %rem3A_728 = arith.remsi %while3A_691, %rem3A_727 : i32
      %dma_start3A_729 = arith.constant 1 : i32
      %dma_start3A_730 = arith.constant 0 : i32
      %dma_start3A_731 = tpu.memref_slice %arg6[%rem3A_728, %dma_start3A_729, %dma_start3A_730] : memref<7x2x64xi32, #tpu.memory_space<vmem>> -> memref<1x1x64xi32, #tpu.memory_space<vmem>>
      %dma_start3A_732 = tpu.memref_squeeze %dma_start3A_731 : memref<1x1x64xi32, #tpu.memory_space<vmem>> -> memref<64xi32, #tpu.memory_space<vmem>>
      %dma_start3A_733 = arith.constant 0 : i32
      %dma_start3A_734 = tpu.memref_slice %arg10[%dma_start3A_733] : memref<10240xf32, #tpu.memory_space<vmem_shared>> -> memref<10240xf32, #tpu.memory_space<vmem_shared>>
      tpu.enqueue_indirect_dma source(%arg8 : memref<64xf32, #tpu.memory_space<vmem>>) target(%dma_start3A_734 : memref<10240xf32, #tpu.memory_space<vmem_shared>>) offsets(%dma_start3A_732 : memref<64xi32, #tpu.memory_space<vmem>>) semaphore(%arg13 : memref<!tpu.dma_semaphore, #tpu.memory_space<semaphore_mem>>) {add = true}
      %add3A_735 = arith.constant 5 : i32
      %add3A_736 = arith.addi %while3A_691, %add3A_735 : i32
      %lt3A_737 = arith.cmpi slt, %add3A_736, %add3A_4 : i32
      %convert_element_type3A_738 = arith.extui %lt3A_737 : i1 to i32
      %cond3A_739 = arith.constant 0 : i32
      %cond3A_740 = arith.cmpi ne, %convert_element_type3A_738, %cond3A_739 : i32
      scf.if %cond3A_740 {
        %add3A_741 = arith.constant 5 : i32
        %add3A_742 = arith.addi %while3A_691, %add3A_741 : i32
        %add3A_743 = arith.constant 5 : i32
        %add3A_744 = arith.addi %while3A_691, %add3A_743 : i32
        %rem3A_745 = arith.constant 7 : i32
        %rem3A_746 = arith.remsi %add3A_744, %rem3A_745 : i32
        %add3A_747 = arith.addi %select_n3A_441, %add3A_742 : i32
        %dma_start3A_748 = arith.constant 0 : i32
        %dma_start3A_749 = arith.constant 0 : i32
        %dma_start3A_750 = arith.constant 0 : i32
        %dma_start3A_751 = tpu.memref_slice %arg6[%rem3A_746, %dma_start3A_749, %dma_start3A_750] : memref<7x2x64xi32, #tpu.memory_space<vmem>> -> memref<1x1x64xi32, #tpu.memory_space<vmem>>
        %dma_start3A_752 = tpu.memref_squeeze %dma_start3A_751 : memref<1x1x64xi32, #tpu.memory_space<vmem>> -> memref<64xi32, #tpu.memory_space<vmem>>
        %dma_start3A_753 = arith.constant 0 : i32
        %dma_start3A_754 = tpu.memref_slice %arg3[%dma_start3A_748, %add3A_747, %dma_start3A_753] : memref<2x5000x64xi32, #tpu.memory_space<hbm>> -> memref<1x1x64xi32, #tpu.memory_space<hbm>>
        %dma_start3A_755 = tpu.memref_squeeze %dma_start3A_754 : memref<1x1x64xi32, #tpu.memory_space<hbm>> -> memref<64xi32, #tpu.memory_space<hbm>>
        %dma_start3A_756 = arith.constant 0 : i32
        %dma_start3A_757 = tpu.memref_slice %arg6[%rem3A_746, %dma_start3A_749, %dma_start3A_756] : memref<7x2x64xi32, #tpu.memory_space<vmem>> -> memref<1x1x64xi32, #tpu.memory_space<vmem>>
        %dma_start3A_758 = tpu.memref_squeeze %dma_start3A_757 : memref<1x1x64xi32, #tpu.memory_space<vmem>> -> memref<64xi32, #tpu.memory_space<vmem>>
        %dma_start3A_759 = arith.constant 0 : i32
        %dma_start3A_760 = tpu.memref_slice %arg3[%dma_start3A_748, %add3A_747, %dma_start3A_759] : memref<2x5000x64xi32, #tpu.memory_space<hbm>> -> memref<1x1x64xi32, #tpu.memory_space<hbm>>
        %dma_start3A_761 = tpu.memref_squeeze %dma_start3A_760 : memref<1x1x64xi32, #tpu.memory_space<hbm>> -> memref<64xi32, #tpu.memory_space<hbm>>
        tpu.enqueue_dma source(%dma_start3A_761 : memref<64xi32, #tpu.memory_space<hbm>>) target(%dma_start3A_758 : memref<64xi32, #tpu.memory_space<vmem>>) target_semaphore(%arg11 : memref<!tpu.dma_semaphore, #tpu.memory_space<semaphore_mem>>)
        %add3A_762 = arith.addi %select_n3A_441, %add3A_742 : i32
        %dma_start3A_763 = arith.constant 1 : i32
        %dma_start3A_764 = arith.constant 1 : i32
        %dma_start3A_765 = arith.constant 0 : i32
        %dma_start3A_766 = tpu.memref_slice %arg6[%rem3A_746, %dma_start3A_764, %dma_start3A_765] : memref<7x2x64xi32, #tpu.memory_space<vmem>> -> memref<1x1x64xi32, #tpu.memory_space<vmem>>
        %dma_start3A_767 = tpu.memref_squeeze %dma_start3A_766 : memref<1x1x64xi32, #tpu.memory_space<vmem>> -> memref<64xi32, #tpu.memory_space<vmem>>
        %dma_start3A_768 = arith.constant 0 : i32
        %dma_start3A_769 = tpu.memref_slice %arg3[%dma_start3A_763, %add3A_762, %dma_start3A_768] : memref<2x5000x64xi32, #tpu.memory_space<hbm>> -> memref<1x1x64xi32, #tpu.memory_space<hbm>>
        %dma_start3A_770 = tpu.memref_squeeze %dma_start3A_769 : memref<1x1x64xi32, #tpu.memory_space<hbm>> -> memref<64xi32, #tpu.memory_space<hbm>>
        %dma_start3A_771 = arith.constant 0 : i32
        %dma_start3A_772 = tpu.memref_slice %arg6[%rem3A_746, %dma_start3A_764, %dma_start3A_771] : memref<7x2x64xi32, #tpu.memory_space<vmem>> -> memref<1x1x64xi32, #tpu.memory_space<vmem>>
        %dma_start3A_773 = tpu.memref_squeeze %dma_start3A_772 : memref<1x1x64xi32, #tpu.memory_space<vmem>> -> memref<64xi32, #tpu.memory_space<vmem>>
        %dma_start3A_774 = arith.constant 0 : i32
        %dma_start3A_775 = tpu.memref_slice %arg3[%dma_start3A_763, %add3A_762, %dma_start3A_774] : memref<2x5000x64xi32, #tpu.memory_space<hbm>> -> memref<1x1x64xi32, #tpu.memory_space<hbm>>
        %dma_start3A_776 = tpu.memref_squeeze %dma_start3A_775 : memref<1x1x64xi32, #tpu.memory_space<hbm>> -> memref<64xi32, #tpu.memory_space<hbm>>
        tpu.enqueue_dma source(%dma_start3A_776 : memref<64xi32, #tpu.memory_space<hbm>>) target(%dma_start3A_773 : memref<64xi32, #tpu.memory_space<vmem>>) target_semaphore(%arg11 : memref<!tpu.dma_semaphore, #tpu.memory_space<semaphore_mem>>)
      } else {
      }
    }
    %while3A_649 = arith.constant 1 : i32
    scf.for %while3A_691 = %while3A_647 to %while3A_643 step %while3A_649  : i32 {
      %rem3A_692 = arith.constant 5 : i32
      %rem3A_693 = arith.remsi %while3A_691, %rem3A_692 : i32
      %ge3A = arith.constant 2 : i32
      %ge3A_694 = arith.cmpi sge, %while3A_691, %ge3A : i32
      %convert_element_type3A = arith.extui %ge3A_694 : i1 to i32
      %cond3A = arith.constant 0 : i32
      %cond3A_695 = arith.cmpi ne, %convert_element_type3A, %cond3A : i32
      scf.if %cond3A_695 {
        %dma_wait3A_741 = arith.constant 0 : i32
        %dma_wait3A_742 = arith.constant 0 : i32
        %dma_wait3A_743 = arith.constant 1 : i32
        %dma_wait3A_744 = arith.constant 0 : i32
        %dma_wait3A_745 = arith.constant 0 : i32
        %dma_wait3A_746 = tpu.memref_slice %arg7[%dma_wait3A_741, %dma_wait3A_744, %dma_wait3A_745] : memref<5x64x128xf32, #tpu.memory_space<vmem>> -> memref<1x64x128xf32, #tpu.memory_space<vmem>>
        %dma_wait3A_747 = tpu.memref_squeeze %dma_wait3A_746 : memref<1x64x128xf32, #tpu.memory_space<vmem>> -> memref<64x128xf32, #tpu.memory_space<vmem>>
        %dma_wait3A_748 = arith.constant 0 : i32
        %dma_wait3A_749 = tpu.memref_slice %arg6[%dma_wait3A_742, %dma_wait3A_743, %dma_wait3A_748] : memref<7x2x64xi32, #tpu.memory_space<vmem>> -> memref<1x1x64xi32, #tpu.memory_space<vmem>>
        %dma_wait3A_750 = tpu.memref_squeeze %dma_wait3A_749 : memref<1x1x64xi32, #tpu.memory_space<vmem>> -> memref<64xi32, #tpu.memory_space<vmem>>
        %dma_wait3A_751 = arith.constant 0 : i32
        %dma_wait3A_752 = arith.constant 0 : i32
        %dma_wait3A_753 = tpu.memref_slice %arg9[%dma_wait3A_751, %dma_wait3A_752] : memref<10240x128xf32, #tpu.memory_space<vmem_shared>> -> memref<10240x128xf32, #tpu.memory_space<vmem_shared>>
        tpu.wait_indirect_dma semaphore(%arg13 : memref<!tpu.dma_semaphore, #tpu.memory_space<semaphore_mem>>) src(%dma_wait3A_747 : memref<64x128xf32, #tpu.memory_space<vmem>>) dst(%dma_wait3A_753 : memref<10240x128xf32, #tpu.memory_space<vmem_shared>>)
        %dma_wait3A_754 = arith.constant 0 : i32
        %dma_wait3A_755 = arith.constant 1 : i32
        %dma_wait3A_756 = arith.constant 0 : i32
        %dma_wait3A_757 = tpu.memref_slice %arg6[%dma_wait3A_754, %dma_wait3A_755, %dma_wait3A_756] : memref<7x2x64xi32, #tpu.memory_space<vmem>> -> memref<1x1x64xi32, #tpu.memory_space<vmem>>
        %dma_wait3A_758 = tpu.memref_squeeze %dma_wait3A_757 : memref<1x1x64xi32, #tpu.memory_space<vmem>> -> memref<64xi32, #tpu.memory_space<vmem>>
        %dma_wait3A_759 = arith.constant 0 : i32
        %dma_wait3A_760 = tpu.memref_slice %arg10[%dma_wait3A_759] : memref<10240xf32, #tpu.memory_space<vmem_shared>> -> memref<10240xf32, #tpu.memory_space<vmem_shared>>
        tpu.wait_indirect_dma semaphore(%arg13 : memref<!tpu.dma_semaphore, #tpu.memory_space<semaphore_mem>>) src(%arg8 : memref<64xf32, #tpu.memory_space<vmem>>) dst(%dma_wait3A_760 : memref<10240xf32, #tpu.memory_space<vmem_shared>>)
      } else {
      }
      %add3A_696 = arith.constant 2 : i32
      %add3A_697 = arith.addi %while3A_691, %add3A_696 : i32
      %lt3A_698 = arith.cmpi slt, %add3A_697, %add3A_4 : i32
      %convert_element_type3A_699 = arith.extui %lt3A_698 : i1 to i32
      %cond3A_700 = arith.constant 0 : i32
      %cond3A_701 = arith.cmpi ne, %convert_element_type3A_699, %cond3A_700 : i32
      scf.if %cond3A_701 {
        %dma_wait3A_741 = arith.constant 0 : i32
        %dma_wait3A_742 = arith.constant 0 : i32
        %dma_wait3A_743 = arith.constant 0 : i32
        %dma_wait3A_744 = arith.constant 0 : i32
        %dma_wait3A_745 = arith.constant 0 : i32
        %dma_wait3A_746 = tpu.memref_slice %arg6[%dma_wait3A_743, %dma_wait3A_744, %dma_wait3A_745] : memref<7x2x64xi32, #tpu.memory_space<vmem>> -> memref<1x1x64xi32, #tpu.memory_space<vmem>>
        %dma_wait3A_747 = tpu.memref_squeeze %dma_wait3A_746 : memref<1x1x64xi32, #tpu.memory_space<vmem>> -> memref<64xi32, #tpu.memory_space<vmem>>
        %dma_wait3A_748 = arith.constant 0 : i32
        %dma_wait3A_749 = tpu.memref_slice %arg3[%dma_wait3A_741, %dma_wait3A_742, %dma_wait3A_748] : memref<2x5000x64xi32, #tpu.memory_space<hbm>> -> memref<1x1x64xi32, #tpu.memory_space<hbm>>
        %dma_wait3A_750 = tpu.memref_squeeze %dma_wait3A_749 : memref<1x1x64xi32, #tpu.memory_space<hbm>> -> memref<64xi32, #tpu.memory_space<hbm>>
        %dma_wait3A_751 = arith.constant 0 : i32
        %dma_wait3A_752 = tpu.memref_slice %arg6[%dma_wait3A_743, %dma_wait3A_744, %dma_wait3A_751] : memref<7x2x64xi32, #tpu.memory_space<vmem>> -> memref<1x1x64xi32, #tpu.memory_space<vmem>>
        %dma_wait3A_753 = tpu.memref_squeeze %dma_wait3A_752 : memref<1x1x64xi32, #tpu.memory_space<vmem>> -> memref<64xi32, #tpu.memory_space<vmem>>
        %dma_wait3A_754 = arith.constant 0 : i32
        %dma_wait3A_755 = tpu.memref_slice %arg3[%dma_wait3A_741, %dma_wait3A_742, %dma_wait3A_754] : memref<2x5000x64xi32, #tpu.memory_space<hbm>> -> memref<1x1x64xi32, #tpu.memory_space<hbm>>
        %dma_wait3A_756 = tpu.memref_squeeze %dma_wait3A_755 : memref<1x1x64xi32, #tpu.memory_space<hbm>> -> memref<64xi32, #tpu.memory_space<hbm>>
        tpu.wait_dma2 semaphore(%arg11 : memref<!tpu.dma_semaphore, #tpu.memory_space<semaphore_mem>>) src(%dma_wait3A_756 : memref<64xi32, #tpu.memory_space<hbm>>) dst(%dma_wait3A_753 : memref<64xi32, #tpu.memory_space<vmem>>)
        %dma_wait3A_757 = arith.constant 0 : i32
        %dma_wait3A_758 = arith.constant 0 : i32
        %dma_wait3A_759 = arith.constant 0 : i32
        %dma_wait3A_760 = arith.constant 0 : i32
        %dma_wait3A_761 = arith.constant 0 : i32
        %dma_wait3A_762 = tpu.memref_slice %arg6[%dma_wait3A_759, %dma_wait3A_760, %dma_wait3A_761] : memref<7x2x64xi32, #tpu.memory_space<vmem>> -> memref<1x1x64xi32, #tpu.memory_space<vmem>>
        %dma_wait3A_763 = tpu.memref_squeeze %dma_wait3A_762 : memref<1x1x64xi32, #tpu.memory_space<vmem>> -> memref<64xi32, #tpu.memory_space<vmem>>
        %dma_wait3A_764 = arith.constant 0 : i32
        %dma_wait3A_765 = tpu.memref_slice %arg3[%dma_wait3A_757, %dma_wait3A_758, %dma_wait3A_764] : memref<2x5000x64xi32, #tpu.memory_space<hbm>> -> memref<1x1x64xi32, #tpu.memory_space<hbm>>
        %dma_wait3A_766 = tpu.memref_squeeze %dma_wait3A_765 : memref<1x1x64xi32, #tpu.memory_space<hbm>> -> memref<64xi32, #tpu.memory_space<hbm>>
        %dma_wait3A_767 = arith.constant 0 : i32
        %dma_wait3A_768 = tpu.memref_slice %arg6[%dma_wait3A_759, %dma_wait3A_760, %dma_wait3A_767] : memref<7x2x64xi32, #tpu.memory_space<vmem>> -> memref<1x1x64xi32, #tpu.memory_space<vmem>>
        %dma_wait3A_769 = tpu.memref_squeeze %dma_wait3A_768 : memref<1x1x64xi32, #tpu.memory_space<vmem>> -> memref<64xi32, #tpu.memory_space<vmem>>
        %dma_wait3A_770 = arith.constant 0 : i32
        %dma_wait3A_771 = tpu.memref_slice %arg3[%dma_wait3A_757, %dma_wait3A_758, %dma_wait3A_770] : memref<2x5000x64xi32, #tpu.memory_space<hbm>> -> memref<1x1x64xi32, #tpu.memory_space<hbm>>
        %dma_wait3A_772 = tpu.memref_squeeze %dma_wait3A_771 : memref<1x1x64xi32, #tpu.memory_space<hbm>> -> memref<64xi32, #tpu.memory_space<hbm>>
        tpu.wait_dma2 semaphore(%arg11 : memref<!tpu.dma_semaphore, #tpu.memory_space<semaphore_mem>>) src(%dma_wait3A_772 : memref<64xi32, #tpu.memory_space<hbm>>) dst(%dma_wait3A_769 : memref<64xi32, #tpu.memory_space<vmem>>)
        %add3A_773 = arith.constant 2 : i32
        %add3A_774 = arith.addi %while3A_691, %add3A_773 : i32
        %rem3A_775 = arith.constant 7 : i32
        %rem3A_776 = arith.remsi %add3A_774, %rem3A_775 : i32
        %add3A_777 = arith.constant 2 : i32
        %add3A_778 = arith.addi %while3A_691, %add3A_777 : i32
        %rem3A_779 = arith.constant 5 : i32
        %rem3A_780 = arith.remsi %add3A_778, %rem3A_779 : i32
        %dma_start3A_781 = arith.constant 0 : i32
        %dma_start3A_782 = arith.constant 0 : i32
        %dma_start3A_783 = arith.constant 0 : i32
        %dma_start3A_784 = tpu.memref_slice %arg7[%rem3A_780, %dma_start3A_782, %dma_start3A_783] : memref<5x64x128xf32, #tpu.memory_space<vmem>> -> memref<1x64x128xf32, #tpu.memory_space<vmem>>
        %dma_start3A_785 = tpu.memref_squeeze %dma_start3A_784 : memref<1x64x128xf32, #tpu.memory_space<vmem>> -> memref<64x128xf32, #tpu.memory_space<vmem>>
        %dma_start3A_786 = arith.constant 0 : i32
        %dma_start3A_787 = tpu.memref_slice %arg6[%rem3A_776, %dma_start3A_781, %dma_start3A_786] : memref<7x2x64xi32, #tpu.memory_space<vmem>> -> memref<1x1x64xi32, #tpu.memory_space<vmem>>
        %dma_start3A_788 = tpu.memref_squeeze %dma_start3A_787 : memref<1x1x64xi32, #tpu.memory_space<vmem>> -> memref<64xi32, #tpu.memory_space<vmem>>
        %dma_start3A_789 = arith.constant 0 : i32
        %dma_start3A_790 = arith.constant 0 : i32
        %dma_start3A_791 = tpu.memref_slice %arg2[%dma_start3A_789, %dma_start3A_790] : memref<10000x128xf32, #tpu.memory_space<hbm>> -> memref<10000x128xf32, #tpu.memory_space<hbm>>
        tpu.enqueue_indirect_dma source(%dma_start3A_791 : memref<10000x128xf32, #tpu.memory_space<hbm>>) target(%dma_start3A_785 : memref<64x128xf32, #tpu.memory_space<vmem>>) offsets(%dma_start3A_788 : memref<64xi32, #tpu.memory_space<vmem>>) semaphore(%arg12 : memref<!tpu.dma_semaphore, #tpu.memory_space<semaphore_mem>>)
      } else {
      }
      %dma_wait3A_702 = arith.constant 0 : i32
      %dma_wait3A_703 = arith.constant 0 : i32
      %dma_wait3A_704 = arith.constant 0 : i32
      %dma_wait3A_705 = arith.constant 0 : i32
      %dma_wait3A_706 = tpu.memref_slice %arg7[%rem3A_693, %dma_wait3A_704, %dma_wait3A_705] : memref<5x64x128xf32, #tpu.memory_space<vmem>> -> memref<1x64x128xf32, #tpu.memory_space<vmem>>
      %dma_wait3A_707 = tpu.memref_squeeze %dma_wait3A_706 : memref<1x64x128xf32, #tpu.memory_space<vmem>> -> memref<64x128xf32, #tpu.memory_space<vmem>>
      %dma_wait3A_708 = arith.constant 0 : i32
      %dma_wait3A_709 = tpu.memref_slice %arg6[%dma_wait3A_702, %dma_wait3A_703, %dma_wait3A_708] : memref<7x2x64xi32, #tpu.memory_space<vmem>> -> memref<1x1x64xi32, #tpu.memory_space<vmem>>
      %dma_wait3A_710 = tpu.memref_squeeze %dma_wait3A_709 : memref<1x1x64xi32, #tpu.memory_space<vmem>> -> memref<64xi32, #tpu.memory_space<vmem>>
      %dma_wait3A_711 = arith.constant 0 : i32
      %dma_wait3A_712 = arith.constant 0 : i32
      %dma_wait3A_713 = tpu.memref_slice %arg2[%dma_wait3A_711, %dma_wait3A_712] : memref<10000x128xf32, #tpu.memory_space<hbm>> -> memref<10000x128xf32, #tpu.memory_space<hbm>>
      tpu.wait_indirect_dma semaphore(%arg12 : memref<!tpu.dma_semaphore, #tpu.memory_space<semaphore_mem>>) src(%dma_wait3A_713 : memref<10000x128xf32, #tpu.memory_space<hbm>>) dst(%dma_wait3A_707 : memref<64x128xf32, #tpu.memory_space<vmem>>)
      %rem3A_714 = arith.constant 7 : i32
      %rem3A_715 = arith.remsi %while3A_691, %rem3A_714 : i32
      %dma_start3A_716 = arith.constant 1 : i32
      %dma_start3A_717 = arith.constant 0 : i32
      %dma_start3A_718 = arith.constant 0 : i32
      %dma_start3A_719 = tpu.memref_slice %arg7[%rem3A_693, %dma_start3A_717, %dma_start3A_718] : memref<5x64x128xf32, #tpu.memory_space<vmem>> -> memref<1x64x128xf32, #tpu.memory_space<vmem>>
      %dma_start3A_720 = tpu.memref_squeeze %dma_start3A_719 : memref<1x64x128xf32, #tpu.memory_space<vmem>> -> memref<64x128xf32, #tpu.memory_space<vmem>>
      %dma_start3A_721 = arith.constant 0 : i32
      %dma_start3A_722 = tpu.memref_slice %arg6[%rem3A_715, %dma_start3A_716, %dma_start3A_721] : memref<7x2x64xi32, #tpu.memory_space<vmem>> -> memref<1x1x64xi32, #tpu.memory_space<vmem>>
      %dma_start3A_723 = tpu.memref_squeeze %dma_start3A_722 : memref<1x1x64xi32, #tpu.memory_space<vmem>> -> memref<64xi32, #tpu.memory_space<vmem>>
      %dma_start3A_724 = arith.constant 0 : i32
      %dma_start3A_725 = arith.constant 0 : i32
      %dma_start3A_726 = tpu.memref_slice %arg9[%dma_start3A_724, %dma_start3A_725] : memref<10240x128xf32, #tpu.memory_space<vmem_shared>> -> memref<10240x128xf32, #tpu.memory_space<vmem_shared>>
      tpu.enqueue_indirect_dma source(%dma_start3A_720 : memref<64x128xf32, #tpu.memory_space<vmem>>) target(%dma_start3A_726 : memref<10240x128xf32, #tpu.memory_space<vmem_shared>>) offsets(%dma_start3A_723 : memref<64xi32, #tpu.memory_space<vmem>>) semaphore(%arg13 : memref<!tpu.dma_semaphore, #tpu.memory_space<semaphore_mem>>) {add = true}
      %rem3A_727 = arith.constant 7 : i32
      %rem3A_728 = arith.remsi %while3A_691, %rem3A_727 : i32
      %dma_start3A_729 = arith.constant 1 : i32
      %dma_start3A_730 = arith.constant 0 : i32
      %dma_start3A_731 = tpu.memref_slice %arg6[%rem3A_728, %dma_start3A_729, %dma_start3A_730] : memref<7x2x64xi32, #tpu.memory_space<vmem>> -> memref<1x1x64xi32, #tpu.memory_space<vmem>>
      %dma_start3A_732 = tpu.memref_squeeze %dma_start3A_731 : memref<1x1x64xi32, #tpu.memory_space<vmem>> -> memref<64xi32, #tpu.memory_space<vmem>>
      %dma_start3A_733 = arith.constant 0 : i32
      %dma_start3A_734 = tpu.memref_slice %arg10[%dma_start3A_733] : memref<10240xf32, #tpu.memory_space<vmem_shared>> -> memref<10240xf32, #tpu.memory_space<vmem_shared>>
      tpu.enqueue_indirect_dma source(%arg8 : memref<64xf32, #tpu.memory_space<vmem>>) target(%dma_start3A_734 : memref<10240xf32, #tpu.memory_space<vmem_shared>>) offsets(%dma_start3A_732 : memref<64xi32, #tpu.memory_space<vmem>>) semaphore(%arg13 : memref<!tpu.dma_semaphore, #tpu.memory_space<semaphore_mem>>) {add = true}
      %add3A_735 = arith.constant 5 : i32
      %add3A_736 = arith.addi %while3A_691, %add3A_735 : i32
      %lt3A_737 = arith.cmpi slt, %add3A_736, %add3A_4 : i32
      %convert_element_type3A_738 = arith.extui %lt3A_737 : i1 to i32
      %cond3A_739 = arith.constant 0 : i32
      %cond3A_740 = arith.cmpi ne, %convert_element_type3A_738, %cond3A_739 : i32
      scf.if %cond3A_740 {
        %add3A_741 = arith.constant 5 : i32
        %add3A_742 = arith.addi %while3A_691, %add3A_741 : i32
        %add3A_743 = arith.constant 5 : i32
        %add3A_744 = arith.addi %while3A_691, %add3A_743 : i32
        %rem3A_745 = arith.constant 7 : i32
        %rem3A_746 = arith.remsi %add3A_744, %rem3A_745 : i32
        %add3A_747 = arith.addi %select_n3A_441, %add3A_742 : i32
        %dma_start3A_748 = arith.constant 0 : i32
        %dma_start3A_749 = arith.constant 0 : i32
        %dma_start3A_750 = arith.constant 0 : i32
        %dma_start3A_751 = tpu.memref_slice %arg6[%rem3A_746, %dma_start3A_749, %dma_start3A_750] : memref<7x2x64xi32, #tpu.memory_space<vmem>> -> memref<1x1x64xi32, #tpu.memory_space<vmem>>
        %dma_start3A_752 = tpu.memref_squeeze %dma_start3A_751 : memref<1x1x64xi32, #tpu.memory_space<vmem>> -> memref<64xi32, #tpu.memory_space<vmem>>
        %dma_start3A_753 = arith.constant 0 : i32
        %dma_start3A_754 = tpu.memref_slice %arg3[%dma_start3A_748, %add3A_747, %dma_start3A_753] : memref<2x5000x64xi32, #tpu.memory_space<hbm>> -> memref<1x1x64xi32, #tpu.memory_space<hbm>>
        %dma_start3A_755 = tpu.memref_squeeze %dma_start3A_754 : memref<1x1x64xi32, #tpu.memory_space<hbm>> -> memref<64xi32, #tpu.memory_space<hbm>>
        %dma_start3A_756 = arith.constant 0 : i32
        %dma_start3A_757 = tpu.memref_slice %arg6[%rem3A_746, %dma_start3A_749, %dma_start3A_756] : memref<7x2x64xi32, #tpu.memory_space<vmem>> -> memref<1x1x64xi32, #tpu.memory_space<vmem>>
        %dma_start3A_758 = tpu.memref_squeeze %dma_start3A_757 : memref<1x1x64xi32, #tpu.memory_space<vmem>> -> memref<64xi32, #tpu.memory_space<vmem>>
        %dma_start3A_759 = arith.constant 0 : i32
        %dma_start3A_760 = tpu.memref_slice %arg3[%dma_start3A_748, %add3A_747, %dma_start3A_759] : memref<2x5000x64xi32, #tpu.memory_space<hbm>> -> memref<1x1x64xi32, #tpu.memory_space<hbm>>
        %dma_start3A_761 = tpu.memref_squeeze %dma_start3A_760 : memref<1x1x64xi32, #tpu.memory_space<hbm>> -> memref<64xi32, #tpu.memory_space<hbm>>
        tpu.enqueue_dma source(%dma_start3A_761 : memref<64xi32, #tpu.memory_space<hbm>>) target(%dma_start3A_758 : memref<64xi32, #tpu.memory_space<vmem>>) target_semaphore(%arg11 : memref<!tpu.dma_semaphore, #tpu.memory_space<semaphore_mem>>)
        %add3A_762 = arith.addi %select_n3A_441, %add3A_742 : i32
        %dma_start3A_763 = arith.constant 1 : i32
        %dma_start3A_764 = arith.constant 1 : i32
        %dma_start3A_765 = arith.constant 0 : i32
        %dma_start3A_766 = tpu.memref_slice %arg6[%rem3A_746, %dma_start3A_764, %dma_start3A_765] : memref<7x2x64xi32, #tpu.memory_space<vmem>> -> memref<1x1x64xi32, #tpu.memory_space<vmem>>
        %dma_start3A_767 = tpu.memref_squeeze %dma_start3A_766 : memref<1x1x64xi32, #tpu.memory_space<vmem>> -> memref<64xi32, #tpu.memory_space<vmem>>
        %dma_start3A_768 = arith.constant 0 : i32
        %dma_start3A_769 = tpu.memref_slice %arg3[%dma_start3A_763, %add3A_762, %dma_start3A_768] : memref<2x5000x64xi32, #tpu.memory_space<hbm>> -> memref<1x1x64xi32, #tpu.memory_space<hbm>>
        %dma_start3A_770 = tpu.memref_squeeze %dma_start3A_769 : memref<1x1x64xi32, #tpu.memory_space<hbm>> -> memref<64xi32, #tpu.memory_space<hbm>>
        %dma_start3A_771 = arith.constant 0 : i32
        %dma_start3A_772 = tpu.memref_slice %arg6[%rem3A_746, %dma_start3A_764, %dma_start3A_771] : memref<7x2x64xi32, #tpu.memory_space<vmem>> -> memref<1x1x64xi32, #tpu.memory_space<vmem>>
        %dma_start3A_773 = tpu.memref_squeeze %dma_start3A_772 : memref<1x1x64xi32, #tpu.memory_space<vmem>> -> memref<64xi32, #tpu.memory_space<vmem>>
        %dma_start3A_774 = arith.constant 0 : i32
        %dma_start3A_775 = tpu.memref_slice %arg3[%dma_start3A_763, %add3A_762, %dma_start3A_774] : memref<2x5000x64xi32, #tpu.memory_space<hbm>> -> memref<1x1x64xi32, #tpu.memory_space<hbm>>
        %dma_start3A_776 = tpu.memref_squeeze %dma_start3A_775 : memref<1x1x64xi32, #tpu.memory_space<hbm>> -> memref<64xi32, #tpu.memory_space<hbm>>
        tpu.enqueue_dma source(%dma_start3A_776 : memref<64xi32, #tpu.memory_space<hbm>>) target(%dma_start3A_773 : memref<64xi32, #tpu.memory_space<vmem>>) target_semaphore(%arg11 : memref<!tpu.dma_semaphore, #tpu.memory_space<semaphore_mem>>)
      } else {
      }
    }
    %dma_wait3A_650 = arith.constant 0 : i32
    %dma_wait3A_651 = arith.constant 0 : i32
    %dma_wait3A_652 = arith.constant 1 : i32
    %dma_wait3A_653 = arith.constant 0 : i32
    %dma_wait3A_654 = arith.constant 0 : i32
    %dma_wait3A_655 = tpu.memref_slice %arg7[%dma_wait3A_650, %dma_wait3A_653, %dma_wait3A_654] : memref<5x64x128xf32, #tpu.memory_space<vmem>> -> memref<1x64x128xf32, #tpu.memory_space<vmem>>
    %dma_wait3A_656 = tpu.memref_squeeze %dma_wait3A_655 : memref<1x64x128xf32, #tpu.memory_space<vmem>> -> memref<64x128xf32, #tpu.memory_space<vmem>>
    %dma_wait3A_657 = arith.constant 0 : i32
    %dma_wait3A_658 = tpu.memref_slice %arg6[%dma_wait3A_651, %dma_wait3A_652, %dma_wait3A_657] : memref<7x2x64xi32, #tpu.memory_space<vmem>> -> memref<1x1x64xi32, #tpu.memory_space<vmem>>
    %dma_wait3A_659 = tpu.memref_squeeze %dma_wait3A_658 : memref<1x1x64xi32, #tpu.memory_space<vmem>> -> memref<64xi32, #tpu.memory_space<vmem>>
    %dma_wait3A_660 = arith.constant 0 : i32
    %dma_wait3A_661 = arith.constant 0 : i32
    %dma_wait3A_662 = tpu.memref_slice %arg9[%dma_wait3A_660, %dma_wait3A_661] : memref<10240x128xf32, #tpu.memory_space<vmem_shared>> -> memref<10240x128xf32, #tpu.memory_space<vmem_shared>>
    tpu.wait_indirect_dma semaphore(%arg13 : memref<!tpu.dma_semaphore, #tpu.memory_space<semaphore_mem>>) src(%dma_wait3A_656 : memref<64x128xf32, #tpu.memory_space<vmem>>) dst(%dma_wait3A_662 : memref<10240x128xf32, #tpu.memory_space<vmem_shared>>)
    %dma_wait3A_663 = arith.constant 0 : i32
    %dma_wait3A_664 = arith.constant 1 : i32
    %dma_wait3A_665 = arith.constant 0 : i32
    %dma_wait3A_666 = tpu.memref_slice %arg6[%dma_wait3A_663, %dma_wait3A_664, %dma_wait3A_665] : memref<7x2x64xi32, #tpu.memory_space<vmem>> -> memref<1x1x64xi32, #tpu.memory_space<vmem>>
    %dma_wait3A_667 = tpu.memref_squeeze %dma_wait3A_666 : memref<1x1x64xi32, #tpu.memory_space<vmem>> -> memref<64xi32, #tpu.memory_space<vmem>>
    %dma_wait3A_668 = arith.constant 0 : i32
    %dma_wait3A_669 = tpu.memref_slice %arg10[%dma_wait3A_668] : memref<10240xf32, #tpu.memory_space<vmem_shared>> -> memref<10240xf32, #tpu.memory_space<vmem_shared>>
    tpu.wait_indirect_dma semaphore(%arg13 : memref<!tpu.dma_semaphore, #tpu.memory_space<semaphore_mem>>) src(%arg8 : memref<64xf32, #tpu.memory_space<vmem>>) dst(%dma_wait3A_669 : memref<10240xf32, #tpu.memory_space<vmem_shared>>)
    %dma_wait3A_670 = arith.constant 0 : i32
    %dma_wait3A_671 = arith.constant 0 : i32
    %dma_wait3A_672 = arith.constant 1 : i32
    %dma_wait3A_673 = arith.constant 0 : i32
    %dma_wait3A_674 = arith.constant 0 : i32
    %dma_wait3A_675 = tpu.memref_slice %arg7[%dma_wait3A_670, %dma_wait3A_673, %dma_wait3A_674] : memref<5x64x128xf32, #tpu.memory_space<vmem>> -> memref<1x64x128xf32, #tpu.memory_space<vmem>>
    %dma_wait3A_676 = tpu.memref_squeeze %dma_wait3A_675 : memref<1x64x128xf32, #tpu.memory_space<vmem>> -> memref<64x128xf32, #tpu.memory_space<vmem>>
    %dma_wait3A_677 = arith.constant 0 : i32
    %dma_wait3A_678 = tpu.memref_slice %arg6[%dma_wait3A_671, %dma_wait3A_672, %dma_wait3A_677] : memref<7x2x64xi32, #tpu.memory_space<vmem>> -> memref<1x1x64xi32, #tpu.memory_space<vmem>>
    %dma_wait3A_679 = tpu.memref_squeeze %dma_wait3A_678 : memref<1x1x64xi32, #tpu.memory_space<vmem>> -> memref<64xi32, #tpu.memory_space<vmem>>
    %dma_wait3A_680 = arith.constant 0 : i32
    %dma_wait3A_681 = arith.constant 0 : i32
    %dma_wait3A_682 = tpu.memref_slice %arg9[%dma_wait3A_680, %dma_wait3A_681] : memref<10240x128xf32, #tpu.memory_space<vmem_shared>> -> memref<10240x128xf32, #tpu.memory_space<vmem_shared>>
    tpu.wait_indirect_dma semaphore(%arg13 : memref<!tpu.dma_semaphore, #tpu.memory_space<semaphore_mem>>) src(%dma_wait3A_676 : memref<64x128xf32, #tpu.memory_space<vmem>>) dst(%dma_wait3A_682 : memref<10240x128xf32, #tpu.memory_space<vmem_shared>>)
    %dma_wait3A_683 = arith.constant 0 : i32
    %dma_wait3A_684 = arith.constant 1 : i32
    %dma_wait3A_685 = arith.constant 0 : i32
    %dma_wait3A_686 = tpu.memref_slice %arg6[%dma_wait3A_683, %dma_wait3A_684, %dma_wait3A_685] : memref<7x2x64xi32, #tpu.memory_space<vmem>> -> memref<1x1x64xi32, #tpu.memory_space<vmem>>
    %dma_wait3A_687 = tpu.memref_squeeze %dma_wait3A_686 : memref<1x1x64xi32, #tpu.memory_space<vmem>> -> memref<64xi32, #tpu.memory_space<vmem>>
    %dma_wait3A_688 = arith.constant 0 : i32
    %dma_wait3A_689 = tpu.memref_slice %arg10[%dma_wait3A_688] : memref<10240xf32, #tpu.memory_space<vmem_shared>> -> memref<10240xf32, #tpu.memory_space<vmem_shared>>
    tpu.wait_indirect_dma semaphore(%arg13 : memref<!tpu.dma_semaphore, #tpu.memory_space<semaphore_mem>>) src(%arg8 : memref<64xf32, #tpu.memory_space<vmem>>) dst(%dma_wait3A_689 : memref<10240xf32, #tpu.memory_space<vmem_shared>>)
    %barrier3A_690 = arith.constant 0 : index
    tpu.barrier barrier_id(%barrier3A_690)
    "tpu.region"() ({
      %run_scoped3A_691 = tpu.sem_alloc : memref<!tpu.dma_semaphore, #tpu.memory_space<semaphore_mem>>
      %dma_start3A_692 = arith.constant 0 : i32
      %dma_start3A_693 = tpu.memref_slice %arg4[%arg0, %mul3A_35, %dma_start3A_692] : memref<2x10240x128xf32, #tpu.memory_space<hbm>> -> memref<1x640x128xf32, #tpu.memory_space<hbm>>
      %dma_start3A_694 = tpu.memref_squeeze %dma_start3A_693 : memref<1x640x128xf32, #tpu.memory_space<hbm>> -> memref<640x128xf32, #tpu.memory_space<hbm>>
      %dma_start3A_695 = arith.constant 0 : i32
      %dma_start3A_696 = tpu.memref_slice %arg9[%mul3A_35, %dma_start3A_695] : memref<10240x128xf32, #tpu.memory_space<vmem_shared>> -> memref<640x128xf32, #tpu.memory_space<vmem_shared>>
      tpu.enqueue_dma source(%dma_start3A_696 : memref<640x128xf32, #tpu.memory_space<vmem_shared>>) target(%dma_start3A_694 : memref<640x128xf32, #tpu.memory_space<hbm>>) target_semaphore(%run_scoped3A_691 : memref<!tpu.dma_semaphore, #tpu.memory_space<semaphore_mem>>)
      %dma_wait3A_697 = arith.constant 0 : i32
      %dma_wait3A_698 = tpu.memref_slice %arg4[%arg0, %mul3A_35, %dma_wait3A_697] : memref<2x10240x128xf32, #tpu.memory_space<hbm>> -> memref<1x640x128xf32, #tpu.memory_space<hbm>>
      %dma_wait3A_699 = tpu.memref_squeeze %dma_wait3A_698 : memref<1x640x128xf32, #tpu.memory_space<hbm>> -> memref<640x128xf32, #tpu.memory_space<hbm>>
      %dma_wait3A_700 = arith.constant 0 : i32
      %dma_wait3A_701 = tpu.memref_slice %arg9[%mul3A_35, %dma_wait3A_700] : memref<10240x128xf32, #tpu.memory_space<vmem_shared>> -> memref<640x128xf32, #tpu.memory_space<vmem_shared>>
      tpu.wait_dma2 semaphore(%run_scoped3A_691 : memref<!tpu.dma_semaphore, #tpu.memory_space<semaphore_mem>>) src(%dma_wait3A_701 : memref<640x128xf32, #tpu.memory_space<vmem_shared>>) dst(%dma_wait3A_699 : memref<640x128xf32, #tpu.memory_space<hbm>>)
      tpu.yield
    }) : () -> ()
    "tpu.region"() ({
      %run_scoped3A_691 = tpu.sem_alloc : memref<!tpu.dma_semaphore, #tpu.memory_space<semaphore_mem>>
      %dma_start3A_692 = tpu.memref_slice %arg5[%arg0, %mul3A_35] : memref<2x10240xf32, #tpu.memory_space<hbm>> -> memref<1x640xf32, #tpu.memory_space<hbm>>
      %dma_start3A_693 = tpu.memref_squeeze %dma_start3A_692 : memref<1x640xf32, #tpu.memory_space<hbm>> -> memref<640xf32, #tpu.memory_space<hbm>>
      %dma_start3A_694 = tpu.memref_slice %arg10[%mul3A_35] : memref<10240xf32, #tpu.memory_space<vmem_shared>> -> memref<640xf32, #tpu.memory_space<vmem_shared>>
      tpu.enqueue_dma source(%dma_start3A_694 : memref<640xf32, #tpu.memory_space<vmem_shared>>) target(%dma_start3A_693 : memref<640xf32, #tpu.memory_space<hbm>>) target_semaphore(%run_scoped3A_691 : memref<!tpu.dma_semaphore, #tpu.memory_space<semaphore_mem>>)
      %dma_wait3A_695 = tpu.memref_slice %arg5[%arg0, %mul3A_35] : memref<2x10240xf32, #tpu.memory_space<hbm>> -> memref<1x640xf32, #tpu.memory_space<hbm>>
      %dma_wait3A_696 = tpu.memref_squeeze %dma_wait3A_695 : memref<1x640xf32, #tpu.memory_space<hbm>> -> memref<640xf32, #tpu.memory_space<hbm>>
      %dma_wait3A_697 = tpu.memref_slice %arg10[%mul3A_35] : memref<10240xf32, #tpu.memory_space<vmem_shared>> -> memref<640xf32, #tpu.memory_space<vmem_shared>>
      tpu.wait_dma2 semaphore(%run_scoped3A_691 : memref<!tpu.dma_semaphore, #tpu.memory_space<semaphore_mem>>) src(%dma_wait3A_697 : memref<640xf32, #tpu.memory_space<vmem_shared>>) dst(%dma_wait3A_696 : memref<640xf32, #tpu.memory_space<hbm>>)
      tpu.yield
    }) : () -> ()
    return
  }
}

module attributes {stable_mosaic.version = 14 : i64} {
  func.func @body(%arg0: i32, %arg1: memref<1000x128xf32, #tpu.memory_space<vmem>>, %arg2: memref<2x1000x128xf32, #tpu.memory_space<vmem>>, %arg3: memref<1000x2xf32, #tpu.memory_space<vmem>>, %arg4: memref<256x128xf32, #tpu.memory_space<vmem>>, %arg5: memref<1x128xf32, #tpu.memory_space<vmem>>, %arg6: memref<1000x128xf32, #tpu.memory_space<vmem>>) attributes {dimension_semantics = [#tpu.dimension_semantics<arbitrary>], iteration_bounds = array<i64: 10>, scalar_prefetch = 0 : i64, scratch_operands = 0 : i64, tpu.core_type = #tpu.core_type<tc>, window_params = [{transform_indices = @transform_0, window_bounds = array<i64: 1000, 128>}, {transform_indices = @transform_1, window_bounds = array<i64: 2, 1000, 128>}, {transform_indices = @transform_2, window_bounds = array<i64: 1000, 2>}, {pipeline_mode = #tpu.pipeline_mode<synchronous>, transform_indices = @transform_3, window_bounds = array<i64: 256, 128>}, {pipeline_mode = #tpu.pipeline_mode<synchronous>, transform_indices = @transform_4, window_bounds = array<i64: 1, 128>}, {transform_indices = @transform_5, window_bounds = array<i64: 1000, 128>}]} {
    %get3A = arith.constant 0 : index
    %get3A_0 = arith.constant 0 : index
    %get3A_1 = arith.constant 0 : index
    %get3A_2 = vector.load %arg2[%get3A, %get3A_0, %get3A_1] : memref<2x1000x128xf32, #tpu.memory_space<vmem>>, vector<1x1000x128xf32>
    %get3A_3 = vector.shape_cast %get3A_2 : vector<1x1000x128xf32> to vector<1000x128xf32>
    %get3A_4 = arith.constant 1 : index
    %get3A_5 = arith.constant 0 : index
    %get3A_6 = arith.constant 0 : index
    %get3A_7 = vector.load %arg2[%get3A_4, %get3A_5, %get3A_6] : memref<2x1000x128xf32, #tpu.memory_space<vmem>>, vector<1x1000x128xf32>
    %get3A_8 = vector.shape_cast %get3A_7 : vector<1x1000x128xf32> to vector<1000x128xf32>
    %add3A = arith.addf %get3A_3, %get3A_8 : vector<1000x128xf32>
    %get3A_9 = arith.constant 0 : index
    %get3A_10 = arith.constant 0 : index
    %get3A_11 = vector.load %arg3[%get3A_9, %get3A_10] : memref<1000x2xf32, #tpu.memory_space<vmem>>, vector<1000x2xf32>
    %reduce_sum3A = arith.constant dense<0.000000e+00> : vector<1000xf32>
    %reduce_sum3A_12 = vector.multi_reduction <add>, %get3A_11, %reduce_sum3A [1] : vector<1000x2xf32> to vector<1000xf32>
    %broadcast_in_dim3A = vector.shape_cast %reduce_sum3A_12 : vector<1000xf32> to vector<1000x1xf32>
    %max3A = arith.constant 1.000000e+00 : f32
    %max3A_13 = vector.broadcast %max3A : f32 to vector<1000x1xf32>
    %max3A_14 = arith.maximumf %broadcast_in_dim3A, %max3A_13 : vector<1000x1xf32>
    %div3A = arith.constant 1.000000e+00 : f32
    %div3A_15 = vector.broadcast %div3A : f32 to vector<1000x1xf32>
    %div3A_16 = arith.divf %div3A_15, %max3A_14 : vector<1000x1xf32>
    %mul3A = vector.broadcast %div3A_16 : vector<1000x1xf32> to vector<1000x128xf32>
    %mul3A_17 = arith.mulf %add3A, %mul3A : vector<1000x128xf32>
    %get3A_18 = arith.constant 0 : index
    %get3A_19 = arith.constant 0 : index
    %get3A_20 = vector.load %arg1[%get3A_18, %get3A_19] : memref<1000x128xf32, #tpu.memory_space<vmem>>, vector<1000x128xf32>
    %get3A_21 = arith.constant 0 : index
    %get3A_22 = arith.constant 0 : index
    %get3A_23 = vector.load %arg4[%get3A_21, %get3A_22] : memref<256x128xf32, #tpu.memory_space<vmem>>, vector<128x128xf32>
    %dot_general3A = arith.constant dense<0.000000e+00> : vector<1000x128xf32>
    %dot_general3A_24 = tpu.matmul %get3A_20, %get3A_23, %dot_general3A {dimension_numbers = #tpu.dot_dimension_numbers<[1], [0], [0], [1], [0, 0, 1, 1], [], []>, transpose_lhs_hint = false} : vector<1000x128xf32>, vector<128x128xf32>, vector<1000x128xf32> -> vector<1000x128xf32>
    %get3A_25 = arith.constant 128 : index
    %get3A_26 = arith.constant 0 : index
    %get3A_27 = vector.load %arg4[%get3A_25, %get3A_26] : memref<256x128xf32, #tpu.memory_space<vmem>>, vector<128x128xf32>
    %dot_general3A_28 = arith.constant dense<0.000000e+00> : vector<1000x128xf32>
    %dot_general3A_29 = tpu.matmul %mul3A_17, %get3A_27, %dot_general3A_28 {dimension_numbers = #tpu.dot_dimension_numbers<[1], [0], [0], [1], [0, 0, 1, 1], [], []>, transpose_lhs_hint = false} : vector<1000x128xf32>, vector<128x128xf32>, vector<1000x128xf32> -> vector<1000x128xf32>
    %add3A_30 = arith.addf %dot_general3A_24, %dot_general3A_29 : vector<1000x128xf32>
    %get3A_31 = arith.constant 0 : index
    %get3A_32 = arith.constant 0 : index
    %get3A_33 = vector.load %arg5[%get3A_31, %get3A_32] : memref<1x128xf32, #tpu.memory_space<vmem>>, vector<1x128xf32>
    %add3A_34 = vector.broadcast %get3A_33 : vector<1x128xf32> to vector<1000x128xf32>
    %add3A_35 = arith.addf %add3A_30, %add3A_34 : vector<1000x128xf32>
    %max3A_36 = arith.constant 0.000000e+00 : f32
    %max3A_37 = vector.broadcast %max3A_36 : f32 to vector<1000x128xf32>
    %max3A_38 = arith.maximumf %add3A_35, %max3A_37 : vector<1000x128xf32>
    %swap3A = arith.constant 0 : index
    %swap3A_39 = arith.constant 0 : index
    %swap3A_40 = vector.load %arg6[%swap3A, %swap3A_39] : memref<1000x128xf32, #tpu.memory_space<vmem>>, vector<1000x128xf32>
    tpu.vector_store %arg6[%swap3A, %swap3A_39], %max3A_38 {strides = array<i32>} : memref<1000x128xf32, #tpu.memory_space<vmem>>, vector<1000x128xf32>,
    return
  }
  func.func @transform_0(%arg0: i32) -> (i32, i32) {
    %c0_i32 = arith.constant 0 : i32
    %c0_i32_0 = arith.constant 0 : i32
    return %arg0, %c0_i32 : i32, i32
  }
  func.func @transform_1(%arg0: i32) -> (i32, i32, i32) {
    %c0_i32 = arith.constant 0 : i32
    %c0_i32_0 = arith.constant 0 : i32
    %c0_i32_1 = arith.constant 0 : i32
    return %c0_i32, %arg0, %c0_i32_0 : i32, i32, i32
  }
  func.func @transform_2(%arg0: i32) -> (i32, i32) {
    %c0_i32 = arith.constant 0 : i32
    %c0_i32_0 = arith.constant 0 : i32
    return %arg0, %c0_i32 : i32, i32
  }
  func.func @transform_3(%arg0: i32) -> (i32, i32) {
    %c0_i32 = arith.constant 0 : i32
    %c0_i32_0 = arith.constant 0 : i32
    %c0_i32_1 = arith.constant 0 : i32
    return %c0_i32, %c0_i32_0 : i32, i32
  }
  func.func @transform_4(%arg0: i32) -> (i32, i32) {
    %c0_i32 = arith.constant 0 : i32
    %c0_i32_0 = arith.constant 0 : i32
    %c0_i32_1 = arith.constant 0 : i32
    return %c0_i32, %c0_i32_0 : i32, i32
  }
  func.func @transform_5(%arg0: i32) -> (i32, i32) {
    %c0_i32 = arith.constant 0 : i32
    %c0_i32_0 = arith.constant 0 : i32
    return %arg0, %c0_i32 : i32, i32
  }
}

module attributes {stable_mosaic.version = 14 : i64} {
  func.func @body(%arg0: i32, %arg1: memref<1000x128xf32, #tpu.memory_space<vmem>>, %arg2: memref<2x1000x128xf32, #tpu.memory_space<vmem>>, %arg3: memref<1000x2xf32, #tpu.memory_space<vmem>>, %arg4: memref<256x128xf32, #tpu.memory_space<vmem>>, %arg5: memref<1x128xf32, #tpu.memory_space<vmem>>, %arg6: memref<1000x128xf32, #tpu.memory_space<vmem>>) attributes {dimension_semantics = [#tpu.dimension_semantics<arbitrary>], iteration_bounds = array<i64: 10>, scalar_prefetch = 0 : i64, scratch_operands = 0 : i64, tpu.core_type = #tpu.core_type<tc>, window_params = [{transform_indices = @transform_0, window_bounds = array<i64: 1000, 128>}, {transform_indices = @transform_1, window_bounds = array<i64: 2, 1000, 128>}, {transform_indices = @transform_2, window_bounds = array<i64: 1000, 2>}, {pipeline_mode = #tpu.pipeline_mode<synchronous>, transform_indices = @transform_3, window_bounds = array<i64: 256, 128>}, {pipeline_mode = #tpu.pipeline_mode<synchronous>, transform_indices = @transform_4, window_bounds = array<i64: 1, 128>}, {transform_indices = @transform_5, window_bounds = array<i64: 1000, 128>}]} {
    %get3A = arith.constant 0 : index
    %get3A_0 = arith.constant 0 : index
    %get3A_1 = arith.constant 0 : index
    %get3A_2 = vector.load %arg2[%get3A, %get3A_0, %get3A_1] : memref<2x1000x128xf32, #tpu.memory_space<vmem>>, vector<1x1000x128xf32>
    %get3A_3 = vector.shape_cast %get3A_2 : vector<1x1000x128xf32> to vector<1000x128xf32>
    %get3A_4 = arith.constant 1 : index
    %get3A_5 = arith.constant 0 : index
    %get3A_6 = arith.constant 0 : index
    %get3A_7 = vector.load %arg2[%get3A_4, %get3A_5, %get3A_6] : memref<2x1000x128xf32, #tpu.memory_space<vmem>>, vector<1x1000x128xf32>
    %get3A_8 = vector.shape_cast %get3A_7 : vector<1x1000x128xf32> to vector<1000x128xf32>
    %add3A = arith.addf %get3A_3, %get3A_8 : vector<1000x128xf32>
    %get3A_9 = arith.constant 0 : index
    %get3A_10 = arith.constant 0 : index
    %get3A_11 = vector.load %arg3[%get3A_9, %get3A_10] : memref<1000x2xf32, #tpu.memory_space<vmem>>, vector<1000x2xf32>
    %reduce_sum3A = arith.constant dense<0.000000e+00> : vector<1000xf32>
    %reduce_sum3A_12 = vector.multi_reduction <add>, %get3A_11, %reduce_sum3A [1] : vector<1000x2xf32> to vector<1000xf32>
    %broadcast_in_dim3A = vector.shape_cast %reduce_sum3A_12 : vector<1000xf32> to vector<1000x1xf32>
    %max3A = arith.constant 1.000000e+00 : f32
    %max3A_13 = vector.broadcast %max3A : f32 to vector<1000x1xf32>
    %max3A_14 = arith.maximumf %broadcast_in_dim3A, %max3A_13 : vector<1000x1xf32>
    %div3A = arith.constant 1.000000e+00 : f32
    %div3A_15 = vector.broadcast %div3A : f32 to vector<1000x1xf32>
    %div3A_16 = arith.divf %div3A_15, %max3A_14 : vector<1000x1xf32>
    %mul3A = vector.broadcast %div3A_16 : vector<1000x1xf32> to vector<1000x128xf32>
    %mul3A_17 = arith.mulf %add3A, %mul3A : vector<1000x128xf32>
    %get3A_18 = arith.constant 0 : index
    %get3A_19 = arith.constant 0 : index
    %get3A_20 = vector.load %arg1[%get3A_18, %get3A_19] : memref<1000x128xf32, #tpu.memory_space<vmem>>, vector<1000x128xf32>
    %get3A_21 = arith.constant 0 : index
    %get3A_22 = arith.constant 0 : index
    %get3A_23 = vector.load %arg4[%get3A_21, %get3A_22] : memref<256x128xf32, #tpu.memory_space<vmem>>, vector<128x128xf32>
    %dot_general3A = arith.constant dense<0.000000e+00> : vector<1000x128xf32>
    %dot_general3A_24 = tpu.matmul %get3A_20, %get3A_23, %dot_general3A {dimension_numbers = #tpu.dot_dimension_numbers<[1], [0], [0], [1], [0, 0, 1, 1], [], []>, transpose_lhs_hint = false} : vector<1000x128xf32>, vector<128x128xf32>, vector<1000x128xf32> -> vector<1000x128xf32>
    %get3A_25 = arith.constant 128 : index
    %get3A_26 = arith.constant 0 : index
    %get3A_27 = vector.load %arg4[%get3A_25, %get3A_26] : memref<256x128xf32, #tpu.memory_space<vmem>>, vector<128x128xf32>
    %dot_general3A_28 = arith.constant dense<0.000000e+00> : vector<1000x128xf32>
    %dot_general3A_29 = tpu.matmul %mul3A_17, %get3A_27, %dot_general3A_28 {dimension_numbers = #tpu.dot_dimension_numbers<[1], [0], [0], [1], [0, 0, 1, 1], [], []>, transpose_lhs_hint = false} : vector<1000x128xf32>, vector<128x128xf32>, vector<1000x128xf32> -> vector<1000x128xf32>
    %add3A_30 = arith.addf %dot_general3A_24, %dot_general3A_29 : vector<1000x128xf32>
    %get3A_31 = arith.constant 0 : index
    %get3A_32 = arith.constant 0 : index
    %get3A_33 = vector.load %arg5[%get3A_31, %get3A_32] : memref<1x128xf32, #tpu.memory_space<vmem>>, vector<1x128xf32>
    %add3A_34 = vector.broadcast %get3A_33 : vector<1x128xf32> to vector<1000x128xf32>
    %add3A_35 = arith.addf %add3A_30, %add3A_34 : vector<1000x128xf32>
    %max3A_36 = arith.constant 0.000000e+00 : f32
    %max3A_37 = vector.broadcast %max3A_36 : f32 to vector<1000x128xf32>
    %max3A_38 = arith.maximumf %add3A_35, %max3A_37 : vector<1000x128xf32>
    %swap3A = arith.constant 0 : index
    %swap3A_39 = arith.constant 0 : index
    %swap3A_40 = vector.load %arg6[%swap3A, %swap3A_39] : memref<1000x128xf32, #tpu.memory_space<vmem>>, vector<1000x128xf32>
    tpu.vector_store %arg6[%swap3A, %swap3A_39], %max3A_38 {strides = array<i32>} : memref<1000x128xf32, #tpu.memory_space<vmem>>, vector<1000x128xf32>,
    return
  }
  func.func @transform_0(%arg0: i32) -> (i32, i32) {
    %c0_i32 = arith.constant 0 : i32
    %c0_i32_0 = arith.constant 0 : i32
    return %arg0, %c0_i32 : i32, i32
  }
  func.func @transform_1(%arg0: i32) -> (i32, i32, i32) {
    %c0_i32 = arith.constant 0 : i32
    %c0_i32_0 = arith.constant 0 : i32
    %c0_i32_1 = arith.constant 0 : i32
    return %c0_i32, %arg0, %c0_i32_0 : i32, i32, i32
  }
  func.func @transform_2(%arg0: i32) -> (i32, i32) {
    %c0_i32 = arith.constant 0 : i32
    %c0_i32_0 = arith.constant 0 : i32
    return %arg0, %c0_i32 : i32, i32
  }
  func.func @transform_3(%arg0: i32) -> (i32, i32) {
    %c0_i32 = arith.constant 0 : i32
    %c0_i32_0 = arith.constant 0 : i32
    %c0_i32_1 = arith.constant 0 : i32
    return %c0_i32, %c0_i32_0 : i32, i32
  }
  func.func @transform_4(%arg0: i32) -> (i32, i32) {
    %c0_i32 = arith.constant 0 : i32
    %c0_i32_0 = arith.constant 0 : i32
    %c0_i32_1 = arith.constant 0 : i32
    return %c0_i32, %c0_i32_0 : i32, i32
  }
  func.func @transform_5(%arg0: i32) -> (i32, i32) {
    %c0_i32 = arith.constant 0 : i32
    %c0_i32_0 = arith.constant 0 : i32
    return %arg0, %c0_i32 : i32, i32
  }
}

</mosaic_0001>

<sc_bundles>
// kernel: kernel.6.cloned.1.call-start
scs
__scs_entry_jumppad:
0x0: {  	(pc) =	sbr.rel $0x88, $3  }
0x1: {  	(tag) =	ssettag $0x0;
	lr =	simm.s32 $0x1  }
0x2: {  	[smem:$0x3F9B] =	sst lr;
	_ =	strace $0xD0000000  }
0x3: {  	_ = 	snop  }
0x4: {  	_ = 	snop  }
0x5: {  	_ = 	snop  }
0x6: {  	_ = 	snop  }
0x7: {  	_ = 	snop  }
__scs_overlays_trampoline_lowered:
0x8: {  	[smem:$0x3FAA] =	sst s0  }
0x9: {  	[smem:$0x3FAB] =	sst s1  }
0xa: {  	[smem:$0x3FAC] =	sst s2  }
0xb: {  	[smem:$0x3FAD] =	sst s3  }
0xc: {  	[smem:$0x3FAE] =	sst s4  }
0xd: {  	[smem:$0x3FAF] =	sst s5  }
0xe: {  	[smem:$0x3FB0] =	sst s6  }
0xf: {  	[smem:$0x3FB1] =	sst s7  }
0x10: {  	[smem:$0x3FB2] =	sst s8  }
0x11: {  	[smem:$0x3FB3] =	sst s9;
	s0 =	simm.s32 @!p0 $0x0  }
0x12: {  	s1 =	sld [smem:$0x3F99];
	s0 =	simm.s32 @p0 $0x1  }
0x13: {  	[smem:$0x3FB4] =	sst s0;
	s0 =	simm.s32 @!p1 $0x0  }
0x14: {  	s2 =	sld [smem:$0x3F98];
	s0 =	simm.s32 @p1 $0x1  }
0x15: {  	[smem:$0x3FB5] =	sst s0;
	s0 =	simm.s32 @!p2 $0x0  }
0x16: {  	s3 =	sld [smem:$0x3FDB];
	s0 =	simm.s32 @p2 $0x1  }
0x17: {  	s4 =	simm.s32 $0x1BF5;
	[smem:$0x3FB7] =	sst s0  }
0x18: {  	s0 =	sld [smem:$0x3F9A];
	_ =	swait.ge [sflag:s4], $0x0  }
0x19: {  	s7 =	sld [smem:$0x3F9B]  }
0x1a: {  	s8 =	sadd.s32 $0xFFFFE003, lr  }
0x1b: {  	s9 =	sadd.s32 $0xFFFFFEF7, lr;
	s5 =	simm.s32 $0xFFFFFFFF;
	p2 =	slt.u32 s8, $0xFFFFF086  }
0x1c: {  	p1 =	slt.u32 s9, $0xF7A;
	s5 =	simm.s32 @!p2 $0x0  }
0x1d: {  	s5 =	simm.s32 @p1 $0x1;
	p0 =	seq.s32 s7, s2  }
0x1e: {  	s7 =	smul.u32 @!p0 $0xF7A, s2;
	p2 =	seq.s32 @!p0 s5, $0x0  }
0x1f: {  	s9 =	smul.u32 $0xF7A, s1;
	s8 =	simm.s32 @!p0 $0x1BF5;
	p2 =	por !p2, p0  }
0x20: {  	[sflag:s8] =	ssyncset.s32 @!p0 $0xFFFFF086;
	s6 =	sadd.s32 @!p0 s3, s7;
	s7 =	simm.s32 @!p0 $0x108  }
0x21: {  	s3 =	sadd.s32 s3, s9;
	s6 =	sadd.s32 @!p0 $0x88, s6;
	s7 =	simm.s32 @p2 $0x1082  }
0x22: {  	[simem:s7], [sflag:s8] =	dma.local @!p0 [hbm:s6], $0xF7A  }
0x23: {  	s9 =	sor.u32 $0xD0000000, s2;
	s6 =	simm.s32 $0x108;
	_ =	swait.ge @!p0 [sflag:s8], $0x0  }
0x24: {  	s3 =	sadd.s32 $0x88, s3;
	s6 =	simm.s32 @!p1 $0x1082;
	[sflag:s4] =	ssyncset.s32 $0xFFFFF086  }
0x25: {  	[simem:s6], [sflag:s4] =	dma.local [hbm:s3], $0xF7A  }
0x26: {  	[smem:$0x3F9B] =	sst s1;
	(tag) =	ssettag s2;
	_ =	strace s9  }
0x27: {  	s1 =	sld [smem:$0x3FAB]  }
0x28: {  	s2 =	sld [smem:$0x3FAC]  }
0x29: {  	s4 =	sld [smem:$0x3FAE]  }
0x2a: {  	p0 =	seq.s32 s5, $0x0;
	s5 =	sld [smem:$0x3FAF]  }
0x2b: {  	s6 =	sld [smem:$0x3FB0]  }
0x2c: {  	s7 =	sld [smem:$0x3FB1]  }
0x2d: {  	s3 =	simm.s32 $0x108;
	s8 =	sld [smem:$0x3FB2]  }
0x2e: {  	s3 =	simm.s32 @!p0 $0x1082;
	s9 =	sld [smem:$0x3FB3]  }
0x2f: {  	lr =	sadd.s32 s0, s3;
	s0 =	sld [smem:$0x3FAA]  }
0x30: {  	s3 =	sld [smem:$0x3FAD]  }
0x31: {  	[smem:$0x3FB6] =	sst s10  }
0x32: {  	s10 =	sld [smem:$0x3FB4];
	_ =	sdelay $0x3  }
0x33: {  	p0 =	seq.s32 s10, $0x1;
	s10 =	sld [smem:$0x3FB6];
	_ =	sdelay $0x3  }
0x34: {  	[smem:$0x3FB6] =	sst s10  }
0x35: {  	s10 =	sld [smem:$0x3FB5];
	_ =	sdelay $0x3  }
0x36: {  	p1 =	seq.s32 s10, $0x1;
	s10 =	sld [smem:$0x3FB6];
	_ =	sdelay $0x3  }
0x37: {  	[smem:$0x3FB6] =	sst s10  }
0x38: {  	s10 =	sld [smem:$0x3FB7]  }
0x39: {  	_ = 	snop;
	(pc) =	sbr.ind lr, $3  }
0x3a: {  	_ = 	snop  }
0x3b: {  	_ = 	snop  }
0x3c: {  	p2 =	seq.s32 s10, $0x1;
	s10 =	sld [smem:$0x3FB6]  }
0x3d: {  	_ =	shalt  }
0x3e: {  	_ =	shalt  }
0x3f: {  	_ =	shalt  }
0x40: {  	_ =	shalt  }
0x41: {  	_ =	shalt  }
0x42: {  	_ =	shalt  }
0x43: {  	_ =	shalt  }
0x44: {  	_ =	shalt  }
0x45: {  	_ =	shalt  }
0x46: {  	_ =	shalt  }
0x47: {  	_ =	shalt  }
0x48: {  	_ =	shalt  }
0x49: {  	_ =	shalt  }
0x4a: {  	_ =	shalt  }
0x4b: {  	_ =	shalt  }
0x4c: {  	_ =	shalt  }
0x4d: {  	_ =	shalt  }
0x4e: {  	_ =	shalt  }
0x4f: {  	_ =	shalt  }
0x50: {  	_ =	shalt  }
0x51: {  	_ =	shalt  }
0x52: {  	_ =	shalt  }
0x53: {  	_ =	shalt  }
0x54: {  	_ =	shalt  }
0x55: {  	_ =	shalt  }
0x56: {  	_ =	shalt  }
0x57: {  	_ =	shalt  }
0x58: {  	_ =	shalt  }
0x59: {  	_ =	shalt  }
0x5a: {  	_ =	shalt  }
0x5b: {  	_ =	shalt  }
0x5c: {  	_ =	shalt  }
0x5d: {  	_ =	shalt  }
0x5e: {  	_ =	shalt  }
0x5f: {  	_ =	shalt  }
0x60: {  	_ =	shalt  }
0x61: {  	_ =	shalt  }
0x62: {  	_ =	shalt  }
0x63: {  	_ =	shalt  }
0x64: {  	_ =	shalt  }
0x65: {  	_ =	shalt  }
0x66: {  	_ =	shalt  }
0x67: {  	_ =	shalt  }
0x68: {  	_ =	shalt  }
0x69: {  	_ =	shalt  }
0x6a: {  	_ =	shalt  }
0x6b: {  	_ =	shalt  }
0x6c: {  	_ =	shalt  }
0x6d: {  	_ =	shalt  }
0x6e: {  	_ =	shalt  }
0x6f: {  	_ =	shalt  }
0x70: {  	_ =	shalt  }
0x71: {  	_ =	shalt  }
0x72: {  	_ =	shalt  }
0x73: {  	_ =	shalt  }
0x74: {  	_ =	shalt  }
0x75: {  	_ =	shalt  }
0x76: {  	_ =	shalt  }
0x77: {  	_ =	shalt  }
0x78: {  	_ =	shalt  }
0x79: {  	_ =	shalt  }
0x7a: {  	_ =	shalt  }
0x7b: {  	_ =	shalt  }
0x7c: {  	_ =	shalt  }
0x7d: {  	_ =	shalt  }
0x7e: {  	_ =	shalt  }
0x7f: {  	_ =	shalt  }
0x80: {  	_ =	shalt  }
0x81: {  	_ =	shalt  }
0x82: {  	_ =	shalt  }
0x83: {  	_ =	shalt  }
0x84: {  	_ =	shalt  }
0x85: {  	_ =	shalt  }
0x86: {  	_ =	shalt  }
0x87: {  	_ =	shalt  }
.Lfunc_end0:
.L_simem_size_0:
called_computation_lowered:
.L_overlay_start_0:
0x88: {  	s2 =	sld [smem:$0x3FD9]  }
0x89: {  	s3 =	sld [smem:$0x3FFE];
	_ =	sdelay $0x1  }
0x8a: {  	s1 =	srdreg.scid  }
0x8b: {  	s0 =	sand.u32 $0x1, s1  }
0x8c: {  	s17 =	sshll.u32 s0, $0xA;
	s2 =	sadd.s32 s3, s2  }
0x8d: {  	s2 =	sadd.s32 s2, s17  }
0x8e: {  	[smem:$0x3FC2] =	sst s2  }
0x8f: {  	_ = 	snop  }
0x90: {  	s2 =	sld [smem:$0x3FC9]  }
0x91: {  	s18 =	sld [smem:$0x3FD0];
	(tm) =	ssettm $0x1  }
0x92: {  	s4 =	sld [smem:$0x3FFB];
	_ =	sdelay $0x3  }
0x93: {  	_ =	strace s4  }
0x94: {  	s4 =	sld [smem:$0x3FFC];
	_ =	sdelay $0x3  }
0x95: {  	_ =	strace s4  }
0x96: {  	s4 =	sld [smem:$0x3FFD];
	_ =	sdelay $0x3  }
0x97: {  	_ =	strace s4  }
0x98: {  	_ =	strace $0x8FFFFFFF  }
0x99: {  	s19 =	sld [smem:$0x3FDB];
	_ =	sdelay $0x1  }
0x9a: {  	s5 =	simm.s32 $_scs_section_size  }
0x9b: {  	s6 =	simm.s32 $_size__tile_overlayer_lowered;
	s7 =	simm.s32 $_tile_overlayer_lowered  }
0x9c: {  	s22 =	simm.s32 $0x1BFF;
	s21 =	sshll.u32 s7, $0x1;
	s4 =	sadd.s32 s5, s19  }
0x9d: {  	s8 =	simm.s32 $0x0;
	s20 =	sshll.u32 s6, $0x1;
	s6 =	sadd.s32 s21, s4  }
0x9e: {  	[timem:s8], [sflag:s22] =	dma.local [hbm:s6], s20  }
0x9f: {  	_ =	swait.ge [sflag:s22], s20  }
0xa0: {  	s5 =	ssub.s32 $0x0, s20;
	[sflag:s22] =	ssyncset.done $0x0  }
0xa1: {  	[sflag:s22] =	ssyncadd.s32 s5;
	_ =	sdelay $0x1  }
0xa2: {  	s23 =	simm.s32 $0x1B8B  }
0xa3: {  	_ =	swait.ge [sflag:s23], $0x1  }
0xa4: {  	[sflag:s23] =	ssyncset.done $0x0  }
0xa5: {  	s25 =	simm.s32 $0x1B8E;
	s24 =	sld [smem:$0x3FFE];
	[sflag:s23] =	ssyncadd.s32 $0xFFFFFFFF  }
0xa6: {  	s26 =	simm.s32 $execute0_lowered;
	[smem:$0x3FD2] =	sst s25  }
0xa7: {  	s6 =	sshll.u32 s26, $0x1;
	_ =	strace $0x80000046;
	[dreg:$0x1] =	wrdreg $0xFFFFFFFF  }
0xa8: {  	s28 =	simm.s32 $_size_execute0_lowered;
	s4 =	sadd.s32 s4, s6;
	[dreg:$0x0] =	wrdreg $0x0  }
0xa9: {  	s6 =	sshll.u32 s28, $0x1;
	[dreg:$0x2] =	wrdreg s4  }
0xaa: {  	[dreg:$0x3] =	wrdreg s6  }
0xab: {  	[dreg:$0x4] =	wrdreg $0xC0  }
0xac: {  	_ =	task [dreg:s8], $0x5FFFF  }
0xad: {  	[dreg:$0x1] =	wrdreg $0xFFFFFFFF  }
0xae: {  	[dreg:$0x0] =	wrdreg $0x60  }
0xaf: {  	[dreg:$0x2] =	wrdreg s2  }
0xb0: {  	[dreg:$0x3] =	wrdreg s18  }
0xb1: {  	[dreg:$0x4] =	wrdreg s24  }
0xb2: {  	[dreg:$0x5] =	wrdreg $0xA7800  }
0xb3: {  	[dreg:$0x6] =	wrdreg $0x1E7800  }
0xb4: {  	[dreg:$0x7] =	wrdreg $0x9  }
0xb5: {  	_ =	task.clear_ibuf [dreg:s8], $0x8FFFF;
	_ =	strace $0x90000046  }
0xb6: {  	s29 =	simm.s32 $0x9;
	_ =	strace $0x80000048  }
0xb7: {  	_ =	swait.ge [sflag:s29], $0x1  }
0xb8: {  	[sflag:s29] =	ssyncadd.s32 $0xFFFFFFFF  }
0xb9: {  	_ =	strace $0x90000048  }
0xba: {  	_ =	sfence  }
0xbb: {  	s30 =	sld [smem:$0x0];
	_ =	sdelay $0x2  }
0xbc: {  	s31 =	sshll.u32 s1, $0xD;
	s1 =	sshrl.u32 s1, $0x2  }
0xbd: {  	s3 =	sand.u32 $0x4000, s31;
	s1 =	sadd.s32 s1, s30  }
0xbe: {  	s0 =	sor.u32 s3, s0;
	s1 =	sshll.u32 s1, $0x11  }
0xbf: {  	s0 =	sor.u32 s1, s0  }
0xc0: {  	s0 =	sadd.s32 $0x8F2B, s0  }
0xc1: {  	[sflag:s0] =	ssyncadd.remote.s32 $0x1  }
0xc2: {  	_ =	sfence.sel $0xFFFF  }
0xc3: {  	[dreg:$0x0] =	wrdreg $0xFFFFFFFF;
	(pc) =	sbr.abs _section_cstart, $3  }
0xc4: {  	[dreg:$0x1] =	wrdreg $0xFFFFFFFF  }
0xc5: {  	_ =	task.clear_ibuf [dreg:s8], $0x2FFFF;
	_ =	strace $0x9FFFFFFF  }
0xc6: {  	(tm) =	ssettm $0x7FFFFFFF  }
0xc7: {  	_ =	shalt  }
tec
execute0_lowered:
.L_overlay_start_1:
0x0: {  	(tag) =	ssettag $0x1  }
0x1: {  	s0 =	rddreg [dreg:$0x0];
	s6 =	stileid.u32  }
0x2: {  	s1 =	rddreg [dreg:$0x1];
	s7 =	smul.u32 $0x14000, s6  }
0x3: {  	s3 =	rddreg [dreg:$0x2];
	s9 =	smul.u32 $0x500, s6  }
0x4: {  	s4 =	rddreg [dreg:$0x3];
	s13 =	smul.u32 $0x280, s6  }
0x5: {  	s2 =	srdreg.scid;
	s21 =	simm.s32 $0x0;
	s14 =	smul.u32 $0x50000, s6  }
0x6: {  	s8 =	sand.u32 $0x1, s2;
	[smem:$0x7FF] =	sst s21;
	s19 =	smul.u32 $0x9C0, s6  }
0x7: {  	s5 =	rddreg [dreg:$0x4];
	s2 =	smul.u32 $0x140000, s8;
	_ =	strace $0x80000047  }
0x8: {  	s28 =	sshll.u32 s8, $0x7;
	s10 =	ssub.s32 $0x2, s8;
	s18 =	smul.u32 $0x9C00, s8  }
0x9: {  	s29 =	sshll.u32 s8, $0x4;
	s8 =	smul.u32 $0x9C0, s8;
	s12 =	sshrl.u32 s10, $0x1  }
0xa: {  	s30 =	sshrl.u32 s14, $0x2;
	s31 =	sadd.s32 $0x80, s13;
	s15 =	sadd.s32 $0x100, s13  }
0xb: {  	s24 =	sadd.s32 $0x180, s13;
	s17 =	sadd.s32 $0x200, s13;
	s2 =	sadd.s32 s7, s2  }
0xc: {  	s7 =	sor.u32 s28, s9;
	s9 =	sor.u32 s6, s29;
	s10 =	ssub.s32 s10, s12  }
0xd: {  	s22 =	sadd.s32 s30, s4;
	s20 =	sshll.u32 s31, $0x7;
	s16 =	sshll.u32 s15, $0x7  }
0xe: {  	s25 =	sshll.u32 s24, $0x7;
	s26 =	sshll.u32 s17, $0x7;
	s14 =	sadd.s32 s31, s5  }
0xf: {  	s28 =	sadd.s32 s18, s1;
	s31 =	sadd.s32 s15, s5;
	[dreg:$0xe] =	wrdreg s14  }
0x10: {  	s15 =	sadd.s32 s24, s5;
	s17 =	sadd.s32 s17, s5;
	[dreg:$0xf] =	wrdreg s31  }
0x11: {  	s2 =	sshrl.u32 s2, $0x3;
	s7 =	sshrl.u32 s7, $0x3;
	[dreg:$0x10] =	wrdreg s15  }
0x12: {  	s11 =	smul.u32 $0x9C, s9;
	p0 =	slt.u32 s9, $0x8;
	[dreg:$0x11] =	wrdreg s17  }
0x13: {  	s9 =	smin.u32 s9, $0x8;
	s12 =	sadd.s32 s20, s4;
	[dreg:$0x8] =	wrdreg s22  }
0x14: {  	s23 =	sadd.s32 s16, s4;
	s16 =	sadd.s32 s25, s4;
	[dreg:$0x9] =	wrdreg s12  }
0x15: {  	s2 =	sadd.s32 s2, s3;
	s3 =	sadd.s32 s7, s3;
	[dreg:$0xa] =	wrdreg s23  }
0x16: {  	[dreg:$0xb] =	wrdreg s16;
	s16 =	sadd.s32 s26, s4;
	s23 =	sadd.s32 s13, s5  }
0x17: {  	s13 =	sadd.s32 s19, s28;
	s29 =	sshll.u32 s9, $0x4;
	s8 =	sor.u32 s8, s9  }
0x18: {  	s11 =	sadd.s32 s9, s11;
	[dreg:$0xc] =	wrdreg s16;
	s13 =	sadd.s32 s29, s13  }
0x19: {  	s16 =	simm.s32 $0xA700;
	s2 =	sadd.s32 $0x2C00, s2;
	[dreg:$0xd] =	wrdreg s23  }
0x1a: {  	s9 =	sshll.u32 s11, $0x7;
	[dreg:$0x6] =	wrdreg s16;
	s11 =	sshll.u32 s11, $0x4  }
0x1b: {  	[dreg:$0x1c] =	wrdreg s2;
	s18 =	sadd.s32 $0x9C400, s9;
	s19 =	sshrl.u32 s9, $0x3  }
0x1c: {  	s20 =	sadd.s32 s1, s11;
	s28 =	sadd.s32 $0x9C500, s9;
	s29 =	sadd.s32 $0x9C580, s9  }
0x1d: {  	[dreg:$0x12] =	wrdreg s20;
	s25 =	sadd.s32 s1, s19;
	s19 =	sadd.s32 $0x2200, s3  }
0x1e: {  	s12 =	sshrl.u32 s18, $0x3;
	s20 =	smax.u32 s10, $0x1;
	[dreg:$0x1d] =	wrdreg s19  }
0x1f: {  	s14 =	sshrl.u32 s28, $0x3;
	s28 =	sadd.s32 $0x6000, s22;
	[dreg:$0x1e] =	wrdreg s20  }
0x20: {  	s15 =	sshrl.u32 s29, $0x3;
	s29 =	sadd.s32 $0xA000, s22;
	[smem:$0x7FA] =	sst s28  }
0x21: {  	s24 =	sadd.s32 s1, s12;
	[smem:$0x7FB] =	sst s29  }
0x22: {  	s31 =	sadd.s32 s1, s14;
	[dreg:$0x13] =	wrdreg s24  }
0x23: {  	s26 =	sadd.s32 $0x9C480, s9;
	s14 =	sadd.s32 $0x10, s25;
	[dreg:$0x15] =	wrdreg s31  }
0x24: {  	s9 =	sadd.s32 $0x9C600, s9;
	s16 =	sadd.s32 $0x30, s25;
	[dreg:$0x17] =	wrdreg s14  }
0x25: {  	s9 =	sshrl.u32 s9, $0x3;
	s17 =	sadd.s32 $0x40, s25;
	[dreg:$0x19] =	wrdreg s16  }
0x26: {  	s30 =	smul.u32 $0x9C, s6;
	s18 =	sadd.s32 s1, s9;
	[dreg:$0x1a] =	wrdreg s17  }
0x27: {  	s12 =	sshrl.u32 s26, $0x3;
	s26 =	sadd.s32 $0x2000, s22;
	[dreg:$0x1b] =	wrdreg s18  }
0x28: {  	s8 =	sadd.s32 s30, s8;
	s30 =	sadd.s32 s1, s12;
	[smem:$0x7F9] =	sst s26  }
0x29: {  	s7 =	simm.s32 $0x9D;
	s12 =	sadd.s32 s1, s15;
	[dreg:$0x14] =	wrdreg s30  }
0x2a: {  	s7 =	simm.s32 @!p0 $0x9C;
	s15 =	sadd.s32 $0x20, s25;
	[dreg:$0x16] =	wrdreg s12  }
0x2b: {  	s10 =	simm.s32 $0x1;
	s24 =	sadd.s32 $0x50, s13;
	[dreg:$0x18] =	wrdreg s15  }
0x2c: {  	s25 =	sshll.u32 s8, $0x7;
	s31 =	sadd.s32 $0x12000, s22;
	[dreg:$0x1f] =	wrdreg s24  }
0x2d: {  	s9 =	simm.s32 $0x4;
	s2 =	sadd.s32 $0x280, s25;
	[smem:$0x7FD] =	sst s31  }
0x2e: {  	s20 =	simm.s32 $0x2;
	s30 =	sadd.s32 $0xE000, s22;
	[smem:$0x7F8] =	sst s2  }
0x2f: {  	v0 =	vimm.f32 $0.0e+00;
	v1 =	vimm.f32 $1.000000000e+00;
	s8 =	simm.s32 $0x3;
	s18 =	simm.s32 $0x40;
	[smem:$0x7FC] =	sst s30  }
.LBB2_1:
0x30: {  	[dreg:$0x7] =	wrdreg s21;
	s2 =	simm.s32 $0x0;
	s3 =	simm.s32 $0x200  }
.LBB2_2:
0x31: {  	p0 =	sne.s32 s3, $0x7E00;
	[tilespmem:s2+$0x770] =	vst v0  }
0x32: {  	[tilespmem:s2+$0x700] =	vst v0  }
0x33: {  	[tilespmem:s2+$0x710] =	vst v0  }
.Ltmp0:
0x34: {  	[tilespmem:s2+$0x720] =	vst v0;
	(pc) =	sbr.rel @p0 .LBB2_2-.Ltmp0, $4  }
0x35: {  	[tilespmem:s2+$0x730] =	vst v0  }
0x36: {  	[tilespmem:s2+$0x740] =	vst v0  }
0x37: {  	[tilespmem:s2+$0x750] =	vst v0  }
0x38: {  	[tilespmem:s2+$0x760] =	vst v0;
	s2 =	sshra.s32 s3, $0x2;
	s3 =	sadd.s32 $0x200, s3  }
0x39: {  	[tilespmem:s2+$0x770] =	vst v0  }
0x3a: {  	[tilespmem:s2+$0x700] =	vst v0  }
0x3b: {  	[tilespmem:s2+$0x710] =	vst v0  }
0x3c: {  	[tilespmem:s2+$0x720] =	vst v0  }
0x3d: {  	[tilespmem:s2+$0x730] =	vst v0  }
0x3e: {  	[tilespmem:s2+$0x740] =	vst v0  }
0x3f: {  	[tilespmem:s2+$0x750] =	vst v0  }
0x40: {  	[tilespmem:s2+$0x760] =	vst v0  }
0x41: {  	[tilespmem:$0xA700] =	vst v1  }
0x42: {  	[tilespmem:$0xA710] =	vst v1  }
0x43: {  	[tilespmem:$0xA720] =	vst v1  }
0x44: {  	s2 =	simm.s32 $0x700;
	s3 =	sld [smem:$0x7F9];
	[tilespmem:$0xA730] =	vst v1  }
0x45: {  	[spmem:s22] =	stream.linear.scatter [tilespmem:s2], [sflag:$0x3], $0x2000, $0x38;
	[tilespmem:$0x1EA00] =	vst v63  }
0x46: {  	s14 =	rddreg [dreg:$0x9]  }
0x47: {  	[spmem:s3] =	stream.linear.scatter [tilespmem:s2], [sflag:$0x3], $0x2000, $0x38;
	[tilespmem:$0x1EA00] =	vst v63  }
0x48: {  	s15 =	sld [smem:$0x7FA]  }
0x49: {  	[spmem:s14] =	stream.linear.scatter [tilespmem:s2], [sflag:$0x3], $0x2000, $0x38;
	[tilespmem:$0x1EA00] =	vst v63  }
0x4a: {  	s16 =	rddreg [dreg:$0xa]  }
0x4b: {  	[spmem:s15] =	stream.linear.scatter [tilespmem:s2], [sflag:$0x3], $0x2000, $0x38;
	[tilespmem:$0x1EA00] =	vst v63  }
0x4c: {  	s17 =	sld [smem:$0x7FB]  }
0x4d: {  	[spmem:s16] =	stream.linear.scatter [tilespmem:s2], [sflag:$0x3], $0x2000, $0x38;
	[tilespmem:$0x1EA00] =	vst v63  }
0x4e: {  	s19 =	rddreg [dreg:$0xb]  }
0x4f: {  	[spmem:s17] =	stream.linear.scatter [tilespmem:s2], [sflag:$0x3], $0x2000, $0x38;
	[tilespmem:$0x1EA00] =	vst v63  }
0x50: {  	s21 =	sld [smem:$0x7FC]  }
0x51: {  	[spmem:s19] =	stream.linear.scatter [tilespmem:s2], [sflag:$0x3], $0x2000, $0x38;
	[tilespmem:$0x1EA00] =	vst v63  }
0x52: {  	s24 =	sld [smem:$0x7FD]  }
0x53: {  	[spmem:s21] =	stream.linear.scatter [tilespmem:s2], [sflag:$0x3], $0x2000, $0x38;
	[tilespmem:$0x1EA00] =	vst v63  }
0x54: {  	s22 =	rddreg [dreg:$0xc]  }
0x55: {  	[spmem:s22] =	stream.linear.scatter [tilespmem:s2], [sflag:$0x3], $0x2000, $0x38;
	[tilespmem:$0x1EA00] =	vst v63  }
0x56: {  	_ = 	snop  }
0x57: {  	[spmem:s24] =	stream.linear.scatter [tilespmem:s2], [sflag:$0x3], $0x2000, $0x38;
	[tilespmem:$0x1EA00] =	vst v63  }
0x58: {  	_ = 	snop  }
0x59: {  	[spmem:s23] =	stream.linear.scatter [tilespmem:s2], [sflag:$0x3], $0x80, $0x38;
	[tilespmem:$0x1EA00] =	vst v63  }
0x5a: {  	s25 =	rddreg [dreg:$0xe]  }
0x5b: {  	[spmem:s25] =	stream.linear.scatter [tilespmem:s2], [sflag:$0x3], $0x80, $0x38;
	[tilespmem:$0x1EA00] =	vst v63  }
0x5c: {  	s26 =	rddreg [dreg:$0xf]  }
0x5d: {  	[spmem:s26] =	stream.linear.scatter [tilespmem:s2], [sflag:$0x3], $0x80, $0x38;
	[tilespmem:$0x1EA00] =	vst v63  }
0x5e: {  	s31 =	rddreg [dreg:$0x10]  }
0x5f: {  	[spmem:s31] =	stream.linear.scatter [tilespmem:s2], [sflag:$0x3], $0x80, $0x38;
	[tilespmem:$0x1EA00] =	vst v63  }
0x60: {  	s6 =	rddreg [dreg:$0x11]  }
0x61: {  	[spmem:s6] =	stream.linear.scatter [tilespmem:s2], [sflag:$0x3], $0x80, $0x38;
	[tilespmem:$0x1EA00] =	vst v63  }
0x62: {  	_ =	swait.ge [sflag:s8], $0x2000  }
0x63: {  	[sflag:s8] =	ssyncset.done $0x0  }
0x64: {  	[sflag:s8] =	ssyncadd.s32 $0xFFFFE000  }
0x65: {  	_ =	swait.ge [sflag:s8], $0x2000  }
0x66: {  	[sflag:s8] =	ssyncset.done $0x0  }
0x67: {  	[sflag:s8] =	ssyncadd.s32 $0xFFFFE000  }
0x68: {  	_ =	swait.ge [sflag:s8], $0x2000  }
0x69: {  	[sflag:s8] =	ssyncset.done $0x0  }
0x6a: {  	[sflag:s8] =	ssyncadd.s32 $0xFFFFE000  }
0x6b: {  	_ =	swait.ge [sflag:s8], $0x2000  }
0x6c: {  	[sflag:s8] =	ssyncset.done $0x0  }
0x6d: {  	[sflag:s8] =	ssyncadd.s32 $0xFFFFE000  }
0x6e: {  	_ =	swait.ge [sflag:s8], $0x2000  }
0x6f: {  	[sflag:s8] =	ssyncset.done $0x0  }
0x70: {  	[sflag:s8] =	ssyncadd.s32 $0xFFFFE000  }
0x71: {  	_ =	swait.ge [sflag:s8], $0x2000  }
0x72: {  	[sflag:s8] =	ssyncset.done $0x0  }
0x73: {  	[sflag:s8] =	ssyncadd.s32 $0xFFFFE000  }
0x74: {  	_ =	swait.ge [sflag:s8], $0x2000  }
0x75: {  	[sflag:s8] =	ssyncset.done $0x0  }
0x76: {  	[sflag:s8] =	ssyncadd.s32 $0xFFFFE000  }
0x77: {  	_ =	swait.ge [sflag:s8], $0x2000  }
0x78: {  	[sflag:s8] =	ssyncset.done $0x0  }
0x79: {  	[sflag:s8] =	ssyncadd.s32 $0xFFFFE000  }
0x7a: {  	_ =	swait.ge [sflag:s8], $0x2000  }
0x7b: {  	[sflag:s8] =	ssyncset.done $0x0  }
0x7c: {  	[sflag:s8] =	ssyncadd.s32 $0xFFFFE000  }
0x7d: {  	_ =	swait.ge [sflag:s8], $0x2000  }
0x7e: {  	[sflag:s8] =	ssyncset.done $0x0  }
0x7f: {  	[sflag:s8] =	ssyncadd.s32 $0xFFFFE000  }
0x80: {  	_ =	swait.ge [sflag:s8], $0x80  }
0x81: {  	[sflag:s8] =	ssyncset.done $0x0  }
0x82: {  	[sflag:s8] =	ssyncadd.s32 $0xFFFFFF80  }
0x83: {  	_ =	swait.ge [sflag:s8], $0x80  }
0x84: {  	[sflag:s8] =	ssyncset.done $0x0  }
0x85: {  	[sflag:s8] =	ssyncadd.s32 $0xFFFFFF80  }
0x86: {  	_ =	swait.ge [sflag:s8], $0x80  }
0x87: {  	[sflag:s8] =	ssyncset.done $0x0  }
0x88: {  	[sflag:s8] =	ssyncadd.s32 $0xFFFFFF80  }
0x89: {  	_ =	swait.ge [sflag:s8], $0x80  }
0x8a: {  	[sflag:s8] =	ssyncset.done $0x0  }
0x8b: {  	[sflag:s8] =	ssyncadd.s32 $0xFFFFFF80  }
0x8c: {  	_ =	swait.ge [sflag:s8], $0x80  }
0x8d: {  	[sflag:s8] =	ssyncset.done $0x0  }
0x8e: {  	[sflag:s8] =	ssyncadd.s32 $0xFFFFFF80  }
0x8f: {  	[bflag:$0x0] =	sbarrier.arrive $0xFFFF  }
0x90: {  	s3 =	simm.s32 $0x0;
	s6 =	rddreg [dreg:$0x12]  }
0x91: {  	[tilespmem:s3], [sflag:$0x4] =	stream.linear.gather [hbm4b:s6+s3], $0x80, $0x38;
	[tilespmem:$0x1EA00] =	vst v63  }
0x92: {  	_ =	swait.ge [sflag:s9], $0x80  }
0x93: {  	[sflag:s9] =	ssyncset.done $0x0  }
0x94: {  	s11 =	simm.s32 $0x80;
	s12 =	rddreg [dreg:$0x13];
	[sflag:s9] =	ssyncadd.s32 $0xFFFFFF80  }
0x95: {  	[tilespmem:s11], [sflag:$0x4] =	stream.linear.gather [hbm4b:s12+s3], $0x80, $0x38;
	[tilespmem:$0x1EA00] =	vst v63  }
0x96: {  	_ =	swait.ge [sflag:s9], $0x80  }
0x97: {  	[sflag:s9] =	ssyncset.done $0x0  }
0x98: {  	s13 =	rddreg [dreg:$0x17];
	[sflag:s9] =	ssyncadd.s32 $0xFFFFFF80;
	s9 =	simm.s32 $0x100  }
0x99: {  	[tilespmem:s9], [sflag:$0x1] =	stream.linear.gather [hbm4b:s13+s3], $0x80, $0x38;
	[tilespmem:$0x1EA00] =	vst v63  }
0x9a: {  	p0 =	por $0x1, $0x1;
	s15 =	simm.s32 $0x180;
	s14 =	rddreg [dreg:$0x14]  }
0x9b: {  	[tilespmem:s15], [sflag:$0x1] =	stream.linear.gather [hbm4b:s14+s3], $0x80, $0x38;
	[tilespmem:$0x1EA00] =	vst v63  }
0x9c: {  	p1 =	sne.s32 s7, $0x1;
	s16 =	simm.s32 $0x200;
	s17 =	rddreg [dreg:$0x18]  }
0x9d: {  	[tilespmem:s16], [sflag:$0x1] =	stream.linear.gather [hbm4b:s17+s3], $0x80, $0x38;
	[tilespmem:$0x1EA00] =	vst v63  }
0x9e: {  	s28 =	simm.s32 $0x6;
	s21 =	simm.s32 $0x280;
	s19 =	rddreg [dreg:$0x15]  }
0x9f: {  	[tilespmem:s21], [sflag:$0x1] =	stream.linear.gather [hbm4b:s19+s3], $0x80, $0x38;
	[tilespmem:$0x1EA00] =	vst v63  }
0xa0: {  	s29 =	simm.s32 $0x100;
	s23 =	simm.s32 $0x300;
	s22 =	rddreg [dreg:$0x19]  }
0xa1: {  	[tilespmem:s23], [sflag:$0x1] =	stream.linear.gather [hbm4b:s22+s3], $0x80, $0x38;
	[tilespmem:$0x1EA00] =	vst v63  }
0xa2: {  	s25 =	simm.s32 $0x380;
	s24 =	rddreg [dreg:$0x16];
	s15 =	simm.s32 $0x2  }
0xa3: {  	[tilespmem:s25], [sflag:$0x1] =	stream.linear.gather [hbm4b:s24+s3], $0x80, $0x38;
	[tilespmem:$0x1EA00] =	vst v63  }
0xa4: {  	s31 =	simm.s32 $0x400;
	s26 =	rddreg [dreg:$0x1a];
	s8 =	smulhi.u32 $0x24924925, s15  }
0xa5: {  	[tilespmem:s31], [sflag:$0x1] =	stream.linear.gather [hbm4b:s26+s3], $0x80, $0x38;
	[tilespmem:$0x1EA00] =	vst v63  }
0xa6: {  	s12 =	simm.s32 $0x480;
	s11 =	rddreg [dreg:$0x1b];
	s17 =	ssub.s32 $0x2, s8  }
0xa7: {  	[tilespmem:s12], [sflag:$0x1] =	stream.linear.gather [hbm4b:s11+s3], $0x80, $0x38;
	[tilespmem:$0x1EA00] =	vst v63  }
0xa8: {  	s13 =	simm.s32 $0x2700;
	s14 =	simm.s32 $0x5;
	s17 =	sshrl.u32 s17, $0x1  }
0xa9: {  	[tilespmem:s2], [sflag:$0x2] =	stream.indirect.gather [hbm4b:s0+s18], $0x80, s3, s18, $0xb8;
	[tilespmem:$0x1EA00] =	vst v63  }
0xaa: {  	s16 =	smulhi.u32 $0x24924925, s3;
	s8 =	sadd.s32 s8, s17;
	_ =	swait.ge [sflag:s10], $0x80  }
0xab: {  	s21 =	simm.s32 $0x180;
	s8 =	sshrl.u32 s8, $0x2;
	[sflag:s10] =	ssyncset.done $0x0  }
0xac: {  	s22 =	simm.s32 $0x6700;
	s8 =	smul.u32 $0xFFFFE400, s8;
	[sflag:s10] =	ssyncadd.s32 $0xFFFFFF80  }
0xad: {  	s23 =	simm.s32 $0x2700;
	s24 =	simm.s32 $0x3;
	_ =	swait.ge [sflag:s10], $0x80  }
0xae: {  	s25 =	simm.s32 $0x300;
	s8 =	sshra.s32 s8, $0x2;
	[sflag:s10] =	ssyncset.done $0x0  }
0xaf: {  	s11 =	simm.s32 @!p0 $0x3;
	s12 =	smulhi.u32 $0xCCCCCCCD, s15;
	[sflag:s10] =	ssyncadd.s32 $0xFFFFFF80  }
0xb0: {  	[tilespmem:s13], [sflag:$0x2] =	stream.indirect.gather [hbm4b:s0+s18], $0x80, s9, s18, $0xb8;
	[tilespmem:$0x1EA00] =	vst v63  }
0xb1: {  	s26 =	simm.s32 $0x1;
	s3 =	smulhi.u32 $0xCCCCCCCD, s3;
	_ =	swait.ge @!p0 [sflag:s11], $0x2000  }
0xb2: {  	s2 =	smulhi.u32 $0x24924925, s14;
	s14 =	ssub.s32 $0x0, s16;
	[sflag:s11] =	ssyncset.done @!p0 $0x0  }
0xb3: {  	s19 =	sshrl.u32 s12, $0x2;
	s3 =	sshrl.u32 s3, $0x2;
	[sflag:s11] =	ssyncadd.s32 @!p0 $0xFFFFE000  }
0xb4: {  	s14 =	sshrl.u32 s14, $0x1;
	s3 =	smul.u32 $0xFFFD8000, s3;
	_ =	swait.ge @!p0 [sflag:s11], $0x40  }
0xb5: {  	s10 =	sadd.s32 s16, s14;
	s13 =	ssub.s32 $0x5, s2;
	[sflag:s11] =	ssyncset.done @!p0 $0x0  }
0xb6: {  	s13 =	sshrl.u32 s13, $0x1;
	[sflag:s11] =	ssyncadd.s32 @!p0 $0xFFFFFFC0;
	p0 =	sle.u32 s7, $0x2  }
0xb7: {  	s10 =	sshrl.u32 s10, $0x2;
	s2 =	sadd.s32 s2, s13;
	s12 =	simm.s32 @!p0 $0x1  }
0xb8: {  	s10 =	smul.u32 $0xFFFFE400, s10;
	s2 =	sshrl.u32 s2, $0x2;
	_ =	swait.ge @!p0 [sflag:s12], $0x80  }
0xb9: {  	s8 =	sadd.s32 $0x200, s8;
	s2 =	smul.u32 $0xFFFFE400, s2;
	[sflag:s12] =	ssyncset.done @!p0 $0x0  }
0xba: {  	s3 =	sshra.s32 s3, $0x2;
	s11 =	smul.u32 $0xFFFD8000, s19;
	[sflag:s12] =	ssyncadd.s32 @!p0 $0xFFFFFF80  }
0xbb: {  	s3 =	sadd.s32 $0x700, s3;
	s31 =	sshra.s32 s10, $0x2;
	_ =	swait.ge @!p0 [sflag:s12], $0x80  }
0xbc: {  	s2 =	sshra.s32 s2, $0x2;
	s11 =	sshra.s32 s11, $0x2;
	[sflag:s12] =	ssyncset.done @!p0 $0x0  }
0xbd: {  	s11 =	sadd.s32 $0x4700, s11;
	[sflag:s12] =	ssyncadd.s32 @!p0 $0xFFFFFF80;
	s12 =	simm.s32 @!p0 $0x40  }
0xbe: {  	[tilespmem:s11], [sflag:$0x2] =	stream.indirect.gather @!p0 [hbm4b:s0+s12], $0x80, s8, s12, $0xb8;
	[tilespmem:$0x1EA00] =	vst v63  }
0xbf: {  	s13 =	sadd.s32 $0x80, s31;
	s14 =	sadd.s32 $0x0, s2;
	_ =	swait.ge [sflag:s20], $0x2000  }
.Ltmp1:
0xc0: {  	[sflag:s20] =	ssyncset.done $0x0;
	s6 =	sld [smem:$0x7F8];
	(pc) =	sbr.rel @!p1 .LBB2_5-.Ltmp1, $4  }
0xc1: {  	p0 =	sle.u32 s7, $0x5;
	s8 =	rddreg [dreg:$0x6];
	[sflag:s20] =	ssyncadd.s32 $0xFFFFE000  }
0xc2: {  	[spmem:s4] =	stream.indirect.scatter.add.f32 [tilespmem:s3], [sflag:$0x3], $0x80, s13, s18, $0xb8;
	[tilespmem:$0x1EA00] =	vst v63  }
0xc3: {  	s12 =	simm.s32 @!p0 $0x0;
	s30 =	rddreg [dreg:$0x1f];
	s10 =	sand.u32 @!p0 $0x7FFFFF80, s6  }
0xc4: {  	s2 =	smov.u32 s30;
	s3 =	smov.u32 s6;
	s10 =	sadd.s32 @!p0 $0x9C400, s10  }
.LBB2_4:
0xc5: {  	s31 =	sshrl.u32 @!p0 s10, $0x3;
	s2 =	sadd.s32 $0x10, s2  }
0xc6: {  	s3 =	sadd.s32 $0x80, s3;
	s17 =	smov.u32 s21;
	s11 =	smov.u32 s22  }
0xc7: {  	[spmem:s5] =	stream.indirect.scatter.add.f32 [tilespmem:s8], [sflag:$0x3], $0x1, s13, s18, $0xb8;
	[tilespmem:$0x1EA00] =	vst v63  }
0xc8: {  	s10 =	smov.u32 s23;
	s8 =	sadd.s32 @!p0 $0x500, s14;
	s21 =	sadd.s32 $0x100, s21  }
0xc9: {  	s15 =	smulhi.u32 $0xCCCCCCCD, s26;
	s13 =	sadd.s32 @!p0 s1, s31;
	s31 =	smov.u32 s24  }
0xca: {  	[tilespmem:s8], [sflag:$0x1] =	stream.linear.gather @!p0 [hbm4b:s30+s12], $0x80, $0x38;
	[tilespmem:$0x1EA00] =	vst v63  }
0xcb: {  	s22 =	sadd.s32 $0x2000, s22;
	s23 =	sadd.s32 $0x2000, s23;
	s19 =	smulhi.u32 $0xCCCCCCCD, s31  }
0xcc: {  	s24 =	sadd.s32 $0x1, s24;
	s8 =	sadd.s32 @!p0 $0x580, s14;
	s16 =	smulhi.u32 $0x24924925, s31  }
0xcd: {  	[tilespmem:s8], [sflag:$0x1] =	stream.linear.gather @!p0 [hbm4b:s13+s12], $0x80, $0x38;
	[tilespmem:$0x1EA00] =	vst v63  }
0xce: {  	s30 =	smov.u32 s2;
	s14 =	smov.u32 s25;
	s8 =	smulhi.u32 $0x24924925, s26  }
0xcf: {  	s25 =	sadd.s32 $0x100, s25;
	p0 =	slt.u32 s26, $0x2;
	s13 =	smulhi.u32 $0x24924925, s28  }
0xd0: {  	s12 =	sshrl.u32 s15, $0x2;
	s31 =	ssub.s32 s31, s16;
	s9 =	simm.s32 @!p0 $0x3  }
0xd1: {  	s12 =	smul.u32 $0xFFFD8000, s12;
	s31 =	sshrl.u32 s31, $0x1;
	_ =	swait.ge @!p0 [sflag:s9], $0x2000  }
0xd2: {  	s6 =	ssub.s32 s28, s13;
	s15 =	ssub.s32 s26, s8;
	s26 =	sadd.s32 $0x2, s26  }
0xd3: {  	s16 =	sadd.s32 s16, s31;
	s31 =	sshrl.u32 s19, $0x2;
	s28 =	sadd.s32 $0x1, s28  }
0xd4: {  	[sflag:s9] =	ssyncset.done @!p0 $0x0;
	s6 =	sshrl.u32 s6, $0x1;
	s15 =	sshrl.u32 s15, $0x1  }
0xd5: {  	p2 =	sge.u32 s26, s7;
	s12 =	sshra.s32 s12, $0x2;
	[sflag:s9] =	ssyncadd.s32 @!p0 $0xFFFFE000  }
0xd6: {  	s8 =	sadd.s32 s8, s15;
	s15 =	sadd.s32 $0x3, s26;
	s19 =	simm.s32 @!p2 $0x1  }
0xd7: {  	s6 =	sadd.s32 s13, s6;
	s13 =	simm.s32 @!p2 $0x40;
	_ =	swait.ge @!p0 [sflag:s9], $0x40  }
0xd8: {  	s26 =	sadd.s32 $0xFFFFFFFC, s15;
	s8 =	sshrl.u32 s8, $0x2;
	[sflag:s9] =	ssyncset.done @!p0 $0x0  }
0xd9: {  	s6 =	sshrl.u32 s6, $0x2;
	s8 =	smul.u32 $0xFFFFE400, s8;
	[sflag:s9] =	ssyncadd.s32 @!p0 $0xFFFFFFC0  }
0xda: {  	p1 =	sne.s32 s26, s7;
	s6 =	smul.u32 $0xFFFFE400, s6;
	_ =	swait.ge @!p2 [sflag:s19], $0x80  }
0xdb: {  	s9 =	sshrl.u32 s16, $0x2;
	s16 =	smul.u32 $0xFFFD8000, s31;
	[sflag:s19] =	ssyncset.done @!p2 $0x0  }
0xdc: {  	s31 =	sadd.s32 s12, s10;
	s9 =	smul.u32 $0xFFFFE400, s9;
	[sflag:s19] =	ssyncadd.s32 @!p2 $0xFFFFFF80  }
0xdd: {  	p0 =	sge.u32 s15, s7;
	s8 =	sshra.s32 s8, $0x2;
	_ =	swait.ge @!p2 [sflag:s19], $0x80  }
0xde: {  	s16 =	sshra.s32 s16, $0x2;
	s9 =	sshra.s32 s9, $0x2;
	[sflag:s19] =	ssyncset.done @!p2 $0x0  }
0xdf: {  	s11 =	sadd.s32 s16, s11;
	s9 =	sadd.s32 s9, s14;
	[sflag:s19] =	ssyncadd.s32 @!p2 $0xFFFFFF80  }
0xe0: {  	[tilespmem:s11], [sflag:$0x2] =	stream.indirect.gather @!p2 [hbm4b:s0+s13], $0x80, s9, s13, $0xb8;
	[tilespmem:$0x1EA00] =	vst v63  }
.Ltmp2:
0xe1: {  	s6 =	sshra.s32 s6, $0x2;
	s12 =	simm.s32 @!p0 $0x0;
	(pc) =	sbr.rel @p1 .LBB2_4-.Ltmp2, $4  }
0xe2: {  	s14 =	sadd.s32 s6, s29;
	s29 =	sadd.s32 $0x100, s29;
	_ =	swait.ge [sflag:s20], $0x2000  }
0xe3: {  	s13 =	sadd.s32 s8, s17;
	s9 =	sand.u32 @!p0 $0x7FFFFF80, s3;
	[sflag:s20] =	ssyncset.done $0x0  }
0xe4: {  	s10 =	sadd.s32 @!p0 $0x9C400, s9;
	s8 =	rddreg [dreg:$0x6];
	[sflag:s20] =	ssyncadd.s32 $0xFFFFE000  }
0xe5: {  	[spmem:s4] =	stream.indirect.scatter.add.f32 [tilespmem:s31], [sflag:$0x3], $0x80, s13, s18, $0xb8;
	[tilespmem:$0x1EA00] =	vst v63  }
.LBB2_5:
0xe6: {  	[spmem:s5] =	stream.indirect.scatter.add.f32 [tilespmem:s8], [sflag:$0x3], $0x1, s13, s18, $0xb8;
	[tilespmem:$0x1EA00] =	vst v63  }
0xe7: {  	s2 =	sshrl.u32 @!p0 s10, $0x3;
	s3 =	sadd.s32 @!p0 $0x500, s14  }
0xe8: {  	[tilespmem:s3], [sflag:$0x1] =	stream.linear.gather @!p0 [hbm4b:s30+s12], $0x80, $0x38;
	[tilespmem:$0x1EA00] =	vst v63  }
0xe9: {  	s8 =	simm.s32 $0x3;
	s2 =	sadd.s32 @!p0 s1, s2;
	s3 =	sadd.s32 @!p0 $0x580, s14  }
0xea: {  	[tilespmem:s3], [sflag:$0x1] =	stream.linear.gather @!p0 [hbm4b:s2+s12], $0x80, $0x38;
	[tilespmem:$0x1EA00] =	vst v63  }
0xeb: {  	_ =	swait.ge [sflag:s8], $0x2000  }
0xec: {  	[sflag:s8] =	ssyncset.done $0x0  }
0xed: {  	[sflag:s8] =	ssyncadd.s32 $0xFFFFE000  }
0xee: {  	_ =	swait.ge [sflag:s8], $0x40  }
0xef: {  	[sflag:s8] =	ssyncset.done $0x0  }
0xf0: {  	[sflag:s8] =	ssyncadd.s32 $0xFFFFFFC0  }
0xf1: {  	_ =	swait.ge [sflag:s8], $0x2000  }
0xf2: {  	[sflag:s8] =	ssyncset.done $0x0  }
0xf3: {  	[sflag:s8] =	ssyncadd.s32 $0xFFFFE000  }
0xf4: {  	_ =	swait.ge [sflag:s8], $0x40  }
0xf5: {  	[sflag:s8] =	ssyncset.done $0x0  }
0xf6: {  	[sflag:s8] =	ssyncadd.s32 $0xFFFFFFC0  }
0xf7: {  	s25 =	stileid.u32;
	[bflag:$0x0] =	sbarrier.arrive $0xFFFF  }
0xf8: {  	s9 =	simm.s32 $0x4;
	s2 =	sshll.u32 s25, $0x6;
	s22 =	rddreg [dreg:$0x8]  }
0xf9: {  	s2 =	sor.u32 $0x1C04, s2;
	s6 =	rddreg [dreg:$0x1c];
	s26 =	sshrl.u32 s22, $0x3  }
0xfa: {  	[hbm:s6], [sflag:s2] =	dma.local [spmem:s26], $0x2800  }
0xfb: {  	s10 =	simm.s32 $0x1;
	s11 =	simm.s32 $0x20;
	_ =	swait.ge [sflag:s9], $0x2800  }
0xfc: {  	s30 =	simm.s32 $0x10;
	[sflag:s9] =	ssyncset.done $0x0;
	s23 =	rddreg [dreg:$0xd]  }
0xfd: {  	s29 =	rddreg [dreg:$0x1d];
	[sflag:s9] =	ssyncadd.s32 $0xFFFFD800;
	s28 =	sshrl.u32 s23, $0x3  }
0xfe: {  	[hbm:s29@s11], [sflag:s2] =	dma.strided [spmem:s28@s30], $0x50, s10, $0x10   }
0xff: {  	_ =	swait.ge [sflag:s9], $0x50  }
0x100: {  	s21 =	rddreg [dreg:$0x7]  }
0x101: {  	s31 =	rddreg [dreg:$0x1e];
	s21 =	sadd.s32 $0x1, s21  }
0x102: {  	p0 =	sne.s32 s21, s31  }
.Ltmp3:
0x103: {  	_ = 	snop;
	(pc) =	sbr.rel @p0 .LBB2_1-.Ltmp3, $3  }
0x104: {  	_ =	sdelay $0x1  }
0x105: {  	[sflag:s9] =	ssyncset.done $0x0  }
0x106: {  	[sflag:s9] =	ssyncadd.s32 $0xFFFFFFB0  }
0x107: {  	_ =	sfence.sel $0x180000  }
0x108: {  	[bflag:$0x0] =	sbarrier.arrive $0xFFFF  }
0x109: {  	_ =	strace $0x90000047  }
0x10a: {  	s0 =	stileid.u32;
	[bflag:$0x2] =	sbarrier.arrive $0xFFFF  }
0x10b: {  	p0 =	sne.s32 s0, $0x0;
	s0 =	rddreg [dreg:$0x5]  }
0x10c: {  	s0 =	sadd.s32 @!p0 $0x100000, s0  }
0x10d: {  	[sflag:s0] =	ssyncadd.tile.s32 @!p0 $0x1;
	_ =	shalt  }
.Lfunc_end2:
_tile_overlayer_lowered:
.L_overlay_start_2:
0x10e: {  	(tag) =	ssettag $0x2  }
0x10f: {  	s0 =	rddreg [dreg:$0x0];
	s2 =	stileid.u32  }
0x110: {  	s1 =	rddreg [dreg:$0x1];
	p0 =	sne.s32 s2, $0x0  }
0x111: {  	s3 =	rddreg [dreg:$0x2];
	[bflag:$0x3] =	sbarrier.arrive $0xFFFF;
	s2 =	simm.s32 @!p0 $0x1C04  }
0x112: {  	[timem:s3], [sflag:s2] =	dma.local @!p0 [hbm:s0], s1  }
0x113: {  	s0 =	simm.s32 @!p0 $0x4  }
0x114: {  	_ =	swait.ge @!p0 [sflag:s0], s1  }
0x115: {  	s1 =	ssub.s32 @!p0 $0x0, s1;
	[sflag:s0] =	ssyncset.done @!p0 $0x0  }
0x116: {  	[sflag:s0] =	ssyncadd.s32 @!p0 s1  }
0x117: {  	[bflag:$0x3] =	sbarrier.arrive $0xFFFF  }
0x118: {  	_ =	shalt  }

// kernel: kernel.9.cloned.1.call-start
scs
__scs_entry_jumppad:
0x0: {  	(pc) =	sbr.rel $0x88, $3  }
0x1: {  	(tag) =	ssettag $0x0;
	lr =	simm.s32 $0x1  }
0x2: {  	[smem:$0x3F9B] =	sst lr;
	_ =	strace $0xD0000000  }
0x3: {  	_ = 	snop  }
0x4: {  	_ = 	snop  }
0x5: {  	_ = 	snop  }
0x6: {  	_ = 	snop  }
0x7: {  	_ = 	snop  }
__scs_overlays_trampoline_lowered:
0x8: {  	[smem:$0x3FAA] =	sst s0  }
0x9: {  	[smem:$0x3FAB] =	sst s1  }
0xa: {  	[smem:$0x3FAC] =	sst s2  }
0xb: {  	[smem:$0x3FAD] =	sst s3  }
0xc: {  	[smem:$0x3FAE] =	sst s4  }
0xd: {  	[smem:$0x3FAF] =	sst s5  }
0xe: {  	[smem:$0x3FB0] =	sst s6  }
0xf: {  	[smem:$0x3FB1] =	sst s7  }
0x10: {  	[smem:$0x3FB2] =	sst s8  }
0x11: {  	[smem:$0x3FB3] =	sst s9;
	s0 =	simm.s32 @!p0 $0x0  }
0x12: {  	s1 =	sld [smem:$0x3F99];
	s0 =	simm.s32 @p0 $0x1  }
0x13: {  	[smem:$0x3FB4] =	sst s0;
	s0 =	simm.s32 @!p1 $0x0  }
0x14: {  	s2 =	sld [smem:$0x3F98];
	s0 =	simm.s32 @p1 $0x1  }
0x15: {  	[smem:$0x3FB5] =	sst s0;
	s0 =	simm.s32 @!p2 $0x0  }
0x16: {  	s3 =	sld [smem:$0x3FDB];
	s0 =	simm.s32 @p2 $0x1  }
0x17: {  	s4 =	simm.s32 $0x1BF5;
	[smem:$0x3FB7] =	sst s0  }
0x18: {  	s0 =	sld [smem:$0x3F9A];
	_ =	swait.ge [sflag:s4], $0x0  }
0x19: {  	s7 =	sld [smem:$0x3F9B]  }
0x1a: {  	s8 =	sadd.s32 $0xFFFFE003, lr  }
0x1b: {  	s9 =	sadd.s32 $0xFFFFFEF7, lr;
	s5 =	simm.s32 $0xFFFFFFFF;
	p2 =	slt.u32 s8, $0xFFFFF086  }
0x1c: {  	p1 =	slt.u32 s9, $0xF7A;
	s5 =	simm.s32 @!p2 $0x0  }
0x1d: {  	s5 =	simm.s32 @p1 $0x1;
	p0 =	seq.s32 s7, s2  }
0x1e: {  	s7 =	smul.u32 @!p0 $0xF7A, s2;
	p2 =	seq.s32 @!p0 s5, $0x0  }
0x1f: {  	s9 =	smul.u32 $0xF7A, s1;
	s8 =	simm.s32 @!p0 $0x1BF5;
	p2 =	por !p2, p0  }
0x20: {  	[sflag:s8] =	ssyncset.s32 @!p0 $0xFFFFF086;
	s6 =	sadd.s32 @!p0 s3, s7;
	s7 =	simm.s32 @!p0 $0x108  }
0x21: {  	s3 =	sadd.s32 s3, s9;
	s6 =	sadd.s32 @!p0 $0x88, s6;
	s7 =	simm.s32 @p2 $0x1082  }
0x22: {  	[simem:s7], [sflag:s8] =	dma.local @!p0 [hbm:s6], $0xF7A  }
0x23: {  	s9 =	sor.u32 $0xD0000000, s2;
	s6 =	simm.s32 $0x108;
	_ =	swait.ge @!p0 [sflag:s8], $0x0  }
0x24: {  	s3 =	sadd.s32 $0x88, s3;
	s6 =	simm.s32 @!p1 $0x1082;
	[sflag:s4] =	ssyncset.s32 $0xFFFFF086  }
0x25: {  	[simem:s6], [sflag:s4] =	dma.local [hbm:s3], $0xF7A  }
0x26: {  	[smem:$0x3F9B] =	sst s1;
	(tag) =	ssettag s2;
	_ =	strace s9  }
0x27: {  	s1 =	sld [smem:$0x3FAB]  }
0x28: {  	s2 =	sld [smem:$0x3FAC]  }
0x29: {  	s4 =	sld [smem:$0x3FAE]  }
0x2a: {  	p0 =	seq.s32 s5, $0x0;
	s5 =	sld [smem:$0x3FAF]  }
0x2b: {  	s6 =	sld [smem:$0x3FB0]  }
0x2c: {  	s7 =	sld [smem:$0x3FB1]  }
0x2d: {  	s3 =	simm.s32 $0x108;
	s8 =	sld [smem:$0x3FB2]  }
0x2e: {  	s3 =	simm.s32 @!p0 $0x1082;
	s9 =	sld [smem:$0x3FB3]  }
0x2f: {  	lr =	sadd.s32 s0, s3;
	s0 =	sld [smem:$0x3FAA]  }
0x30: {  	s3 =	sld [smem:$0x3FAD]  }
0x31: {  	[smem:$0x3FB6] =	sst s10  }
0x32: {  	s10 =	sld [smem:$0x3FB4];
	_ =	sdelay $0x3  }
0x33: {  	p0 =	seq.s32 s10, $0x1;
	s10 =	sld [smem:$0x3FB6];
	_ =	sdelay $0x3  }
0x34: {  	[smem:$0x3FB6] =	sst s10  }
0x35: {  	s10 =	sld [smem:$0x3FB5];
	_ =	sdelay $0x3  }
0x36: {  	p1 =	seq.s32 s10, $0x1;
	s10 =	sld [smem:$0x3FB6];
	_ =	sdelay $0x3  }
0x37: {  	[smem:$0x3FB6] =	sst s10  }
0x38: {  	s10 =	sld [smem:$0x3FB7]  }
0x39: {  	_ = 	snop;
	(pc) =	sbr.ind lr, $3  }
0x3a: {  	_ = 	snop  }
0x3b: {  	_ = 	snop  }
0x3c: {  	p2 =	seq.s32 s10, $0x1;
	s10 =	sld [smem:$0x3FB6]  }
0x3d: {  	_ =	shalt  }
0x3e: {  	_ =	shalt  }
0x3f: {  	_ =	shalt  }
0x40: {  	_ =	shalt  }
0x41: {  	_ =	shalt  }
0x42: {  	_ =	shalt  }
0x43: {  	_ =	shalt  }
0x44: {  	_ =	shalt  }
0x45: {  	_ =	shalt  }
0x46: {  	_ =	shalt  }
0x47: {  	_ =	shalt  }
0x48: {  	_ =	shalt  }
0x49: {  	_ =	shalt  }
0x4a: {  	_ =	shalt  }
0x4b: {  	_ =	shalt  }
0x4c: {  	_ =	shalt  }
0x4d: {  	_ =	shalt  }
0x4e: {  	_ =	shalt  }
0x4f: {  	_ =	shalt  }
0x50: {  	_ =	shalt  }
0x51: {  	_ =	shalt  }
0x52: {  	_ =	shalt  }
0x53: {  	_ =	shalt  }
0x54: {  	_ =	shalt  }
0x55: {  	_ =	shalt  }
0x56: {  	_ =	shalt  }
0x57: {  	_ =	shalt  }
0x58: {  	_ =	shalt  }
0x59: {  	_ =	shalt  }
0x5a: {  	_ =	shalt  }
0x5b: {  	_ =	shalt  }
0x5c: {  	_ =	shalt  }
0x5d: {  	_ =	shalt  }
0x5e: {  	_ =	shalt  }
0x5f: {  	_ =	shalt  }
0x60: {  	_ =	shalt  }
0x61: {  	_ =	shalt  }
0x62: {  	_ =	shalt  }
0x63: {  	_ =	shalt  }
0x64: {  	_ =	shalt  }
0x65: {  	_ =	shalt  }
0x66: {  	_ =	shalt  }
0x67: {  	_ =	shalt  }
0x68: {  	_ =	shalt  }
0x69: {  	_ =	shalt  }
0x6a: {  	_ =	shalt  }
0x6b: {  	_ =	shalt  }
0x6c: {  	_ =	shalt  }
0x6d: {  	_ =	shalt  }
0x6e: {  	_ =	shalt  }
0x6f: {  	_ =	shalt  }
0x70: {  	_ =	shalt  }
0x71: {  	_ =	shalt  }
0x72: {  	_ =	shalt  }
0x73: {  	_ =	shalt  }
0x74: {  	_ =	shalt  }
0x75: {  	_ =	shalt  }
0x76: {  	_ =	shalt  }
0x77: {  	_ =	shalt  }
0x78: {  	_ =	shalt  }
0x79: {  	_ =	shalt  }
0x7a: {  	_ =	shalt  }
0x7b: {  	_ =	shalt  }
0x7c: {  	_ =	shalt  }
0x7d: {  	_ =	shalt  }
0x7e: {  	_ =	shalt  }
0x7f: {  	_ =	shalt  }
0x80: {  	_ =	shalt  }
0x81: {  	_ =	shalt  }
0x82: {  	_ =	shalt  }
0x83: {  	_ =	shalt  }
0x84: {  	_ =	shalt  }
0x85: {  	_ =	shalt  }
0x86: {  	_ =	shalt  }
0x87: {  	_ =	shalt  }
.Lfunc_end0:
.L_simem_size_0:
called_computation.1_lowered:
.L_overlay_start_0:
0x88: {  	s2 =	sld [smem:$0x3FD9]  }
0x89: {  	s3 =	sld [smem:$0x3FFE];
	_ =	sdelay $0x1  }
0x8a: {  	s1 =	srdreg.scid  }
0x8b: {  	s0 =	sand.u32 $0x1, s1  }
0x8c: {  	s17 =	sshll.u32 s0, $0xA;
	s2 =	sadd.s32 s3, s2  }
0x8d: {  	s2 =	sadd.s32 s2, s17  }
0x8e: {  	[smem:$0x3FC2] =	sst s2  }
0x8f: {  	_ = 	snop  }
0x90: {  	s2 =	sld [smem:$0x3FD0];
	(tm) =	ssettm $0x1  }
0x91: {  	s18 =	sld [smem:$0x3FFB];
	_ =	sdelay $0x3  }
0x92: {  	_ =	strace s18  }
0x93: {  	s3 =	sld [smem:$0x3FFC];
	_ =	sdelay $0x3  }
0x94: {  	_ =	strace s3  }
0x95: {  	s3 =	sld [smem:$0x3FFD];
	_ =	sdelay $0x3  }
0x96: {  	_ =	strace s3  }
0x97: {  	_ =	strace $0x8FFFFFFF  }
0x98: {  	s19 =	sld [smem:$0x3FDB];
	_ =	sdelay $0x1  }
0x99: {  	s4 =	simm.s32 $_scs_section_size  }
0x9a: {  	s5 =	simm.s32 $_size__tile_overlayer_lowered;
	s6 =	simm.s32 $_tile_overlayer_lowered  }
0x9b: {  	s22 =	simm.s32 $0x1BFF;
	s21 =	sshll.u32 s6, $0x1;
	s3 =	sadd.s32 s4, s19  }
0x9c: {  	s7 =	simm.s32 $0x0;
	s20 =	sshll.u32 s5, $0x1;
	s5 =	sadd.s32 s21, s3  }
0x9d: {  	[timem:s7], [sflag:s22] =	dma.local [hbm:s5], s20  }
0x9e: {  	_ =	swait.ge [sflag:s22], s20  }
0x9f: {  	s4 =	ssub.s32 $0x0, s20;
	[sflag:s22] =	ssyncset.done $0x0  }
0xa0: {  	[sflag:s22] =	ssyncadd.s32 s4;
	_ =	sdelay $0x1  }
0xa1: {  	s23 =	simm.s32 $0x1B8B  }
0xa2: {  	_ =	swait.ge [sflag:s23], $0x1  }
0xa3: {  	[sflag:s23] =	ssyncset.done $0x0  }
0xa4: {  	s25 =	simm.s32 $0x1B8E;
	s24 =	sld [smem:$0x3FFE];
	[sflag:s23] =	ssyncadd.s32 $0xFFFFFFFF  }
0xa5: {  	s26 =	simm.s32 $execute0_lowered;
	[smem:$0x3FD2] =	sst s25  }
0xa6: {  	s5 =	sshll.u32 s26, $0x1;
	_ =	strace $0x80000049;
	[dreg:$0x1] =	wrdreg $0xFFFFFFFF  }
0xa7: {  	s28 =	simm.s32 $_size_execute0_lowered;
	s3 =	sadd.s32 s3, s5;
	[dreg:$0x0] =	wrdreg $0x0  }
0xa8: {  	s5 =	sshll.u32 s28, $0x1;
	[dreg:$0x2] =	wrdreg s3  }
0xa9: {  	[dreg:$0x3] =	wrdreg s5  }
0xaa: {  	[dreg:$0x4] =	wrdreg $0xC0  }
0xab: {  	_ =	task [dreg:s7], $0x5FFFF  }
0xac: {  	[dreg:$0x1] =	wrdreg $0xFFFFFFFF  }
0xad: {  	[dreg:$0x0] =	wrdreg $0x60  }
0xae: {  	[dreg:$0x2] =	wrdreg s24  }
0xaf: {  	[dreg:$0x3] =	wrdreg s2  }
0xb0: {  	[dreg:$0x4] =	wrdreg $0xA7000  }
0xb1: {  	[dreg:$0x5] =	wrdreg $0x9  }
0xb2: {  	_ =	task.clear_ibuf [dreg:s7], $0x6FFFF;
	_ =	strace $0x90000049  }
0xb3: {  	s29 =	simm.s32 $0x9;
	_ =	strace $0x8000004B  }
0xb4: {  	_ =	swait.ge [sflag:s29], $0x1  }
0xb5: {  	[sflag:s29] =	ssyncadd.s32 $0xFFFFFFFF  }
0xb6: {  	_ =	strace $0x9000004B  }
0xb7: {  	_ =	sfence  }
0xb8: {  	s30 =	sld [smem:$0x0];
	_ =	sdelay $0x2  }
0xb9: {  	s31 =	sshll.u32 s1, $0xD;
	s1 =	sshrl.u32 s1, $0x2  }
0xba: {  	s3 =	sand.u32 $0x4000, s31;
	s1 =	sadd.s32 s1, s30  }
0xbb: {  	s0 =	sor.u32 s3, s0;
	s1 =	sshll.u32 s1, $0x11  }
0xbc: {  	s0 =	sor.u32 s1, s0  }
0xbd: {  	s0 =	sadd.s32 $0x8F2B, s0  }
0xbe: {  	[sflag:s0] =	ssyncadd.remote.s32 $0x1  }
0xbf: {  	_ =	sfence.sel $0xFFFF  }
0xc0: {  	[dreg:$0x0] =	wrdreg $0xFFFFFFFF;
	(pc) =	sbr.abs _section_cstart, $3  }
0xc1: {  	[dreg:$0x1] =	wrdreg $0xFFFFFFFF  }
0xc2: {  	_ =	task.clear_ibuf [dreg:s7], $0x2FFFF;
	_ =	strace $0x9FFFFFFF  }
0xc3: {  	(tm) =	ssettm $0x7FFFFFFF  }
tec
execute0_lowered:
.L_overlay_start_1:
0x0: {  	(tag) =	ssettag $0x1  }
0x1: {  	s0 =	rddreg [dreg:$0x0]  }
0x2: {  	s4 =	rddreg [dreg:$0x1];
	s2 =	stileid.u32  }
0x3: {  	s1 =	srdreg.scid;
	s6 =	smul.u32 $0x14000, s2  }
0x4: {  	s3 =	rddreg [dreg:$0x2];
	s10 =	smul.u32 $0x50000, s2  }
0x5: {  	s15 =	simm.s32 $0x0;
	s1 =	sand.u32 $0x1, s1;
	s31 =	smul.u32 $0x9C, s2  }
0x6: {  	[smem:$0x7FF] =	sst s15;
	s5 =	smul.u32 $0x140000, s1  }
0x7: {  	_ =	strace $0x8000004A;
	s7 =	ssub.s32 $0x2, s1;
	s28 =	smul.u32 $0x9C00, s1  }
0x8: {  	s9 =	sshll.u32 s1, $0x4;
	s1 =	smul.u32 $0x9C0, s1;
	s8 =	sshrl.u32 s7, $0x1  }
0x9: {  	s18 =	sor.u32 s2, s9;
	s10 =	sshrl.u32 s10, $0x2;
	s6 =	sadd.s32 s6, s5  }
0xa: {  	s5 =	sadd.s32 $0x2200, s0;
	s8 =	ssub.s32 s7, s8;
	s7 =	sadd.s32 s10, s3  }
0xb: {  	s9 =	smul.u32 $0x9C, s18;
	s10 =	sadd.s32 $0x2000, s7;
	[dreg:$0x5] =	wrdreg s7  }
0xc: {  	s11 =	smin.u32 s18, $0x8;
	s19 =	sadd.s32 $0x4000, s7;
	[dreg:$0x6] =	wrdreg s10  }
0xd: {  	s6 =	sshrl.u32 s6, $0x3;
	s20 =	sadd.s32 $0x6000, s7;
	[dreg:$0x7] =	wrdreg s19  }
0xe: {  	s12 =	sadd.s32 $0x8000, s7;
	s1 =	sor.u32 s1, s11;
	[dreg:$0x8] =	wrdreg s20  }
0xf: {  	s0 =	sadd.s32 s6, s0;
	s9 =	sadd.s32 s11, s9;
	[dreg:$0x9] =	wrdreg s12  }
0x10: {  	s1 =	sadd.s32 s31, s1;
	s31 =	sadd.s32 $0x12000, s7;
	s21 =	sshll.u32 s9, $0x7  }
0x11: {  	s9 =	sshll.u32 s9, $0x4;
	s0 =	sadd.s32 $0x29400, s0;
	[dreg:$0x1c] =	wrdreg s31  }
0x12: {  	s22 =	sadd.s32 $0x9C400, s21;
	s9 =	sadd.s32 s4, s9;
	[dreg:$0x14] =	wrdreg s0  }
0x13: {  	s24 =	sshrl.u32 s21, $0x3;
	s26 =	sadd.s32 $0x9C480, s21;
	[dreg:$0xa] =	wrdreg s9  }
0x14: {  	s23 =	sshrl.u32 s22, $0x3;
	s25 =	sadd.s32 s4, s24;
	s24 =	smax.u32 s8, $0x1  }
0x15: {  	s12 =	sshrl.u32 s26, $0x3;
	s26 =	sadd.s32 $0xA000, s7;
	[dreg:$0x15] =	wrdreg s24  }
0x16: {  	s30 =	smul.u32 $0x9C0, s2;
	s9 =	sadd.s32 s4, s23;
	[dreg:$0x18] =	wrdreg s26  }
0x17: {  	p0 =	slt.u32 s18, $0x8;
	s13 =	sadd.s32 $0x10, s25;
	[dreg:$0xb] =	wrdreg s9  }
0x18: {  	s14 =	sadd.s32 $0x9C500, s21;
	s12 =	sadd.s32 s4, s12;
	[dreg:$0xc] =	wrdreg s13  }
0x19: {  	s14 =	sshrl.u32 s14, $0x3;
	s29 =	sadd.s32 $0x20, s25;
	[dreg:$0xd] =	wrdreg s12  }
0x1a: {  	s17 =	sadd.s32 $0x9C580, s21;
	s16 =	sadd.s32 s4, s14;
	[dreg:$0xe] =	wrdreg s29  }
0x1b: {  	s10 =	sadd.s32 $0x9C600, s21;
	s18 =	sadd.s32 $0x30, s25;
	[dreg:$0xf] =	wrdreg s16  }
0x1c: {  	s21 =	sshrl.u32 s10, $0x3;
	s20 =	sadd.s32 $0x40, s25;
	[dreg:$0x10] =	wrdreg s18  }
0x1d: {  	s22 =	sadd.s32 s4, s21;
	s23 =	sshll.u32 s1, $0x7;
	[dreg:$0x12] =	wrdreg s20  }
0x1e: {  	s6 =	simm.s32 $0x9D;
	[dreg:$0x13] =	wrdreg s22;
	s0 =	sadd.s32 $0x280, s23  }
0x1f: {  	s13 =	sadd.s32 s28, s4;
	s28 =	sadd.s32 $0xC000, s7;
	[dreg:$0x17] =	wrdreg s0  }
0x20: {  	s11 =	sshll.u32 s11, $0x4;
	s29 =	sadd.s32 $0xE000, s7;
	[dreg:$0x19] =	wrdreg s28  }
0x21: {  	s6 =	simm.s32 @!p0 $0x9C;
	s12 =	sadd.s32 s30, s13;
	[dreg:$0x1a] =	wrdreg s29  }
0x22: {  	s30 =	sadd.s32 $0x10000, s7;
	s11 =	sadd.s32 s11, s12;
	s12 =	sshrl.u32 s17, $0x3  }
0x23: {  	s10 =	simm.s32 $0x40;
	[dreg:$0x1b] =	wrdreg s30;
	s19 =	sadd.s32 s4, s12  }
0x24: {  	s1 =	simm.s32 $0x4;
	s25 =	sadd.s32 $0x50, s11;
	[dreg:$0x11] =	wrdreg s19  }
0x25: {  	v0 =	vimm.f32 $0.0e+00;
	s9 =	simm.s32 $0x3;
	s11 =	simm.s32 $0x2;
	[dreg:$0x16] =	wrdreg s25  }
.LBB2_1:
0x26: {  	[dreg:$0x4] =	wrdreg s15;
	s8 =	simm.s32 $0x0;
	s12 =	simm.s32 $0x200  }
.LBB2_2:
0x27: {  	p0 =	sne.s32 s12, $0x7E00;
	[tilespmem:s8+$0x770] =	vst v0  }
0x28: {  	[tilespmem:s8+$0x700] =	vst v0  }
0x29: {  	[tilespmem:s8+$0x710] =	vst v0  }
.Ltmp0:
0x2a: {  	[tilespmem:s8+$0x720] =	vst v0;
	(pc) =	sbr.rel @p0 .LBB2_2-.Ltmp0, $4  }
0x2b: {  	[tilespmem:s8+$0x730] =	vst v0  }
0x2c: {  	[tilespmem:s8+$0x740] =	vst v0  }
0x2d: {  	[tilespmem:s8+$0x750] =	vst v0  }
0x2e: {  	[tilespmem:s8+$0x760] =	vst v0;
	s8 =	sshra.s32 s12, $0x2;
	s12 =	sadd.s32 $0x200, s12  }
0x2f: {  	[tilespmem:s8+$0x770] =	vst v0  }
0x30: {  	[tilespmem:s8+$0x700] =	vst v0  }
0x31: {  	[tilespmem:s8+$0x710] =	vst v0  }
0x32: {  	[tilespmem:s8+$0x720] =	vst v0  }
0x33: {  	[tilespmem:s8+$0x730] =	vst v0  }
0x34: {  	[tilespmem:s8+$0x740] =	vst v0  }
0x35: {  	[tilespmem:s8+$0x750] =	vst v0  }
0x36: {  	[tilespmem:s8+$0x760] =	vst v0;
	s8 =	simm.s32 $0x700  }
0x37: {  	[spmem:s7] =	stream.linear.scatter [tilespmem:s8], [sflag:$0x3], $0x2000, $0x38;
	[tilespmem:$0x1E700] =	vst v63  }
0x38: {  	s0 =	rddreg [dreg:$0x6]  }
0x39: {  	[spmem:s0] =	stream.linear.scatter [tilespmem:s8], [sflag:$0x3], $0x2000, $0x38;
	[tilespmem:$0x1E700] =	vst v63  }
0x3a: {  	s2 =	rddreg [dreg:$0x7]  }
0x3b: {  	[spmem:s2] =	stream.linear.scatter [tilespmem:s8], [sflag:$0x3], $0x2000, $0x38;
	[tilespmem:$0x1E700] =	vst v63  }
0x3c: {  	s7 =	rddreg [dreg:$0x8]  }
0x3d: {  	[spmem:s7] =	stream.linear.scatter [tilespmem:s8], [sflag:$0x3], $0x2000, $0x38;
	[tilespmem:$0x1E700] =	vst v63  }
0x3e: {  	s12 =	rddreg [dreg:$0x9]  }
0x3f: {  	[spmem:s12] =	stream.linear.scatter [tilespmem:s8], [sflag:$0x3], $0x2000, $0x38;
	[tilespmem:$0x1E700] =	vst v63  }
0x40: {  	s13 =	rddreg [dreg:$0x18]  }
0x41: {  	[spmem:s13] =	stream.linear.scatter [tilespmem:s8], [sflag:$0x3], $0x2000, $0x38;
	[tilespmem:$0x1E700] =	vst v63  }
0x42: {  	s14 =	rddreg [dreg:$0x19]  }
0x43: {  	[spmem:s14] =	stream.linear.scatter [tilespmem:s8], [sflag:$0x3], $0x2000, $0x38;
	[tilespmem:$0x1E700] =	vst v63  }
0x44: {  	s15 =	rddreg [dreg:$0x1a]  }
0x45: {  	[spmem:s15] =	stream.linear.scatter [tilespmem:s8], [sflag:$0x3], $0x2000, $0x38;
	[tilespmem:$0x1E700] =	vst v63  }
0x46: {  	s16 =	rddreg [dreg:$0x1b]  }
0x47: {  	[spmem:s16] =	stream.linear.scatter [tilespmem:s8], [sflag:$0x3], $0x2000, $0x38;
	[tilespmem:$0x1E700] =	vst v63  }
0x48: {  	s17 =	rddreg [dreg:$0x1c]  }
0x49: {  	[spmem:s17] =	stream.linear.scatter [tilespmem:s8], [sflag:$0x3], $0x2000, $0x38;
	[tilespmem:$0x1E700] =	vst v63  }
0x4a: {  	_ =	swait.ge [sflag:s9], $0x2000  }
0x4b: {  	[sflag:s9] =	ssyncset.done $0x0  }
0x4c: {  	[sflag:s9] =	ssyncadd.s32 $0xFFFFE000  }
0x4d: {  	_ =	swait.ge [sflag:s9], $0x2000  }
0x4e: {  	[sflag:s9] =	ssyncset.done $0x0  }
0x4f: {  	[sflag:s9] =	ssyncadd.s32 $0xFFFFE000  }
0x50: {  	_ =	swait.ge [sflag:s9], $0x2000  }
0x51: {  	[sflag:s9] =	ssyncset.done $0x0  }
0x52: {  	[sflag:s9] =	ssyncadd.s32 $0xFFFFE000  }
0x53: {  	_ =	swait.ge [sflag:s9], $0x2000  }
0x54: {  	[sflag:s9] =	ssyncset.done $0x0  }
0x55: {  	[sflag:s9] =	ssyncadd.s32 $0xFFFFE000  }
0x56: {  	_ =	swait.ge [sflag:s9], $0x2000  }
0x57: {  	[sflag:s9] =	ssyncset.done $0x0  }
0x58: {  	[sflag:s9] =	ssyncadd.s32 $0xFFFFE000  }
0x59: {  	_ =	swait.ge [sflag:s9], $0x2000  }
0x5a: {  	[sflag:s9] =	ssyncset.done $0x0  }
0x5b: {  	[sflag:s9] =	ssyncadd.s32 $0xFFFFE000  }
0x5c: {  	_ =	swait.ge [sflag:s9], $0x2000  }
0x5d: {  	[sflag:s9] =	ssyncset.done $0x0  }
0x5e: {  	[sflag:s9] =	ssyncadd.s32 $0xFFFFE000  }
0x5f: {  	_ =	swait.ge [sflag:s9], $0x2000  }
0x60: {  	[sflag:s9] =	ssyncset.done $0x0  }
0x61: {  	[sflag:s9] =	ssyncadd.s32 $0xFFFFE000  }
0x62: {  	_ =	swait.ge [sflag:s9], $0x2000  }
0x63: {  	[sflag:s9] =	ssyncset.done $0x0  }
0x64: {  	[sflag:s9] =	ssyncadd.s32 $0xFFFFE000  }
0x65: {  	_ =	swait.ge [sflag:s9], $0x2000  }
0x66: {  	[sflag:s9] =	ssyncset.done $0x0  }
0x67: {  	[sflag:s9] =	ssyncadd.s32 $0xFFFFE000  }
0x68: {  	[bflag:$0x0] =	sbarrier.arrive $0xFFFF  }
0x69: {  	s16 =	simm.s32 $0x0;
	s18 =	rddreg [dreg:$0xa]  }
0x6a: {  	[tilespmem:s16], [sflag:$0x4] =	stream.linear.gather [hbm4b:s18+s16], $0x80, $0x38;
	[tilespmem:$0x1E700] =	vst v63  }
0x6b: {  	_ =	swait.ge [sflag:s1], $0x80  }
0x6c: {  	[sflag:s1] =	ssyncset.done $0x0  }
0x6d: {  	s12 =	simm.s32 $0x80;
	s19 =	rddreg [dreg:$0xb];
	[sflag:s1] =	ssyncadd.s32 $0xFFFFFF80  }
0x6e: {  	[tilespmem:s12], [sflag:$0x4] =	stream.linear.gather [hbm4b:s19+s16], $0x80, $0x38;
	[tilespmem:$0x1E700] =	vst v63  }
0x6f: {  	s21 =	simm.s32 $0x100;
	s23 =	simm.s32 $0x200;
	_ =	swait.ge [sflag:s1], $0x80  }
0x70: {  	s26 =	simm.s32 $0x280;
	s31 =	simm.s32 $0x300;
	[sflag:s1] =	ssyncset.done $0x0  }
0x71: {  	p0 =	por $0x1, $0x1;
	s20 =	rddreg [dreg:$0xc];
	[sflag:s1] =	ssyncadd.s32 $0xFFFFFF80  }
0x72: {  	[tilespmem:s21], [sflag:$0x1] =	stream.linear.gather [hbm4b:s20+s16], $0x80, $0x38;
	[tilespmem:$0x1E700] =	vst v63  }
0x73: {  	p1 =	sle.u32 s6, $0x2;
	s2 =	simm.s32 $0x180;
	s22 =	rddreg [dreg:$0xd]  }
0x74: {  	[tilespmem:s2], [sflag:$0x1] =	stream.linear.gather [hbm4b:s22+s16], $0x80, $0x38;
	[tilespmem:$0x1E700] =	vst v63  }
0x75: {  	p2 =	sne.s32 s6, $0x1;
	s28 =	simm.s32 @!p0 $0x3;
	s24 =	rddreg [dreg:$0xe]  }
0x76: {  	[tilespmem:s23], [sflag:$0x1] =	stream.linear.gather [hbm4b:s24+s16], $0x80, $0x38;
	[tilespmem:$0x1E700] =	vst v63  }
0x77: {  	s13 =	simm.s32 $0x400;
	s15 =	simm.s32 $0x480;
	s25 =	rddreg [dreg:$0xf]  }
0x78: {  	[tilespmem:s26], [sflag:$0x1] =	stream.linear.gather [hbm4b:s25+s16], $0x80, $0x38;
	[tilespmem:$0x1E700] =	vst v63  }
0x79: {  	s17 =	simm.s32 $0x1;
	s9 =	simm.s32 $0x380;
	s29 =	rddreg [dreg:$0x10]  }
0x7a: {  	[tilespmem:s31], [sflag:$0x1] =	stream.linear.gather [hbm4b:s29+s16], $0x80, $0x38;
	[tilespmem:$0x1E700] =	vst v63  }
0x7b: {  	s7 =	rddreg [dreg:$0x11];
	s20 =	simm.s32 $0x2;
	s23 =	smulhi.u32 $0xCCCCCCCD, s16  }
0x7c: {  	[tilespmem:s9], [sflag:$0x1] =	stream.linear.gather [hbm4b:s7+s16], $0x80, $0x38;
	[tilespmem:$0x1E700] =	vst v63  }
0x7d: {  	s18 =	simm.s32 $0x2700;
	s12 =	rddreg [dreg:$0x12];
	s24 =	smulhi.u32 $0xCCCCCCCD, s20  }
0x7e: {  	[tilespmem:s13], [sflag:$0x1] =	stream.linear.gather [hbm4b:s12+s16], $0x80, $0x38;
	[tilespmem:$0x1E700] =	vst v63  }
0x7f: {  	s14 =	rddreg [dreg:$0x13];
	s26 =	smulhi.u32 $0x24924925, s20;
	s23 =	sshrl.u32 s23, $0x2  }
0x80: {  	[tilespmem:s15], [sflag:$0x1] =	stream.linear.gather [hbm4b:s14+s16], $0x80, $0x38;
	[tilespmem:$0x1E700] =	vst v63  }
0x81: {  	s19 =	simm.s32 $0x5;
	s24 =	sshrl.u32 s24, $0x2;
	s23 =	smul.u32 $0xFFFD8000, s23  }
0x82: {  	[tilespmem:s8], [sflag:$0x2] =	stream.indirect.gather [hbm4b:s5+s10], $0x80, s16, s10, $0xb8;
	[tilespmem:$0x1E700] =	vst v63  }
0x83: {  	s24 =	smul.u32 $0xFFFD8000, s24;
	s29 =	ssub.s32 $0x2, s26;
	_ =	swait.ge [sflag:s17], $0x80  }
0x84: {  	s29 =	sshrl.u32 s29, $0x1;
	s23 =	sshra.s32 s23, $0x2;
	[sflag:s17] =	ssyncset.done $0x0  }
0x85: {  	s24 =	sshra.s32 s24, $0x2;
	s26 =	sadd.s32 s26, s29;
	[sflag:s17] =	ssyncadd.s32 $0xFFFFFF80  }
0x86: {  	s24 =	sadd.s32 $0x4700, s24;
	s23 =	sadd.s32 $0x700, s23;
	_ =	swait.ge [sflag:s17], $0x80  }
0x87: {  	s26 =	sshrl.u32 s26, $0x2;
	s12 =	simm.s32 $0x2700;
	[sflag:s17] =	ssyncset.done $0x0  }
0x88: {  	s26 =	smul.u32 $0xFFFFE400, s26;
	s1 =	rddreg [dreg:$0x17];
	[sflag:s17] =	ssyncadd.s32 $0xFFFFFF80  }
0x89: {  	[tilespmem:s18], [sflag:$0x2] =	stream.indirect.gather [hbm4b:s5+s10], $0x80, s21, s10, $0xb8;
	[tilespmem:$0x1E700] =	vst v63  }
0x8a: {  	s8 =	smulhi.u32 $0x24924925, s19;
	s22 =	rddreg [dreg:$0x16];
	_ =	swait.ge @!p0 [sflag:s28], $0x2000  }
0x8b: {  	s13 =	simm.s32 $0x180;
	s14 =	simm.s32 $0x3;
	[sflag:s28] =	ssyncset.done @!p0 $0x0  }
0x8c: {  	s26 =	sshra.s32 s26, $0x2;
	[sflag:s28] =	ssyncadd.s32 @!p0 $0xFFFFE000;
	s28 =	ssub.s32 $0x5, s8  }
0x8d: {  	s15 =	simm.s32 $0x6700;
	s26 =	sadd.s32 $0x200, s26;
	s28 =	sshrl.u32 s28, $0x1  }
0x8e: {  	s19 =	simm.s32 $0x100;
	s8 =	sadd.s32 s8, s28;
	s28 =	simm.s32 @!p1 $0x1  }
0x8f: {  	s17 =	simm.s32 $0x300;
	s21 =	smulhi.u32 $0x24924925, s16;
	_ =	swait.ge @!p1 [sflag:s28], $0x80  }
0x90: {  	s20 =	sadd.s32 $0x10, s22;
	s16 =	simm.s32 $0x6;
	[sflag:s28] =	ssyncset.done @!p1 $0x0  }
0x91: {  	s18 =	sadd.s32 $0x80, s1;
	s25 =	ssub.s32 $0x0, s21;
	[sflag:s28] =	ssyncadd.s32 @!p1 $0xFFFFFF80  }
0x92: {  	s29 =	sshrl.u32 s25, $0x1;
	s8 =	sshrl.u32 s8, $0x2;
	_ =	swait.ge @!p1 [sflag:s28], $0x80  }
0x93: {  	s29 =	sadd.s32 s21, s29;
	s8 =	smul.u32 $0xFFFFE400, s8;
	[sflag:s28] =	ssyncset.done @!p1 $0x0  }
0x94: {  	[sflag:s28] =	ssyncadd.s32 @!p1 $0xFFFFFF80;
	s28 =	sshrl.u32 s29, $0x2;
	s29 =	simm.s32 @!p1 $0x40  }
0x95: {  	[tilespmem:s24], [sflag:$0x2] =	stream.indirect.gather @!p1 [hbm4b:s5+s29], $0x80, s26, s29, $0xb8;
	[tilespmem:$0x1E700] =	vst v63  }
.Ltmp1:
0x96: {  	p0 =	sle.u32 s6, $0x5;
	s21 =	simm.s32 $0x1;
	(pc) =	sbr.rel @!p2 .LBB2_5-.Ltmp1, $4  }
0x97: {  	s30 =	simm.s32 @!p0 $0x0;
	s8 =	sshra.s32 s8, $0x2;
	s31 =	smul.u32 $0xFFFFE400, s28  }
0x98: {  	s8 =	sadd.s32 $0x0, s8;
	s28 =	sand.u32 @!p0 $0x7FFFFF80, s1;
	_ =	swait.ge [sflag:s11], $0x2000  }
0x99: {  	s28 =	sadd.s32 @!p0 $0x9C400, s28;
	[sflag:s11] =	ssyncset.done $0x0;
	s24 =	sshra.s32 s31, $0x2  }
0x9a: {  	[sflag:s11] =	ssyncadd.s32 $0xFFFFE000;
	s26 =	sadd.s32 $0x80, s24;
	s24 =	smov.u32 s22  }
.LBB2_4:
0x9b: {  	[spmem:s3] =	stream.indirect.scatter.add.f32 [tilespmem:s23], [sflag:$0x3], $0x80, s26, s10, $0xb8;
	[tilespmem:$0x1E700] =	vst v63  }
0x9c: {  	s23 =	smov.u32 s12;
	s26 =	smov.u32 s13  }
0x9d: {  	s31 =	smov.u32 s14;
	s25 =	sadd.s32 @!p0 $0x500, s8;
	s28 =	sshrl.u32 @!p0 s28, $0x3  }
0x9e: {  	s29 =	smov.u32 s15;
	s8 =	sadd.s32 @!p0 $0x580, s8;
	s12 =	sadd.s32 $0x2000, s12  }
0x9f: {  	[tilespmem:s25], [sflag:$0x1] =	stream.linear.gather @!p0 [hbm4b:s24+s30], $0x80, $0x38;
	[tilespmem:$0x1E700] =	vst v63  }
0xa0: {  	s13 =	sadd.s32 $0x100, s13;
	s24 =	sadd.s32 @!p0 s4, s28;
	s25 =	smov.u32 s16  }
0xa1: {  	[tilespmem:s8], [sflag:$0x1] =	stream.linear.gather @!p0 [hbm4b:s24+s30], $0x80, $0x38;
	[tilespmem:$0x1E700] =	vst v63  }
0xa2: {  	s28 =	smov.u32 s19;
	s30 =	smov.u32 s17;
	s8 =	smov.u32 s18  }
0xa3: {  	s22 =	smulhi.u32 $0x24924925, s21;
	s14 =	sadd.s32 $0x1, s14;
	s24 =	smov.u32 s20  }
0xa4: {  	s15 =	sadd.s32 $0x2000, s15;
	s7 =	smulhi.u32 $0xCCCCCCCD, s21;
	s9 =	smov.u32 s3  }
0xa5: {  	s3 =	smov.u32 s4;
	s16 =	sadd.s32 $0x1, s16;
	s17 =	sadd.s32 $0x100, s17  }
0xa6: {  	s10 =	smulhi.u32 $0xCCCCCCCD, s31;
	s19 =	sadd.s32 $0x100, s19;
	s18 =	sadd.s32 $0x80, s18  }
0xa7: {  	s7 =	sshrl.u32 s7, $0x2;
	s1 =	smulhi.u32 $0x24924925, s25;
	s20 =	sadd.s32 $0x10, s20  }
0xa8: {  	s4 =	ssub.s32 s21, s22;
	s7 =	smul.u32 $0xFFFD8000, s7;
	p0 =	slt.u32 s21, $0x2  }
0xa9: {  	s0 =	smulhi.u32 $0x24924925, s31;
	s25 =	ssub.s32 s25, s1;
	s2 =	simm.s32 @!p0 $0x3  }
0xaa: {  	s21 =	sadd.s32 $0x2, s21;
	s7 =	sshra.s32 s7, $0x2;
	_ =	swait.ge @!p0 [sflag:s2], $0x2000  }
0xab: {  	s31 =	ssub.s32 s31, s0;
	s4 =	sshrl.u32 s4, $0x1;
	[sflag:s2] =	ssyncset.done @!p0 $0x0  }
0xac: {  	s31 =	sshrl.u32 s31, $0x1;
	p1 =	sge.u32 s21, s6;
	[sflag:s2] =	ssyncadd.s32 @!p0 $0xFFFFE000  }
0xad: {  	s0 =	sadd.s32 s0, s31;
	s2 =	sshrl.u32 s10, $0x2;
	s10 =	simm.s32 @!p1 $0x1  }
0xae: {  	s0 =	sshrl.u32 s0, $0x2;
	s2 =	smul.u32 $0xFFFD8000, s2;
	_ =	swait.ge @!p1 [sflag:s10], $0x80  }
0xaf: {  	s31 =	sadd.s32 $0x3, s21;
	s0 =	smul.u32 $0xFFFFE400, s0;
	[sflag:s10] =	ssyncset.done @!p1 $0x0  }
0xb0: {  	s21 =	sadd.s32 $0xFFFFFFFC, s31;
	s2 =	sshra.s32 s2, $0x2;
	[sflag:s10] =	ssyncadd.s32 @!p1 $0xFFFFFF80  }
0xb1: {  	s25 =	sshrl.u32 s25, $0x1;
	s0 =	sshra.s32 s0, $0x2;
	_ =	swait.ge @!p1 [sflag:s10], $0x80  }
0xb2: {  	s0 =	sadd.s32 s0, s30;
	s2 =	sadd.s32 s2, s29;
	[sflag:s10] =	ssyncset.done @!p1 $0x0  }
0xb3: {  	s4 =	sadd.s32 s22, s4;
	s1 =	sadd.s32 s1, s25;
	[sflag:s10] =	ssyncadd.s32 @!p1 $0xFFFFFF80  }
0xb4: {  	s4 =	sshrl.u32 s4, $0x2;
	p2 =	sne.s32 s21, s6;
	s1 =	sshrl.u32 s1, $0x2  }
0xb5: {  	s1 =	smul.u32 $0xFFFFE400, s1;
	p0 =	sge.u32 s31, s6;
	s10 =	simm.s32 @!p1 $0x40  }
0xb6: {  	[tilespmem:s2], [sflag:$0x2] =	stream.indirect.gather @!p1 [hbm4b:s5+s10], $0x80, s0, s10, $0xb8;
	[tilespmem:$0x1E700] =	vst v63  }
0xb7: {  	s0 =	smul.u32 $0xFFFFE400, s4  }
.Ltmp2:
0xb8: {  	s30 =	simm.s32 @!p0 $0x0;
	s10 =	simm.s32 $0x40;
	(pc) =	sbr.rel @p2 .LBB2_4-.Ltmp2, $4  }
0xb9: {  	s4 =	smov.u32 s3;
	s3 =	smov.u32 s9;
	_ =	swait.ge [sflag:s11], $0x2000  }
0xba: {  	s1 =	sshra.s32 s1, $0x2;
	s2 =	sand.u32 @!p0 $0x7FFFFF80, s8;
	[sflag:s11] =	ssyncset.done $0x0  }
0xbb: {  	s8 =	sadd.s32 s1, s28;
	s0 =	sshra.s32 s0, $0x2;
	[sflag:s11] =	ssyncadd.s32 $0xFFFFE000  }
0xbc: {  	s23 =	sadd.s32 s7, s23;
	s28 =	sadd.s32 @!p0 $0x9C400, s2;
	s26 =	sadd.s32 s0, s26  }
.LBB2_5:
0xbd: {  	[spmem:s3] =	stream.indirect.scatter.add.f32 [tilespmem:s23], [sflag:$0x3], $0x80, s26, s10, $0xb8;
	[tilespmem:$0x1E700] =	vst v63  }
0xbe: {  	s0 =	sadd.s32 @!p0 $0x500, s8;
	s1 =	sshrl.u32 @!p0 s28, $0x3  }
0xbf: {  	[tilespmem:s0], [sflag:$0x1] =	stream.linear.gather @!p0 [hbm4b:s24+s30], $0x80, $0x38;
	[tilespmem:$0x1E700] =	vst v63  }
0xc0: {  	s9 =	simm.s32 $0x3;
	s1 =	sadd.s32 @!p0 s4, s1;
	s0 =	sadd.s32 @!p0 $0x580, s8  }
0xc1: {  	[tilespmem:s0], [sflag:$0x1] =	stream.linear.gather @!p0 [hbm4b:s1+s30], $0x80, $0x38;
	[tilespmem:$0x1E700] =	vst v63  }
0xc2: {  	_ =	swait.ge [sflag:s9], $0x2000  }
0xc3: {  	[sflag:s9] =	ssyncset.done $0x0  }
0xc4: {  	[sflag:s9] =	ssyncadd.s32 $0xFFFFE000  }
0xc5: {  	_ =	swait.ge [sflag:s9], $0x2000  }
0xc6: {  	[sflag:s9] =	ssyncset.done $0x0  }
0xc7: {  	[sflag:s9] =	ssyncadd.s32 $0xFFFFE000  }
0xc8: {  	s29 =	stileid.u32;
	[bflag:$0x0] =	sbarrier.arrive $0xFFFF  }
0xc9: {  	s0 =	sshll.u32 s29, $0x6;
	s1 =	simm.s32 $0x4;
	s7 =	rddreg [dreg:$0x5]  }
0xca: {  	s0 =	sor.u32 $0x1C04, s0;
	s2 =	rddreg [dreg:$0x14];
	s30 =	sshrl.u32 s7, $0x3  }
0xcb: {  	[hbm:s2], [sflag:s0] =	dma.local [spmem:s30], $0x2800  }
0xcc: {  	_ =	swait.ge [sflag:s1], $0x2800  }
0xcd: {  	s15 =	rddreg [dreg:$0x4]  }
0xce: {  	s31 =	rddreg [dreg:$0x15];
	s15 =	sadd.s32 $0x1, s15  }
0xcf: {  	p0 =	sne.s32 s15, s31  }
.Ltmp3:
0xd0: {  	_ = 	snop;
	(pc) =	sbr.rel @p0 .LBB2_1-.Ltmp3, $3  }
0xd1: {  	_ =	sdelay $0x1  }
0xd2: {  	[sflag:s1] =	ssyncset.done $0x0  }
0xd3: {  	[sflag:s1] =	ssyncadd.s32 $0xFFFFD800  }
0xd4: {  	_ =	sfence.sel $0x180000  }
0xd5: {  	[bflag:$0x0] =	sbarrier.arrive $0xFFFF  }
0xd6: {  	_ =	strace $0x9000004A  }
0xd7: {  	s0 =	stileid.u32;
	[bflag:$0x2] =	sbarrier.arrive $0xFFFF  }
0xd8: {  	p0 =	sne.s32 s0, $0x0;
	s0 =	rddreg [dreg:$0x3]  }
0xd9: {  	s0 =	sadd.s32 @!p0 $0x100000, s0  }
0xda: {  	[sflag:s0] =	ssyncadd.tile.s32 @!p0 $0x1;
	_ =	shalt  }
.Lfunc_end2:
_tile_overlayer_lowered:
.L_overlay_start_2:
0xdb: {  	(tag) =	ssettag $0x2  }
0xdc: {  	s0 =	rddreg [dreg:$0x0];
	s2 =	stileid.u32  }
0xdd: {  	s1 =	rddreg [dreg:$0x1];
	p0 =	sne.s32 s2, $0x0  }
0xde: {  	s3 =	rddreg [dreg:$0x2];
	[bflag:$0x3] =	sbarrier.arrive $0xFFFF;
	s2 =	simm.s32 @!p0 $0x1C04  }
0xdf: {  	[timem:s3], [sflag:s2] =	dma.local @!p0 [hbm:s0], s1  }
0xe0: {  	s0 =	simm.s32 @!p0 $0x4  }
0xe1: {  	_ =	swait.ge @!p0 [sflag:s0], s1  }
0xe2: {  	s1 =	ssub.s32 @!p0 $0x0, s1;
	[sflag:s0] =	ssyncset.done @!p0 $0x0  }
0xe3: {  	[sflag:s0] =	ssyncadd.s32 @!p0 s1  }
0xe4: {  	[bflag:$0x3] =	sbarrier.arrive $0xFFFF  }
0xe5: {  	_ =	shalt  }

</sc_bundles>
